<compile_context>
chip_gen: v7x
topology: tpu7x:2x2x1
jax: 0.10.2.dev20260603
libtpu: 0.0.44.dev20260713+nightly
codegen_flags: <defaults>
</compile_context>

<pallas_src>
import functools

import jax
import jax.numpy as jnp
from jax import lax
from jax.experimental import pallas as pl
from jax.experimental.pallas import tpu as pltpu
from jax.experimental.pallas import tpu_sc as plsc

_B, _D, _H, _W, _C = 4, 48, 32, 88, 64
_NX, _NY = 200, 200
_HW = _H * _W
_NCORES, _NTILES = 2, 16
_SLABS = _D * _H
_ST = _SLABS // _NTILES
_SG = 2
_PERD = _H // _SG
_NSUB = _ST // _SG
_PSUB = _SG * _W
_FLEN = _SG * _C * _W
_HALF = _NX // _NCORES
_LOCAL = _HALF * _NY
_ACC_ROWS = 20096
_ZB = 32
_NZB = _ACC_ROWS // _ZB
_DUMMY = _LOCAL
_BLK = 64
_NGRP = 6


def _body(x_hbm, geom_hbm, sem_hbm, out_hbm,
          feat_v, gx_v, gy_v, gz_v, sem_v, eb_v, lidx_v, stag_a, stag_b,
          src_v, xp_v, zero_v, acc_sh, fsem, ssem):
    ci = lax.axis_index("c")
    s = lax.axis_index("s")
    lanes = lax.iota(jnp.int32, 16)
    c100 = ci * _HALF
    stags = (stag_a, stag_b)

    def zinit(i, _):
        for k in range(4):
            zero_v[i, pl.ds(k * 16, 16)] = jnp.zeros((16,), jnp.float32)
        return 0
    lax.fori_loop(0, _ZB, zinit, 0)

    def extract_block(blk, stag2d):
        for k in range(_BLK // 16):
            eb = eb_v[pl.ds(blk * _BLK + k * 16, 16)]
            rows = lanes + k * 16

            def xt(c8, _):
                for dc in range(8):
                    cch = c8 * 8 + dc
                    vals = plsc.load_gather(feat_v, [eb + cch * _W])
                    plsc.store_scatter(stag2d, [rows, cch + (lanes * 0)],
                                       vals)
                return 0
            lax.fori_loop(0, _C // 8, xt, 0)

    def scatter_block(blk, stag2d):
        for k in range(_BLK // 16):
            lv = lidx_v[pl.ds(blk * _BLK + k * 16, 16)]
            pltpu.async_copy(stag2d.at[pl.ds(k * 16, 16)], acc_sh.at[lv],
                             ssem, add=True)

    def drain_block(stag2d):
        for k in range(_BLK // 16):
            pltpu.make_async_copy(stag2d.at[pl.ds(k * 16, 16)],
                                  acc_sh.at[pl.ds(0, 16)], ssem).wait()

    def run_batch(b, _):
        def zacc(i, _):
            blkid = i * _NTILES + s
            pltpu.sync_copy(zero_v, acc_sh.at[pl.ds(blkid * _ZB, _ZB)])
            return 0
        lax.fori_loop(0, (_NZB - s + _NTILES - 1) // _NTILES, zacc, 0)
        plsc.subcore_barrier()

        def sub(j, _):
            dp = j // _PERD
            h0 = (j % _PERD) * _SG
            slab0 = (b * _SLABS + s * _ST + dp * _H + h0) * _C * _W
            fcp = pltpu.async_copy(
                x_hbm.at[pl.ds(slab0, _FLEN)],
                feat_v.at[pl.ds(0, _FLEN)], fsem)
            d = s * 3 + dp
            gbase = ((b * _D + d) * 3) * _HW + h0 * _W
            pltpu.sync_copy(geom_hbm.at[pl.ds(gbase, _PSUB)],
                            gx_v.at[pl.ds(0, _PSUB)])
            pltpu.sync_copy(geom_hbm.at[pl.ds(gbase + _HW, _PSUB)],
                            gy_v.at[pl.ds(0, _PSUB)])
            pltpu.sync_copy(geom_hbm.at[pl.ds(gbase + 2 * _HW, _PSUB)],
                            gz_v.at[pl.ds(0, _PSUB)])
            pltpu.sync_copy(sem_hbm.at[pl.ds(b * _HW + h0 * _W, _PSUB)],
                            sem_v.at[pl.ds(0, _PSUB)])

            cnt = jnp.int32(0)
            for hl in range(_SG):
                def grp(g, cnt):
                    off = hl * _W + g * 16
                    w = g * 16 + lanes
                    px = gx_v[pl.ds(off, 16)]
                    py = gy_v[pl.ds(off, 16)]
                    pz = gz_v[pl.ds(off, 16)]
                    semv = sem_v[pl.ds(off, 16)]
                    gx = ((px + 50.0) * 2.0).astype(jnp.int32)
                    gy = ((py + 50.0) * 2.0).astype(jnp.int32)
                    tz = pz + 10.0
                    gxl = gx - c100
                    kept = ((w < _W)
                            & (gxl >= 0) & (gxl < _HALF)
                            & (gy >= 0) & (gy < _NY)
                            & (tz > -20.0) & (tz < 20.0)
                            & (semv > 0.5))
                    lidx = gxl * _NY + gy
                    eb = w + hl * (_C * _W)
                    plsc.store_compressed(eb_v.at[pl.ds(cnt, 16)], eb,
                                          mask=kept)
                    plsc.store_compressed(lidx_v.at[pl.ds(cnt, 16)], lidx,
                                          mask=kept)
                    return cnt + plsc.all_reduce_population_count(kept)[0]

                cnt = lax.fori_loop(0, _NGRP, grp, cnt)

            for k in range(_BLK // 16):
                eb_v[pl.ds(cnt + k * 16, 16)] = jnp.zeros((16,), jnp.int32)
                lidx_v[pl.ds(cnt + k * 16, 16)] = jnp.full(
                    (16,), _DUMMY, jnp.int32)

            nblk = (cnt + _BLK - 1) // _BLK
            fcp.wait()

            def blk(i, _):
                for par in range(2):
                    @pl.when(lax.rem(i, 2) == par)
                    def _():
                        stag2d = stags[par]
                        @pl.when(i >= 2)
                        def _():
                            drain_block(stag2d)
                        extract_block(i, stag2d)
                        scatter_block(i, stag2d)
                return 0

            lax.fori_loop(0, nblk, blk, 0)
            def drain(i, _):
                for par in range(2):
                    @pl.when(lax.rem(i, 2) == par)
                    def _():
                        drain_block(stags[par])
                return 0
            lax.fori_loop(jnp.maximum(nblk - 2, 0), nblk, drain, 0)
            return 0

        lax.fori_loop(0, _NSUB, sub, 0)

        plsc.subcore_barrier()
        def cpout(i, _):
            xr = i * _NTILES + s
            for y0, ylen in ((0, 96), (96, 104)):
                pltpu.sync_copy(acc_sh.at[pl.ds(xr * _NY + y0, ylen)],
                                src_v.at[pl.ds(0, ylen)])

                def xt(cch, _):
                    for m in range(-(-ylen // 16)):
                        vals = plsc.load_gather(
                            src_v, [m * 16 + lanes, cch + (lanes * 0)])
                        xp_v[cch, 0, pl.ds(m * 16, 16)] = vals
                    return 0
                lax.fori_loop(0, _C, xt, 0)
                pltpu.sync_copy(
                    xp_v.at[:, :, pl.ds(0, ylen)],
                    out_hbm.at[pl.ds(b * _C, _C), pl.ds(c100 + xr, 1),
                               pl.ds(y0, ylen)])
            return 0

        lax.fori_loop(0, (_HALF - s + _NTILES - 1) // _NTILES, cpout, 0)
        plsc.subcore_barrier()
        return 0

    lax.fori_loop(0, _B, run_batch, 0)


@functools.partial(
    pl.kernel,
    out_type=jax.ShapeDtypeStruct((_B * _C, _NX, _NY), jnp.float32),
    mesh=plsc.VectorSubcoreMesh(core_axis_name="c", subcore_axis_name="s"),
    compiler_params=pltpu.CompilerParams(
        needs_layout_passes=False, use_tc_tiling_on_sc=False),
    scratch_types=[
        pltpu.VMEM((_FLEN + 16,), jnp.float32),
        pltpu.VMEM((_PSUB + 16,), jnp.float32),
        pltpu.VMEM((_PSUB + 16,), jnp.float32),
        pltpu.VMEM((_PSUB + 16,), jnp.float32),
        pltpu.VMEM((_PSUB + 16,), jnp.float32),
        pltpu.VMEM((_PSUB + _BLK,), jnp.int32),
        pltpu.VMEM((_PSUB + _BLK,), jnp.int32),
        pltpu.VMEM((_BLK, _C), jnp.float32),
        pltpu.VMEM((_BLK, _C), jnp.float32),
        pltpu.VMEM((112, _C), jnp.float32),
        pltpu.VMEM((_C, 1, 120), jnp.float32),
        pltpu.VMEM((_ZB, _C), jnp.float32),
        pltpu.VMEM_SHARED((_ACC_ROWS, _C), jnp.float32),
        pltpu.SemaphoreType.DMA,
        pltpu.SemaphoreType.DMA,
    ],
)
def _bev_pool(x_hbm, geom_hbm, sem_hbm, out_hbm, *scratch):
    _body(x_hbm, geom_hbm, sem_hbm, out_hbm, *scratch)


def kernel(x, geom_feats, semantic_mask):
    xw = jnp.transpose(x, (0, 1, 2, 3, 5, 4)).reshape(_B * _D * _H * _C * _W)
    geomp = jnp.transpose(geom_feats, (0, 1, 2, 5, 3, 4)).reshape(
        _B * _D * 3 * _HW)
    semf = semantic_mask[:, 1].reshape(_B * _HW)
    out = _bev_pool(xw, geomp, semf)
    return out.reshape(_B, _C, _NX, _NY)

# --- scband reference (transcript-rebuilt; emitter-appended) ---
"""Pipeline reference for scband-monocular-bev-model-23905787969790 (READ-ONLY COPY).

The authoritative reference and input builder live on the scoring server;
editing this copy changes nothing except your own understanding.
"""

import jax, jax.numpy as jnp
import numpy as np

B, N, D, H, W, C = 4, 1, 48, 32, 88, 64
NX = (200, 200, 1)
DX = np.array([0.5, 0.5, 20.0], dtype=np.float32)
BX = np.array([-49.75, -49.75, 0.0], dtype=np.float32)


def setup_inputs(seed: int = 0) -> dict:
    key = jax.random.key(seed)
    k1, k2, k3 = jax.random.split(key, 3)
    x = jax.random.normal(k1, (B, N, D, H, W, C), dtype=jnp.float32)
    geom = jax.random.uniform(k2, (B, N, D, H, W, 3), dtype=jnp.float32)
    scale = jnp.array([110.0, 110.0, 24.0], dtype=jnp.float32)
    offset = jnp.array([-55.0, -55.0, -12.0], dtype=jnp.float32)
    geom = geom * scale + offset  # ego-frame points; some fall outside BEV bounds
    sem = jax.random.uniform(k3, (B * N, 2, H, W), dtype=jnp.float32)
    return {"x": x, "geom_feats": geom, "semantic_mask": sem}


def reference(x, geom_feats, semantic_mask):
    dx = jnp.asarray(DX)
    bx = jnp.asarray(BX)
    nx0, nx1, nx2 = NX
    b, n, d, h, w, c = x.shape
    nprime = b * n * d * h * w
    xf = x.reshape(nprime, c)
    # voxelize: ((geom - (bx - dx/2)) / dx).long()  (truncation toward zero, like torch .long())
    g = ((geom_feats - (bx - dx / 2.0)) / dx).astype(jnp.int32).reshape(nprime, 3)
    batch_ix = jnp.repeat(jnp.arange(b, dtype=jnp.int32), nprime // b)
    kept = (g[:, 0] >= 0) & (g[:, 0] < nx0) & (g[:, 1] >= 0) & (g[:, 1] < nx1) & (g[:, 2] >= 0) & (g[:, 2] < nx2)
    sem = semantic_mask[:, 1] > 0.5  # [B*N, H, W]
    sem = jnp.broadcast_to(sem[:, None, :, :], (b * n, d, h, w)).reshape(-1)
    kept = kept & sem
    # mask out dropped points (contribute zeros), clamp indices in-range for the scatter
    xf = xf * kept[:, None].astype(xf.dtype)
    gx = jnp.clip(g[:, 0], 0, nx0 - 1)
    gy = jnp.clip(g[:, 1], 0, nx1 - 1)
    gz = jnp.clip(g[:, 2], 0, nx2 - 1)
    # flat voxel rank over layout (B, nz, nx, ny)
    ranks = ((batch_ix * nx2 + gz) * nx0 + gx) * nx1 + gy
    # sort + VoxelsSumming + overwrite-at-unique == scatter-add of all kept points per voxel
    flat = jnp.zeros((b * nx2 * nx0 * nx1, c), dtype=xf.dtype).at[ranks].add(xf)
    final = flat.reshape(b, nx2, nx0, nx1, c).transpose(0, 1, 4, 2, 3).reshape(b, nx2 * c, nx0, nx1)
    return final

if __name__ == "__main__":
    import jax
    _d = setup_inputs()
    print(jax.jit(kernel)(*tuple(_d.values())))

</pallas_src>

<mosaic_0001>
#map = affine_map<(d0, d1) -> (0)>
#map1 = affine_map<(d0, d1) -> (0, 0, 0)>
module attributes {stable_mosaic.version = 14 : i64} {
  func.func @_bev_pool(%arg0: i32, %arg1: i32, %arg2: memref<34603008xf32, #tpu.memory_space<hbm>>, %arg3: memref<1622016xf32, #tpu.memory_space<hbm>>, %arg4: memref<11264xf32, #tpu.memory_space<hbm>>, %arg5: memref<256x200x200xf32, #tpu.memory_space<hbm>>, %arg6: memref<11280xf32, #tpu.memory_space<vmem>>, %arg7: memref<192xf32, #tpu.memory_space<vmem>>, %arg8: memref<192xf32, #tpu.memory_space<vmem>>, %arg9: memref<192xf32, #tpu.memory_space<vmem>>, %arg10: memref<192xf32, #tpu.memory_space<vmem>>, %arg11: memref<240xi32, #tpu.memory_space<vmem>>, %arg12: memref<240xi32, #tpu.memory_space<vmem>>, %arg13: memref<64x64xf32, #tpu.memory_space<vmem>>, %arg14: memref<64x64xf32, #tpu.memory_space<vmem>>, %arg15: memref<112x64xf32, #tpu.memory_space<vmem>>, %arg16: memref<64x1x120xf32, #tpu.memory_space<vmem>>, %arg17: memref<32x64xf32, #tpu.memory_space<vmem>>, %arg18: memref<20096x64xf32, #tpu.memory_space<vmem_shared>>, %arg19: memref<!tpu.dma_semaphore, #tpu.memory_space<semaphore_mem>>, %arg20: memref<!tpu.dma_semaphore, #tpu.memory_space<semaphore_mem>>) attributes {dimension_semantics = [#tpu.dimension_semantics<core_parallel>, #tpu.dimension_semantics<subcore_parallel>], iteration_bounds = array<i64: 2, 16>, scalar_prefetch = 0 : i64, scratch_operands = 15 : i64, tpu.core_type = #tpu.core_type<sc_vector_subcore>, window_params = [{transform_indices = #map}, {transform_indices = #map}, {transform_indices = #map}, {transform_indices = #map1}]} {
    %iota3A = tpu.iota {dimensions = array<i32: 0>} : vector<16xi32>
    %mul3A = arith.constant 100 : i32
    %mul3A_0 = arith.muli %arg0, %mul3A : i32
    %scan3A = arith.constant 0 : i32
    %scan3A_1 = arith.constant 0 : i32
    %scan3A_2 = arith.constant 32 : i32
    %scan3A_3 = arith.addi %scan3A_1, %scan3A_2 : i32
    %scan3A_4 = arith.constant 1 : i32
    %scan3A_5 = scf.for %scan3A_14 = %scan3A_1 to %scan3A_3 step %scan3A_4 iter_args(%scan3A_15 = %scan3A) -> (i32)  : i32 {
      %broadcast_in_dim3A = arith.constant 0.000000e+00 : f32
      %broadcast_in_dim3A_16 = vector.broadcast %broadcast_in_dim3A : f32 to vector<16xf32>
      %swap3A = arith.index_cast %scan3A_14 : i32 to index
      %swap3A_17 = arith.constant 0 : index
      %swap3A_18 = tpu.vector_load %arg17[%swap3A, %swap3A_17] {strides = array<i32>} : memref<32x64xf32, #tpu.memory_space<vmem>>, vector<16xf32>,
      tpu.vector_store %arg17[%swap3A, %swap3A_17], %broadcast_in_dim3A_16 {strides = array<i32>} : memref<32x64xf32, #tpu.memory_space<vmem>>, vector<16xf32>,
      %broadcast_in_dim3A_19 = arith.constant 0.000000e+00 : f32
      %broadcast_in_dim3A_20 = vector.broadcast %broadcast_in_dim3A_19 : f32 to vector<16xf32>
      %swap3A_21 = arith.index_cast %scan3A_14 : i32 to index
      %swap3A_22 = arith.constant 16 : index
      %swap3A_23 = tpu.vector_load %arg17[%swap3A_21, %swap3A_22] {strides = array<i32>} : memref<32x64xf32, #tpu.memory_space<vmem>>, vector<16xf32>,
      tpu.vector_store %arg17[%swap3A_21, %swap3A_22], %broadcast_in_dim3A_20 {strides = array<i32>} : memref<32x64xf32, #tpu.memory_space<vmem>>, vector<16xf32>,
      %broadcast_in_dim3A_24 = arith.constant 0.000000e+00 : f32
      %broadcast_in_dim3A_25 = vector.broadcast %broadcast_in_dim3A_24 : f32 to vector<16xf32>
      %swap3A_26 = arith.index_cast %scan3A_14 : i32 to index
      %swap3A_27 = arith.constant 32 : index
      %swap3A_28 = tpu.vector_load %arg17[%swap3A_26, %swap3A_27] {strides = array<i32>} : memref<32x64xf32, #tpu.memory_space<vmem>>, vector<16xf32>,
      tpu.vector_store %arg17[%swap3A_26, %swap3A_27], %broadcast_in_dim3A_25 {strides = array<i32>} : memref<32x64xf32, #tpu.memory_space<vmem>>, vector<16xf32>,
      %broadcast_in_dim3A_29 = arith.constant 0.000000e+00 : f32
      %broadcast_in_dim3A_30 = vector.broadcast %broadcast_in_dim3A_29 : f32 to vector<16xf32>
      %swap3A_31 = arith.index_cast %scan3A_14 : i32 to index
      %swap3A_32 = arith.constant 48 : index
      %swap3A_33 = tpu.vector_load %arg17[%swap3A_31, %swap3A_32] {strides = array<i32>} : memref<32x64xf32, #tpu.memory_space<vmem>>, vector<16xf32>,
      tpu.vector_store %arg17[%swap3A_31, %swap3A_32], %broadcast_in_dim3A_30 {strides = array<i32>} : memref<32x64xf32, #tpu.memory_space<vmem>>, vector<16xf32>,
      %scan3A_34 = arith.constant 0 : i32
      scf.yield %scan3A_34 : i32
    }
    %scan3A_6 = arith.constant 32 : i32
    %scan3A_7 = arith.constant 0 : i32
    %scan3A_8 = arith.constant 0 : i32
    %scan3A_9 = arith.constant 4 : i32
    %scan3A_10 = arith.addi %scan3A_8, %scan3A_9 : i32
    %scan3A_11 = arith.constant 1 : i32
    %scan3A_12 = scf.for %scan3A_14 = %scan3A_8 to %scan3A_10 step %scan3A_11 iter_args(%scan3A_15 = %scan3A_7) -> (i32)  : i32 {
      %sub3A = arith.constant 628 : i32
      %sub3A_16 = arith.subi %sub3A, %arg1 : i32
      %add3A = arith.constant 16 : i32
      %add3A_17 = arith.addi %sub3A_16, %add3A : i32
      %sub3A_18 = arith.constant 1 : i32
      %sub3A_19 = arith.subi %add3A_17, %sub3A_18 : i32
      %jit3A = arith.constant 16 : i32
      %div3A = arith.divsi %sub3A_19, %jit3A : i32
      %sign3A = arith.constant 0 : i32
      %sign3A_20 = arith.cmpi sgt, %sub3A_19, %sign3A : i32
      %sign3A_21 = arith.extui %sign3A_20 : i1 to i32
      %sign3A_22 = arith.constant 0 : i32
      %sign3A_23 = arith.cmpi slt, %sub3A_19, %sign3A_22 : i32
      %sign3A_24 = arith.extui %sign3A_23 : i1 to i32
      %sign3A_25 = arith.subi %sign3A_21, %sign3A_24 : i32
      %sign3A_26 = arith.constant 0 : i32
      %sign3A_27 = arith.cmpi sgt, %jit3A, %sign3A_26 : i32
      %sign3A_28 = arith.extui %sign3A_27 : i1 to i32
      %sign3A_29 = arith.constant 0 : i32
      %sign3A_30 = arith.cmpi slt, %jit3A, %sign3A_29 : i32
      %sign3A_31 = arith.extui %sign3A_30 : i1 to i32
      %sign3A_32 = arith.subi %sign3A_28, %sign3A_31 : i32
      %ne3A = arith.cmpi ne, %sign3A_25, %sign3A_32 : i32
      %rem3A = arith.remsi %sub3A_19, %jit3A : i32
      %ne3A_33 = arith.constant 0 : i32
      %ne3A_34 = arith.cmpi ne, %rem3A, %ne3A_33 : i32
      %and3A = arith.andi %ne3A, %ne3A_34 : i1
      %sub3A_35 = arith.constant 1 : i32
      %sub3A_36 = arith.subi %div3A, %sub3A_35 : i32
      %select_n3A = arith.select %and3A, %sub3A_36, %div3A : i32
      %while3A = arith.constant 0 : i32
      %while3A_37 = arith.constant 0 : i32
      %while3A_38 = arith.subi %select_n3A, %while3A : i32
      %while3A_39 = arith.addi %while3A, %while3A_38 : i32
      %while3A_40 = arith.constant 1 : i32
      %while3A_41 = arith.divsi %while3A_38, %while3A_40 : i32
      %while3A_42 = arith.muli %while3A_41, %while3A_40 : i32
      %while3A_43 = arith.addi %while3A, %while3A_42 : i32
      %while3A_44 = arith.constant 1 : i32
      %while3A_45 = scf.for %while3A_100 = %while3A to %while3A_43 step %while3A_44 iter_args(%while3A_101 = %while3A_37) -> (i32)  : i32 {
        %mul3A_102 = arith.constant 16 : i32
        %mul3A_103 = arith.muli %while3A_100, %mul3A_102 : i32
        %add3A_104 = arith.addi %mul3A_103, %arg1 : i32
        %mul3A_105 = arith.constant 32 : i32
        %mul3A_106 = arith.muli %add3A_104, %mul3A_105 : i32
        "tpu.region"() ({
          %run_scoped3A = tpu.sem_alloc : memref<!tpu.dma_semaphore, #tpu.memory_space<semaphore_mem>>
          %dma_start3A = arith.constant 0 : i32
          %dma_start3A_108 = tpu.memref_slice %arg18[%mul3A_106, %dma_start3A] : memref<20096x64xf32, #tpu.memory_space<vmem_shared>> -> memref<32x64xf32, #tpu.memory_space<vmem_shared>>
          %dma_start3A_109 = arith.constant 0 : i32
          %dma_start3A_110 = tpu.memref_slice %arg18[%mul3A_106, %dma_start3A_109] : memref<20096x64xf32, #tpu.memory_space<vmem_shared>> -> memref<32x64xf32, #tpu.memory_space<vmem_shared>>
          tpu.enqueue_dma source(%arg17 : memref<32x64xf32, #tpu.memory_space<vmem>>) target(%dma_start3A_110 : memref<32x64xf32, #tpu.memory_space<vmem_shared>>) target_semaphore(%run_scoped3A : memref<!tpu.dma_semaphore, #tpu.memory_space<semaphore_mem>>)
          %dma_wait3A = arith.constant 0 : i32
          %dma_wait3A_111 = tpu.memref_slice %arg18[%mul3A_106, %dma_wait3A] : memref<20096x64xf32, #tpu.memory_space<vmem_shared>> -> memref<32x64xf32, #tpu.memory_space<vmem_shared>>
          %dma_wait3A_112 = arith.constant 0 : i32
          %dma_wait3A_113 = tpu.memref_slice %arg18[%mul3A_106, %dma_wait3A_112] : memref<20096x64xf32, #tpu.memory_space<vmem_shared>> -> memref<32x64xf32, #tpu.memory_space<vmem_shared>>
          tpu.wait_dma2 semaphore(%run_scoped3A : memref<!tpu.dma_semaphore, #tpu.memory_space<semaphore_mem>>) src(%arg17 : memref<32x64xf32, #tpu.memory_space<vmem>>) dst(%dma_wait3A_113 : memref<32x64xf32, #tpu.memory_space<vmem_shared>>)
          tpu.yield
        }) : () -> ()
        %while3A_107 = arith.constant 0 : i32
        scf.yield %while3A_107 : i32
      }
      %while3A_46 = arith.constant 1 : i32
      %while3A_47 = scf.for %while3A_100 = %while3A_43 to %while3A_39 step %while3A_46 iter_args(%while3A_101 = %while3A_45) -> (i32)  : i32 {
        %mul3A_102 = arith.constant 16 : i32
        %mul3A_103 = arith.muli %while3A_100, %mul3A_102 : i32
        %add3A_104 = arith.addi %mul3A_103, %arg1 : i32
        %mul3A_105 = arith.constant 32 : i32
        %mul3A_106 = arith.muli %add3A_104, %mul3A_105 : i32
        "tpu.region"() ({
          %run_scoped3A = tpu.sem_alloc : memref<!tpu.dma_semaphore, #tpu.memory_space<semaphore_mem>>
          %dma_start3A = arith.constant 0 : i32
          %dma_start3A_108 = tpu.memref_slice %arg18[%mul3A_106, %dma_start3A] : memref<20096x64xf32, #tpu.memory_space<vmem_shared>> -> memref<32x64xf32, #tpu.memory_space<vmem_shared>>
          %dma_start3A_109 = arith.constant 0 : i32
          %dma_start3A_110 = tpu.memref_slice %arg18[%mul3A_106, %dma_start3A_109] : memref<20096x64xf32, #tpu.memory_space<vmem_shared>> -> memref<32x64xf32, #tpu.memory_space<vmem_shared>>
          tpu.enqueue_dma source(%arg17 : memref<32x64xf32, #tpu.memory_space<vmem>>) target(%dma_start3A_110 : memref<32x64xf32, #tpu.memory_space<vmem_shared>>) target_semaphore(%run_scoped3A : memref<!tpu.dma_semaphore, #tpu.memory_space<semaphore_mem>>)
          %dma_wait3A = arith.constant 0 : i32
          %dma_wait3A_111 = tpu.memref_slice %arg18[%mul3A_106, %dma_wait3A] : memref<20096x64xf32, #tpu.memory_space<vmem_shared>> -> memref<32x64xf32, #tpu.memory_space<vmem_shared>>
          %dma_wait3A_112 = arith.constant 0 : i32
          %dma_wait3A_113 = tpu.memref_slice %arg18[%mul3A_106, %dma_wait3A_112] : memref<20096x64xf32, #tpu.memory_space<vmem_shared>> -> memref<32x64xf32, #tpu.memory_space<vmem_shared>>
          tpu.wait_dma2 semaphore(%run_scoped3A : memref<!tpu.dma_semaphore, #tpu.memory_space<semaphore_mem>>) src(%arg17 : memref<32x64xf32, #tpu.memory_space<vmem>>) dst(%dma_wait3A_113 : memref<32x64xf32, #tpu.memory_space<vmem_shared>>)
          tpu.yield
        }) : () -> ()
        %while3A_107 = arith.constant 0 : i32
        scf.yield %while3A_107 : i32
      }
      %barrier3A = arith.constant 0 : index
      tpu.barrier barrier_id(%barrier3A)
      %scan3A_48 = arith.constant 0 : i32
      %scan3A_49 = arith.constant 0 : i32
      %scan3A_50 = arith.constant 48 : i32
      %scan3A_51 = arith.addi %scan3A_49, %scan3A_50 : i32
      %scan3A_52 = arith.constant 1 : i32
      %scan3A_53 = scf.for %scan3A_100 = %scan3A_49 to %scan3A_51 step %scan3A_52 iter_args(%scan3A_101 = %scan3A_48) -> (i32)  : i32 {
        %jit3A_102 = arith.constant 16 : i32
        %div3A_103 = arith.divsi %scan3A_100, %jit3A_102 : i32
        %sign3A_104 = arith.constant 0 : i32
        %sign3A_105 = arith.cmpi sgt, %scan3A_100, %sign3A_104 : i32
        %sign3A_106 = arith.extui %sign3A_105 : i1 to i32
        %sign3A_107 = arith.constant 0 : i32
        %sign3A_108 = arith.cmpi slt, %scan3A_100, %sign3A_107 : i32
        %sign3A_109 = arith.extui %sign3A_108 : i1 to i32
        %sign3A_110 = arith.subi %sign3A_106, %sign3A_109 : i32
        %sign3A_111 = arith.constant 0 : i32
        %sign3A_112 = arith.cmpi sgt, %jit3A_102, %sign3A_111 : i32
        %sign3A_113 = arith.extui %sign3A_112 : i1 to i32
        %sign3A_114 = arith.constant 0 : i32
        %sign3A_115 = arith.cmpi slt, %jit3A_102, %sign3A_114 : i32
        %sign3A_116 = arith.extui %sign3A_115 : i1 to i32
        %sign3A_117 = arith.subi %sign3A_113, %sign3A_116 : i32
        %ne3A_118 = arith.cmpi ne, %sign3A_110, %sign3A_117 : i32
        %rem3A_119 = arith.remsi %scan3A_100, %jit3A_102 : i32
        %ne3A_120 = arith.constant 0 : i32
        %ne3A_121 = arith.cmpi ne, %rem3A_119, %ne3A_120 : i32
        %and3A_122 = arith.andi %ne3A_118, %ne3A_121 : i1
        %sub3A_123 = arith.constant 1 : i32
        %sub3A_124 = arith.subi %div3A_103, %sub3A_123 : i32
        %select_n3A_125 = arith.select %and3A_122, %sub3A_124, %div3A_103 : i32
        %jit3A_126 = arith.constant 16 : i32
        %eq3A = arith.constant 0 : i32
        %eq3A_127 = arith.cmpi eq, %jit3A_126, %eq3A : i32
        %jit3A_128 = arith.constant 1 : i32
        %select_n3A_129 = arith.select %eq3A_127, %jit3A_128, %jit3A_126 : i32
        %rem3A_130 = arith.remsi %scan3A_100, %select_n3A_129 : i32
        %ne3A_131 = arith.constant 0 : i32
        %ne3A_132 = arith.cmpi ne, %rem3A_130, %ne3A_131 : i32
        %lt3A = arith.constant 0 : i32
        %lt3A_133 = arith.cmpi slt, %rem3A_130, %lt3A : i32
        %lt3A_134 = arith.constant 0 : i32
        %lt3A_135 = arith.cmpi slt, %select_n3A_129, %lt3A_134 : i32
        %ne3A_136 = arith.xori %lt3A_133, %lt3A_135 : i1
        %and3A_137 = arith.andi %ne3A_136, %ne3A_132 : i1
        %add3A_138 = arith.addi %rem3A_130, %select_n3A_129 : i32
        %select_n3A_139 = arith.select %and3A_137, %add3A_138, %rem3A_130 : i32
        %mul3A_140 = arith.constant 2 : i32
        %mul3A_141 = arith.muli %select_n3A_139, %mul3A_140 : i32
        %mul3A_142 = arith.constant 1536 : i32
        %mul3A_143 = arith.muli %scan3A_14, %mul3A_142 : i32
        %mul3A_144 = arith.constant 96 : i32
        %mul3A_145 = arith.muli %arg1, %mul3A_144 : i32
        %add3A_146 = arith.addi %mul3A_143, %mul3A_145 : i32
        %mul3A_147 = arith.constant 32 : i32
        %mul3A_148 = arith.muli %select_n3A_125, %mul3A_147 : i32
        %add3A_149 = arith.addi %add3A_146, %mul3A_148 : i32
        %add3A_150 = arith.addi %add3A_149, %mul3A_141 : i32
        %mul3A_151 = arith.constant 64 : i32
        %mul3A_152 = arith.muli %add3A_150, %mul3A_151 : i32
        %mul3A_153 = arith.constant 88 : i32
        %mul3A_154 = arith.muli %mul3A_152, %mul3A_153 : i32
        %dma_start3A = arith.constant 0 : i32
        %dma_start3A_155 = tpu.memref_slice %arg6[%dma_start3A] : memref<11280xf32, #tpu.memory_space<vmem>> -> memref<11264xf32, #tpu.memory_space<vmem>>
        %dma_start3A_156 = tpu.memref_slice %arg2[%mul3A_154] : memref<34603008xf32, #tpu.memory_space<hbm>> -> memref<11264xf32, #tpu.memory_space<hbm>>
        %dma_start3A_157 = arith.constant 0 : i32
        %dma_start3A_158 = tpu.memref_slice %arg6[%dma_start3A_157] : memref<11280xf32, #tpu.memory_space<vmem>> -> memref<11264xf32, #tpu.memory_space<vmem>>
        %dma_start3A_159 = tpu.memref_slice %arg2[%mul3A_154] : memref<34603008xf32, #tpu.memory_space<hbm>> -> memref<11264xf32, #tpu.memory_space<hbm>>
        tpu.enqueue_dma source(%dma_start3A_159 : memref<11264xf32, #tpu.memory_space<hbm>>) target(%dma_start3A_158 : memref<11264xf32, #tpu.memory_space<vmem>>) target_semaphore(%arg19 : memref<!tpu.dma_semaphore, #tpu.memory_space<semaphore_mem>>)
        %mul3A_160 = arith.constant 3 : i32
        %mul3A_161 = arith.muli %arg1, %mul3A_160 : i32
        %add3A_162 = arith.addi %mul3A_161, %select_n3A_125 : i32
        %mul3A_163 = arith.constant 48 : i32
        %mul3A_164 = arith.muli %scan3A_14, %mul3A_163 : i32
        %add3A_165 = arith.addi %mul3A_164, %add3A_162 : i32
        %mul3A_166 = arith.constant 3 : i32
        %mul3A_167 = arith.muli %add3A_165, %mul3A_166 : i32
        %mul3A_168 = arith.constant 2816 : i32
        %mul3A_169 = arith.muli %mul3A_167, %mul3A_168 : i32
        %mul3A_170 = arith.constant 88 : i32
        %mul3A_171 = arith.muli %mul3A_141, %mul3A_170 : i32
        %add3A_172 = arith.addi %mul3A_169, %mul3A_171 : i32
        "tpu.region"() ({
          %run_scoped3A = tpu.sem_alloc : memref<!tpu.dma_semaphore, #tpu.memory_space<semaphore_mem>>
          %dma_start3A_301 = arith.constant 0 : i32
          %dma_start3A_302 = tpu.memref_slice %arg7[%dma_start3A_301] : memref<192xf32, #tpu.memory_space<vmem>> -> memref<176xf32, #tpu.memory_space<vmem>>
          %dma_start3A_303 = tpu.memref_slice %arg3[%add3A_172] : memref<1622016xf32, #tpu.memory_space<hbm>> -> memref<176xf32, #tpu.memory_space<hbm>>
          %dma_start3A_304 = arith.constant 0 : i32
          %dma_start3A_305 = tpu.memref_slice %arg7[%dma_start3A_304] : memref<192xf32, #tpu.memory_space<vmem>> -> memref<176xf32, #tpu.memory_space<vmem>>
          %dma_start3A_306 = tpu.memref_slice %arg3[%add3A_172] : memref<1622016xf32, #tpu.memory_space<hbm>> -> memref<176xf32, #tpu.memory_space<hbm>>
          tpu.enqueue_dma source(%dma_start3A_306 : memref<176xf32, #tpu.memory_space<hbm>>) target(%dma_start3A_305 : memref<176xf32, #tpu.memory_space<vmem>>) target_semaphore(%run_scoped3A : memref<!tpu.dma_semaphore, #tpu.memory_space<semaphore_mem>>)
          %dma_wait3A_307 = arith.constant 0 : i32
          %dma_wait3A_308 = tpu.memref_slice %arg7[%dma_wait3A_307] : memref<192xf32, #tpu.memory_space<vmem>> -> memref<176xf32, #tpu.memory_space<vmem>>
          %dma_wait3A_309 = tpu.memref_slice %arg3[%add3A_172] : memref<1622016xf32, #tpu.memory_space<hbm>> -> memref<176xf32, #tpu.memory_space<hbm>>
          %dma_wait3A_310 = arith.constant 0 : i32
          %dma_wait3A_311 = tpu.memref_slice %arg7[%dma_wait3A_310] : memref<192xf32, #tpu.memory_space<vmem>> -> memref<176xf32, #tpu.memory_space<vmem>>
          %dma_wait3A_312 = tpu.memref_slice %arg3[%add3A_172] : memref<1622016xf32, #tpu.memory_space<hbm>> -> memref<176xf32, #tpu.memory_space<hbm>>
          tpu.wait_dma2 semaphore(%run_scoped3A : memref<!tpu.dma_semaphore, #tpu.memory_space<semaphore_mem>>) src(%dma_wait3A_312 : memref<176xf32, #tpu.memory_space<hbm>>) dst(%dma_wait3A_311 : memref<176xf32, #tpu.memory_space<vmem>>)
          tpu.yield
        }) : () -> ()
        %add3A_173 = arith.constant 2816 : i32
        %add3A_174 = arith.addi %add3A_172, %add3A_173 : i32
        "tpu.region"() ({
          %run_scoped3A = tpu.sem_alloc : memref<!tpu.dma_semaphore, #tpu.memory_space<semaphore_mem>>
          %dma_start3A_301 = arith.constant 0 : i32
          %dma_start3A_302 = tpu.memref_slice %arg8[%dma_start3A_301] : memref<192xf32, #tpu.memory_space<vmem>> -> memref<176xf32, #tpu.memory_space<vmem>>
          %dma_start3A_303 = tpu.memref_slice %arg3[%add3A_174] : memref<1622016xf32, #tpu.memory_space<hbm>> -> memref<176xf32, #tpu.memory_space<hbm>>
          %dma_start3A_304 = arith.constant 0 : i32
          %dma_start3A_305 = tpu.memref_slice %arg8[%dma_start3A_304] : memref<192xf32, #tpu.memory_space<vmem>> -> memref<176xf32, #tpu.memory_space<vmem>>
          %dma_start3A_306 = tpu.memref_slice %arg3[%add3A_174] : memref<1622016xf32, #tpu.memory_space<hbm>> -> memref<176xf32, #tpu.memory_space<hbm>>
          tpu.enqueue_dma source(%dma_start3A_306 : memref<176xf32, #tpu.memory_space<hbm>>) target(%dma_start3A_305 : memref<176xf32, #tpu.memory_space<vmem>>) target_semaphore(%run_scoped3A : memref<!tpu.dma_semaphore, #tpu.memory_space<semaphore_mem>>)
          %dma_wait3A_307 = arith.constant 0 : i32
          %dma_wait3A_308 = tpu.memref_slice %arg8[%dma_wait3A_307] : memref<192xf32, #tpu.memory_space<vmem>> -> memref<176xf32, #tpu.memory_space<vmem>>
          %dma_wait3A_309 = tpu.memref_slice %arg3[%add3A_174] : memref<1622016xf32, #tpu.memory_space<hbm>> -> memref<176xf32, #tpu.memory_space<hbm>>
          %dma_wait3A_310 = arith.constant 0 : i32
          %dma_wait3A_311 = tpu.memref_slice %arg8[%dma_wait3A_310] : memref<192xf32, #tpu.memory_space<vmem>> -> memref<176xf32, #tpu.memory_space<vmem>>
          %dma_wait3A_312 = tpu.memref_slice %arg3[%add3A_174] : memref<1622016xf32, #tpu.memory_space<hbm>> -> memref<176xf32, #tpu.memory_space<hbm>>
          tpu.wait_dma2 semaphore(%run_scoped3A : memref<!tpu.dma_semaphore, #tpu.memory_space<semaphore_mem>>) src(%dma_wait3A_312 : memref<176xf32, #tpu.memory_space<hbm>>) dst(%dma_wait3A_311 : memref<176xf32, #tpu.memory_space<vmem>>)
          tpu.yield
        }) : () -> ()
        %add3A_175 = arith.constant 5632 : i32
        %add3A_176 = arith.addi %add3A_172, %add3A_175 : i32
        "tpu.region"() ({
          %run_scoped3A = tpu.sem_alloc : memref<!tpu.dma_semaphore, #tpu.memory_space<semaphore_mem>>
          %dma_start3A_301 = arith.constant 0 : i32
          %dma_start3A_302 = tpu.memref_slice %arg9[%dma_start3A_301] : memref<192xf32, #tpu.memory_space<vmem>> -> memref<176xf32, #tpu.memory_space<vmem>>
          %dma_start3A_303 = tpu.memref_slice %arg3[%add3A_176] : memref<1622016xf32, #tpu.memory_space<hbm>> -> memref<176xf32, #tpu.memory_space<hbm>>
          %dma_start3A_304 = arith.constant 0 : i32
          %dma_start3A_305 = tpu.memref_slice %arg9[%dma_start3A_304] : memref<192xf32, #tpu.memory_space<vmem>> -> memref<176xf32, #tpu.memory_space<vmem>>
          %dma_start3A_306 = tpu.memref_slice %arg3[%add3A_176] : memref<1622016xf32, #tpu.memory_space<hbm>> -> memref<176xf32, #tpu.memory_space<hbm>>
          tpu.enqueue_dma source(%dma_start3A_306 : memref<176xf32, #tpu.memory_space<hbm>>) target(%dma_start3A_305 : memref<176xf32, #tpu.memory_space<vmem>>) target_semaphore(%run_scoped3A : memref<!tpu.dma_semaphore, #tpu.memory_space<semaphore_mem>>)
          %dma_wait3A_307 = arith.constant 0 : i32
          %dma_wait3A_308 = tpu.memref_slice %arg9[%dma_wait3A_307] : memref<192xf32, #tpu.memory_space<vmem>> -> memref<176xf32, #tpu.memory_space<vmem>>
          %dma_wait3A_309 = tpu.memref_slice %arg3[%add3A_176] : memref<1622016xf32, #tpu.memory_space<hbm>> -> memref<176xf32, #tpu.memory_space<hbm>>
          %dma_wait3A_310 = arith.constant 0 : i32
          %dma_wait3A_311 = tpu.memref_slice %arg9[%dma_wait3A_310] : memref<192xf32, #tpu.memory_space<vmem>> -> memref<176xf32, #tpu.memory_space<vmem>>
          %dma_wait3A_312 = tpu.memref_slice %arg3[%add3A_176] : memref<1622016xf32, #tpu.memory_space<hbm>> -> memref<176xf32, #tpu.memory_space<hbm>>
          tpu.wait_dma2 semaphore(%run_scoped3A : memref<!tpu.dma_semaphore, #tpu.memory_space<semaphore_mem>>) src(%dma_wait3A_312 : memref<176xf32, #tpu.memory_space<hbm>>) dst(%dma_wait3A_311 : memref<176xf32, #tpu.memory_space<vmem>>)
          tpu.yield
        }) : () -> ()
        %mul3A_177 = arith.constant 2816 : i32
        %mul3A_178 = arith.muli %scan3A_14, %mul3A_177 : i32
        %mul3A_179 = arith.constant 88 : i32
        %mul3A_180 = arith.muli %mul3A_141, %mul3A_179 : i32
        %add3A_181 = arith.addi %mul3A_178, %mul3A_180 : i32
        "tpu.region"() ({
          %run_scoped3A = tpu.sem_alloc : memref<!tpu.dma_semaphore, #tpu.memory_space<semaphore_mem>>
          %dma_start3A_301 = arith.constant 0 : i32
          %dma_start3A_302 = tpu.memref_slice %arg10[%dma_start3A_301] : memref<192xf32, #tpu.memory_space<vmem>> -> memref<176xf32, #tpu.memory_space<vmem>>
          %dma_start3A_303 = tpu.memref_slice %arg4[%add3A_181] : memref<11264xf32, #tpu.memory_space<hbm>> -> memref<176xf32, #tpu.memory_space<hbm>>
          %dma_start3A_304 = arith.constant 0 : i32
          %dma_start3A_305 = tpu.memref_slice %arg10[%dma_start3A_304] : memref<192xf32, #tpu.memory_space<vmem>> -> memref<176xf32, #tpu.memory_space<vmem>>
          %dma_start3A_306 = tpu.memref_slice %arg4[%add3A_181] : memref<11264xf32, #tpu.memory_space<hbm>> -> memref<176xf32, #tpu.memory_space<hbm>>
          tpu.enqueue_dma source(%dma_start3A_306 : memref<176xf32, #tpu.memory_space<hbm>>) target(%dma_start3A_305 : memref<176xf32, #tpu.memory_space<vmem>>) target_semaphore(%run_scoped3A : memref<!tpu.dma_semaphore, #tpu.memory_space<semaphore_mem>>)
          %dma_wait3A_307 = arith.constant 0 : i32
          %dma_wait3A_308 = tpu.memref_slice %arg10[%dma_wait3A_307] : memref<192xf32, #tpu.memory_space<vmem>> -> memref<176xf32, #tpu.memory_space<vmem>>
          %dma_wait3A_309 = tpu.memref_slice %arg4[%add3A_181] : memref<11264xf32, #tpu.memory_space<hbm>> -> memref<176xf32, #tpu.memory_space<hbm>>
          %dma_wait3A_310 = arith.constant 0 : i32
          %dma_wait3A_311 = tpu.memref_slice %arg10[%dma_wait3A_310] : memref<192xf32, #tpu.memory_space<vmem>> -> memref<176xf32, #tpu.memory_space<vmem>>
          %dma_wait3A_312 = tpu.memref_slice %arg4[%add3A_181] : memref<11264xf32, #tpu.memory_space<hbm>> -> memref<176xf32, #tpu.memory_space<hbm>>
          tpu.wait_dma2 semaphore(%run_scoped3A : memref<!tpu.dma_semaphore, #tpu.memory_space<semaphore_mem>>) src(%dma_wait3A_312 : memref<176xf32, #tpu.memory_space<hbm>>) dst(%dma_wait3A_311 : memref<176xf32, #tpu.memory_space<vmem>>)
          tpu.yield
        }) : () -> ()
        %scan3A_182 = arith.constant 0 : i32
        %scan3A_183 = arith.constant 0 : i32
        %scan3A_184 = arith.constant 6 : i32
        %scan3A_185 = arith.addi %scan3A_183, %scan3A_184 : i32
        %scan3A_186 = arith.constant 1 : i32
        %scan3A_187 = scf.for %scan3A_301 = %scan3A_183 to %scan3A_185 step %scan3A_186 iter_args(%scan3A_302 = %scan3A_182) -> (i32)  : i32 {
          %mul3A_303 = arith.constant 16 : i32
          %mul3A_304 = arith.muli %scan3A_301, %mul3A_303 : i32
          %add3A_305 = arith.constant 0 : i32
          %add3A_306 = arith.addi %add3A_305, %mul3A_304 : i32
          %mul3A_307 = arith.constant 16 : i32
          %mul3A_308 = arith.muli %scan3A_301, %mul3A_307 : i32
          %add3A_309 = vector.broadcast %mul3A_308 : i32 to vector<16xi32>
          %add3A_310 = arith.addi %add3A_309, %iota3A : vector<16xi32>
          %get3A = arith.index_cast %add3A_306 : i32 to index
          %get3A_311 = tpu.vector_load %arg7[%get3A] {strides = array<i32>} : memref<192xf32, #tpu.memory_space<vmem>>, vector<16xf32>,
          %get3A_312 = arith.index_cast %add3A_306 : i32 to index
          %get3A_313 = tpu.vector_load %arg8[%get3A_312] {strides = array<i32>} : memref<192xf32, #tpu.memory_space<vmem>>, vector<16xf32>,
          %get3A_314 = arith.index_cast %add3A_306 : i32 to index
          %get3A_315 = tpu.vector_load %arg9[%get3A_314] {strides = array<i32>} : memref<192xf32, #tpu.memory_space<vmem>>, vector<16xf32>,
          %get3A_316 = arith.index_cast %add3A_306 : i32 to index
          %get3A_317 = tpu.vector_load %arg10[%get3A_316] {strides = array<i32>} : memref<192xf32, #tpu.memory_space<vmem>>, vector<16xf32>,
          %add3A_318 = arith.constant 5.000000e+01 : f32
          %add3A_319 = vector.broadcast %add3A_318 : f32 to vector<16xf32>
          %add3A_320 = arith.addf %get3A_311, %add3A_319 : vector<16xf32>
          %mul3A_321 = arith.constant 2.000000e+00 : f32
          %mul3A_322 = vector.broadcast %mul3A_321 : f32 to vector<16xf32>
          %mul3A_323 = arith.mulf %add3A_320, %mul3A_322 : vector<16xf32>
          %convert_element_type3A = arith.fptosi %mul3A_323 : vector<16xf32> to vector<16xi32>
          %add3A_324 = arith.constant 5.000000e+01 : f32
          %add3A_325 = vector.broadcast %add3A_324 : f32 to vector<16xf32>
          %add3A_326 = arith.addf %get3A_313, %add3A_325 : vector<16xf32>
          %mul3A_327 = arith.constant 2.000000e+00 : f32
          %mul3A_328 = vector.broadcast %mul3A_327 : f32 to vector<16xf32>
          %mul3A_329 = arith.mulf %add3A_326, %mul3A_328 : vector<16xf32>
          %convert_element_type3A_330 = arith.fptosi %mul3A_329 : vector<16xf32> to vector<16xi32>
          %add3A_331 = arith.constant 1.000000e+01 : f32
          %add3A_332 = vector.broadcast %add3A_331 : f32 to vector<16xf32>
          %add3A_333 = arith.addf %get3A_315, %add3A_332 : vector<16xf32>
          %sub3A_334 = vector.broadcast %mul3A_0 : i32 to vector<16xi32>
          %sub3A_335 = arith.subi %convert_element_type3A, %sub3A_334 : vector<16xi32>
          %lt3A_336 = arith.constant 88 : i32
          %lt3A_337 = vector.broadcast %lt3A_336 : i32 to vector<16xi32>
          %lt3A_338 = arith.cmpi slt, %add3A_310, %lt3A_337 : vector<16xi32>
          %ge3A = arith.constant 0 : i32
          %ge3A_339 = vector.broadcast %ge3A : i32 to vector<16xi32>
          %ge3A_340 = arith.cmpi sge, %sub3A_335, %ge3A_339 : vector<16xi32>
          %and3A_341 = arith.andi %lt3A_338, %ge3A_340 : vector<16xi1>
          %lt3A_342 = arith.constant 100 : i32
          %lt3A_343 = vector.broadcast %lt3A_342 : i32 to vector<16xi32>
          %lt3A_344 = arith.cmpi slt, %sub3A_335, %lt3A_343 : vector<16xi32>
          %and3A_345 = arith.andi %and3A_341, %lt3A_344 : vector<16xi1>
          %ge3A_346 = arith.constant 0 : i32
          %ge3A_347 = vector.broadcast %ge3A_346 : i32 to vector<16xi32>
          %ge3A_348 = arith.cmpi sge, %convert_element_type3A_330, %ge3A_347 : vector<16xi32>
          %and3A_349 = arith.andi %and3A_345, %ge3A_348 : vector<16xi1>
          %lt3A_350 = arith.constant 200 : i32
          %lt3A_351 = vector.broadcast %lt3A_350 : i32 to vector<16xi32>
          %lt3A_352 = arith.cmpi slt, %convert_element_type3A_330, %lt3A_351 : vector<16xi32>
          %and3A_353 = arith.andi %and3A_349, %lt3A_352 : vector<16xi1>
          %gt3A = arith.constant -2.000000e+01 : f32
          %gt3A_354 = vector.broadcast %gt3A : f32 to vector<16xf32>
          %gt3A_355 = arith.cmpf ogt, %add3A_333, %gt3A_354 : vector<16xf32>
          %and3A_356 = arith.andi %and3A_353, %gt3A_355 : vector<16xi1>
          %lt3A_357 = arith.constant 2.000000e+01 : f32
          %lt3A_358 = vector.broadcast %lt3A_357 : f32 to vector<16xf32>
          %lt3A_359 = arith.cmpf olt, %add3A_333, %lt3A_358 : vector<16xf32>
          %and3A_360 = arith.andi %and3A_356, %lt3A_359 : vector<16xi1>
          %gt3A_361 = arith.constant 5.000000e-01 : f32
          %gt3A_362 = vector.broadcast %gt3A_361 : f32 to vector<16xf32>
          %gt3A_363 = arith.cmpf ogt, %get3A_317, %gt3A_362 : vector<16xf32>
          %and3A_364 = arith.andi %and3A_360, %gt3A_363 : vector<16xi1>
          %mul3A_365 = arith.constant 200 : i32
          %mul3A_366 = vector.broadcast %mul3A_365 : i32 to vector<16xi32>
          %mul3A_367 = arith.muli %sub3A_335, %mul3A_366 : vector<16xi32>
          %add3A_368 = arith.addi %mul3A_367, %convert_element_type3A_330 : vector<16xi32>
          %add3A_369 = arith.constant 0 : i32
          %add3A_370 = vector.broadcast %add3A_369 : i32 to vector<16xi32>
          %add3A_371 = arith.addi %add3A_310, %add3A_370 : vector<16xi32>
          %swap3A_372 = arith.index_cast %scan3A_302 : i32 to index
          %swap3A_373 = tpu.vector_load %arg11[%swap3A_372] masked %and3A_364 {strides = array<i32>} : memref<240xi32, #tpu.memory_space<vmem>>, vector<16xi32>, vector<16xi1>
          tpu.vector_store %arg11[%swap3A_372], %add3A_371 masked %and3A_364 {strides = array<i32>} : memref<240xi32, #tpu.memory_space<vmem>>, vector<16xi32>, vector<16xi1>
          %swap3A_374 = arith.index_cast %scan3A_302 : i32 to index
          %swap3A_375 = tpu.vector_load %arg12[%swap3A_374] masked %and3A_364 {strides = array<i32>} : memref<240xi32, #tpu.memory_space<vmem>>, vector<16xi32>, vector<16xi1>
          tpu.vector_store %arg12[%swap3A_374], %add3A_368 masked %and3A_364 {strides = array<i32>} : memref<240xi32, #tpu.memory_space<vmem>>, vector<16xi32>, vector<16xi1>
          %all_reduce_population_count3A = tpu.all_reduce %and3A_364 {dim = 0 : i64, kind = #tpu.reduction_kind<sum>} : vector<16xi1> -> vector<16xi32>
          %slice3A = vector.extract_strided_slice %all_reduce_population_count3A {offsets = [0], sizes = [1], strides = [1]} : vector<16xi32> to vector<1xi32>
          %squeeze3A = vector.extract %slice3A[0] : i32 from vector<1xi32>
          %add3A_376 = arith.addi %scan3A_302, %squeeze3A : i32
          scf.yield %add3A_376 : i32
        }
        %scan3A_188 = arith.constant 6 : i32
        %scan3A_189 = arith.constant 0 : i32
        %scan3A_190 = arith.constant 6 : i32
        %scan3A_191 = arith.addi %scan3A_189, %scan3A_190 : i32
        %scan3A_192 = arith.constant 1 : i32
        %scan3A_193 = scf.for %scan3A_301 = %scan3A_189 to %scan3A_191 step %scan3A_192 iter_args(%scan3A_302 = %scan3A_187) -> (i32)  : i32 {
          %mul3A_303 = arith.constant 16 : i32
          %mul3A_304 = arith.muli %scan3A_301, %mul3A_303 : i32
          %add3A_305 = arith.constant 88 : i32
          %add3A_306 = arith.addi %add3A_305, %mul3A_304 : i32
          %mul3A_307 = arith.constant 16 : i32
          %mul3A_308 = arith.muli %scan3A_301, %mul3A_307 : i32
          %add3A_309 = vector.broadcast %mul3A_308 : i32 to vector<16xi32>
          %add3A_310 = arith.addi %add3A_309, %iota3A : vector<16xi32>
          %get3A = arith.index_cast %add3A_306 : i32 to index
          %get3A_311 = tpu.vector_load %arg7[%get3A] {strides = array<i32>} : memref<192xf32, #tpu.memory_space<vmem>>, vector<16xf32>,
          %get3A_312 = arith.index_cast %add3A_306 : i32 to index
          %get3A_313 = tpu.vector_load %arg8[%get3A_312] {strides = array<i32>} : memref<192xf32, #tpu.memory_space<vmem>>, vector<16xf32>,
          %get3A_314 = arith.index_cast %add3A_306 : i32 to index
          %get3A_315 = tpu.vector_load %arg9[%get3A_314] {strides = array<i32>} : memref<192xf32, #tpu.memory_space<vmem>>, vector<16xf32>,
          %get3A_316 = arith.index_cast %add3A_306 : i32 to index
          %get3A_317 = tpu.vector_load %arg10[%get3A_316] {strides = array<i32>} : memref<192xf32, #tpu.memory_space<vmem>>, vector<16xf32>,
          %add3A_318 = arith.constant 5.000000e+01 : f32
          %add3A_319 = vector.broadcast %add3A_318 : f32 to vector<16xf32>
          %add3A_320 = arith.addf %get3A_311, %add3A_319 : vector<16xf32>
          %mul3A_321 = arith.constant 2.000000e+00 : f32
          %mul3A_322 = vector.broadcast %mul3A_321 : f32 to vector<16xf32>
          %mul3A_323 = arith.mulf %add3A_320, %mul3A_322 : vector<16xf32>
          %convert_element_type3A = arith.fptosi %mul3A_323 : vector<16xf32> to vector<16xi32>
          %add3A_324 = arith.constant 5.000000e+01 : f32
          %add3A_325 = vector.broadcast %add3A_324 : f32 to vector<16xf32>
          %add3A_326 = arith.addf %get3A_313, %add3A_325 : vector<16xf32>
          %mul3A_327 = arith.constant 2.000000e+00 : f32
          %mul3A_328 = vector.broadcast %mul3A_327 : f32 to vector<16xf32>
          %mul3A_329 = arith.mulf %add3A_326, %mul3A_328 : vector<16xf32>
          %convert_element_type3A_330 = arith.fptosi %mul3A_329 : vector<16xf32> to vector<16xi32>
          %add3A_331 = arith.constant 1.000000e+01 : f32
          %add3A_332 = vector.broadcast %add3A_331 : f32 to vector<16xf32>
          %add3A_333 = arith.addf %get3A_315, %add3A_332 : vector<16xf32>
          %sub3A_334 = vector.broadcast %mul3A_0 : i32 to vector<16xi32>
          %sub3A_335 = arith.subi %convert_element_type3A, %sub3A_334 : vector<16xi32>
          %lt3A_336 = arith.constant 88 : i32
          %lt3A_337 = vector.broadcast %lt3A_336 : i32 to vector<16xi32>
          %lt3A_338 = arith.cmpi slt, %add3A_310, %lt3A_337 : vector<16xi32>
          %ge3A = arith.constant 0 : i32
          %ge3A_339 = vector.broadcast %ge3A : i32 to vector<16xi32>
          %ge3A_340 = arith.cmpi sge, %sub3A_335, %ge3A_339 : vector<16xi32>
          %and3A_341 = arith.andi %lt3A_338, %ge3A_340 : vector<16xi1>
          %lt3A_342 = arith.constant 100 : i32
          %lt3A_343 = vector.broadcast %lt3A_342 : i32 to vector<16xi32>
          %lt3A_344 = arith.cmpi slt, %sub3A_335, %lt3A_343 : vector<16xi32>
          %and3A_345 = arith.andi %and3A_341, %lt3A_344 : vector<16xi1>
          %ge3A_346 = arith.constant 0 : i32
          %ge3A_347 = vector.broadcast %ge3A_346 : i32 to vector<16xi32>
          %ge3A_348 = arith.cmpi sge, %convert_element_type3A_330, %ge3A_347 : vector<16xi32>
          %and3A_349 = arith.andi %and3A_345, %ge3A_348 : vector<16xi1>
          %lt3A_350 = arith.constant 200 : i32
          %lt3A_351 = vector.broadcast %lt3A_350 : i32 to vector<16xi32>
          %lt3A_352 = arith.cmpi slt, %convert_element_type3A_330, %lt3A_351 : vector<16xi32>
          %and3A_353 = arith.andi %and3A_349, %lt3A_352 : vector<16xi1>
          %gt3A = arith.constant -2.000000e+01 : f32
          %gt3A_354 = vector.broadcast %gt3A : f32 to vector<16xf32>
          %gt3A_355 = arith.cmpf ogt, %add3A_333, %gt3A_354 : vector<16xf32>
          %and3A_356 = arith.andi %and3A_353, %gt3A_355 : vector<16xi1>
          %lt3A_357 = arith.constant 2.000000e+01 : f32
          %lt3A_358 = vector.broadcast %lt3A_357 : f32 to vector<16xf32>
          %lt3A_359 = arith.cmpf olt, %add3A_333, %lt3A_358 : vector<16xf32>
          %and3A_360 = arith.andi %and3A_356, %lt3A_359 : vector<16xi1>
          %gt3A_361 = arith.constant 5.000000e-01 : f32
          %gt3A_362 = vector.broadcast %gt3A_361 : f32 to vector<16xf32>
          %gt3A_363 = arith.cmpf ogt, %get3A_317, %gt3A_362 : vector<16xf32>
          %and3A_364 = arith.andi %and3A_360, %gt3A_363 : vector<16xi1>
          %mul3A_365 = arith.constant 200 : i32
          %mul3A_366 = vector.broadcast %mul3A_365 : i32 to vector<16xi32>
          %mul3A_367 = arith.muli %sub3A_335, %mul3A_366 : vector<16xi32>
          %add3A_368 = arith.addi %mul3A_367, %convert_element_type3A_330 : vector<16xi32>
          %add3A_369 = arith.constant 5632 : i32
          %add3A_370 = vector.broadcast %add3A_369 : i32 to vector<16xi32>
          %add3A_371 = arith.addi %add3A_310, %add3A_370 : vector<16xi32>
          %swap3A_372 = arith.index_cast %scan3A_302 : i32 to index
          %swap3A_373 = tpu.vector_load %arg11[%swap3A_372] masked %and3A_364 {strides = array<i32>} : memref<240xi32, #tpu.memory_space<vmem>>, vector<16xi32>, vector<16xi1>
          tpu.vector_store %arg11[%swap3A_372], %add3A_371 masked %and3A_364 {strides = array<i32>} : memref<240xi32, #tpu.memory_space<vmem>>, vector<16xi32>, vector<16xi1>
          %swap3A_374 = arith.index_cast %scan3A_302 : i32 to index
          %swap3A_375 = tpu.vector_load %arg12[%swap3A_374] masked %and3A_364 {strides = array<i32>} : memref<240xi32, #tpu.memory_space<vmem>>, vector<16xi32>, vector<16xi1>
          tpu.vector_store %arg12[%swap3A_374], %add3A_368 masked %and3A_364 {strides = array<i32>} : memref<240xi32, #tpu.memory_space<vmem>>, vector<16xi32>, vector<16xi1>
          %all_reduce_population_count3A = tpu.all_reduce %and3A_364 {dim = 0 : i64, kind = #tpu.reduction_kind<sum>} : vector<16xi1> -> vector<16xi32>
          %slice3A = vector.extract_strided_slice %all_reduce_population_count3A {offsets = [0], sizes = [1], strides = [1]} : vector<16xi32> to vector<1xi32>
          %squeeze3A = vector.extract %slice3A[0] : i32 from vector<1xi32>
          %add3A_376 = arith.addi %scan3A_302, %squeeze3A : i32
          scf.yield %add3A_376 : i32
        }
        %scan3A_194 = arith.constant 6 : i32
        %broadcast_in_dim3A = arith.constant 0 : i32
        %broadcast_in_dim3A_195 = vector.broadcast %broadcast_in_dim3A : i32 to vector<16xi32>
        %add3A_196 = arith.constant 0 : i32
        %add3A_197 = arith.addi %scan3A_193, %add3A_196 : i32
        %swap3A = arith.index_cast %add3A_197 : i32 to index
        %swap3A_198 = tpu.vector_load %arg11[%swap3A] {strides = array<i32>} : memref<240xi32, #tpu.memory_space<vmem>>, vector<16xi32>,
        tpu.vector_store %arg11[%swap3A], %broadcast_in_dim3A_195 {strides = array<i32>} : memref<240xi32, #tpu.memory_space<vmem>>, vector<16xi32>,
        %broadcast_in_dim3A_199 = arith.constant 20000 : i32
        %broadcast_in_dim3A_200 = vector.broadcast %broadcast_in_dim3A_199 : i32 to vector<16xi32>
        %add3A_201 = arith.constant 0 : i32
        %add3A_202 = arith.addi %scan3A_193, %add3A_201 : i32
        %swap3A_203 = arith.index_cast %add3A_202 : i32 to index
        %swap3A_204 = tpu.vector_load %arg12[%swap3A_203] {strides = array<i32>} : memref<240xi32, #tpu.memory_space<vmem>>, vector<16xi32>,
        tpu.vector_store %arg12[%swap3A_203], %broadcast_in_dim3A_200 {strides = array<i32>} : memref<240xi32, #tpu.memory_space<vmem>>, vector<16xi32>,
        %broadcast_in_dim3A_205 = arith.constant 0 : i32
        %broadcast_in_dim3A_206 = vector.broadcast %broadcast_in_dim3A_205 : i32 to vector<16xi32>
        %add3A_207 = arith.constant 16 : i32
        %add3A_208 = arith.addi %scan3A_193, %add3A_207 : i32
        %swap3A_209 = arith.index_cast %add3A_208 : i32 to index
        %swap3A_210 = tpu.vector_load %arg11[%swap3A_209] {strides = array<i32>} : memref<240xi32, #tpu.memory_space<vmem>>, vector<16xi32>,
        tpu.vector_store %arg11[%swap3A_209], %broadcast_in_dim3A_206 {strides = array<i32>} : memref<240xi32, #tpu.memory_space<vmem>>, vector<16xi32>,
        %broadcast_in_dim3A_211 = arith.constant 20000 : i32
        %broadcast_in_dim3A_212 = vector.broadcast %broadcast_in_dim3A_211 : i32 to vector<16xi32>
        %add3A_213 = arith.constant 16 : i32
        %add3A_214 = arith.addi %scan3A_193, %add3A_213 : i32
        %swap3A_215 = arith.index_cast %add3A_214 : i32 to index
        %swap3A_216 = tpu.vector_load %arg12[%swap3A_215] {strides = array<i32>} : memref<240xi32, #tpu.memory_space<vmem>>, vector<16xi32>,
        tpu.vector_store %arg12[%swap3A_215], %broadcast_in_dim3A_212 {strides = array<i32>} : memref<240xi32, #tpu.memory_space<vmem>>, vector<16xi32>,
        %broadcast_in_dim3A_217 = arith.constant 0 : i32
        %broadcast_in_dim3A_218 = vector.broadcast %broadcast_in_dim3A_217 : i32 to vector<16xi32>
        %add3A_219 = arith.constant 32 : i32
        %add3A_220 = arith.addi %scan3A_193, %add3A_219 : i32
        %swap3A_221 = arith.index_cast %add3A_220 : i32 to index
        %swap3A_222 = tpu.vector_load %arg11[%swap3A_221] {strides = array<i32>} : memref<240xi32, #tpu.memory_space<vmem>>, vector<16xi32>,
        tpu.vector_store %arg11[%swap3A_221], %broadcast_in_dim3A_218 {strides = array<i32>} : memref<240xi32, #tpu.memory_space<vmem>>, vector<16xi32>,
        %broadcast_in_dim3A_223 = arith.constant 20000 : i32
        %broadcast_in_dim3A_224 = vector.broadcast %broadcast_in_dim3A_223 : i32 to vector<16xi32>
        %add3A_225 = arith.constant 32 : i32
        %add3A_226 = arith.addi %scan3A_193, %add3A_225 : i32
        %swap3A_227 = arith.index_cast %add3A_226 : i32 to index
        %swap3A_228 = tpu.vector_load %arg12[%swap3A_227] {strides = array<i32>} : memref<240xi32, #tpu.memory_space<vmem>>, vector<16xi32>,
        tpu.vector_store %arg12[%swap3A_227], %broadcast_in_dim3A_224 {strides = array<i32>} : memref<240xi32, #tpu.memory_space<vmem>>, vector<16xi32>,
        %broadcast_in_dim3A_229 = arith.constant 0 : i32
        %broadcast_in_dim3A_230 = vector.broadcast %broadcast_in_dim3A_229 : i32 to vector<16xi32>
        %add3A_231 = arith.constant 48 : i32
        %add3A_232 = arith.addi %scan3A_193, %add3A_231 : i32
        %swap3A_233 = arith.index_cast %add3A_232 : i32 to index
        %swap3A_234 = tpu.vector_load %arg11[%swap3A_233] {strides = array<i32>} : memref<240xi32, #tpu.memory_space<vmem>>, vector<16xi32>,
        tpu.vector_store %arg11[%swap3A_233], %broadcast_in_dim3A_230 {strides = array<i32>} : memref<240xi32, #tpu.memory_space<vmem>>, vector<16xi32>,
        %broadcast_in_dim3A_235 = arith.constant 20000 : i32
        %broadcast_in_dim3A_236 = vector.broadcast %broadcast_in_dim3A_235 : i32 to vector<16xi32>
        %add3A_237 = arith.constant 48 : i32
        %add3A_238 = arith.addi %scan3A_193, %add3A_237 : i32
        %swap3A_239 = arith.index_cast %add3A_238 : i32 to index
        %swap3A_240 = tpu.vector_load %arg12[%swap3A_239] {strides = array<i32>} : memref<240xi32, #tpu.memory_space<vmem>>, vector<16xi32>,
        tpu.vector_store %arg12[%swap3A_239], %broadcast_in_dim3A_236 {strides = array<i32>} : memref<240xi32, #tpu.memory_space<vmem>>, vector<16xi32>,
        %add3A_241 = arith.constant 64 : i32
        %add3A_242 = arith.addi %scan3A_193, %add3A_241 : i32
        %sub3A_243 = arith.constant 1 : i32
        %sub3A_244 = arith.subi %add3A_242, %sub3A_243 : i32
        %jit3A_245 = arith.constant 64 : i32
        %div3A_246 = arith.divsi %sub3A_244, %jit3A_245 : i32
        %sign3A_247 = arith.constant 0 : i32
        %sign3A_248 = arith.cmpi sgt, %sub3A_244, %sign3A_247 : i32
        %sign3A_249 = arith.extui %sign3A_248 : i1 to i32
        %sign3A_250 = arith.constant 0 : i32
        %sign3A_251 = arith.cmpi slt, %sub3A_244, %sign3A_250 : i32
        %sign3A_252 = arith.extui %sign3A_251 : i1 to i32
        %sign3A_253 = arith.subi %sign3A_249, %sign3A_252 : i32
        %sign3A_254 = arith.constant 0 : i32
        %sign3A_255 = arith.cmpi sgt, %jit3A_245, %sign3A_254 : i32
        %sign3A_256 = arith.extui %sign3A_255 : i1 to i32
        %sign3A_257 = arith.constant 0 : i32
        %sign3A_258 = arith.cmpi slt, %jit3A_245, %sign3A_257 : i32
        %sign3A_259 = arith.extui %sign3A_258 : i1 to i32
        %sign3A_260 = arith.subi %sign3A_256, %sign3A_259 : i32
        %ne3A_261 = arith.cmpi ne, %sign3A_253, %sign3A_260 : i32
        %rem3A_262 = arith.remsi %sub3A_244, %jit3A_245 : i32
        %ne3A_263 = arith.constant 0 : i32
        %ne3A_264 = arith.cmpi ne, %rem3A_262, %ne3A_263 : i32
        %and3A_265 = arith.andi %ne3A_261, %ne3A_264 : i1
        %sub3A_266 = arith.constant 1 : i32
        %sub3A_267 = arith.subi %div3A_246, %sub3A_266 : i32
        %select_n3A_268 = arith.select %and3A_265, %sub3A_267, %div3A_246 : i32
        %dma_wait3A = arith.constant 0 : i32
        %dma_wait3A_269 = tpu.memref_slice %arg6[%dma_wait3A] : memref<11280xf32, #tpu.memory_space<vmem>> -> memref<11264xf32, #tpu.memory_space<vmem>>
        %dma_wait3A_270 = tpu.memref_slice %arg2[%mul3A_154] : memref<34603008xf32, #tpu.memory_space<hbm>> -> memref<11264xf32, #tpu.memory_space<hbm>>
        %dma_wait3A_271 = arith.constant 0 : i32
        %dma_wait3A_272 = tpu.memref_slice %arg6[%dma_wait3A_271] : memref<11280xf32, #tpu.memory_space<vmem>> -> memref<11264xf32, #tpu.memory_space<vmem>>
        %dma_wait3A_273 = tpu.memref_slice %arg2[%mul3A_154] : memref<34603008xf32, #tpu.memory_space<hbm>> -> memref<11264xf32, #tpu.memory_space<hbm>>
        tpu.wait_dma2 semaphore(%arg19 : memref<!tpu.dma_semaphore, #tpu.memory_space<semaphore_mem>>) src(%dma_wait3A_273 : memref<11264xf32, #tpu.memory_space<hbm>>) dst(%dma_wait3A_272 : memref<11264xf32, #tpu.memory_space<vmem>>)
        %while3A_274 = arith.constant 0 : i32
        %while3A_275 = arith.constant 0 : i32
        %while3A_276 = arith.subi %select_n3A_268, %while3A_274 : i32
        %while3A_277 = arith.addi %while3A_274, %while3A_276 : i32
        %while3A_278 = arith.constant 1 : i32
        %while3A_279 = arith.divsi %while3A_276, %while3A_278 : i32
        %while3A_280 = arith.muli %while3A_279, %while3A_278 : i32
        %while3A_281 = arith.addi %while3A_274, %while3A_280 : i32
        %while3A_282 = arith.constant 1 : i32
        %while3A_283 = scf.for %while3A_301 = %while3A_274 to %while3A_281 step %while3A_282 iter_args(%while3A_302 = %while3A_275) -> (i32)  : i32 {
          %rem3A_303 = arith.constant 2 : i32
          %rem3A_304 = arith.remsi %while3A_301, %rem3A_303 : i32
          %eq3A_305 = arith.constant 0 : i32
          %eq3A_306 = arith.cmpi eq, %rem3A_304, %eq3A_305 : i32
          %convert_element_type3A = arith.extui %eq3A_306 : i1 to i32
          %cond3A = arith.constant 0 : i32
          %cond3A_307 = arith.cmpi ne, %convert_element_type3A, %cond3A : i32
          scf.if %cond3A_307 {
            %ge3A = arith.constant 2 : i32
            %ge3A_316 = arith.cmpi sge, %while3A_301, %ge3A : i32
            %convert_element_type3A_317 = arith.extui %ge3A_316 : i1 to i32
            %cond3A_318 = arith.constant 0 : i32
            %cond3A_319 = arith.cmpi ne, %convert_element_type3A_317, %cond3A_318 : i32
            scf.if %cond3A_319 {
              %dma_wait3A_431 = arith.constant 0 : i32
              %dma_wait3A_432 = arith.constant 0 : i32
              %dma_wait3A_433 = tpu.memref_slice %arg13[%dma_wait3A_431, %dma_wait3A_432] : memref<64x64xf32, #tpu.memory_space<vmem>> -> memref<16x64xf32, #tpu.memory_space<vmem>>
              %dma_wait3A_434 = arith.constant 0 : i32
              %dma_wait3A_435 = arith.constant 0 : i32
              %dma_wait3A_436 = tpu.memref_slice %arg18[%dma_wait3A_434, %dma_wait3A_435] : memref<20096x64xf32, #tpu.memory_space<vmem_shared>> -> memref<16x64xf32, #tpu.memory_space<vmem_shared>>
              %dma_wait3A_437 = arith.constant 0 : i32
              %dma_wait3A_438 = arith.constant 0 : i32
              %dma_wait3A_439 = tpu.memref_slice %arg18[%dma_wait3A_437, %dma_wait3A_438] : memref<20096x64xf32, #tpu.memory_space<vmem_shared>> -> memref<16x64xf32, #tpu.memory_space<vmem_shared>>
              %dma_wait3A_440 = arith.constant 0 : i32
              %dma_wait3A_441 = arith.constant 0 : i32
              %dma_wait3A_442 = tpu.memref_slice %arg13[%dma_wait3A_440, %dma_wait3A_441] : memref<64x64xf32, #tpu.memory_space<vmem>> -> memref<16x64xf32, #tpu.memory_space<vmem>>
              tpu.wait_dma2 semaphore(%arg20 : memref<!tpu.dma_semaphore, #tpu.memory_space<semaphore_mem>>) src(%dma_wait3A_442 : memref<16x64xf32, #tpu.memory_space<vmem>>) dst(%dma_wait3A_439 : memref<16x64xf32, #tpu.memory_space<vmem_shared>>)
              %dma_wait3A_443 = arith.constant 16 : i32
              %dma_wait3A_444 = arith.constant 0 : i32
              %dma_wait3A_445 = tpu.memref_slice %arg13[%dma_wait3A_443, %dma_wait3A_444] : memref<64x64xf32, #tpu.memory_space<vmem>> -> memref<16x64xf32, #tpu.memory_space<vmem>>
              %dma_wait3A_446 = arith.constant 0 : i32
              %dma_wait3A_447 = arith.constant 0 : i32
              %dma_wait3A_448 = tpu.memref_slice %arg18[%dma_wait3A_446, %dma_wait3A_447] : memref<20096x64xf32, #tpu.memory_space<vmem_shared>> -> memref<16x64xf32, #tpu.memory_space<vmem_shared>>
              %dma_wait3A_449 = arith.constant 0 : i32
              %dma_wait3A_450 = arith.constant 0 : i32
              %dma_wait3A_451 = tpu.memref_slice %arg18[%dma_wait3A_449, %dma_wait3A_450] : memref<20096x64xf32, #tpu.memory_space<vmem_shared>> -> memref<16x64xf32, #tpu.memory_space<vmem_shared>>
              %dma_wait3A_452 = arith.constant 16 : i32
              %dma_wait3A_453 = arith.constant 0 : i32
              %dma_wait3A_454 = tpu.memref_slice %arg13[%dma_wait3A_452, %dma_wait3A_453] : memref<64x64xf32, #tpu.memory_space<vmem>> -> memref<16x64xf32, #tpu.memory_space<vmem>>
              tpu.wait_dma2 semaphore(%arg20 : memref<!tpu.dma_semaphore, #tpu.memory_space<semaphore_mem>>) src(%dma_wait3A_454 : memref<16x64xf32, #tpu.memory_space<vmem>>) dst(%dma_wait3A_451 : memref<16x64xf32, #tpu.memory_space<vmem_shared>>)
              %dma_wait3A_455 = arith.constant 32 : i32
              %dma_wait3A_456 = arith.constant 0 : i32
              %dma_wait3A_457 = tpu.memref_slice %arg13[%dma_wait3A_455, %dma_wait3A_456] : memref<64x64xf32, #tpu.memory_space<vmem>> -> memref<16x64xf32, #tpu.memory_space<vmem>>
              %dma_wait3A_458 = arith.constant 0 : i32
              %dma_wait3A_459 = arith.constant 0 : i32
              %dma_wait3A_460 = tpu.memref_slice %arg18[%dma_wait3A_458, %dma_wait3A_459] : memref<20096x64xf32, #tpu.memory_space<vmem_shared>> -> memref<16x64xf32, #tpu.memory_space<vmem_shared>>
              %dma_wait3A_461 = arith.constant 0 : i32
              %dma_wait3A_462 = arith.constant 0 : i32
              %dma_wait3A_463 = tpu.memref_slice %arg18[%dma_wait3A_461, %dma_wait3A_462] : memref<20096x64xf32, #tpu.memory_space<vmem_shared>> -> memref<16x64xf32, #tpu.memory_space<vmem_shared>>
              %dma_wait3A_464 = arith.constant 32 : i32
              %dma_wait3A_465 = arith.constant 0 : i32
              %dma_wait3A_466 = tpu.memref_slice %arg13[%dma_wait3A_464, %dma_wait3A_465] : memref<64x64xf32, #tpu.memory_space<vmem>> -> memref<16x64xf32, #tpu.memory_space<vmem>>
              tpu.wait_dma2 semaphore(%arg20 : memref<!tpu.dma_semaphore, #tpu.memory_space<semaphore_mem>>) src(%dma_wait3A_466 : memref<16x64xf32, #tpu.memory_space<vmem>>) dst(%dma_wait3A_463 : memref<16x64xf32, #tpu.memory_space<vmem_shared>>)
              %dma_wait3A_467 = arith.constant 48 : i32
              %dma_wait3A_468 = arith.constant 0 : i32
              %dma_wait3A_469 = tpu.memref_slice %arg13[%dma_wait3A_467, %dma_wait3A_468] : memref<64x64xf32, #tpu.memory_space<vmem>> -> memref<16x64xf32, #tpu.memory_space<vmem>>
              %dma_wait3A_470 = arith.constant 0 : i32
              %dma_wait3A_471 = arith.constant 0 : i32
              %dma_wait3A_472 = tpu.memref_slice %arg18[%dma_wait3A_470, %dma_wait3A_471] : memref<20096x64xf32, #tpu.memory_space<vmem_shared>> -> memref<16x64xf32, #tpu.memory_space<vmem_shared>>
              %dma_wait3A_473 = arith.constant 0 : i32
              %dma_wait3A_474 = arith.constant 0 : i32
              %dma_wait3A_475 = tpu.memref_slice %arg18[%dma_wait3A_473, %dma_wait3A_474] : memref<20096x64xf32, #tpu.memory_space<vmem_shared>> -> memref<16x64xf32, #tpu.memory_space<vmem_shared>>
              %dma_wait3A_476 = arith.constant 48 : i32
              %dma_wait3A_477 = arith.constant 0 : i32
              %dma_wait3A_478 = tpu.memref_slice %arg13[%dma_wait3A_476, %dma_wait3A_477] : memref<64x64xf32, #tpu.memory_space<vmem>> -> memref<16x64xf32, #tpu.memory_space<vmem>>
              tpu.wait_dma2 semaphore(%arg20 : memref<!tpu.dma_semaphore, #tpu.memory_space<semaphore_mem>>) src(%dma_wait3A_478 : memref<16x64xf32, #tpu.memory_space<vmem>>) dst(%dma_wait3A_475 : memref<16x64xf32, #tpu.memory_space<vmem_shared>>)
            } else {
            }
            %mul3A_320 = arith.constant 64 : i32
            %mul3A_321 = arith.muli %while3A_301, %mul3A_320 : i32
            %add3A_322 = arith.constant 0 : i32
            %add3A_323 = arith.addi %mul3A_321, %add3A_322 : i32
            %get3A = arith.index_cast %add3A_323 : i32 to index
            %get3A_324 = tpu.vector_load %arg11[%get3A] {strides = array<i32>} : memref<240xi32, #tpu.memory_space<vmem>>, vector<16xi32>,
            %add3A_325 = arith.constant 0 : i32
            %add3A_326 = vector.broadcast %add3A_325 : i32 to vector<16xi32>
            %add3A_327 = arith.addi %iota3A, %add3A_326 : vector<16xi32>
            %scan3A_328 = arith.constant 0 : i32
            %scan3A_329 = arith.constant 0 : i32
            %scan3A_330 = arith.constant 8 : i32
            %scan3A_331 = arith.addi %scan3A_329, %scan3A_330 : i32
            %scan3A_332 = arith.constant 1 : i32
            %scan3A_333 = scf.for %scan3A_431 = %scan3A_329 to %scan3A_331 step %scan3A_332 iter_args(%scan3A_432 = %scan3A_328) -> (i32)  : i32 {
              %mul3A_433 = arith.constant 8 : i32
              %mul3A_434 = arith.muli %scan3A_431, %mul3A_433 : i32
              %add3A_435 = arith.constant 0 : i32
              %add3A_436 = arith.addi %mul3A_434, %add3A_435 : i32
              %mul3A_437 = arith.constant 88 : i32
              %mul3A_438 = arith.muli %add3A_436, %mul3A_437 : i32
              %add3A_439 = vector.broadcast %mul3A_438 : i32 to vector<16xi32>
              %add3A_440 = arith.addi %get3A_324, %add3A_439 : vector<16xi32>
              %gather3A = tpu.vector_load_idx %arg6[%add3A_440] : memref<11280xf32, #tpu.memory_space<vmem>>[vector<16xi32>], vector<16xf32>,
              %mul3A_441 = arith.constant 0 : i32
              %mul3A_442 = vector.broadcast %mul3A_441 : i32 to vector<16xi32>
              %mul3A_443 = arith.muli %iota3A, %mul3A_442 : vector<16xi32>
              %add3A_444 = vector.broadcast %add3A_436 : i32 to vector<16xi32>
              %add3A_445 = arith.addi %add3A_444, %mul3A_443 : vector<16xi32>
              tpu.vector_store_idx %arg13[%add3A_327, %add3A_445], %gather3A : memref<64x64xf32, #tpu.memory_space<vmem>>[vector<16xi32>, vector<16xi32>], vector<16xf32>,
              %mul3A_446 = arith.constant 8 : i32
              %mul3A_447 = arith.muli %scan3A_431, %mul3A_446 : i32
              %add3A_448 = arith.constant 1 : i32
              %add3A_449 = arith.addi %mul3A_447, %add3A_448 : i32
              %mul3A_450 = arith.constant 88 : i32
              %mul3A_451 = arith.muli %add3A_449, %mul3A_450 : i32
              %add3A_452 = vector.broadcast %mul3A_451 : i32 to vector<16xi32>
              %add3A_453 = arith.addi %get3A_324, %add3A_452 : vector<16xi32>
              %gather3A_454 = tpu.vector_load_idx %arg6[%add3A_453] : memref<11280xf32, #tpu.memory_space<vmem>>[vector<16xi32>], vector<16xf32>,
              %mul3A_455 = arith.constant 0 : i32
              %mul3A_456 = vector.broadcast %mul3A_455 : i32 to vector<16xi32>
              %mul3A_457 = arith.muli %iota3A, %mul3A_456 : vector<16xi32>
              %add3A_458 = vector.broadcast %add3A_449 : i32 to vector<16xi32>
              %add3A_459 = arith.addi %add3A_458, %mul3A_457 : vector<16xi32>
              tpu.vector_store_idx %arg13[%add3A_327, %add3A_459], %gather3A_454 : memref<64x64xf32, #tpu.memory_space<vmem>>[vector<16xi32>, vector<16xi32>], vector<16xf32>,
              %mul3A_460 = arith.constant 8 : i32
              %mul3A_461 = arith.muli %scan3A_431, %mul3A_460 : i32
              %add3A_462 = arith.constant 2 : i32
              %add3A_463 = arith.addi %mul3A_461, %add3A_462 : i32
              %mul3A_464 = arith.constant 88 : i32
              %mul3A_465 = arith.muli %add3A_463, %mul3A_464 : i32
              %add3A_466 = vector.broadcast %mul3A_465 : i32 to vector<16xi32>
              %add3A_467 = arith.addi %get3A_324, %add3A_466 : vector<16xi32>
              %gather3A_468 = tpu.vector_load_idx %arg6[%add3A_467] : memref<11280xf32, #tpu.memory_space<vmem>>[vector<16xi32>], vector<16xf32>,
              %mul3A_469 = arith.constant 0 : i32
              %mul3A_470 = vector.broadcast %mul3A_469 : i32 to vector<16xi32>
              %mul3A_471 = arith.muli %iota3A, %mul3A_470 : vector<16xi32>
              %add3A_472 = vector.broadcast %add3A_463 : i32 to vector<16xi32>
              %add3A_473 = arith.addi %add3A_472, %mul3A_471 : vector<16xi32>
              tpu.vector_store_idx %arg13[%add3A_327, %add3A_473], %gather3A_468 : memref<64x64xf32, #tpu.memory_space<vmem>>[vector<16xi32>, vector<16xi32>], vector<16xf32>,
              %mul3A_474 = arith.constant 8 : i32
              %mul3A_475 = arith.muli %scan3A_431, %mul3A_474 : i32
              %add3A_476 = arith.constant 3 : i32
              %add3A_477 = arith.addi %mul3A_475, %add3A_476 : i32
              %mul3A_478 = arith.constant 88 : i32
              %mul3A_479 = arith.muli %add3A_477, %mul3A_478 : i32
              %add3A_480 = vector.broadcast %mul3A_479 : i32 to vector<16xi32>
              %add3A_481 = arith.addi %get3A_324, %add3A_480 : vector<16xi32>
              %gather3A_482 = tpu.vector_load_idx %arg6[%add3A_481] : memref<11280xf32, #tpu.memory_space<vmem>>[vector<16xi32>], vector<16xf32>,
              %mul3A_483 = arith.constant 0 : i32
              %mul3A_484 = vector.broadcast %mul3A_483 : i32 to vector<16xi32>
              %mul3A_485 = arith.muli %iota3A, %mul3A_484 : vector<16xi32>
              %add3A_486 = vector.broadcast %add3A_477 : i32 to vector<16xi32>
              %add3A_487 = arith.addi %add3A_486, %mul3A_485 : vector<16xi32>
              tpu.vector_store_idx %arg13[%add3A_327, %add3A_487], %gather3A_482 : memref<64x64xf32, #tpu.memory_space<vmem>>[vector<16xi32>, vector<16xi32>], vector<16xf32>,
              %mul3A_488 = arith.constant 8 : i32
              %mul3A_489 = arith.muli %scan3A_431, %mul3A_488 : i32
              %add3A_490 = arith.constant 4 : i32
              %add3A_491 = arith.addi %mul3A_489, %add3A_490 : i32
              %mul3A_492 = arith.constant 88 : i32
              %mul3A_493 = arith.muli %add3A_491, %mul3A_492 : i32
              %add3A_494 = vector.broadcast %mul3A_493 : i32 to vector<16xi32>
              %add3A_495 = arith.addi %get3A_324, %add3A_494 : vector<16xi32>
              %gather3A_496 = tpu.vector_load_idx %arg6[%add3A_495] : memref<11280xf32, #tpu.memory_space<vmem>>[vector<16xi32>], vector<16xf32>,
              %mul3A_497 = arith.constant 0 : i32
              %mul3A_498 = vector.broadcast %mul3A_497 : i32 to vector<16xi32>
              %mul3A_499 = arith.muli %iota3A, %mul3A_498 : vector<16xi32>
              %add3A_500 = vector.broadcast %add3A_491 : i32 to vector<16xi32>
              %add3A_501 = arith.addi %add3A_500, %mul3A_499 : vector<16xi32>
              tpu.vector_store_idx %arg13[%add3A_327, %add3A_501], %gather3A_496 : memref<64x64xf32, #tpu.memory_space<vmem>>[vector<16xi32>, vector<16xi32>], vector<16xf32>,
              %mul3A_502 = arith.constant 8 : i32
              %mul3A_503 = arith.muli %scan3A_431, %mul3A_502 : i32
              %add3A_504 = arith.constant 5 : i32
              %add3A_505 = arith.addi %mul3A_503, %add3A_504 : i32
              %mul3A_506 = arith.constant 88 : i32
              %mul3A_507 = arith.muli %add3A_505, %mul3A_506 : i32
              %add3A_508 = vector.broadcast %mul3A_507 : i32 to vector<16xi32>
              %add3A_509 = arith.addi %get3A_324, %add3A_508 : vector<16xi32>
              %gather3A_510 = tpu.vector_load_idx %arg6[%add3A_509] : memref<11280xf32, #tpu.memory_space<vmem>>[vector<16xi32>], vector<16xf32>,
              %mul3A_511 = arith.constant 0 : i32
              %mul3A_512 = vector.broadcast %mul3A_511 : i32 to vector<16xi32>
              %mul3A_513 = arith.muli %iota3A, %mul3A_512 : vector<16xi32>
              %add3A_514 = vector.broadcast %add3A_505 : i32 to vector<16xi32>
              %add3A_515 = arith.addi %add3A_514, %mul3A_513 : vector<16xi32>
              tpu.vector_store_idx %arg13[%add3A_327, %add3A_515], %gather3A_510 : memref<64x64xf32, #tpu.memory_space<vmem>>[vector<16xi32>, vector<16xi32>], vector<16xf32>,
              %mul3A_516 = arith.constant 8 : i32
              %mul3A_517 = arith.muli %scan3A_431, %mul3A_516 : i32
              %add3A_518 = arith.constant 6 : i32
              %add3A_519 = arith.addi %mul3A_517, %add3A_518 : i32
              %mul3A_520 = arith.constant 88 : i32
              %mul3A_521 = arith.muli %add3A_519, %mul3A_520 : i32
              %add3A_522 = vector.broadcast %mul3A_521 : i32 to vector<16xi32>
              %add3A_523 = arith.addi %get3A_324, %add3A_522 : vector<16xi32>
              %gather3A_524 = tpu.vector_load_idx %arg6[%add3A_523] : memref<11280xf32, #tpu.memory_space<vmem>>[vector<16xi32>], vector<16xf32>,
              %mul3A_525 = arith.constant 0 : i32
              %mul3A_526 = vector.broadcast %mul3A_525 : i32 to vector<16xi32>
              %mul3A_527 = arith.muli %iota3A, %mul3A_526 : vector<16xi32>
              %add3A_528 = vector.broadcast %add3A_519 : i32 to vector<16xi32>
              %add3A_529 = arith.addi %add3A_528, %mul3A_527 : vector<16xi32>
              tpu.vector_store_idx %arg13[%add3A_327, %add3A_529], %gather3A_524 : memref<64x64xf32, #tpu.memory_space<vmem>>[vector<16xi32>, vector<16xi32>], vector<16xf32>,
              %mul3A_530 = arith.constant 8 : i32
              %mul3A_531 = arith.muli %scan3A_431, %mul3A_530 : i32
              %add3A_532 = arith.constant 7 : i32
              %add3A_533 = arith.addi %mul3A_531, %add3A_532 : i32
              %mul3A_534 = arith.constant 88 : i32
              %mul3A_535 = arith.muli %add3A_533, %mul3A_534 : i32
              %add3A_536 = vector.broadcast %mul3A_535 : i32 to vector<16xi32>
              %add3A_537 = arith.addi %get3A_324, %add3A_536 : vector<16xi32>
              %gather3A_538 = tpu.vector_load_idx %arg6[%add3A_537] : memref<11280xf32, #tpu.memory_space<vmem>>[vector<16xi32>], vector<16xf32>,
              %mul3A_539 = arith.constant 0 : i32
              %mul3A_540 = vector.broadcast %mul3A_539 : i32 to vector<16xi32>
              %mul3A_541 = arith.muli %iota3A, %mul3A_540 : vector<16xi32>
              %add3A_542 = vector.broadcast %add3A_533 : i32 to vector<16xi32>
              %add3A_543 = arith.addi %add3A_542, %mul3A_541 : vector<16xi32>
              tpu.vector_store_idx %arg13[%add3A_327, %add3A_543], %gather3A_538 : memref<64x64xf32, #tpu.memory_space<vmem>>[vector<16xi32>, vector<16xi32>], vector<16xf32>,
              %scan3A_544 = arith.constant 0 : i32
              scf.yield %scan3A_544 : i32
            }
            %scan3A_334 = arith.constant 8 : i32
            %mul3A_335 = arith.constant 64 : i32
            %mul3A_336 = arith.muli %while3A_301, %mul3A_335 : i32
            %add3A_337 = arith.constant 16 : i32
            %add3A_338 = arith.addi %mul3A_336, %add3A_337 : i32
            %get3A_339 = arith.index_cast %add3A_338 : i32 to index
            %get3A_340 = tpu.vector_load %arg11[%get3A_339] {strides = array<i32>} : memref<240xi32, #tpu.memory_space<vmem>>, vector<16xi32>,
            %add3A_341 = arith.constant 16 : i32
            %add3A_342 = vector.broadcast %add3A_341 : i32 to vector<16xi32>
            %add3A_343 = arith.addi %iota3A, %add3A_342 : vector<16xi32>
            %scan3A_344 = arith.constant 0 : i32
            %scan3A_345 = arith.constant 0 : i32
            %scan3A_346 = arith.constant 8 : i32
            %scan3A_347 = arith.addi %scan3A_345, %scan3A_346 : i32
            %scan3A_348 = arith.constant 1 : i32
            %scan3A_349 = scf.for %scan3A_431 = %scan3A_345 to %scan3A_347 step %scan3A_348 iter_args(%scan3A_432 = %scan3A_344) -> (i32)  : i32 {
              %mul3A_433 = arith.constant 8 : i32
              %mul3A_434 = arith.muli %scan3A_431, %mul3A_433 : i32
              %add3A_435 = arith.constant 0 : i32
              %add3A_436 = arith.addi %mul3A_434, %add3A_435 : i32
              %mul3A_437 = arith.constant 88 : i32
              %mul3A_438 = arith.muli %add3A_436, %mul3A_437 : i32
              %add3A_439 = vector.broadcast %mul3A_438 : i32 to vector<16xi32>
              %add3A_440 = arith.addi %get3A_340, %add3A_439 : vector<16xi32>
              %gather3A = tpu.vector_load_idx %arg6[%add3A_440] : memref<11280xf32, #tpu.memory_space<vmem>>[vector<16xi32>], vector<16xf32>,
              %mul3A_441 = arith.constant 0 : i32
              %mul3A_442 = vector.broadcast %mul3A_441 : i32 to vector<16xi32>
              %mul3A_443 = arith.muli %iota3A, %mul3A_442 : vector<16xi32>
              %add3A_444 = vector.broadcast %add3A_436 : i32 to vector<16xi32>
              %add3A_445 = arith.addi %add3A_444, %mul3A_443 : vector<16xi32>
              tpu.vector_store_idx %arg13[%add3A_343, %add3A_445], %gather3A : memref<64x64xf32, #tpu.memory_space<vmem>>[vector<16xi32>, vector<16xi32>], vector<16xf32>,
              %mul3A_446 = arith.constant 8 : i32
              %mul3A_447 = arith.muli %scan3A_431, %mul3A_446 : i32
              %add3A_448 = arith.constant 1 : i32
              %add3A_449 = arith.addi %mul3A_447, %add3A_448 : i32
              %mul3A_450 = arith.constant 88 : i32
              %mul3A_451 = arith.muli %add3A_449, %mul3A_450 : i32
              %add3A_452 = vector.broadcast %mul3A_451 : i32 to vector<16xi32>
              %add3A_453 = arith.addi %get3A_340, %add3A_452 : vector<16xi32>
              %gather3A_454 = tpu.vector_load_idx %arg6[%add3A_453] : memref<11280xf32, #tpu.memory_space<vmem>>[vector<16xi32>], vector<16xf32>,
              %mul3A_455 = arith.constant 0 : i32
              %mul3A_456 = vector.broadcast %mul3A_455 : i32 to vector<16xi32>
              %mul3A_457 = arith.muli %iota3A, %mul3A_456 : vector<16xi32>
              %add3A_458 = vector.broadcast %add3A_449 : i32 to vector<16xi32>
              %add3A_459 = arith.addi %add3A_458, %mul3A_457 : vector<16xi32>
              tpu.vector_store_idx %arg13[%add3A_343, %add3A_459], %gather3A_454 : memref<64x64xf32, #tpu.memory_space<vmem>>[vector<16xi32>, vector<16xi32>], vector<16xf32>,
              %mul3A_460 = arith.constant 8 : i32
              %mul3A_461 = arith.muli %scan3A_431, %mul3A_460 : i32
              %add3A_462 = arith.constant 2 : i32
              %add3A_463 = arith.addi %mul3A_461, %add3A_462 : i32
              %mul3A_464 = arith.constant 88 : i32
              %mul3A_465 = arith.muli %add3A_463, %mul3A_464 : i32
              %add3A_466 = vector.broadcast %mul3A_465 : i32 to vector<16xi32>
              %add3A_467 = arith.addi %get3A_340, %add3A_466 : vector<16xi32>
              %gather3A_468 = tpu.vector_load_idx %arg6[%add3A_467] : memref<11280xf32, #tpu.memory_space<vmem>>[vector<16xi32>], vector<16xf32>,
              %mul3A_469 = arith.constant 0 : i32
              %mul3A_470 = vector.broadcast %mul3A_469 : i32 to vector<16xi32>
              %mul3A_471 = arith.muli %iota3A, %mul3A_470 : vector<16xi32>
              %add3A_472 = vector.broadcast %add3A_463 : i32 to vector<16xi32>
              %add3A_473 = arith.addi %add3A_472, %mul3A_471 : vector<16xi32>
              tpu.vector_store_idx %arg13[%add3A_343, %add3A_473], %gather3A_468 : memref<64x64xf32, #tpu.memory_space<vmem>>[vector<16xi32>, vector<16xi32>], vector<16xf32>,
              %mul3A_474 = arith.constant 8 : i32
              %mul3A_475 = arith.muli %scan3A_431, %mul3A_474 : i32
              %add3A_476 = arith.constant 3 : i32
              %add3A_477 = arith.addi %mul3A_475, %add3A_476 : i32
              %mul3A_478 = arith.constant 88 : i32
              %mul3A_479 = arith.muli %add3A_477, %mul3A_478 : i32
              %add3A_480 = vector.broadcast %mul3A_479 : i32 to vector<16xi32>
              %add3A_481 = arith.addi %get3A_340, %add3A_480 : vector<16xi32>
              %gather3A_482 = tpu.vector_load_idx %arg6[%add3A_481] : memref<11280xf32, #tpu.memory_space<vmem>>[vector<16xi32>], vector<16xf32>,
              %mul3A_483 = arith.constant 0 : i32
              %mul3A_484 = vector.broadcast %mul3A_483 : i32 to vector<16xi32>
              %mul3A_485 = arith.muli %iota3A, %mul3A_484 : vector<16xi32>
              %add3A_486 = vector.broadcast %add3A_477 : i32 to vector<16xi32>
              %add3A_487 = arith.addi %add3A_486, %mul3A_485 : vector<16xi32>
              tpu.vector_store_idx %arg13[%add3A_343, %add3A_487], %gather3A_482 : memref<64x64xf32, #tpu.memory_space<vmem>>[vector<16xi32>, vector<16xi32>], vector<16xf32>,
              %mul3A_488 = arith.constant 8 : i32
              %mul3A_489 = arith.muli %scan3A_431, %mul3A_488 : i32
              %add3A_490 = arith.constant 4 : i32
              %add3A_491 = arith.addi %mul3A_489, %add3A_490 : i32
              %mul3A_492 = arith.constant 88 : i32
              %mul3A_493 = arith.muli %add3A_491, %mul3A_492 : i32
              %add3A_494 = vector.broadcast %mul3A_493 : i32 to vector<16xi32>
              %add3A_495 = arith.addi %get3A_340, %add3A_494 : vector<16xi32>
              %gather3A_496 = tpu.vector_load_idx %arg6[%add3A_495] : memref<11280xf32, #tpu.memory_space<vmem>>[vector<16xi32>], vector<16xf32>,
              %mul3A_497 = arith.constant 0 : i32
              %mul3A_498 = vector.broadcast %mul3A_497 : i32 to vector<16xi32>
              %mul3A_499 = arith.muli %iota3A, %mul3A_498 : vector<16xi32>
              %add3A_500 = vector.broadcast %add3A_491 : i32 to vector<16xi32>
              %add3A_501 = arith.addi %add3A_500, %mul3A_499 : vector<16xi32>
              tpu.vector_store_idx %arg13[%add3A_343, %add3A_501], %gather3A_496 : memref<64x64xf32, #tpu.memory_space<vmem>>[vector<16xi32>, vector<16xi32>], vector<16xf32>,
              %mul3A_502 = arith.constant 8 : i32
              %mul3A_503 = arith.muli %scan3A_431, %mul3A_502 : i32
              %add3A_504 = arith.constant 5 : i32
              %add3A_505 = arith.addi %mul3A_503, %add3A_504 : i32
              %mul3A_506 = arith.constant 88 : i32
              %mul3A_507 = arith.muli %add3A_505, %mul3A_506 : i32
              %add3A_508 = vector.broadcast %mul3A_507 : i32 to vector<16xi32>
              %add3A_509 = arith.addi %get3A_340, %add3A_508 : vector<16xi32>
              %gather3A_510 = tpu.vector_load_idx %arg6[%add3A_509] : memref<11280xf32, #tpu.memory_space<vmem>>[vector<16xi32>], vector<16xf32>,
              %mul3A_511 = arith.constant 0 : i32
              %mul3A_512 = vector.broadcast %mul3A_511 : i32 to vector<16xi32>
              %mul3A_513 = arith.muli %iota3A, %mul3A_512 : vector<16xi32>
              %add3A_514 = vector.broadcast %add3A_505 : i32 to vector<16xi32>
              %add3A_515 = arith.addi %add3A_514, %mul3A_513 : vector<16xi32>
              tpu.vector_store_idx %arg13[%add3A_343, %add3A_515], %gather3A_510 : memref<64x64xf32, #tpu.memory_space<vmem>>[vector<16xi32>, vector<16xi32>], vector<16xf32>,
              %mul3A_516 = arith.constant 8 : i32
              %mul3A_517 = arith.muli %scan3A_431, %mul3A_516 : i32
              %add3A_518 = arith.constant 6 : i32
              %add3A_519 = arith.addi %mul3A_517, %add3A_518 : i32
              %mul3A_520 = arith.constant 88 : i32
              %mul3A_521 = arith.muli %add3A_519, %mul3A_520 : i32
              %add3A_522 = vector.broadcast %mul3A_521 : i32 to vector<16xi32>
              %add3A_523 = arith.addi %get3A_340, %add3A_522 : vector<16xi32>
              %gather3A_524 = tpu.vector_load_idx %arg6[%add3A_523] : memref<11280xf32, #tpu.memory_space<vmem>>[vector<16xi32>], vector<16xf32>,
              %mul3A_525 = arith.constant 0 : i32
              %mul3A_526 = vector.broadcast %mul3A_525 : i32 to vector<16xi32>
              %mul3A_527 = arith.muli %iota3A, %mul3A_526 : vector<16xi32>
              %add3A_528 = vector.broadcast %add3A_519 : i32 to vector<16xi32>
              %add3A_529 = arith.addi %add3A_528, %mul3A_527 : vector<16xi32>
              tpu.vector_store_idx %arg13[%add3A_343, %add3A_529], %gather3A_524 : memref<64x64xf32, #tpu.memory_space<vmem>>[vector<16xi32>, vector<16xi32>], vector<16xf32>,
              %mul3A_530 = arith.constant 8 : i32
              %mul3A_531 = arith.muli %scan3A_431, %mul3A_530 : i32
              %add3A_532 = arith.constant 7 : i32
              %add3A_533 = arith.addi %mul3A_531, %add3A_532 : i32
              %mul3A_534 = arith.constant 88 : i32
              %mul3A_535 = arith.muli %add3A_533, %mul3A_534 : i32
              %add3A_536 = vector.broadcast %mul3A_535 : i32 to vector<16xi32>
              %add3A_537 = arith.addi %get3A_340, %add3A_536 : vector<16xi32>
              %gather3A_538 = tpu.vector_load_idx %arg6[%add3A_537] : memref<11280xf32, #tpu.memory_space<vmem>>[vector<16xi32>], vector<16xf32>,
              %mul3A_539 = arith.constant 0 : i32
              %mul3A_540 = vector.broadcast %mul3A_539 : i32 to vector<16xi32>
              %mul3A_541 = arith.muli %iota3A, %mul3A_540 : vector<16xi32>
              %add3A_542 = vector.broadcast %add3A_533 : i32 to vector<16xi32>
              %add3A_543 = arith.addi %add3A_542, %mul3A_541 : vector<16xi32>
              tpu.vector_store_idx %arg13[%add3A_343, %add3A_543], %gather3A_538 : memref<64x64xf32, #tpu.memory_space<vmem>>[vector<16xi32>, vector<16xi32>], vector<16xf32>,
              %scan3A_544 = arith.constant 0 : i32
              scf.yield %scan3A_544 : i32
            }
            %scan3A_350 = arith.constant 8 : i32
            %mul3A_351 = arith.constant 64 : i32
            %mul3A_352 = arith.muli %while3A_301, %mul3A_351 : i32
            %add3A_353 = arith.constant 32 : i32
            %add3A_354 = arith.addi %mul3A_352, %add3A_353 : i32
            %get3A_355 = arith.index_cast %add3A_354 : i32 to index
            %get3A_356 = tpu.vector_load %arg11[%get3A_355] {strides = array<i32>} : memref<240xi32, #tpu.memory_space<vmem>>, vector<16xi32>,
            %add3A_357 = arith.constant 32 : i32
            %add3A_358 = vector.broadcast %add3A_357 : i32 to vector<16xi32>
            %add3A_359 = arith.addi %iota3A, %add3A_358 : vector<16xi32>
            %scan3A_360 = arith.constant 0 : i32
            %scan3A_361 = arith.constant 0 : i32
            %scan3A_362 = arith.constant 8 : i32
            %scan3A_363 = arith.addi %scan3A_361, %scan3A_362 : i32
            %scan3A_364 = arith.constant 1 : i32
            %scan3A_365 = scf.for %scan3A_431 = %scan3A_361 to %scan3A_363 step %scan3A_364 iter_args(%scan3A_432 = %scan3A_360) -> (i32)  : i32 {
              %mul3A_433 = arith.constant 8 : i32
              %mul3A_434 = arith.muli %scan3A_431, %mul3A_433 : i32
              %add3A_435 = arith.constant 0 : i32
              %add3A_436 = arith.addi %mul3A_434, %add3A_435 : i32
              %mul3A_437 = arith.constant 88 : i32
              %mul3A_438 = arith.muli %add3A_436, %mul3A_437 : i32
              %add3A_439 = vector.broadcast %mul3A_438 : i32 to vector<16xi32>
              %add3A_440 = arith.addi %get3A_356, %add3A_439 : vector<16xi32>
              %gather3A = tpu.vector_load_idx %arg6[%add3A_440] : memref<11280xf32, #tpu.memory_space<vmem>>[vector<16xi32>], vector<16xf32>,
              %mul3A_441 = arith.constant 0 : i32
              %mul3A_442 = vector.broadcast %mul3A_441 : i32 to vector<16xi32>
              %mul3A_443 = arith.muli %iota3A, %mul3A_442 : vector<16xi32>
              %add3A_444 = vector.broadcast %add3A_436 : i32 to vector<16xi32>
              %add3A_445 = arith.addi %add3A_444, %mul3A_443 : vector<16xi32>
              tpu.vector_store_idx %arg13[%add3A_359, %add3A_445], %gather3A : memref<64x64xf32, #tpu.memory_space<vmem>>[vector<16xi32>, vector<16xi32>], vector<16xf32>,
              %mul3A_446 = arith.constant 8 : i32
              %mul3A_447 = arith.muli %scan3A_431, %mul3A_446 : i32
              %add3A_448 = arith.constant 1 : i32
              %add3A_449 = arith.addi %mul3A_447, %add3A_448 : i32
              %mul3A_450 = arith.constant 88 : i32
              %mul3A_451 = arith.muli %add3A_449, %mul3A_450 : i32
              %add3A_452 = vector.broadcast %mul3A_451 : i32 to vector<16xi32>
              %add3A_453 = arith.addi %get3A_356, %add3A_452 : vector<16xi32>
              %gather3A_454 = tpu.vector_load_idx %arg6[%add3A_453] : memref<11280xf32, #tpu.memory_space<vmem>>[vector<16xi32>], vector<16xf32>,
              %mul3A_455 = arith.constant 0 : i32
              %mul3A_456 = vector.broadcast %mul3A_455 : i32 to vector<16xi32>
              %mul3A_457 = arith.muli %iota3A, %mul3A_456 : vector<16xi32>
              %add3A_458 = vector.broadcast %add3A_449 : i32 to vector<16xi32>
              %add3A_459 = arith.addi %add3A_458, %mul3A_457 : vector<16xi32>
              tpu.vector_store_idx %arg13[%add3A_359, %add3A_459], %gather3A_454 : memref<64x64xf32, #tpu.memory_space<vmem>>[vector<16xi32>, vector<16xi32>], vector<16xf32>,
              %mul3A_460 = arith.constant 8 : i32
              %mul3A_461 = arith.muli %scan3A_431, %mul3A_460 : i32
              %add3A_462 = arith.constant 2 : i32
              %add3A_463 = arith.addi %mul3A_461, %add3A_462 : i32
              %mul3A_464 = arith.constant 88 : i32
              %mul3A_465 = arith.muli %add3A_463, %mul3A_464 : i32
              %add3A_466 = vector.broadcast %mul3A_465 : i32 to vector<16xi32>
              %add3A_467 = arith.addi %get3A_356, %add3A_466 : vector<16xi32>
              %gather3A_468 = tpu.vector_load_idx %arg6[%add3A_467] : memref<11280xf32, #tpu.memory_space<vmem>>[vector<16xi32>], vector<16xf32>,
              %mul3A_469 = arith.constant 0 : i32
              %mul3A_470 = vector.broadcast %mul3A_469 : i32 to vector<16xi32>
              %mul3A_471 = arith.muli %iota3A, %mul3A_470 : vector<16xi32>
              %add3A_472 = vector.broadcast %add3A_463 : i32 to vector<16xi32>
              %add3A_473 = arith.addi %add3A_472, %mul3A_471 : vector<16xi32>
              tpu.vector_store_idx %arg13[%add3A_359, %add3A_473], %gather3A_468 : memref<64x64xf32, #tpu.memory_space<vmem>>[vector<16xi32>, vector<16xi32>], vector<16xf32>,
              %mul3A_474 = arith.constant 8 : i32
              %mul3A_475 = arith.muli %scan3A_431, %mul3A_474 : i32
              %add3A_476 = arith.constant 3 : i32
              %add3A_477 = arith.addi %mul3A_475, %add3A_476 : i32
              %mul3A_478 = arith.constant 88 : i32
              %mul3A_479 = arith.muli %add3A_477, %mul3A_478 : i32
              %add3A_480 = vector.broadcast %mul3A_479 : i32 to vector<16xi32>
              %add3A_481 = arith.addi %get3A_356, %add3A_480 : vector<16xi32>
              %gather3A_482 = tpu.vector_load_idx %arg6[%add3A_481] : memref<11280xf32, #tpu.memory_space<vmem>>[vector<16xi32>], vector<16xf32>,
              %mul3A_483 = arith.constant 0 : i32
              %mul3A_484 = vector.broadcast %mul3A_483 : i32 to vector<16xi32>
              %mul3A_485 = arith.muli %iota3A, %mul3A_484 : vector<16xi32>
              %add3A_486 = vector.broadcast %add3A_477 : i32 to vector<16xi32>
              %add3A_487 = arith.addi %add3A_486, %mul3A_485 : vector<16xi32>
              tpu.vector_store_idx %arg13[%add3A_359, %add3A_487], %gather3A_482 : memref<64x64xf32, #tpu.memory_space<vmem>>[vector<16xi32>, vector<16xi32>], vector<16xf32>,
              %mul3A_488 = arith.constant 8 : i32
              %mul3A_489 = arith.muli %scan3A_431, %mul3A_488 : i32
              %add3A_490 = arith.constant 4 : i32
              %add3A_491 = arith.addi %mul3A_489, %add3A_490 : i32
              %mul3A_492 = arith.constant 88 : i32
              %mul3A_493 = arith.muli %add3A_491, %mul3A_492 : i32
              %add3A_494 = vector.broadcast %mul3A_493 : i32 to vector<16xi32>
              %add3A_495 = arith.addi %get3A_356, %add3A_494 : vector<16xi32>
              %gather3A_496 = tpu.vector_load_idx %arg6[%add3A_495] : memref<11280xf32, #tpu.memory_space<vmem>>[vector<16xi32>], vector<16xf32>,
              %mul3A_497 = arith.constant 0 : i32
              %mul3A_498 = vector.broadcast %mul3A_497 : i32 to vector<16xi32>
              %mul3A_499 = arith.muli %iota3A, %mul3A_498 : vector<16xi32>
              %add3A_500 = vector.broadcast %add3A_491 : i32 to vector<16xi32>
              %add3A_501 = arith.addi %add3A_500, %mul3A_499 : vector<16xi32>
              tpu.vector_store_idx %arg13[%add3A_359, %add3A_501], %gather3A_496 : memref<64x64xf32, #tpu.memory_space<vmem>>[vector<16xi32>, vector<16xi32>], vector<16xf32>,
              %mul3A_502 = arith.constant 8 : i32
              %mul3A_503 = arith.muli %scan3A_431, %mul3A_502 : i32
              %add3A_504 = arith.constant 5 : i32
              %add3A_505 = arith.addi %mul3A_503, %add3A_504 : i32
              %mul3A_506 = arith.constant 88 : i32
              %mul3A_507 = arith.muli %add3A_505, %mul3A_506 : i32
              %add3A_508 = vector.broadcast %mul3A_507 : i32 to vector<16xi32>
              %add3A_509 = arith.addi %get3A_356, %add3A_508 : vector<16xi32>
              %gather3A_510 = tpu.vector_load_idx %arg6[%add3A_509] : memref<11280xf32, #tpu.memory_space<vmem>>[vector<16xi32>], vector<16xf32>,
              %mul3A_511 = arith.constant 0 : i32
              %mul3A_512 = vector.broadcast %mul3A_511 : i32 to vector<16xi32>
              %mul3A_513 = arith.muli %iota3A, %mul3A_512 : vector<16xi32>
              %add3A_514 = vector.broadcast %add3A_505 : i32 to vector<16xi32>
              %add3A_515 = arith.addi %add3A_514, %mul3A_513 : vector<16xi32>
              tpu.vector_store_idx %arg13[%add3A_359, %add3A_515], %gather3A_510 : memref<64x64xf32, #tpu.memory_space<vmem>>[vector<16xi32>, vector<16xi32>], vector<16xf32>,
              %mul3A_516 = arith.constant 8 : i32
              %mul3A_517 = arith.muli %scan3A_431, %mul3A_516 : i32
              %add3A_518 = arith.constant 6 : i32
              %add3A_519 = arith.addi %mul3A_517, %add3A_518 : i32
              %mul3A_520 = arith.constant 88 : i32
              %mul3A_521 = arith.muli %add3A_519, %mul3A_520 : i32
              %add3A_522 = vector.broadcast %mul3A_521 : i32 to vector<16xi32>
              %add3A_523 = arith.addi %get3A_356, %add3A_522 : vector<16xi32>
              %gather3A_524 = tpu.vector_load_idx %arg6[%add3A_523] : memref<11280xf32, #tpu.memory_space<vmem>>[vector<16xi32>], vector<16xf32>,
              %mul3A_525 = arith.constant 0 : i32
              %mul3A_526 = vector.broadcast %mul3A_525 : i32 to vector<16xi32>
              %mul3A_527 = arith.muli %iota3A, %mul3A_526 : vector<16xi32>
              %add3A_528 = vector.broadcast %add3A_519 : i32 to vector<16xi32>
              %add3A_529 = arith.addi %add3A_528, %mul3A_527 : vector<16xi32>
              tpu.vector_store_idx %arg13[%add3A_359, %add3A_529], %gather3A_524 : memref<64x64xf32, #tpu.memory_space<vmem>>[vector<16xi32>, vector<16xi32>], vector<16xf32>,
              %mul3A_530 = arith.constant 8 : i32
              %mul3A_531 = arith.muli %scan3A_431, %mul3A_530 : i32
              %add3A_532 = arith.constant 7 : i32
              %add3A_533 = arith.addi %mul3A_531, %add3A_532 : i32
              %mul3A_534 = arith.constant 88 : i32
              %mul3A_535 = arith.muli %add3A_533, %mul3A_534 : i32
              %add3A_536 = vector.broadcast %mul3A_535 : i32 to vector<16xi32>
              %add3A_537 = arith.addi %get3A_356, %add3A_536 : vector<16xi32>
              %gather3A_538 = tpu.vector_load_idx %arg6[%add3A_537] : memref<11280xf32, #tpu.memory_space<vmem>>[vector<16xi32>], vector<16xf32>,
              %mul3A_539 = arith.constant 0 : i32
              %mul3A_540 = vector.broadcast %mul3A_539 : i32 to vector<16xi32>
              %mul3A_541 = arith.muli %iota3A, %mul3A_540 : vector<16xi32>
              %add3A_542 = vector.broadcast %add3A_533 : i32 to vector<16xi32>
              %add3A_543 = arith.addi %add3A_542, %mul3A_541 : vector<16xi32>
              tpu.vector_store_idx %arg13[%add3A_359, %add3A_543], %gather3A_538 : memref<64x64xf32, #tpu.memory_space<vmem>>[vector<16xi32>, vector<16xi32>], vector<16xf32>,
              %scan3A_544 = arith.constant 0 : i32
              scf.yield %scan3A_544 : i32
            }
            %scan3A_366 = arith.constant 8 : i32
            %mul3A_367 = arith.constant 64 : i32
            %mul3A_368 = arith.muli %while3A_301, %mul3A_367 : i32
            %add3A_369 = arith.constant 48 : i32
            %add3A_370 = arith.addi %mul3A_368, %add3A_369 : i32
            %get3A_371 = arith.index_cast %add3A_370 : i32 to index
            %get3A_372 = tpu.vector_load %arg11[%get3A_371] {strides = array<i32>} : memref<240xi32, #tpu.memory_space<vmem>>, vector<16xi32>,
            %add3A_373 = arith.constant 48 : i32
            %add3A_374 = vector.broadcast %add3A_373 : i32 to vector<16xi32>
            %add3A_375 = arith.addi %iota3A, %add3A_374 : vector<16xi32>
            %scan3A_376 = arith.constant 0 : i32
            %scan3A_377 = arith.constant 0 : i32
            %scan3A_378 = arith.constant 8 : i32
            %scan3A_379 = arith.addi %scan3A_377, %scan3A_378 : i32
            %scan3A_380 = arith.constant 1 : i32
            %scan3A_381 = scf.for %scan3A_431 = %scan3A_377 to %scan3A_379 step %scan3A_380 iter_args(%scan3A_432 = %scan3A_376) -> (i32)  : i32 {
              %mul3A_433 = arith.constant 8 : i32
              %mul3A_434 = arith.muli %scan3A_431, %mul3A_433 : i32
              %add3A_435 = arith.constant 0 : i32
              %add3A_436 = arith.addi %mul3A_434, %add3A_435 : i32
              %mul3A_437 = arith.constant 88 : i32
              %mul3A_438 = arith.muli %add3A_436, %mul3A_437 : i32
              %add3A_439 = vector.broadcast %mul3A_438 : i32 to vector<16xi32>
              %add3A_440 = arith.addi %get3A_372, %add3A_439 : vector<16xi32>
              %gather3A = tpu.vector_load_idx %arg6[%add3A_440] : memref<11280xf32, #tpu.memory_space<vmem>>[vector<16xi32>], vector<16xf32>,
              %mul3A_441 = arith.constant 0 : i32
              %mul3A_442 = vector.broadcast %mul3A_441 : i32 to vector<16xi32>
              %mul3A_443 = arith.muli %iota3A, %mul3A_442 : vector<16xi32>
              %add3A_444 = vector.broadcast %add3A_436 : i32 to vector<16xi32>
              %add3A_445 = arith.addi %add3A_444, %mul3A_443 : vector<16xi32>
              tpu.vector_store_idx %arg13[%add3A_375, %add3A_445], %gather3A : memref<64x64xf32, #tpu.memory_space<vmem>>[vector<16xi32>, vector<16xi32>], vector<16xf32>,
              %mul3A_446 = arith.constant 8 : i32
              %mul3A_447 = arith.muli %scan3A_431, %mul3A_446 : i32
              %add3A_448 = arith.constant 1 : i32
              %add3A_449 = arith.addi %mul3A_447, %add3A_448 : i32
              %mul3A_450 = arith.constant 88 : i32
              %mul3A_451 = arith.muli %add3A_449, %mul3A_450 : i32
              %add3A_452 = vector.broadcast %mul3A_451 : i32 to vector<16xi32>
              %add3A_453 = arith.addi %get3A_372, %add3A_452 : vector<16xi32>
              %gather3A_454 = tpu.vector_load_idx %arg6[%add3A_453] : memref<11280xf32, #tpu.memory_space<vmem>>[vector<16xi32>], vector<16xf32>,
              %mul3A_455 = arith.constant 0 : i32
              %mul3A_456 = vector.broadcast %mul3A_455 : i32 to vector<16xi32>
              %mul3A_457 = arith.muli %iota3A, %mul3A_456 : vector<16xi32>
              %add3A_458 = vector.broadcast %add3A_449 : i32 to vector<16xi32>
              %add3A_459 = arith.addi %add3A_458, %mul3A_457 : vector<16xi32>
              tpu.vector_store_idx %arg13[%add3A_375, %add3A_459], %gather3A_454 : memref<64x64xf32, #tpu.memory_space<vmem>>[vector<16xi32>, vector<16xi32>], vector<16xf32>,
              %mul3A_460 = arith.constant 8 : i32
              %mul3A_461 = arith.muli %scan3A_431, %mul3A_460 : i32
              %add3A_462 = arith.constant 2 : i32
              %add3A_463 = arith.addi %mul3A_461, %add3A_462 : i32
              %mul3A_464 = arith.constant 88 : i32
              %mul3A_465 = arith.muli %add3A_463, %mul3A_464 : i32
              %add3A_466 = vector.broadcast %mul3A_465 : i32 to vector<16xi32>
              %add3A_467 = arith.addi %get3A_372, %add3A_466 : vector<16xi32>
              %gather3A_468 = tpu.vector_load_idx %arg6[%add3A_467] : memref<11280xf32, #tpu.memory_space<vmem>>[vector<16xi32>], vector<16xf32>,
              %mul3A_469 = arith.constant 0 : i32
              %mul3A_470 = vector.broadcast %mul3A_469 : i32 to vector<16xi32>
              %mul3A_471 = arith.muli %iota3A, %mul3A_470 : vector<16xi32>
              %add3A_472 = vector.broadcast %add3A_463 : i32 to vector<16xi32>
              %add3A_473 = arith.addi %add3A_472, %mul3A_471 : vector<16xi32>
              tpu.vector_store_idx %arg13[%add3A_375, %add3A_473], %gather3A_468 : memref<64x64xf32, #tpu.memory_space<vmem>>[vector<16xi32>, vector<16xi32>], vector<16xf32>,
              %mul3A_474 = arith.constant 8 : i32
              %mul3A_475 = arith.muli %scan3A_431, %mul3A_474 : i32
              %add3A_476 = arith.constant 3 : i32
              %add3A_477 = arith.addi %mul3A_475, %add3A_476 : i32
              %mul3A_478 = arith.constant 88 : i32
              %mul3A_479 = arith.muli %add3A_477, %mul3A_478 : i32
              %add3A_480 = vector.broadcast %mul3A_479 : i32 to vector<16xi32>
              %add3A_481 = arith.addi %get3A_372, %add3A_480 : vector<16xi32>
              %gather3A_482 = tpu.vector_load_idx %arg6[%add3A_481] : memref<11280xf32, #tpu.memory_space<vmem>>[vector<16xi32>], vector<16xf32>,
              %mul3A_483 = arith.constant 0 : i32
              %mul3A_484 = vector.broadcast %mul3A_483 : i32 to vector<16xi32>
              %mul3A_485 = arith.muli %iota3A, %mul3A_484 : vector<16xi32>
              %add3A_486 = vector.broadcast %add3A_477 : i32 to vector<16xi32>
              %add3A_487 = arith.addi %add3A_486, %mul3A_485 : vector<16xi32>
              tpu.vector_store_idx %arg13[%add3A_375, %add3A_487], %gather3A_482 : memref<64x64xf32, #tpu.memory_space<vmem>>[vector<16xi32>, vector<16xi32>], vector<16xf32>,
              %mul3A_488 = arith.constant 8 : i32
              %mul3A_489 = arith.muli %scan3A_431, %mul3A_488 : i32
              %add3A_490 = arith.constant 4 : i32
              %add3A_491 = arith.addi %mul3A_489, %add3A_490 : i32
              %mul3A_492 = arith.constant 88 : i32
              %mul3A_493 = arith.muli %add3A_491, %mul3A_492 : i32
              %add3A_494 = vector.broadcast %mul3A_493 : i32 to vector<16xi32>
              %add3A_495 = arith.addi %get3A_372, %add3A_494 : vector<16xi32>
              %gather3A_496 = tpu.vector_load_idx %arg6[%add3A_495] : memref<11280xf32, #tpu.memory_space<vmem>>[vector<16xi32>], vector<16xf32>,
              %mul3A_497 = arith.constant 0 : i32
              %mul3A_498 = vector.broadcast %mul3A_497 : i32 to vector<16xi32>
              %mul3A_499 = arith.muli %iota3A, %mul3A_498 : vector<16xi32>
              %add3A_500 = vector.broadcast %add3A_491 : i32 to vector<16xi32>
              %add3A_501 = arith.addi %add3A_500, %mul3A_499 : vector<16xi32>
              tpu.vector_store_idx %arg13[%add3A_375, %add3A_501], %gather3A_496 : memref<64x64xf32, #tpu.memory_space<vmem>>[vector<16xi32>, vector<16xi32>], vector<16xf32>,
              %mul3A_502 = arith.constant 8 : i32
              %mul3A_503 = arith.muli %scan3A_431, %mul3A_502 : i32
              %add3A_504 = arith.constant 5 : i32
              %add3A_505 = arith.addi %mul3A_503, %add3A_504 : i32
              %mul3A_506 = arith.constant 88 : i32
              %mul3A_507 = arith.muli %add3A_505, %mul3A_506 : i32
              %add3A_508 = vector.broadcast %mul3A_507 : i32 to vector<16xi32>
              %add3A_509 = arith.addi %get3A_372, %add3A_508 : vector<16xi32>
              %gather3A_510 = tpu.vector_load_idx %arg6[%add3A_509] : memref<11280xf32, #tpu.memory_space<vmem>>[vector<16xi32>], vector<16xf32>,
              %mul3A_511 = arith.constant 0 : i32
              %mul3A_512 = vector.broadcast %mul3A_511 : i32 to vector<16xi32>
              %mul3A_513 = arith.muli %iota3A, %mul3A_512 : vector<16xi32>
              %add3A_514 = vector.broadcast %add3A_505 : i32 to vector<16xi32>
              %add3A_515 = arith.addi %add3A_514, %mul3A_513 : vector<16xi32>
              tpu.vector_store_idx %arg13[%add3A_375, %add3A_515], %gather3A_510 : memref<64x64xf32, #tpu.memory_space<vmem>>[vector<16xi32>, vector<16xi32>], vector<16xf32>,
              %mul3A_516 = arith.constant 8 : i32
              %mul3A_517 = arith.muli %scan3A_431, %mul3A_516 : i32
              %add3A_518 = arith.constant 6 : i32
              %add3A_519 = arith.addi %mul3A_517, %add3A_518 : i32
              %mul3A_520 = arith.constant 88 : i32
              %mul3A_521 = arith.muli %add3A_519, %mul3A_520 : i32
              %add3A_522 = vector.broadcast %mul3A_521 : i32 to vector<16xi32>
              %add3A_523 = arith.addi %get3A_372, %add3A_522 : vector<16xi32>
              %gather3A_524 = tpu.vector_load_idx %arg6[%add3A_523] : memref<11280xf32, #tpu.memory_space<vmem>>[vector<16xi32>], vector<16xf32>,
              %mul3A_525 = arith.constant 0 : i32
              %mul3A_526 = vector.broadcast %mul3A_525 : i32 to vector<16xi32>
              %mul3A_527 = arith.muli %iota3A, %mul3A_526 : vector<16xi32>
              %add3A_528 = vector.broadcast %add3A_519 : i32 to vector<16xi32>
              %add3A_529 = arith.addi %add3A_528, %mul3A_527 : vector<16xi32>
              tpu.vector_store_idx %arg13[%add3A_375, %add3A_529], %gather3A_524 : memref<64x64xf32, #tpu.memory_space<vmem>>[vector<16xi32>, vector<16xi32>], vector<16xf32>,
              %mul3A_530 = arith.constant 8 : i32
              %mul3A_531 = arith.muli %scan3A_431, %mul3A_530 : i32
              %add3A_532 = arith.constant 7 : i32
              %add3A_533 = arith.addi %mul3A_531, %add3A_532 : i32
              %mul3A_534 = arith.constant 88 : i32
              %mul3A_535 = arith.muli %add3A_533, %mul3A_534 : i32
              %add3A_536 = vector.broadcast %mul3A_535 : i32 to vector<16xi32>
              %add3A_537 = arith.addi %get3A_372, %add3A_536 : vector<16xi32>
              %gather3A_538 = tpu.vector_load_idx %arg6[%add3A_537] : memref<11280xf32, #tpu.memory_space<vmem>>[vector<16xi32>], vector<16xf32>,
              %mul3A_539 = arith.constant 0 : i32
              %mul3A_540 = vector.broadcast %mul3A_539 : i32 to vector<16xi32>
              %mul3A_541 = arith.muli %iota3A, %mul3A_540 : vector<16xi32>
              %add3A_542 = vector.broadcast %add3A_533 : i32 to vector<16xi32>
              %add3A_543 = arith.addi %add3A_542, %mul3A_541 : vector<16xi32>
              tpu.vector_store_idx %arg13[%add3A_375, %add3A_543], %gather3A_538 : memref<64x64xf32, #tpu.memory_space<vmem>>[vector<16xi32>, vector<16xi32>], vector<16xf32>,
              %scan3A_544 = arith.constant 0 : i32
              scf.yield %scan3A_544 : i32
            }
            %scan3A_382 = arith.constant 8 : i32
            %mul3A_383 = arith.constant 64 : i32
            %mul3A_384 = arith.muli %while3A_301, %mul3A_383 : i32
            %add3A_385 = arith.constant 0 : i32
            %add3A_386 = arith.addi %mul3A_384, %add3A_385 : i32
            %get3A_387 = arith.index_cast %add3A_386 : i32 to index
            %get3A_388 = tpu.vector_load %arg12[%get3A_387] {strides = array<i32>} : memref<240xi32, #tpu.memory_space<vmem>>, vector<16xi32>,
            %dma_start3A_389 = arith.constant 0 : i32
            %dma_start3A_390 = arith.constant 0 : i32
            %dma_start3A_391 = tpu.memref_slice %arg13[%dma_start3A_389, %dma_start3A_390] : memref<64x64xf32, #tpu.memory_space<vmem>> -> memref<16x64xf32, #tpu.memory_space<vmem>>
            %dma_start3A_392 = arith.constant 0 : i32
            %dma_start3A_393 = arith.constant 0 : i32
            %dma_start3A_394 = tpu.memref_slice %arg18[%dma_start3A_392, %dma_start3A_393] : memref<20096x64xf32, #tpu.memory_space<vmem_shared>> -> memref<20096x64xf32, #tpu.memory_space<vmem_shared>>
            tpu.enqueue_indirect_dma source(%dma_start3A_391 : memref<16x64xf32, #tpu.memory_space<vmem>>) target(%dma_start3A_394 : memref<20096x64xf32, #tpu.memory_space<vmem_shared>>) offsets(%get3A_388 : vector<16xi32>) semaphore(%arg20 : memref<!tpu.dma_semaphore, #tpu.memory_space<semaphore_mem>>) {add = true}
            %mul3A_395 = arith.constant 64 : i32
            %mul3A_396 = arith.muli %while3A_301, %mul3A_395 : i32
            %add3A_397 = arith.constant 16 : i32
            %add3A_398 = arith.addi %mul3A_396, %add3A_397 : i32
            %get3A_399 = arith.index_cast %add3A_398 : i32 to index
            %get3A_400 = tpu.vector_load %arg12[%get3A_399] {strides = array<i32>} : memref<240xi32, #tpu.memory_space<vmem>>, vector<16xi32>,
            %dma_start3A_401 = arith.constant 16 : i32
            %dma_start3A_402 = arith.constant 0 : i32
            %dma_start3A_403 = tpu.memref_slice %arg13[%dma_start3A_401, %dma_start3A_402] : memref<64x64xf32, #tpu.memory_space<vmem>> -> memref<16x64xf32, #tpu.memory_space<vmem>>
            %dma_start3A_404 = arith.constant 0 : i32
            %dma_start3A_405 = arith.constant 0 : i32
            %dma_start3A_406 = tpu.memref_slice %arg18[%dma_start3A_404, %dma_start3A_405] : memref<20096x64xf32, #tpu.memory_space<vmem_shared>> -> memref<20096x64xf32, #tpu.memory_space<vmem_shared>>
            tpu.enqueue_indirect_dma source(%dma_start3A_403 : memref<16x64xf32, #tpu.memory_space<vmem>>) target(%dma_start3A_406 : memref<20096x64xf32, #tpu.memory_space<vmem_shared>>) offsets(%get3A_400 : vector<16xi32>) semaphore(%arg20 : memref<!tpu.dma_semaphore, #tpu.memory_space<semaphore_mem>>) {add = true}
            %mul3A_407 = arith.constant 64 : i32
            %mul3A_408 = arith.muli %while3A_301, %mul3A_407 : i32
            %add3A_409 = arith.constant 32 : i32
            %add3A_410 = arith.addi %mul3A_408, %add3A_409 : i32
            %get3A_411 = arith.index_cast %add3A_410 : i32 to index
            %get3A_412 = tpu.vector_load %arg12[%get3A_411] {strides = array<i32>} : memref<240xi32, #tpu.memory_space<vmem>>, vector<16xi32>,
            %dma_start3A_413 = arith.constant 32 : i32
            %dma_start3A_414 = arith.constant 0 : i32
            %dma_start3A_415 = tpu.memref_slice %arg13[%dma_start3A_413, %dma_start3A_414] : memref<64x64xf32, #tpu.memory_space<vmem>> -> memref<16x64xf32, #tpu.memory_space<vmem>>
            %dma_start3A_416 = arith.constant 0 : i32
            %dma_start3A_417 = arith.constant 0 : i32
            %dma_start3A_418 = tpu.memref_slice %arg18[%dma_start3A_416, %dma_start3A_417] : memref<20096x64xf32, #tpu.memory_space<vmem_shared>> -> memref<20096x64xf32, #tpu.memory_space<vmem_shared>>
            tpu.enqueue_indirect_dma source(%dma_start3A_415 : memref<16x64xf32, #tpu.memory_space<vmem>>) target(%dma_start3A_418 : memref<20096x64xf32, #tpu.memory_space<vmem_shared>>) offsets(%get3A_412 : vector<16xi32>) semaphore(%arg20 : memref<!tpu.dma_semaphore, #tpu.memory_space<semaphore_mem>>) {add = true}
            %mul3A_419 = arith.constant 64 : i32
            %mul3A_420 = arith.muli %while3A_301, %mul3A_419 : i32
            %add3A_421 = arith.constant 48 : i32
            %add3A_422 = arith.addi %mul3A_420, %add3A_421 : i32
            %get3A_423 = arith.index_cast %add3A_422 : i32 to index
            %get3A_424 = tpu.vector_load %arg12[%get3A_423] {strides = array<i32>} : memref<240xi32, #tpu.memory_space<vmem>>, vector<16xi32>,
            %dma_start3A_425 = arith.constant 48 : i32
            %dma_start3A_426 = arith.constant 0 : i32
            %dma_start3A_427 = tpu.memref_slice %arg13[%dma_start3A_425, %dma_start3A_426] : memref<64x64xf32, #tpu.memory_space<vmem>> -> memref<16x64xf32, #tpu.memory_space<vmem>>
            %dma_start3A_428 = arith.constant 0 : i32
            %dma_start3A_429 = arith.constant 0 : i32
            %dma_start3A_430 = tpu.memref_slice %arg18[%dma_start3A_428, %dma_start3A_429] : memref<20096x64xf32, #tpu.memory_space<vmem_shared>> -> memref<20096x64xf32, #tpu.memory_space<vmem_shared>>
            tpu.enqueue_indirect_dma source(%dma_start3A_427 : memref<16x64xf32, #tpu.memory_space<vmem>>) target(%dma_start3A_430 : memref<20096x64xf32, #tpu.memory_space<vmem_shared>>) offsets(%get3A_424 : vector<16xi32>) semaphore(%arg20 : memref<!tpu.dma_semaphore, #tpu.memory_space<semaphore_mem>>) {add = true}
          } else {
          }
          %rem3A_308 = arith.constant 2 : i32
          %rem3A_309 = arith.remsi %while3A_301, %rem3A_308 : i32
          %eq3A_310 = arith.constant 1 : i32
          %eq3A_311 = arith.cmpi eq, %rem3A_309, %eq3A_310 : i32
          %convert_element_type3A_312 = arith.extui %eq3A_311 : i1 to i32
          %cond3A_313 = arith.constant 0 : i32
          %cond3A_314 = arith.cmpi ne, %convert_element_type3A_312, %cond3A_313 : i32
          scf.if %cond3A_314 {
            %ge3A = arith.constant 2 : i32
            %ge3A_316 = arith.cmpi sge, %while3A_301, %ge3A : i32
            %convert_element_type3A_317 = arith.extui %ge3A_316 : i1 to i32
            %cond3A_318 = arith.constant 0 : i32
            %cond3A_319 = arith.cmpi ne, %convert_element_type3A_317, %cond3A_318 : i32
            scf.if %cond3A_319 {
              %dma_wait3A_431 = arith.constant 0 : i32
              %dma_wait3A_432 = arith.constant 0 : i32
              %dma_wait3A_433 = tpu.memref_slice %arg14[%dma_wait3A_431, %dma_wait3A_432] : memref<64x64xf32, #tpu.memory_space<vmem>> -> memref<16x64xf32, #tpu.memory_space<vmem>>
              %dma_wait3A_434 = arith.constant 0 : i32
              %dma_wait3A_435 = arith.constant 0 : i32
              %dma_wait3A_436 = tpu.memref_slice %arg18[%dma_wait3A_434, %dma_wait3A_435] : memref<20096x64xf32, #tpu.memory_space<vmem_shared>> -> memref<16x64xf32, #tpu.memory_space<vmem_shared>>
              %dma_wait3A_437 = arith.constant 0 : i32
              %dma_wait3A_438 = arith.constant 0 : i32
              %dma_wait3A_439 = tpu.memref_slice %arg18[%dma_wait3A_437, %dma_wait3A_438] : memref<20096x64xf32, #tpu.memory_space<vmem_shared>> -> memref<16x64xf32, #tpu.memory_space<vmem_shared>>
              %dma_wait3A_440 = arith.constant 0 : i32
              %dma_wait3A_441 = arith.constant 0 : i32
              %dma_wait3A_442 = tpu.memref_slice %arg14[%dma_wait3A_440, %dma_wait3A_441] : memref<64x64xf32, #tpu.memory_space<vmem>> -> memref<16x64xf32, #tpu.memory_space<vmem>>
              tpu.wait_dma2 semaphore(%arg20 : memref<!tpu.dma_semaphore, #tpu.memory_space<semaphore_mem>>) src(%dma_wait3A_442 : memref<16x64xf32, #tpu.memory_space<vmem>>) dst(%dma_wait3A_439 : memref<16x64xf32, #tpu.memory_space<vmem_shared>>)
              %dma_wait3A_443 = arith.constant 16 : i32
              %dma_wait3A_444 = arith.constant 0 : i32
              %dma_wait3A_445 = tpu.memref_slice %arg14[%dma_wait3A_443, %dma_wait3A_444] : memref<64x64xf32, #tpu.memory_space<vmem>> -> memref<16x64xf32, #tpu.memory_space<vmem>>
              %dma_wait3A_446 = arith.constant 0 : i32
              %dma_wait3A_447 = arith.constant 0 : i32
              %dma_wait3A_448 = tpu.memref_slice %arg18[%dma_wait3A_446, %dma_wait3A_447] : memref<20096x64xf32, #tpu.memory_space<vmem_shared>> -> memref<16x64xf32, #tpu.memory_space<vmem_shared>>
              %dma_wait3A_449 = arith.constant 0 : i32
              %dma_wait3A_450 = arith.constant 0 : i32
              %dma_wait3A_451 = tpu.memref_slice %arg18[%dma_wait3A_449, %dma_wait3A_450] : memref<20096x64xf32, #tpu.memory_space<vmem_shared>> -> memref<16x64xf32, #tpu.memory_space<vmem_shared>>
              %dma_wait3A_452 = arith.constant 16 : i32
              %dma_wait3A_453 = arith.constant 0 : i32
              %dma_wait3A_454 = tpu.memref_slice %arg14[%dma_wait3A_452, %dma_wait3A_453] : memref<64x64xf32, #tpu.memory_space<vmem>> -> memref<16x64xf32, #tpu.memory_space<vmem>>
              tpu.wait_dma2 semaphore(%arg20 : memref<!tpu.dma_semaphore, #tpu.memory_space<semaphore_mem>>) src(%dma_wait3A_454 : memref<16x64xf32, #tpu.memory_space<vmem>>) dst(%dma_wait3A_451 : memref<16x64xf32, #tpu.memory_space<vmem_shared>>)
              %dma_wait3A_455 = arith.constant 32 : i32
              %dma_wait3A_456 = arith.constant 0 : i32
              %dma_wait3A_457 = tpu.memref_slice %arg14[%dma_wait3A_455, %dma_wait3A_456] : memref<64x64xf32, #tpu.memory_space<vmem>> -> memref<16x64xf32, #tpu.memory_space<vmem>>
              %dma_wait3A_458 = arith.constant 0 : i32
              %dma_wait3A_459 = arith.constant 0 : i32
              %dma_wait3A_460 = tpu.memref_slice %arg18[%dma_wait3A_458, %dma_wait3A_459] : memref<20096x64xf32, #tpu.memory_space<vmem_shared>> -> memref<16x64xf32, #tpu.memory_space<vmem_shared>>
              %dma_wait3A_461 = arith.constant 0 : i32
              %dma_wait3A_462 = arith.constant 0 : i32
              %dma_wait3A_463 = tpu.memref_slice %arg18[%dma_wait3A_461, %dma_wait3A_462] : memref<20096x64xf32, #tpu.memory_space<vmem_shared>> -> memref<16x64xf32, #tpu.memory_space<vmem_shared>>
              %dma_wait3A_464 = arith.constant 32 : i32
              %dma_wait3A_465 = arith.constant 0 : i32
              %dma_wait3A_466 = tpu.memref_slice %arg14[%dma_wait3A_464, %dma_wait3A_465] : memref<64x64xf32, #tpu.memory_space<vmem>> -> memref<16x64xf32, #tpu.memory_space<vmem>>
              tpu.wait_dma2 semaphore(%arg20 : memref<!tpu.dma_semaphore, #tpu.memory_space<semaphore_mem>>) src(%dma_wait3A_466 : memref<16x64xf32, #tpu.memory_space<vmem>>) dst(%dma_wait3A_463 : memref<16x64xf32, #tpu.memory_space<vmem_shared>>)
              %dma_wait3A_467 = arith.constant 48 : i32
              %dma_wait3A_468 = arith.constant 0 : i32
              %dma_wait3A_469 = tpu.memref_slice %arg14[%dma_wait3A_467, %dma_wait3A_468] : memref<64x64xf32, #tpu.memory_space<vmem>> -> memref<16x64xf32, #tpu.memory_space<vmem>>
              %dma_wait3A_470 = arith.constant 0 : i32
              %dma_wait3A_471 = arith.constant 0 : i32
              %dma_wait3A_472 = tpu.memref_slice %arg18[%dma_wait3A_470, %dma_wait3A_471] : memref<20096x64xf32, #tpu.memory_space<vmem_shared>> -> memref<16x64xf32, #tpu.memory_space<vmem_shared>>
              %dma_wait3A_473 = arith.constant 0 : i32
              %dma_wait3A_474 = arith.constant 0 : i32
              %dma_wait3A_475 = tpu.memref_slice %arg18[%dma_wait3A_473, %dma_wait3A_474] : memref<20096x64xf32, #tpu.memory_space<vmem_shared>> -> memref<16x64xf32, #tpu.memory_space<vmem_shared>>
              %dma_wait3A_476 = arith.constant 48 : i32
              %dma_wait3A_477 = arith.constant 0 : i32
              %dma_wait3A_478 = tpu.memref_slice %arg14[%dma_wait3A_476, %dma_wait3A_477] : memref<64x64xf32, #tpu.memory_space<vmem>> -> memref<16x64xf32, #tpu.memory_space<vmem>>
              tpu.wait_dma2 semaphore(%arg20 : memref<!tpu.dma_semaphore, #tpu.memory_space<semaphore_mem>>) src(%dma_wait3A_478 : memref<16x64xf32, #tpu.memory_space<vmem>>) dst(%dma_wait3A_475 : memref<16x64xf32, #tpu.memory_space<vmem_shared>>)
            } else {
            }
            %mul3A_320 = arith.constant 64 : i32
            %mul3A_321 = arith.muli %while3A_301, %mul3A_320 : i32
            %add3A_322 = arith.constant 0 : i32
            %add3A_323 = arith.addi %mul3A_321, %add3A_322 : i32
            %get3A = arith.index_cast %add3A_323 : i32 to index
            %get3A_324 = tpu.vector_load %arg11[%get3A] {strides = array<i32>} : memref<240xi32, #tpu.memory_space<vmem>>, vector<16xi32>,
            %add3A_325 = arith.constant 0 : i32
            %add3A_326 = vector.broadcast %add3A_325 : i32 to vector<16xi32>
            %add3A_327 = arith.addi %iota3A, %add3A_326 : vector<16xi32>
            %scan3A_328 = arith.constant 0 : i32
            %scan3A_329 = arith.constant 0 : i32
            %scan3A_330 = arith.constant 8 : i32
            %scan3A_331 = arith.addi %scan3A_329, %scan3A_330 : i32
            %scan3A_332 = arith.constant 1 : i32
            %scan3A_333 = scf.for %scan3A_431 = %scan3A_329 to %scan3A_331 step %scan3A_332 iter_args(%scan3A_432 = %scan3A_328) -> (i32)  : i32 {
              %mul3A_433 = arith.constant 8 : i32
              %mul3A_434 = arith.muli %scan3A_431, %mul3A_433 : i32
              %add3A_435 = arith.constant 0 : i32
              %add3A_436 = arith.addi %mul3A_434, %add3A_435 : i32
              %mul3A_437 = arith.constant 88 : i32
              %mul3A_438 = arith.muli %add3A_436, %mul3A_437 : i32
              %add3A_439 = vector.broadcast %mul3A_438 : i32 to vector<16xi32>
              %add3A_440 = arith.addi %get3A_324, %add3A_439 : vector<16xi32>
              %gather3A = tpu.vector_load_idx %arg6[%add3A_440] : memref<11280xf32, #tpu.memory_space<vmem>>[vector<16xi32>], vector<16xf32>,
              %mul3A_441 = arith.constant 0 : i32
              %mul3A_442 = vector.broadcast %mul3A_441 : i32 to vector<16xi32>
              %mul3A_443 = arith.muli %iota3A, %mul3A_442 : vector<16xi32>
              %add3A_444 = vector.broadcast %add3A_436 : i32 to vector<16xi32>
              %add3A_445 = arith.addi %add3A_444, %mul3A_443 : vector<16xi32>
              tpu.vector_store_idx %arg14[%add3A_327, %add3A_445], %gather3A : memref<64x64xf32, #tpu.memory_space<vmem>>[vector<16xi32>, vector<16xi32>], vector<16xf32>,
              %mul3A_446 = arith.constant 8 : i32
              %mul3A_447 = arith.muli %scan3A_431, %mul3A_446 : i32
              %add3A_448 = arith.constant 1 : i32
              %add3A_449 = arith.addi %mul3A_447, %add3A_448 : i32
              %mul3A_450 = arith.constant 88 : i32
              %mul3A_451 = arith.muli %add3A_449, %mul3A_450 : i32
              %add3A_452 = vector.broadcast %mul3A_451 : i32 to vector<16xi32>
              %add3A_453 = arith.addi %get3A_324, %add3A_452 : vector<16xi32>
              %gather3A_454 = tpu.vector_load_idx %arg6[%add3A_453] : memref<11280xf32, #tpu.memory_space<vmem>>[vector<16xi32>], vector<16xf32>,
              %mul3A_455 = arith.constant 0 : i32
              %mul3A_456 = vector.broadcast %mul3A_455 : i32 to vector<16xi32>
              %mul3A_457 = arith.muli %iota3A, %mul3A_456 : vector<16xi32>
              %add3A_458 = vector.broadcast %add3A_449 : i32 to vector<16xi32>
              %add3A_459 = arith.addi %add3A_458, %mul3A_457 : vector<16xi32>
              tpu.vector_store_idx %arg14[%add3A_327, %add3A_459], %gather3A_454 : memref<64x64xf32, #tpu.memory_space<vmem>>[vector<16xi32>, vector<16xi32>], vector<16xf32>,
              %mul3A_460 = arith.constant 8 : i32
              %mul3A_461 = arith.muli %scan3A_431, %mul3A_460 : i32
              %add3A_462 = arith.constant 2 : i32
              %add3A_463 = arith.addi %mul3A_461, %add3A_462 : i32
              %mul3A_464 = arith.constant 88 : i32
              %mul3A_465 = arith.muli %add3A_463, %mul3A_464 : i32
              %add3A_466 = vector.broadcast %mul3A_465 : i32 to vector<16xi32>
              %add3A_467 = arith.addi %get3A_324, %add3A_466 : vector<16xi32>
              %gather3A_468 = tpu.vector_load_idx %arg6[%add3A_467] : memref<11280xf32, #tpu.memory_space<vmem>>[vector<16xi32>], vector<16xf32>,
              %mul3A_469 = arith.constant 0 : i32
              %mul3A_470 = vector.broadcast %mul3A_469 : i32 to vector<16xi32>
              %mul3A_471 = arith.muli %iota3A, %mul3A_470 : vector<16xi32>
              %add3A_472 = vector.broadcast %add3A_463 : i32 to vector<16xi32>
              %add3A_473 = arith.addi %add3A_472, %mul3A_471 : vector<16xi32>
              tpu.vector_store_idx %arg14[%add3A_327, %add3A_473], %gather3A_468 : memref<64x64xf32, #tpu.memory_space<vmem>>[vector<16xi32>, vector<16xi32>], vector<16xf32>,
              %mul3A_474 = arith.constant 8 : i32
              %mul3A_475 = arith.muli %scan3A_431, %mul3A_474 : i32
              %add3A_476 = arith.constant 3 : i32
              %add3A_477 = arith.addi %mul3A_475, %add3A_476 : i32
              %mul3A_478 = arith.constant 88 : i32
              %mul3A_479 = arith.muli %add3A_477, %mul3A_478 : i32
              %add3A_480 = vector.broadcast %mul3A_479 : i32 to vector<16xi32>
              %add3A_481 = arith.addi %get3A_324, %add3A_480 : vector<16xi32>
              %gather3A_482 = tpu.vector_load_idx %arg6[%add3A_481] : memref<11280xf32, #tpu.memory_space<vmem>>[vector<16xi32>], vector<16xf32>,
              %mul3A_483 = arith.constant 0 : i32
              %mul3A_484 = vector.broadcast %mul3A_483 : i32 to vector<16xi32>
              %mul3A_485 = arith.muli %iota3A, %mul3A_484 : vector<16xi32>
              %add3A_486 = vector.broadcast %add3A_477 : i32 to vector<16xi32>
              %add3A_487 = arith.addi %add3A_486, %mul3A_485 : vector<16xi32>
              tpu.vector_store_idx %arg14[%add3A_327, %add3A_487], %gather3A_482 : memref<64x64xf32, #tpu.memory_space<vmem>>[vector<16xi32>, vector<16xi32>], vector<16xf32>,
              %mul3A_488 = arith.constant 8 : i32
              %mul3A_489 = arith.muli %scan3A_431, %mul3A_488 : i32
              %add3A_490 = arith.constant 4 : i32
              %add3A_491 = arith.addi %mul3A_489, %add3A_490 : i32
              %mul3A_492 = arith.constant 88 : i32
              %mul3A_493 = arith.muli %add3A_491, %mul3A_492 : i32
              %add3A_494 = vector.broadcast %mul3A_493 : i32 to vector<16xi32>
              %add3A_495 = arith.addi %get3A_324, %add3A_494 : vector<16xi32>
              %gather3A_496 = tpu.vector_load_idx %arg6[%add3A_495] : memref<11280xf32, #tpu.memory_space<vmem>>[vector<16xi32>], vector<16xf32>,
              %mul3A_497 = arith.constant 0 : i32
              %mul3A_498 = vector.broadcast %mul3A_497 : i32 to vector<16xi32>
              %mul3A_499 = arith.muli %iota3A, %mul3A_498 : vector<16xi32>
              %add3A_500 = vector.broadcast %add3A_491 : i32 to vector<16xi32>
              %add3A_501 = arith.addi %add3A_500, %mul3A_499 : vector<16xi32>
              tpu.vector_store_idx %arg14[%add3A_327, %add3A_501], %gather3A_496 : memref<64x64xf32, #tpu.memory_space<vmem>>[vector<16xi32>, vector<16xi32>], vector<16xf32>,
              %mul3A_502 = arith.constant 8 : i32
              %mul3A_503 = arith.muli %scan3A_431, %mul3A_502 : i32
              %add3A_504 = arith.constant 5 : i32
              %add3A_505 = arith.addi %mul3A_503, %add3A_504 : i32
              %mul3A_506 = arith.constant 88 : i32
              %mul3A_507 = arith.muli %add3A_505, %mul3A_506 : i32
              %add3A_508 = vector.broadcast %mul3A_507 : i32 to vector<16xi32>
              %add3A_509 = arith.addi %get3A_324, %add3A_508 : vector<16xi32>
              %gather3A_510 = tpu.vector_load_idx %arg6[%add3A_509] : memref<11280xf32, #tpu.memory_space<vmem>>[vector<16xi32>], vector<16xf32>,
              %mul3A_511 = arith.constant 0 : i32
              %mul3A_512 = vector.broadcast %mul3A_511 : i32 to vector<16xi32>
              %mul3A_513 = arith.muli %iota3A, %mul3A_512 : vector<16xi32>
              %add3A_514 = vector.broadcast %add3A_505 : i32 to vector<16xi32>
              %add3A_515 = arith.addi %add3A_514, %mul3A_513 : vector<16xi32>
              tpu.vector_store_idx %arg14[%add3A_327, %add3A_515], %gather3A_510 : memref<64x64xf32, #tpu.memory_space<vmem>>[vector<16xi32>, vector<16xi32>], vector<16xf32>,
              %mul3A_516 = arith.constant 8 : i32
              %mul3A_517 = arith.muli %scan3A_431, %mul3A_516 : i32
              %add3A_518 = arith.constant 6 : i32
              %add3A_519 = arith.addi %mul3A_517, %add3A_518 : i32
              %mul3A_520 = arith.constant 88 : i32
              %mul3A_521 = arith.muli %add3A_519, %mul3A_520 : i32
              %add3A_522 = vector.broadcast %mul3A_521 : i32 to vector<16xi32>
              %add3A_523 = arith.addi %get3A_324, %add3A_522 : vector<16xi32>
              %gather3A_524 = tpu.vector_load_idx %arg6[%add3A_523] : memref<11280xf32, #tpu.memory_space<vmem>>[vector<16xi32>], vector<16xf32>,
              %mul3A_525 = arith.constant 0 : i32
              %mul3A_526 = vector.broadcast %mul3A_525 : i32 to vector<16xi32>
              %mul3A_527 = arith.muli %iota3A, %mul3A_526 : vector<16xi32>
              %add3A_528 = vector.broadcast %add3A_519 : i32 to vector<16xi32>
              %add3A_529 = arith.addi %add3A_528, %mul3A_527 : vector<16xi32>
              tpu.vector_store_idx %arg14[%add3A_327, %add3A_529], %gather3A_524 : memref<64x64xf32, #tpu.memory_space<vmem>>[vector<16xi32>, vector<16xi32>], vector<16xf32>,
              %mul3A_530 = arith.constant 8 : i32
              %mul3A_531 = arith.muli %scan3A_431, %mul3A_530 : i32
              %add3A_532 = arith.constant 7 : i32
              %add3A_533 = arith.addi %mul3A_531, %add3A_532 : i32
              %mul3A_534 = arith.constant 88 : i32
              %mul3A_535 = arith.muli %add3A_533, %mul3A_534 : i32
              %add3A_536 = vector.broadcast %mul3A_535 : i32 to vector<16xi32>
              %add3A_537 = arith.addi %get3A_324, %add3A_536 : vector<16xi32>
              %gather3A_538 = tpu.vector_load_idx %arg6[%add3A_537] : memref<11280xf32, #tpu.memory_space<vmem>>[vector<16xi32>], vector<16xf32>,
              %mul3A_539 = arith.constant 0 : i32
              %mul3A_540 = vector.broadcast %mul3A_539 : i32 to vector<16xi32>
              %mul3A_541 = arith.muli %iota3A, %mul3A_540 : vector<16xi32>
              %add3A_542 = vector.broadcast %add3A_533 : i32 to vector<16xi32>
              %add3A_543 = arith.addi %add3A_542, %mul3A_541 : vector<16xi32>
              tpu.vector_store_idx %arg14[%add3A_327, %add3A_543], %gather3A_538 : memref<64x64xf32, #tpu.memory_space<vmem>>[vector<16xi32>, vector<16xi32>], vector<16xf32>,
              %scan3A_544 = arith.constant 0 : i32
              scf.yield %scan3A_544 : i32
            }
            %scan3A_334 = arith.constant 8 : i32
            %mul3A_335 = arith.constant 64 : i32
            %mul3A_336 = arith.muli %while3A_301, %mul3A_335 : i32
            %add3A_337 = arith.constant 16 : i32
            %add3A_338 = arith.addi %mul3A_336, %add3A_337 : i32
            %get3A_339 = arith.index_cast %add3A_338 : i32 to index
            %get3A_340 = tpu.vector_load %arg11[%get3A_339] {strides = array<i32>} : memref<240xi32, #tpu.memory_space<vmem>>, vector<16xi32>,
            %add3A_341 = arith.constant 16 : i32
            %add3A_342 = vector.broadcast %add3A_341 : i32 to vector<16xi32>
            %add3A_343 = arith.addi %iota3A, %add3A_342 : vector<16xi32>
            %scan3A_344 = arith.constant 0 : i32
            %scan3A_345 = arith.constant 0 : i32
            %scan3A_346 = arith.constant 8 : i32
            %scan3A_347 = arith.addi %scan3A_345, %scan3A_346 : i32
            %scan3A_348 = arith.constant 1 : i32
            %scan3A_349 = scf.for %scan3A_431 = %scan3A_345 to %scan3A_347 step %scan3A_348 iter_args(%scan3A_432 = %scan3A_344) -> (i32)  : i32 {
              %mul3A_433 = arith.constant 8 : i32
              %mul3A_434 = arith.muli %scan3A_431, %mul3A_433 : i32
              %add3A_435 = arith.constant 0 : i32
              %add3A_436 = arith.addi %mul3A_434, %add3A_435 : i32
              %mul3A_437 = arith.constant 88 : i32
              %mul3A_438 = arith.muli %add3A_436, %mul3A_437 : i32
              %add3A_439 = vector.broadcast %mul3A_438 : i32 to vector<16xi32>
              %add3A_440 = arith.addi %get3A_340, %add3A_439 : vector<16xi32>
              %gather3A = tpu.vector_load_idx %arg6[%add3A_440] : memref<11280xf32, #tpu.memory_space<vmem>>[vector<16xi32>], vector<16xf32>,
              %mul3A_441 = arith.constant 0 : i32
              %mul3A_442 = vector.broadcast %mul3A_441 : i32 to vector<16xi32>
              %mul3A_443 = arith.muli %iota3A, %mul3A_442 : vector<16xi32>
              %add3A_444 = vector.broadcast %add3A_436 : i32 to vector<16xi32>
              %add3A_445 = arith.addi %add3A_444, %mul3A_443 : vector<16xi32>
              tpu.vector_store_idx %arg14[%add3A_343, %add3A_445], %gather3A : memref<64x64xf32, #tpu.memory_space<vmem>>[vector<16xi32>, vector<16xi32>], vector<16xf32>,
              %mul3A_446 = arith.constant 8 : i32
              %mul3A_447 = arith.muli %scan3A_431, %mul3A_446 : i32
              %add3A_448 = arith.constant 1 : i32
              %add3A_449 = arith.addi %mul3A_447, %add3A_448 : i32
              %mul3A_450 = arith.constant 88 : i32
              %mul3A_451 = arith.muli %add3A_449, %mul3A_450 : i32
              %add3A_452 = vector.broadcast %mul3A_451 : i32 to vector<16xi32>
              %add3A_453 = arith.addi %get3A_340, %add3A_452 : vector<16xi32>
              %gather3A_454 = tpu.vector_load_idx %arg6[%add3A_453] : memref<11280xf32, #tpu.memory_space<vmem>>[vector<16xi32>], vector<16xf32>,
              %mul3A_455 = arith.constant 0 : i32
              %mul3A_456 = vector.broadcast %mul3A_455 : i32 to vector<16xi32>
              %mul3A_457 = arith.muli %iota3A, %mul3A_456 : vector<16xi32>
              %add3A_458 = vector.broadcast %add3A_449 : i32 to vector<16xi32>
              %add3A_459 = arith.addi %add3A_458, %mul3A_457 : vector<16xi32>
              tpu.vector_store_idx %arg14[%add3A_343, %add3A_459], %gather3A_454 : memref<64x64xf32, #tpu.memory_space<vmem>>[vector<16xi32>, vector<16xi32>], vector<16xf32>,
              %mul3A_460 = arith.constant 8 : i32
              %mul3A_461 = arith.muli %scan3A_431, %mul3A_460 : i32
              %add3A_462 = arith.constant 2 : i32
              %add3A_463 = arith.addi %mul3A_461, %add3A_462 : i32
              %mul3A_464 = arith.constant 88 : i32
              %mul3A_465 = arith.muli %add3A_463, %mul3A_464 : i32
              %add3A_466 = vector.broadcast %mul3A_465 : i32 to vector<16xi32>
              %add3A_467 = arith.addi %get3A_340, %add3A_466 : vector<16xi32>
              %gather3A_468 = tpu.vector_load_idx %arg6[%add3A_467] : memref<11280xf32, #tpu.memory_space<vmem>>[vector<16xi32>], vector<16xf32>,
              %mul3A_469 = arith.constant 0 : i32
              %mul3A_470 = vector.broadcast %mul3A_469 : i32 to vector<16xi32>
              %mul3A_471 = arith.muli %iota3A, %mul3A_470 : vector<16xi32>
              %add3A_472 = vector.broadcast %add3A_463 : i32 to vector<16xi32>
              %add3A_473 = arith.addi %add3A_472, %mul3A_471 : vector<16xi32>
              tpu.vector_store_idx %arg14[%add3A_343, %add3A_473], %gather3A_468 : memref<64x64xf32, #tpu.memory_space<vmem>>[vector<16xi32>, vector<16xi32>], vector<16xf32>,
              %mul3A_474 = arith.constant 8 : i32
              %mul3A_475 = arith.muli %scan3A_431, %mul3A_474 : i32
              %add3A_476 = arith.constant 3 : i32
              %add3A_477 = arith.addi %mul3A_475, %add3A_476 : i32
              %mul3A_478 = arith.constant 88 : i32
              %mul3A_479 = arith.muli %add3A_477, %mul3A_478 : i32
              %add3A_480 = vector.broadcast %mul3A_479 : i32 to vector<16xi32>
              %add3A_481 = arith.addi %get3A_340, %add3A_480 : vector<16xi32>
              %gather3A_482 = tpu.vector_load_idx %arg6[%add3A_481] : memref<11280xf32, #tpu.memory_space<vmem>>[vector<16xi32>], vector<16xf32>,
              %mul3A_483 = arith.constant 0 : i32
              %mul3A_484 = vector.broadcast %mul3A_483 : i32 to vector<16xi32>
              %mul3A_485 = arith.muli %iota3A, %mul3A_484 : vector<16xi32>
              %add3A_486 = vector.broadcast %add3A_477 : i32 to vector<16xi32>
              %add3A_487 = arith.addi %add3A_486, %mul3A_485 : vector<16xi32>
              tpu.vector_store_idx %arg14[%add3A_343, %add3A_487], %gather3A_482 : memref<64x64xf32, #tpu.memory_space<vmem>>[vector<16xi32>, vector<16xi32>], vector<16xf32>,
              %mul3A_488 = arith.constant 8 : i32
              %mul3A_489 = arith.muli %scan3A_431, %mul3A_488 : i32
              %add3A_490 = arith.constant 4 : i32
              %add3A_491 = arith.addi %mul3A_489, %add3A_490 : i32
              %mul3A_492 = arith.constant 88 : i32
              %mul3A_493 = arith.muli %add3A_491, %mul3A_492 : i32
              %add3A_494 = vector.broadcast %mul3A_493 : i32 to vector<16xi32>
              %add3A_495 = arith.addi %get3A_340, %add3A_494 : vector<16xi32>
              %gather3A_496 = tpu.vector_load_idx %arg6[%add3A_495] : memref<11280xf32, #tpu.memory_space<vmem>>[vector<16xi32>], vector<16xf32>,
              %mul3A_497 = arith.constant 0 : i32
              %mul3A_498 = vector.broadcast %mul3A_497 : i32 to vector<16xi32>
              %mul3A_499 = arith.muli %iota3A, %mul3A_498 : vector<16xi32>
              %add3A_500 = vector.broadcast %add3A_491 : i32 to vector<16xi32>
              %add3A_501 = arith.addi %add3A_500, %mul3A_499 : vector<16xi32>
              tpu.vector_store_idx %arg14[%add3A_343, %add3A_501], %gather3A_496 : memref<64x64xf32, #tpu.memory_space<vmem>>[vector<16xi32>, vector<16xi32>], vector<16xf32>,
              %mul3A_502 = arith.constant 8 : i32
              %mul3A_503 = arith.muli %scan3A_431, %mul3A_502 : i32
              %add3A_504 = arith.constant 5 : i32
              %add3A_505 = arith.addi %mul3A_503, %add3A_504 : i32
              %mul3A_506 = arith.constant 88 : i32
              %mul3A_507 = arith.muli %add3A_505, %mul3A_506 : i32
              %add3A_508 = vector.broadcast %mul3A_507 : i32 to vector<16xi32>
              %add3A_509 = arith.addi %get3A_340, %add3A_508 : vector<16xi32>
              %gather3A_510 = tpu.vector_load_idx %arg6[%add3A_509] : memref<11280xf32, #tpu.memory_space<vmem>>[vector<16xi32>], vector<16xf32>,
              %mul3A_511 = arith.constant 0 : i32
              %mul3A_512 = vector.broadcast %mul3A_511 : i32 to vector<16xi32>
              %mul3A_513 = arith.muli %iota3A, %mul3A_512 : vector<16xi32>
              %add3A_514 = vector.broadcast %add3A_505 : i32 to vector<16xi32>
              %add3A_515 = arith.addi %add3A_514, %mul3A_513 : vector<16xi32>
              tpu.vector_store_idx %arg14[%add3A_343, %add3A_515], %gather3A_510 : memref<64x64xf32, #tpu.memory_space<vmem>>[vector<16xi32>, vector<16xi32>], vector<16xf32>,
              %mul3A_516 = arith.constant 8 : i32
              %mul3A_517 = arith.muli %scan3A_431, %mul3A_516 : i32
              %add3A_518 = arith.constant 6 : i32
              %add3A_519 = arith.addi %mul3A_517, %add3A_518 : i32
              %mul3A_520 = arith.constant 88 : i32
              %mul3A_521 = arith.muli %add3A_519, %mul3A_520 : i32
              %add3A_522 = vector.broadcast %mul3A_521 : i32 to vector<16xi32>
              %add3A_523 = arith.addi %get3A_340, %add3A_522 : vector<16xi32>
              %gather3A_524 = tpu.vector_load_idx %arg6[%add3A_523] : memref<11280xf32, #tpu.memory_space<vmem>>[vector<16xi32>], vector<16xf32>,
              %mul3A_525 = arith.constant 0 : i32
              %mul3A_526 = vector.broadcast %mul3A_525 : i32 to vector<16xi32>
              %mul3A_527 = arith.muli %iota3A, %mul3A_526 : vector<16xi32>
              %add3A_528 = vector.broadcast %add3A_519 : i32 to vector<16xi32>
              %add3A_529 = arith.addi %add3A_528, %mul3A_527 : vector<16xi32>
              tpu.vector_store_idx %arg14[%add3A_343, %add3A_529], %gather3A_524 : memref<64x64xf32, #tpu.memory_space<vmem>>[vector<16xi32>, vector<16xi32>], vector<16xf32>,
              %mul3A_530 = arith.constant 8 : i32
              %mul3A_531 = arith.muli %scan3A_431, %mul3A_530 : i32
              %add3A_532 = arith.constant 7 : i32
              %add3A_533 = arith.addi %mul3A_531, %add3A_532 : i32
              %mul3A_534 = arith.constant 88 : i32
              %mul3A_535 = arith.muli %add3A_533, %mul3A_534 : i32
              %add3A_536 = vector.broadcast %mul3A_535 : i32 to vector<16xi32>
              %add3A_537 = arith.addi %get3A_340, %add3A_536 : vector<16xi32>
              %gather3A_538 = tpu.vector_load_idx %arg6[%add3A_537] : memref<11280xf32, #tpu.memory_space<vmem>>[vector<16xi32>], vector<16xf32>,
              %mul3A_539 = arith.constant 0 : i32
              %mul3A_540 = vector.broadcast %mul3A_539 : i32 to vector<16xi32>
              %mul3A_541 = arith.muli %iota3A, %mul3A_540 : vector<16xi32>
              %add3A_542 = vector.broadcast %add3A_533 : i32 to vector<16xi32>
              %add3A_543 = arith.addi %add3A_542, %mul3A_541 : vector<16xi32>
              tpu.vector_store_idx %arg14[%add3A_343, %add3A_543], %gather3A_538 : memref<64x64xf32, #tpu.memory_space<vmem>>[vector<16xi32>, vector<16xi32>], vector<16xf32>,
              %scan3A_544 = arith.constant 0 : i32
              scf.yield %scan3A_544 : i32
            }
            %scan3A_350 = arith.constant 8 : i32
            %mul3A_351 = arith.constant 64 : i32
            %mul3A_352 = arith.muli %while3A_301, %mul3A_351 : i32
            %add3A_353 = arith.constant 32 : i32
            %add3A_354 = arith.addi %mul3A_352, %add3A_353 : i32
            %get3A_355 = arith.index_cast %add3A_354 : i32 to index
            %get3A_356 = tpu.vector_load %arg11[%get3A_355] {strides = array<i32>} : memref<240xi32, #tpu.memory_space<vmem>>, vector<16xi32>,
            %add3A_357 = arith.constant 32 : i32
            %add3A_358 = vector.broadcast %add3A_357 : i32 to vector<16xi32>
            %add3A_359 = arith.addi %iota3A, %add3A_358 : vector<16xi32>
            %scan3A_360 = arith.constant 0 : i32
            %scan3A_361 = arith.constant 0 : i32
            %scan3A_362 = arith.constant 8 : i32
            %scan3A_363 = arith.addi %scan3A_361, %scan3A_362 : i32
            %scan3A_364 = arith.constant 1 : i32
            %scan3A_365 = scf.for %scan3A_431 = %scan3A_361 to %scan3A_363 step %scan3A_364 iter_args(%scan3A_432 = %scan3A_360) -> (i32)  : i32 {
              %mul3A_433 = arith.constant 8 : i32
              %mul3A_434 = arith.muli %scan3A_431, %mul3A_433 : i32
              %add3A_435 = arith.constant 0 : i32
              %add3A_436 = arith.addi %mul3A_434, %add3A_435 : i32
              %mul3A_437 = arith.constant 88 : i32
              %mul3A_438 = arith.muli %add3A_436, %mul3A_437 : i32
              %add3A_439 = vector.broadcast %mul3A_438 : i32 to vector<16xi32>
              %add3A_440 = arith.addi %get3A_356, %add3A_439 : vector<16xi32>
              %gather3A = tpu.vector_load_idx %arg6[%add3A_440] : memref<11280xf32, #tpu.memory_space<vmem>>[vector<16xi32>], vector<16xf32>,
              %mul3A_441 = arith.constant 0 : i32
              %mul3A_442 = vector.broadcast %mul3A_441 : i32 to vector<16xi32>
              %mul3A_443 = arith.muli %iota3A, %mul3A_442 : vector<16xi32>
              %add3A_444 = vector.broadcast %add3A_436 : i32 to vector<16xi32>
              %add3A_445 = arith.addi %add3A_444, %mul3A_443 : vector<16xi32>
              tpu.vector_store_idx %arg14[%add3A_359, %add3A_445], %gather3A : memref<64x64xf32, #tpu.memory_space<vmem>>[vector<16xi32>, vector<16xi32>], vector<16xf32>,
              %mul3A_446 = arith.constant 8 : i32
              %mul3A_447 = arith.muli %scan3A_431, %mul3A_446 : i32
              %add3A_448 = arith.constant 1 : i32
              %add3A_449 = arith.addi %mul3A_447, %add3A_448 : i32
              %mul3A_450 = arith.constant 88 : i32
              %mul3A_451 = arith.muli %add3A_449, %mul3A_450 : i32
              %add3A_452 = vector.broadcast %mul3A_451 : i32 to vector<16xi32>
              %add3A_453 = arith.addi %get3A_356, %add3A_452 : vector<16xi32>
              %gather3A_454 = tpu.vector_load_idx %arg6[%add3A_453] : memref<11280xf32, #tpu.memory_space<vmem>>[vector<16xi32>], vector<16xf32>,
              %mul3A_455 = arith.constant 0 : i32
              %mul3A_456 = vector.broadcast %mul3A_455 : i32 to vector<16xi32>
              %mul3A_457 = arith.muli %iota3A, %mul3A_456 : vector<16xi32>
              %add3A_458 = vector.broadcast %add3A_449 : i32 to vector<16xi32>
              %add3A_459 = arith.addi %add3A_458, %mul3A_457 : vector<16xi32>
              tpu.vector_store_idx %arg14[%add3A_359, %add3A_459], %gather3A_454 : memref<64x64xf32, #tpu.memory_space<vmem>>[vector<16xi32>, vector<16xi32>], vector<16xf32>,
              %mul3A_460 = arith.constant 8 : i32
              %mul3A_461 = arith.muli %scan3A_431, %mul3A_460 : i32
              %add3A_462 = arith.constant 2 : i32
              %add3A_463 = arith.addi %mul3A_461, %add3A_462 : i32
              %mul3A_464 = arith.constant 88 : i32
              %mul3A_465 = arith.muli %add3A_463, %mul3A_464 : i32
              %add3A_466 = vector.broadcast %mul3A_465 : i32 to vector<16xi32>
              %add3A_467 = arith.addi %get3A_356, %add3A_466 : vector<16xi32>
              %gather3A_468 = tpu.vector_load_idx %arg6[%add3A_467] : memref<11280xf32, #tpu.memory_space<vmem>>[vector<16xi32>], vector<16xf32>,
              %mul3A_469 = arith.constant 0 : i32
              %mul3A_470 = vector.broadcast %mul3A_469 : i32 to vector<16xi32>
              %mul3A_471 = arith.muli %iota3A, %mul3A_470 : vector<16xi32>
              %add3A_472 = vector.broadcast %add3A_463 : i32 to vector<16xi32>
              %add3A_473 = arith.addi %add3A_472, %mul3A_471 : vector<16xi32>
              tpu.vector_store_idx %arg14[%add3A_359, %add3A_473], %gather3A_468 : memref<64x64xf32, #tpu.memory_space<vmem>>[vector<16xi32>, vector<16xi32>], vector<16xf32>,
              %mul3A_474 = arith.constant 8 : i32
              %mul3A_475 = arith.muli %scan3A_431, %mul3A_474 : i32
              %add3A_476 = arith.constant 3 : i32
              %add3A_477 = arith.addi %mul3A_475, %add3A_476 : i32
              %mul3A_478 = arith.constant 88 : i32
              %mul3A_479 = arith.muli %add3A_477, %mul3A_478 : i32
              %add3A_480 = vector.broadcast %mul3A_479 : i32 to vector<16xi32>
              %add3A_481 = arith.addi %get3A_356, %add3A_480 : vector<16xi32>
              %gather3A_482 = tpu.vector_load_idx %arg6[%add3A_481] : memref<11280xf32, #tpu.memory_space<vmem>>[vector<16xi32>], vector<16xf32>,
              %mul3A_483 = arith.constant 0 : i32
              %mul3A_484 = vector.broadcast %mul3A_483 : i32 to vector<16xi32>
              %mul3A_485 = arith.muli %iota3A, %mul3A_484 : vector<16xi32>
              %add3A_486 = vector.broadcast %add3A_477 : i32 to vector<16xi32>
              %add3A_487 = arith.addi %add3A_486, %mul3A_485 : vector<16xi32>
              tpu.vector_store_idx %arg14[%add3A_359, %add3A_487], %gather3A_482 : memref<64x64xf32, #tpu.memory_space<vmem>>[vector<16xi32>, vector<16xi32>], vector<16xf32>,
              %mul3A_488 = arith.constant 8 : i32
              %mul3A_489 = arith.muli %scan3A_431, %mul3A_488 : i32
              %add3A_490 = arith.constant 4 : i32
              %add3A_491 = arith.addi %mul3A_489, %add3A_490 : i32
              %mul3A_492 = arith.constant 88 : i32
              %mul3A_493 = arith.muli %add3A_491, %mul3A_492 : i32
              %add3A_494 = vector.broadcast %mul3A_493 : i32 to vector<16xi32>
              %add3A_495 = arith.addi %get3A_356, %add3A_494 : vector<16xi32>
              %gather3A_496 = tpu.vector_load_idx %arg6[%add3A_495] : memref<11280xf32, #tpu.memory_space<vmem>>[vector<16xi32>], vector<16xf32>,
              %mul3A_497 = arith.constant 0 : i32
              %mul3A_498 = vector.broadcast %mul3A_497 : i32 to vector<16xi32>
              %mul3A_499 = arith.muli %iota3A, %mul3A_498 : vector<16xi32>
              %add3A_500 = vector.broadcast %add3A_491 : i32 to vector<16xi32>
              %add3A_501 = arith.addi %add3A_500, %mul3A_499 : vector<16xi32>
              tpu.vector_store_idx %arg14[%add3A_359, %add3A_501], %gather3A_496 : memref<64x64xf32, #tpu.memory_space<vmem>>[vector<16xi32>, vector<16xi32>], vector<16xf32>,
              %mul3A_502 = arith.constant 8 : i32
              %mul3A_503 = arith.muli %scan3A_431, %mul3A_502 : i32
              %add3A_504 = arith.constant 5 : i32
              %add3A_505 = arith.addi %mul3A_503, %add3A_504 : i32
              %mul3A_506 = arith.constant 88 : i32
              %mul3A_507 = arith.muli %add3A_505, %mul3A_506 : i32
              %add3A_508 = vector.broadcast %mul3A_507 : i32 to vector<16xi32>
              %add3A_509 = arith.addi %get3A_356, %add3A_508 : vector<16xi32>
              %gather3A_510 = tpu.vector_load_idx %arg6[%add3A_509] : memref<11280xf32, #tpu.memory_space<vmem>>[vector<16xi32>], vector<16xf32>,
              %mul3A_511 = arith.constant 0 : i32
              %mul3A_512 = vector.broadcast %mul3A_511 : i32 to vector<16xi32>
              %mul3A_513 = arith.muli %iota3A, %mul3A_512 : vector<16xi32>
              %add3A_514 = vector.broadcast %add3A_505 : i32 to vector<16xi32>
              %add3A_515 = arith.addi %add3A_514, %mul3A_513 : vector<16xi32>
              tpu.vector_store_idx %arg14[%add3A_359, %add3A_515], %gather3A_510 : memref<64x64xf32, #tpu.memory_space<vmem>>[vector<16xi32>, vector<16xi32>], vector<16xf32>,
              %mul3A_516 = arith.constant 8 : i32
              %mul3A_517 = arith.muli %scan3A_431, %mul3A_516 : i32
              %add3A_518 = arith.constant 6 : i32
              %add3A_519 = arith.addi %mul3A_517, %add3A_518 : i32
              %mul3A_520 = arith.constant 88 : i32
              %mul3A_521 = arith.muli %add3A_519, %mul3A_520 : i32
              %add3A_522 = vector.broadcast %mul3A_521 : i32 to vector<16xi32>
              %add3A_523 = arith.addi %get3A_356, %add3A_522 : vector<16xi32>
              %gather3A_524 = tpu.vector_load_idx %arg6[%add3A_523] : memref<11280xf32, #tpu.memory_space<vmem>>[vector<16xi32>], vector<16xf32>,
              %mul3A_525 = arith.constant 0 : i32
              %mul3A_526 = vector.broadcast %mul3A_525 : i32 to vector<16xi32>
              %mul3A_527 = arith.muli %iota3A, %mul3A_526 : vector<16xi32>
              %add3A_528 = vector.broadcast %add3A_519 : i32 to vector<16xi32>
              %add3A_529 = arith.addi %add3A_528, %mul3A_527 : vector<16xi32>
              tpu.vector_store_idx %arg14[%add3A_359, %add3A_529], %gather3A_524 : memref<64x64xf32, #tpu.memory_space<vmem>>[vector<16xi32>, vector<16xi32>], vector<16xf32>,
              %mul3A_530 = arith.constant 8 : i32
              %mul3A_531 = arith.muli %scan3A_431, %mul3A_530 : i32
              %add3A_532 = arith.constant 7 : i32
              %add3A_533 = arith.addi %mul3A_531, %add3A_532 : i32
              %mul3A_534 = arith.constant 88 : i32
              %mul3A_535 = arith.muli %add3A_533, %mul3A_534 : i32
              %add3A_536 = vector.broadcast %mul3A_535 : i32 to vector<16xi32>
              %add3A_537 = arith.addi %get3A_356, %add3A_536 : vector<16xi32>
              %gather3A_538 = tpu.vector_load_idx %arg6[%add3A_537] : memref<11280xf32, #tpu.memory_space<vmem>>[vector<16xi32>], vector<16xf32>,
              %mul3A_539 = arith.constant 0 : i32
              %mul3A_540 = vector.broadcast %mul3A_539 : i32 to vector<16xi32>
              %mul3A_541 = arith.muli %iota3A, %mul3A_540 : vector<16xi32>
              %add3A_542 = vector.broadcast %add3A_533 : i32 to vector<16xi32>
              %add3A_543 = arith.addi %add3A_542, %mul3A_541 : vector<16xi32>
              tpu.vector_store_idx %arg14[%add3A_359, %add3A_543], %gather3A_538 : memref<64x64xf32, #tpu.memory_space<vmem>>[vector<16xi32>, vector<16xi32>], vector<16xf32>,
              %scan3A_544 = arith.constant 0 : i32
              scf.yield %scan3A_544 : i32
            }
            %scan3A_366 = arith.constant 8 : i32
            %mul3A_367 = arith.constant 64 : i32
            %mul3A_368 = arith.muli %while3A_301, %mul3A_367 : i32
            %add3A_369 = arith.constant 48 : i32
            %add3A_370 = arith.addi %mul3A_368, %add3A_369 : i32
            %get3A_371 = arith.index_cast %add3A_370 : i32 to index
            %get3A_372 = tpu.vector_load %arg11[%get3A_371] {strides = array<i32>} : memref<240xi32, #tpu.memory_space<vmem>>, vector<16xi32>,
            %add3A_373 = arith.constant 48 : i32
            %add3A_374 = vector.broadcast %add3A_373 : i32 to vector<16xi32>
            %add3A_375 = arith.addi %iota3A, %add3A_374 : vector<16xi32>
            %scan3A_376 = arith.constant 0 : i32
            %scan3A_377 = arith.constant 0 : i32
            %scan3A_378 = arith.constant 8 : i32
            %scan3A_379 = arith.addi %scan3A_377, %scan3A_378 : i32
            %scan3A_380 = arith.constant 1 : i32
            %scan3A_381 = scf.for %scan3A_431 = %scan3A_377 to %scan3A_379 step %scan3A_380 iter_args(%scan3A_432 = %scan3A_376) -> (i32)  : i32 {
              %mul3A_433 = arith.constant 8 : i32
              %mul3A_434 = arith.muli %scan3A_431, %mul3A_433 : i32
              %add3A_435 = arith.constant 0 : i32
              %add3A_436 = arith.addi %mul3A_434, %add3A_435 : i32
              %mul3A_437 = arith.constant 88 : i32
              %mul3A_438 = arith.muli %add3A_436, %mul3A_437 : i32
              %add3A_439 = vector.broadcast %mul3A_438 : i32 to vector<16xi32>
              %add3A_440 = arith.addi %get3A_372, %add3A_439 : vector<16xi32>
              %gather3A = tpu.vector_load_idx %arg6[%add3A_440] : memref<11280xf32, #tpu.memory_space<vmem>>[vector<16xi32>], vector<16xf32>,
              %mul3A_441 = arith.constant 0 : i32
              %mul3A_442 = vector.broadcast %mul3A_441 : i32 to vector<16xi32>
              %mul3A_443 = arith.muli %iota3A, %mul3A_442 : vector<16xi32>
              %add3A_444 = vector.broadcast %add3A_436 : i32 to vector<16xi32>
              %add3A_445 = arith.addi %add3A_444, %mul3A_443 : vector<16xi32>
              tpu.vector_store_idx %arg14[%add3A_375, %add3A_445], %gather3A : memref<64x64xf32, #tpu.memory_space<vmem>>[vector<16xi32>, vector<16xi32>], vector<16xf32>,
              %mul3A_446 = arith.constant 8 : i32
              %mul3A_447 = arith.muli %scan3A_431, %mul3A_446 : i32
              %add3A_448 = arith.constant 1 : i32
              %add3A_449 = arith.addi %mul3A_447, %add3A_448 : i32
              %mul3A_450 = arith.constant 88 : i32
              %mul3A_451 = arith.muli %add3A_449, %mul3A_450 : i32
              %add3A_452 = vector.broadcast %mul3A_451 : i32 to vector<16xi32>
              %add3A_453 = arith.addi %get3A_372, %add3A_452 : vector<16xi32>
              %gather3A_454 = tpu.vector_load_idx %arg6[%add3A_453] : memref<11280xf32, #tpu.memory_space<vmem>>[vector<16xi32>], vector<16xf32>,
              %mul3A_455 = arith.constant 0 : i32
              %mul3A_456 = vector.broadcast %mul3A_455 : i32 to vector<16xi32>
              %mul3A_457 = arith.muli %iota3A, %mul3A_456 : vector<16xi32>
              %add3A_458 = vector.broadcast %add3A_449 : i32 to vector<16xi32>
              %add3A_459 = arith.addi %add3A_458, %mul3A_457 : vector<16xi32>
              tpu.vector_store_idx %arg14[%add3A_375, %add3A_459], %gather3A_454 : memref<64x64xf32, #tpu.memory_space<vmem>>[vector<16xi32>, vector<16xi32>], vector<16xf32>,
              %mul3A_460 = arith.constant 8 : i32
              %mul3A_461 = arith.muli %scan3A_431, %mul3A_460 : i32
              %add3A_462 = arith.constant 2 : i32
              %add3A_463 = arith.addi %mul3A_461, %add3A_462 : i32
              %mul3A_464 = arith.constant 88 : i32
              %mul3A_465 = arith.muli %add3A_463, %mul3A_464 : i32
              %add3A_466 = vector.broadcast %mul3A_465 : i32 to vector<16xi32>
              %add3A_467 = arith.addi %get3A_372, %add3A_466 : vector<16xi32>
              %gather3A_468 = tpu.vector_load_idx %arg6[%add3A_467] : memref<11280xf32, #tpu.memory_space<vmem>>[vector<16xi32>], vector<16xf32>,
              %mul3A_469 = arith.constant 0 : i32
              %mul3A_470 = vector.broadcast %mul3A_469 : i32 to vector<16xi32>
              %mul3A_471 = arith.muli %iota3A, %mul3A_470 : vector<16xi32>
              %add3A_472 = vector.broadcast %add3A_463 : i32 to vector<16xi32>
              %add3A_473 = arith.addi %add3A_472, %mul3A_471 : vector<16xi32>
              tpu.vector_store_idx %arg14[%add3A_375, %add3A_473], %gather3A_468 : memref<64x64xf32, #tpu.memory_space<vmem>>[vector<16xi32>, vector<16xi32>], vector<16xf32>,
              %mul3A_474 = arith.constant 8 : i32
              %mul3A_475 = arith.muli %scan3A_431, %mul3A_474 : i32
              %add3A_476 = arith.constant 3 : i32
              %add3A_477 = arith.addi %mul3A_475, %add3A_476 : i32
              %mul3A_478 = arith.constant 88 : i32
              %mul3A_479 = arith.muli %add3A_477, %mul3A_478 : i32
              %add3A_480 = vector.broadcast %mul3A_479 : i32 to vector<16xi32>
              %add3A_481 = arith.addi %get3A_372, %add3A_480 : vector<16xi32>
              %gather3A_482 = tpu.vector_load_idx %arg6[%add3A_481] : memref<11280xf32, #tpu.memory_space<vmem>>[vector<16xi32>], vector<16xf32>,
              %mul3A_483 = arith.constant 0 : i32
              %mul3A_484 = vector.broadcast %mul3A_483 : i32 to vector<16xi32>
              %mul3A_485 = arith.muli %iota3A, %mul3A_484 : vector<16xi32>
              %add3A_486 = vector.broadcast %add3A_477 : i32 to vector<16xi32>
              %add3A_487 = arith.addi %add3A_486, %mul3A_485 : vector<16xi32>
              tpu.vector_store_idx %arg14[%add3A_375, %add3A_487], %gather3A_482 : memref<64x64xf32, #tpu.memory_space<vmem>>[vector<16xi32>, vector<16xi32>], vector<16xf32>,
              %mul3A_488 = arith.constant 8 : i32
              %mul3A_489 = arith.muli %scan3A_431, %mul3A_488 : i32
              %add3A_490 = arith.constant 4 : i32
              %add3A_491 = arith.addi %mul3A_489, %add3A_490 : i32
              %mul3A_492 = arith.constant 88 : i32
              %mul3A_493 = arith.muli %add3A_491, %mul3A_492 : i32
              %add3A_494 = vector.broadcast %mul3A_493 : i32 to vector<16xi32>
              %add3A_495 = arith.addi %get3A_372, %add3A_494 : vector<16xi32>
              %gather3A_496 = tpu.vector_load_idx %arg6[%add3A_495] : memref<11280xf32, #tpu.memory_space<vmem>>[vector<16xi32>], vector<16xf32>,
              %mul3A_497 = arith.constant 0 : i32
              %mul3A_498 = vector.broadcast %mul3A_497 : i32 to vector<16xi32>
              %mul3A_499 = arith.muli %iota3A, %mul3A_498 : vector<16xi32>
              %add3A_500 = vector.broadcast %add3A_491 : i32 to vector<16xi32>
              %add3A_501 = arith.addi %add3A_500, %mul3A_499 : vector<16xi32>
              tpu.vector_store_idx %arg14[%add3A_375, %add3A_501], %gather3A_496 : memref<64x64xf32, #tpu.memory_space<vmem>>[vector<16xi32>, vector<16xi32>], vector<16xf32>,
              %mul3A_502 = arith.constant 8 : i32
              %mul3A_503 = arith.muli %scan3A_431, %mul3A_502 : i32
              %add3A_504 = arith.constant 5 : i32
              %add3A_505 = arith.addi %mul3A_503, %add3A_504 : i32
              %mul3A_506 = arith.constant 88 : i32
              %mul3A_507 = arith.muli %add3A_505, %mul3A_506 : i32
              %add3A_508 = vector.broadcast %mul3A_507 : i32 to vector<16xi32>
              %add3A_509 = arith.addi %get3A_372, %add3A_508 : vector<16xi32>
              %gather3A_510 = tpu.vector_load_idx %arg6[%add3A_509] : memref<11280xf32, #tpu.memory_space<vmem>>[vector<16xi32>], vector<16xf32>,
              %mul3A_511 = arith.constant 0 : i32
              %mul3A_512 = vector.broadcast %mul3A_511 : i32 to vector<16xi32>
              %mul3A_513 = arith.muli %iota3A, %mul3A_512 : vector<16xi32>
              %add3A_514 = vector.broadcast %add3A_505 : i32 to vector<16xi32>
              %add3A_515 = arith.addi %add3A_514, %mul3A_513 : vector<16xi32>
              tpu.vector_store_idx %arg14[%add3A_375, %add3A_515], %gather3A_510 : memref<64x64xf32, #tpu.memory_space<vmem>>[vector<16xi32>, vector<16xi32>], vector<16xf32>,
              %mul3A_516 = arith.constant 8 : i32
              %mul3A_517 = arith.muli %scan3A_431, %mul3A_516 : i32
              %add3A_518 = arith.constant 6 : i32
              %add3A_519 = arith.addi %mul3A_517, %add3A_518 : i32
              %mul3A_520 = arith.constant 88 : i32
              %mul3A_521 = arith.muli %add3A_519, %mul3A_520 : i32
              %add3A_522 = vector.broadcast %mul3A_521 : i32 to vector<16xi32>
              %add3A_523 = arith.addi %get3A_372, %add3A_522 : vector<16xi32>
              %gather3A_524 = tpu.vector_load_idx %arg6[%add3A_523] : memref<11280xf32, #tpu.memory_space<vmem>>[vector<16xi32>], vector<16xf32>,
              %mul3A_525 = arith.constant 0 : i32
              %mul3A_526 = vector.broadcast %mul3A_525 : i32 to vector<16xi32>
              %mul3A_527 = arith.muli %iota3A, %mul3A_526 : vector<16xi32>
              %add3A_528 = vector.broadcast %add3A_519 : i32 to vector<16xi32>
              %add3A_529 = arith.addi %add3A_528, %mul3A_527 : vector<16xi32>
              tpu.vector_store_idx %arg14[%add3A_375, %add3A_529], %gather3A_524 : memref<64x64xf32, #tpu.memory_space<vmem>>[vector<16xi32>, vector<16xi32>], vector<16xf32>,
              %mul3A_530 = arith.constant 8 : i32
              %mul3A_531 = arith.muli %scan3A_431, %mul3A_530 : i32
              %add3A_532 = arith.constant 7 : i32
              %add3A_533 = arith.addi %mul3A_531, %add3A_532 : i32
              %mul3A_534 = arith.constant 88 : i32
              %mul3A_535 = arith.muli %add3A_533, %mul3A_534 : i32
              %add3A_536 = vector.broadcast %mul3A_535 : i32 to vector<16xi32>
              %add3A_537 = arith.addi %get3A_372, %add3A_536 : vector<16xi32>
              %gather3A_538 = tpu.vector_load_idx %arg6[%add3A_537] : memref<11280xf32, #tpu.memory_space<vmem>>[vector<16xi32>], vector<16xf32>,
              %mul3A_539 = arith.constant 0 : i32
              %mul3A_540 = vector.broadcast %mul3A_539 : i32 to vector<16xi32>
              %mul3A_541 = arith.muli %iota3A, %mul3A_540 : vector<16xi32>
              %add3A_542 = vector.broadcast %add3A_533 : i32 to vector<16xi32>
              %add3A_543 = arith.addi %add3A_542, %mul3A_541 : vector<16xi32>
              tpu.vector_store_idx %arg14[%add3A_375, %add3A_543], %gather3A_538 : memref<64x64xf32, #tpu.memory_space<vmem>>[vector<16xi32>, vector<16xi32>], vector<16xf32>,
              %scan3A_544 = arith.constant 0 : i32
              scf.yield %scan3A_544 : i32
            }
            %scan3A_382 = arith.constant 8 : i32
            %mul3A_383 = arith.constant 64 : i32
            %mul3A_384 = arith.muli %while3A_301, %mul3A_383 : i32
            %add3A_385 = arith.constant 0 : i32
            %add3A_386 = arith.addi %mul3A_384, %add3A_385 : i32
            %get3A_387 = arith.index_cast %add3A_386 : i32 to index
            %get3A_388 = tpu.vector_load %arg12[%get3A_387] {strides = array<i32>} : memref<240xi32, #tpu.memory_space<vmem>>, vector<16xi32>,
            %dma_start3A_389 = arith.constant 0 : i32
            %dma_start3A_390 = arith.constant 0 : i32
            %dma_start3A_391 = tpu.memref_slice %arg14[%dma_start3A_389, %dma_start3A_390] : memref<64x64xf32, #tpu.memory_space<vmem>> -> memref<16x64xf32, #tpu.memory_space<vmem>>
            %dma_start3A_392 = arith.constant 0 : i32
            %dma_start3A_393 = arith.constant 0 : i32
            %dma_start3A_394 = tpu.memref_slice %arg18[%dma_start3A_392, %dma_start3A_393] : memref<20096x64xf32, #tpu.memory_space<vmem_shared>> -> memref<20096x64xf32, #tpu.memory_space<vmem_shared>>
            tpu.enqueue_indirect_dma source(%dma_start3A_391 : memref<16x64xf32, #tpu.memory_space<vmem>>) target(%dma_start3A_394 : memref<20096x64xf32, #tpu.memory_space<vmem_shared>>) offsets(%get3A_388 : vector<16xi32>) semaphore(%arg20 : memref<!tpu.dma_semaphore, #tpu.memory_space<semaphore_mem>>) {add = true}
            %mul3A_395 = arith.constant 64 : i32
            %mul3A_396 = arith.muli %while3A_301, %mul3A_395 : i32
            %add3A_397 = arith.constant 16 : i32
            %add3A_398 = arith.addi %mul3A_396, %add3A_397 : i32
            %get3A_399 = arith.index_cast %add3A_398 : i32 to index
            %get3A_400 = tpu.vector_load %arg12[%get3A_399] {strides = array<i32>} : memref<240xi32, #tpu.memory_space<vmem>>, vector<16xi32>,
            %dma_start3A_401 = arith.constant 16 : i32
            %dma_start3A_402 = arith.constant 0 : i32
            %dma_start3A_403 = tpu.memref_slice %arg14[%dma_start3A_401, %dma_start3A_402] : memref<64x64xf32, #tpu.memory_space<vmem>> -> memref<16x64xf32, #tpu.memory_space<vmem>>
            %dma_start3A_404 = arith.constant 0 : i32
            %dma_start3A_405 = arith.constant 0 : i32
            %dma_start3A_406 = tpu.memref_slice %arg18[%dma_start3A_404, %dma_start3A_405] : memref<20096x64xf32, #tpu.memory_space<vmem_shared>> -> memref<20096x64xf32, #tpu.memory_space<vmem_shared>>
            tpu.enqueue_indirect_dma source(%dma_start3A_403 : memref<16x64xf32, #tpu.memory_space<vmem>>) target(%dma_start3A_406 : memref<20096x64xf32, #tpu.memory_space<vmem_shared>>) offsets(%get3A_400 : vector<16xi32>) semaphore(%arg20 : memref<!tpu.dma_semaphore, #tpu.memory_space<semaphore_mem>>) {add = true}
            %mul3A_407 = arith.constant 64 : i32
            %mul3A_408 = arith.muli %while3A_301, %mul3A_407 : i32
            %add3A_409 = arith.constant 32 : i32
            %add3A_410 = arith.addi %mul3A_408, %add3A_409 : i32
            %get3A_411 = arith.index_cast %add3A_410 : i32 to index
            %get3A_412 = tpu.vector_load %arg12[%get3A_411] {strides = array<i32>} : memref<240xi32, #tpu.memory_space<vmem>>, vector<16xi32>,
            %dma_start3A_413 = arith.constant 32 : i32
            %dma_start3A_414 = arith.constant 0 : i32
            %dma_start3A_415 = tpu.memref_slice %arg14[%dma_start3A_413, %dma_start3A_414] : memref<64x64xf32, #tpu.memory_space<vmem>> -> memref<16x64xf32, #tpu.memory_space<vmem>>
            %dma_start3A_416 = arith.constant 0 : i32
            %dma_start3A_417 = arith.constant 0 : i32
            %dma_start3A_418 = tpu.memref_slice %arg18[%dma_start3A_416, %dma_start3A_417] : memref<20096x64xf32, #tpu.memory_space<vmem_shared>> -> memref<20096x64xf32, #tpu.memory_space<vmem_shared>>
            tpu.enqueue_indirect_dma source(%dma_start3A_415 : memref<16x64xf32, #tpu.memory_space<vmem>>) target(%dma_start3A_418 : memref<20096x64xf32, #tpu.memory_space<vmem_shared>>) offsets(%get3A_412 : vector<16xi32>) semaphore(%arg20 : memref<!tpu.dma_semaphore, #tpu.memory_space<semaphore_mem>>) {add = true}
            %mul3A_419 = arith.constant 64 : i32
            %mul3A_420 = arith.muli %while3A_301, %mul3A_419 : i32
            %add3A_421 = arith.constant 48 : i32
            %add3A_422 = arith.addi %mul3A_420, %add3A_421 : i32
            %get3A_423 = arith.index_cast %add3A_422 : i32 to index
            %get3A_424 = tpu.vector_load %arg12[%get3A_423] {strides = array<i32>} : memref<240xi32, #tpu.memory_space<vmem>>, vector<16xi32>,
            %dma_start3A_425 = arith.constant 48 : i32
            %dma_start3A_426 = arith.constant 0 : i32
            %dma_start3A_427 = tpu.memref_slice %arg14[%dma_start3A_425, %dma_start3A_426] : memref<64x64xf32, #tpu.memory_space<vmem>> -> memref<16x64xf32, #tpu.memory_space<vmem>>
            %dma_start3A_428 = arith.constant 0 : i32
            %dma_start3A_429 = arith.constant 0 : i32
            %dma_start3A_430 = tpu.memref_slice %arg18[%dma_start3A_428, %dma_start3A_429] : memref<20096x64xf32, #tpu.memory_space<vmem_shared>> -> memref<20096x64xf32, #tpu.memory_space<vmem_shared>>
            tpu.enqueue_indirect_dma source(%dma_start3A_427 : memref<16x64xf32, #tpu.memory_space<vmem>>) target(%dma_start3A_430 : memref<20096x64xf32, #tpu.memory_space<vmem_shared>>) offsets(%get3A_424 : vector<16xi32>) semaphore(%arg20 : memref<!tpu.dma_semaphore, #tpu.memory_space<semaphore_mem>>) {add = true}
          } else {
          }
          %while3A_315 = arith.constant 0 : i32
          scf.yield %while3A_315 : i32
        }
        %while3A_284 = arith.constant 1 : i32
        %while3A_285 = scf.for %while3A_301 = %while3A_281 to %while3A_277 step %while3A_284 iter_args(%while3A_302 = %while3A_283) -> (i32)  : i32 {
          %rem3A_303 = arith.constant 2 : i32
          %rem3A_304 = arith.remsi %while3A_301, %rem3A_303 : i32
          %eq3A_305 = arith.constant 0 : i32
          %eq3A_306 = arith.cmpi eq, %rem3A_304, %eq3A_305 : i32
          %convert_element_type3A = arith.extui %eq3A_306 : i1 to i32
          %cond3A = arith.constant 0 : i32
          %cond3A_307 = arith.cmpi ne, %convert_element_type3A, %cond3A : i32
          scf.if %cond3A_307 {
            %ge3A = arith.constant 2 : i32
            %ge3A_316 = arith.cmpi sge, %while3A_301, %ge3A : i32
            %convert_element_type3A_317 = arith.extui %ge3A_316 : i1 to i32
            %cond3A_318 = arith.constant 0 : i32
            %cond3A_319 = arith.cmpi ne, %convert_element_type3A_317, %cond3A_318 : i32
            scf.if %cond3A_319 {
              %dma_wait3A_431 = arith.constant 0 : i32
              %dma_wait3A_432 = arith.constant 0 : i32
              %dma_wait3A_433 = tpu.memref_slice %arg13[%dma_wait3A_431, %dma_wait3A_432] : memref<64x64xf32, #tpu.memory_space<vmem>> -> memref<16x64xf32, #tpu.memory_space<vmem>>
              %dma_wait3A_434 = arith.constant 0 : i32
              %dma_wait3A_435 = arith.constant 0 : i32
              %dma_wait3A_436 = tpu.memref_slice %arg18[%dma_wait3A_434, %dma_wait3A_435] : memref<20096x64xf32, #tpu.memory_space<vmem_shared>> -> memref<16x64xf32, #tpu.memory_space<vmem_shared>>
              %dma_wait3A_437 = arith.constant 0 : i32
              %dma_wait3A_438 = arith.constant 0 : i32
              %dma_wait3A_439 = tpu.memref_slice %arg18[%dma_wait3A_437, %dma_wait3A_438] : memref<20096x64xf32, #tpu.memory_space<vmem_shared>> -> memref<16x64xf32, #tpu.memory_space<vmem_shared>>
              %dma_wait3A_440 = arith.constant 0 : i32
              %dma_wait3A_441 = arith.constant 0 : i32
              %dma_wait3A_442 = tpu.memref_slice %arg13[%dma_wait3A_440, %dma_wait3A_441] : memref<64x64xf32, #tpu.memory_space<vmem>> -> memref<16x64xf32, #tpu.memory_space<vmem>>
              tpu.wait_dma2 semaphore(%arg20 : memref<!tpu.dma_semaphore, #tpu.memory_space<semaphore_mem>>) src(%dma_wait3A_442 : memref<16x64xf32, #tpu.memory_space<vmem>>) dst(%dma_wait3A_439 : memref<16x64xf32, #tpu.memory_space<vmem_shared>>)
              %dma_wait3A_443 = arith.constant 16 : i32
              %dma_wait3A_444 = arith.constant 0 : i32
              %dma_wait3A_445 = tpu.memref_slice %arg13[%dma_wait3A_443, %dma_wait3A_444] : memref<64x64xf32, #tpu.memory_space<vmem>> -> memref<16x64xf32, #tpu.memory_space<vmem>>
              %dma_wait3A_446 = arith.constant 0 : i32
              %dma_wait3A_447 = arith.constant 0 : i32
              %dma_wait3A_448 = tpu.memref_slice %arg18[%dma_wait3A_446, %dma_wait3A_447] : memref<20096x64xf32, #tpu.memory_space<vmem_shared>> -> memref<16x64xf32, #tpu.memory_space<vmem_shared>>
              %dma_wait3A_449 = arith.constant 0 : i32
              %dma_wait3A_450 = arith.constant 0 : i32
              %dma_wait3A_451 = tpu.memref_slice %arg18[%dma_wait3A_449, %dma_wait3A_450] : memref<20096x64xf32, #tpu.memory_space<vmem_shared>> -> memref<16x64xf32, #tpu.memory_space<vmem_shared>>
              %dma_wait3A_452 = arith.constant 16 : i32
              %dma_wait3A_453 = arith.constant 0 : i32
              %dma_wait3A_454 = tpu.memref_slice %arg13[%dma_wait3A_452, %dma_wait3A_453] : memref<64x64xf32, #tpu.memory_space<vmem>> -> memref<16x64xf32, #tpu.memory_space<vmem>>
              tpu.wait_dma2 semaphore(%arg20 : memref<!tpu.dma_semaphore, #tpu.memory_space<semaphore_mem>>) src(%dma_wait3A_454 : memref<16x64xf32, #tpu.memory_space<vmem>>) dst(%dma_wait3A_451 : memref<16x64xf32, #tpu.memory_space<vmem_shared>>)
              %dma_wait3A_455 = arith.constant 32 : i32
              %dma_wait3A_456 = arith.constant 0 : i32
              %dma_wait3A_457 = tpu.memref_slice %arg13[%dma_wait3A_455, %dma_wait3A_456] : memref<64x64xf32, #tpu.memory_space<vmem>> -> memref<16x64xf32, #tpu.memory_space<vmem>>
              %dma_wait3A_458 = arith.constant 0 : i32
              %dma_wait3A_459 = arith.constant 0 : i32
              %dma_wait3A_460 = tpu.memref_slice %arg18[%dma_wait3A_458, %dma_wait3A_459] : memref<20096x64xf32, #tpu.memory_space<vmem_shared>> -> memref<16x64xf32, #tpu.memory_space<vmem_shared>>
              %dma_wait3A_461 = arith.constant 0 : i32
              %dma_wait3A_462 = arith.constant 0 : i32
              %dma_wait3A_463 = tpu.memref_slice %arg18[%dma_wait3A_461, %dma_wait3A_462] : memref<20096x64xf32, #tpu.memory_space<vmem_shared>> -> memref<16x64xf32, #tpu.memory_space<vmem_shared>>
              %dma_wait3A_464 = arith.constant 32 : i32
              %dma_wait3A_465 = arith.constant 0 : i32
              %dma_wait3A_466 = tpu.memref_slice %arg13[%dma_wait3A_464, %dma_wait3A_465] : memref<64x64xf32, #tpu.memory_space<vmem>> -> memref<16x64xf32, #tpu.memory_space<vmem>>
              tpu.wait_dma2 semaphore(%arg20 : memref<!tpu.dma_semaphore, #tpu.memory_space<semaphore_mem>>) src(%dma_wait3A_466 : memref<16x64xf32, #tpu.memory_space<vmem>>) dst(%dma_wait3A_463 : memref<16x64xf32, #tpu.memory_space<vmem_shared>>)
              %dma_wait3A_467 = arith.constant 48 : i32
              %dma_wait3A_468 = arith.constant 0 : i32
              %dma_wait3A_469 = tpu.memref_slice %arg13[%dma_wait3A_467, %dma_wait3A_468] : memref<64x64xf32, #tpu.memory_space<vmem>> -> memref<16x64xf32, #tpu.memory_space<vmem>>
              %dma_wait3A_470 = arith.constant 0 : i32
              %dma_wait3A_471 = arith.constant 0 : i32
              %dma_wait3A_472 = tpu.memref_slice %arg18[%dma_wait3A_470, %dma_wait3A_471] : memref<20096x64xf32, #tpu.memory_space<vmem_shared>> -> memref<16x64xf32, #tpu.memory_space<vmem_shared>>
              %dma_wait3A_473 = arith.constant 0 : i32
              %dma_wait3A_474 = arith.constant 0 : i32
              %dma_wait3A_475 = tpu.memref_slice %arg18[%dma_wait3A_473, %dma_wait3A_474] : memref<20096x64xf32, #tpu.memory_space<vmem_shared>> -> memref<16x64xf32, #tpu.memory_space<vmem_shared>>
              %dma_wait3A_476 = arith.constant 48 : i32
              %dma_wait3A_477 = arith.constant 0 : i32
              %dma_wait3A_478 = tpu.memref_slice %arg13[%dma_wait3A_476, %dma_wait3A_477] : memref<64x64xf32, #tpu.memory_space<vmem>> -> memref<16x64xf32, #tpu.memory_space<vmem>>
              tpu.wait_dma2 semaphore(%arg20 : memref<!tpu.dma_semaphore, #tpu.memory_space<semaphore_mem>>) src(%dma_wait3A_478 : memref<16x64xf32, #tpu.memory_space<vmem>>) dst(%dma_wait3A_475 : memref<16x64xf32, #tpu.memory_space<vmem_shared>>)
            } else {
            }
            %mul3A_320 = arith.constant 64 : i32
            %mul3A_321 = arith.muli %while3A_301, %mul3A_320 : i32
            %add3A_322 = arith.constant 0 : i32
            %add3A_323 = arith.addi %mul3A_321, %add3A_322 : i32
            %get3A = arith.index_cast %add3A_323 : i32 to index
            %get3A_324 = tpu.vector_load %arg11[%get3A] {strides = array<i32>} : memref<240xi32, #tpu.memory_space<vmem>>, vector<16xi32>,
            %add3A_325 = arith.constant 0 : i32
            %add3A_326 = vector.broadcast %add3A_325 : i32 to vector<16xi32>
            %add3A_327 = arith.addi %iota3A, %add3A_326 : vector<16xi32>
            %scan3A_328 = arith.constant 0 : i32
            %scan3A_329 = arith.constant 0 : i32
            %scan3A_330 = arith.constant 8 : i32
            %scan3A_331 = arith.addi %scan3A_329, %scan3A_330 : i32
            %scan3A_332 = arith.constant 1 : i32
            %scan3A_333 = scf.for %scan3A_431 = %scan3A_329 to %scan3A_331 step %scan3A_332 iter_args(%scan3A_432 = %scan3A_328) -> (i32)  : i32 {
              %mul3A_433 = arith.constant 8 : i32
              %mul3A_434 = arith.muli %scan3A_431, %mul3A_433 : i32
              %add3A_435 = arith.constant 0 : i32
              %add3A_436 = arith.addi %mul3A_434, %add3A_435 : i32
              %mul3A_437 = arith.constant 88 : i32
              %mul3A_438 = arith.muli %add3A_436, %mul3A_437 : i32
              %add3A_439 = vector.broadcast %mul3A_438 : i32 to vector<16xi32>
              %add3A_440 = arith.addi %get3A_324, %add3A_439 : vector<16xi32>
              %gather3A = tpu.vector_load_idx %arg6[%add3A_440] : memref<11280xf32, #tpu.memory_space<vmem>>[vector<16xi32>], vector<16xf32>,
              %mul3A_441 = arith.constant 0 : i32
              %mul3A_442 = vector.broadcast %mul3A_441 : i32 to vector<16xi32>
              %mul3A_443 = arith.muli %iota3A, %mul3A_442 : vector<16xi32>
              %add3A_444 = vector.broadcast %add3A_436 : i32 to vector<16xi32>
              %add3A_445 = arith.addi %add3A_444, %mul3A_443 : vector<16xi32>
              tpu.vector_store_idx %arg13[%add3A_327, %add3A_445], %gather3A : memref<64x64xf32, #tpu.memory_space<vmem>>[vector<16xi32>, vector<16xi32>], vector<16xf32>,
              %mul3A_446 = arith.constant 8 : i32
              %mul3A_447 = arith.muli %scan3A_431, %mul3A_446 : i32
              %add3A_448 = arith.constant 1 : i32
              %add3A_449 = arith.addi %mul3A_447, %add3A_448 : i32
              %mul3A_450 = arith.constant 88 : i32
              %mul3A_451 = arith.muli %add3A_449, %mul3A_450 : i32
              %add3A_452 = vector.broadcast %mul3A_451 : i32 to vector<16xi32>
              %add3A_453 = arith.addi %get3A_324, %add3A_452 : vector<16xi32>
              %gather3A_454 = tpu.vector_load_idx %arg6[%add3A_453] : memref<11280xf32, #tpu.memory_space<vmem>>[vector<16xi32>], vector<16xf32>,
              %mul3A_455 = arith.constant 0 : i32
              %mul3A_456 = vector.broadcast %mul3A_455 : i32 to vector<16xi32>
              %mul3A_457 = arith.muli %iota3A, %mul3A_456 : vector<16xi32>
              %add3A_458 = vector.broadcast %add3A_449 : i32 to vector<16xi32>
              %add3A_459 = arith.addi %add3A_458, %mul3A_457 : vector<16xi32>
              tpu.vector_store_idx %arg13[%add3A_327, %add3A_459], %gather3A_454 : memref<64x64xf32, #tpu.memory_space<vmem>>[vector<16xi32>, vector<16xi32>], vector<16xf32>,
              %mul3A_460 = arith.constant 8 : i32
              %mul3A_461 = arith.muli %scan3A_431, %mul3A_460 : i32
              %add3A_462 = arith.constant 2 : i32
              %add3A_463 = arith.addi %mul3A_461, %add3A_462 : i32
              %mul3A_464 = arith.constant 88 : i32
              %mul3A_465 = arith.muli %add3A_463, %mul3A_464 : i32
              %add3A_466 = vector.broadcast %mul3A_465 : i32 to vector<16xi32>
              %add3A_467 = arith.addi %get3A_324, %add3A_466 : vector<16xi32>
              %gather3A_468 = tpu.vector_load_idx %arg6[%add3A_467] : memref<11280xf32, #tpu.memory_space<vmem>>[vector<16xi32>], vector<16xf32>,
              %mul3A_469 = arith.constant 0 : i32
              %mul3A_470 = vector.broadcast %mul3A_469 : i32 to vector<16xi32>
              %mul3A_471 = arith.muli %iota3A, %mul3A_470 : vector<16xi32>
              %add3A_472 = vector.broadcast %add3A_463 : i32 to vector<16xi32>
              %add3A_473 = arith.addi %add3A_472, %mul3A_471 : vector<16xi32>
              tpu.vector_store_idx %arg13[%add3A_327, %add3A_473], %gather3A_468 : memref<64x64xf32, #tpu.memory_space<vmem>>[vector<16xi32>, vector<16xi32>], vector<16xf32>,
              %mul3A_474 = arith.constant 8 : i32
              %mul3A_475 = arith.muli %scan3A_431, %mul3A_474 : i32
              %add3A_476 = arith.constant 3 : i32
              %add3A_477 = arith.addi %mul3A_475, %add3A_476 : i32
              %mul3A_478 = arith.constant 88 : i32
              %mul3A_479 = arith.muli %add3A_477, %mul3A_478 : i32
              %add3A_480 = vector.broadcast %mul3A_479 : i32 to vector<16xi32>
              %add3A_481 = arith.addi %get3A_324, %add3A_480 : vector<16xi32>
              %gather3A_482 = tpu.vector_load_idx %arg6[%add3A_481] : memref<11280xf32, #tpu.memory_space<vmem>>[vector<16xi32>], vector<16xf32>,
              %mul3A_483 = arith.constant 0 : i32
              %mul3A_484 = vector.broadcast %mul3A_483 : i32 to vector<16xi32>
              %mul3A_485 = arith.muli %iota3A, %mul3A_484 : vector<16xi32>
              %add3A_486 = vector.broadcast %add3A_477 : i32 to vector<16xi32>
              %add3A_487 = arith.addi %add3A_486, %mul3A_485 : vector<16xi32>
              tpu.vector_store_idx %arg13[%add3A_327, %add3A_487], %gather3A_482 : memref<64x64xf32, #tpu.memory_space<vmem>>[vector<16xi32>, vector<16xi32>], vector<16xf32>,
              %mul3A_488 = arith.constant 8 : i32
              %mul3A_489 = arith.muli %scan3A_431, %mul3A_488 : i32
              %add3A_490 = arith.constant 4 : i32
              %add3A_491 = arith.addi %mul3A_489, %add3A_490 : i32
              %mul3A_492 = arith.constant 88 : i32
              %mul3A_493 = arith.muli %add3A_491, %mul3A_492 : i32
              %add3A_494 = vector.broadcast %mul3A_493 : i32 to vector<16xi32>
              %add3A_495 = arith.addi %get3A_324, %add3A_494 : vector<16xi32>
              %gather3A_496 = tpu.vector_load_idx %arg6[%add3A_495] : memref<11280xf32, #tpu.memory_space<vmem>>[vector<16xi32>], vector<16xf32>,
              %mul3A_497 = arith.constant 0 : i32
              %mul3A_498 = vector.broadcast %mul3A_497 : i32 to vector<16xi32>
              %mul3A_499 = arith.muli %iota3A, %mul3A_498 : vector<16xi32>
              %add3A_500 = vector.broadcast %add3A_491 : i32 to vector<16xi32>
              %add3A_501 = arith.addi %add3A_500, %mul3A_499 : vector<16xi32>
              tpu.vector_store_idx %arg13[%add3A_327, %add3A_501], %gather3A_496 : memref<64x64xf32, #tpu.memory_space<vmem>>[vector<16xi32>, vector<16xi32>], vector<16xf32>,
              %mul3A_502 = arith.constant 8 : i32
              %mul3A_503 = arith.muli %scan3A_431, %mul3A_502 : i32
              %add3A_504 = arith.constant 5 : i32
              %add3A_505 = arith.addi %mul3A_503, %add3A_504 : i32
              %mul3A_506 = arith.constant 88 : i32
              %mul3A_507 = arith.muli %add3A_505, %mul3A_506 : i32
              %add3A_508 = vector.broadcast %mul3A_507 : i32 to vector<16xi32>
              %add3A_509 = arith.addi %get3A_324, %add3A_508 : vector<16xi32>
              %gather3A_510 = tpu.vector_load_idx %arg6[%add3A_509] : memref<11280xf32, #tpu.memory_space<vmem>>[vector<16xi32>], vector<16xf32>,
              %mul3A_511 = arith.constant 0 : i32
              %mul3A_512 = vector.broadcast %mul3A_511 : i32 to vector<16xi32>
              %mul3A_513 = arith.muli %iota3A, %mul3A_512 : vector<16xi32>
              %add3A_514 = vector.broadcast %add3A_505 : i32 to vector<16xi32>
              %add3A_515 = arith.addi %add3A_514, %mul3A_513 : vector<16xi32>
              tpu.vector_store_idx %arg13[%add3A_327, %add3A_515], %gather3A_510 : memref<64x64xf32, #tpu.memory_space<vmem>>[vector<16xi32>, vector<16xi32>], vector<16xf32>,
              %mul3A_516 = arith.constant 8 : i32
              %mul3A_517 = arith.muli %scan3A_431, %mul3A_516 : i32
              %add3A_518 = arith.constant 6 : i32
              %add3A_519 = arith.addi %mul3A_517, %add3A_518 : i32
              %mul3A_520 = arith.constant 88 : i32
              %mul3A_521 = arith.muli %add3A_519, %mul3A_520 : i32
              %add3A_522 = vector.broadcast %mul3A_521 : i32 to vector<16xi32>
              %add3A_523 = arith.addi %get3A_324, %add3A_522 : vector<16xi32>
              %gather3A_524 = tpu.vector_load_idx %arg6[%add3A_523] : memref<11280xf32, #tpu.memory_space<vmem>>[vector<16xi32>], vector<16xf32>,
              %mul3A_525 = arith.constant 0 : i32
              %mul3A_526 = vector.broadcast %mul3A_525 : i32 to vector<16xi32>
              %mul3A_527 = arith.muli %iota3A, %mul3A_526 : vector<16xi32>
              %add3A_528 = vector.broadcast %add3A_519 : i32 to vector<16xi32>
              %add3A_529 = arith.addi %add3A_528, %mul3A_527 : vector<16xi32>
              tpu.vector_store_idx %arg13[%add3A_327, %add3A_529], %gather3A_524 : memref<64x64xf32, #tpu.memory_space<vmem>>[vector<16xi32>, vector<16xi32>], vector<16xf32>,
              %mul3A_530 = arith.constant 8 : i32
              %mul3A_531 = arith.muli %scan3A_431, %mul3A_530 : i32
              %add3A_532 = arith.constant 7 : i32
              %add3A_533 = arith.addi %mul3A_531, %add3A_532 : i32
              %mul3A_534 = arith.constant 88 : i32
              %mul3A_535 = arith.muli %add3A_533, %mul3A_534 : i32
              %add3A_536 = vector.broadcast %mul3A_535 : i32 to vector<16xi32>
              %add3A_537 = arith.addi %get3A_324, %add3A_536 : vector<16xi32>
              %gather3A_538 = tpu.vector_load_idx %arg6[%add3A_537] : memref<11280xf32, #tpu.memory_space<vmem>>[vector<16xi32>], vector<16xf32>,
              %mul3A_539 = arith.constant 0 : i32
              %mul3A_540 = vector.broadcast %mul3A_539 : i32 to vector<16xi32>
              %mul3A_541 = arith.muli %iota3A, %mul3A_540 : vector<16xi32>
              %add3A_542 = vector.broadcast %add3A_533 : i32 to vector<16xi32>
              %add3A_543 = arith.addi %add3A_542, %mul3A_541 : vector<16xi32>
              tpu.vector_store_idx %arg13[%add3A_327, %add3A_543], %gather3A_538 : memref<64x64xf32, #tpu.memory_space<vmem>>[vector<16xi32>, vector<16xi32>], vector<16xf32>,
              %scan3A_544 = arith.constant 0 : i32
              scf.yield %scan3A_544 : i32
            }
            %scan3A_334 = arith.constant 8 : i32
            %mul3A_335 = arith.constant 64 : i32
            %mul3A_336 = arith.muli %while3A_301, %mul3A_335 : i32
            %add3A_337 = arith.constant 16 : i32
            %add3A_338 = arith.addi %mul3A_336, %add3A_337 : i32
            %get3A_339 = arith.index_cast %add3A_338 : i32 to index
            %get3A_340 = tpu.vector_load %arg11[%get3A_339] {strides = array<i32>} : memref<240xi32, #tpu.memory_space<vmem>>, vector<16xi32>,
            %add3A_341 = arith.constant 16 : i32
            %add3A_342 = vector.broadcast %add3A_341 : i32 to vector<16xi32>
            %add3A_343 = arith.addi %iota3A, %add3A_342 : vector<16xi32>
            %scan3A_344 = arith.constant 0 : i32
            %scan3A_345 = arith.constant 0 : i32
            %scan3A_346 = arith.constant 8 : i32
            %scan3A_347 = arith.addi %scan3A_345, %scan3A_346 : i32
            %scan3A_348 = arith.constant 1 : i32
            %scan3A_349 = scf.for %scan3A_431 = %scan3A_345 to %scan3A_347 step %scan3A_348 iter_args(%scan3A_432 = %scan3A_344) -> (i32)  : i32 {
              %mul3A_433 = arith.constant 8 : i32
              %mul3A_434 = arith.muli %scan3A_431, %mul3A_433 : i32
              %add3A_435 = arith.constant 0 : i32
              %add3A_436 = arith.addi %mul3A_434, %add3A_435 : i32
              %mul3A_437 = arith.constant 88 : i32
              %mul3A_438 = arith.muli %add3A_436, %mul3A_437 : i32
              %add3A_439 = vector.broadcast %mul3A_438 : i32 to vector<16xi32>
              %add3A_440 = arith.addi %get3A_340, %add3A_439 : vector<16xi32>
              %gather3A = tpu.vector_load_idx %arg6[%add3A_440] : memref<11280xf32, #tpu.memory_space<vmem>>[vector<16xi32>], vector<16xf32>,
              %mul3A_441 = arith.constant 0 : i32
              %mul3A_442 = vector.broadcast %mul3A_441 : i32 to vector<16xi32>
              %mul3A_443 = arith.muli %iota3A, %mul3A_442 : vector<16xi32>
              %add3A_444 = vector.broadcast %add3A_436 : i32 to vector<16xi32>
              %add3A_445 = arith.addi %add3A_444, %mul3A_443 : vector<16xi32>
              tpu.vector_store_idx %arg13[%add3A_343, %add3A_445], %gather3A : memref<64x64xf32, #tpu.memory_space<vmem>>[vector<16xi32>, vector<16xi32>], vector<16xf32>,
              %mul3A_446 = arith.constant 8 : i32
              %mul3A_447 = arith.muli %scan3A_431, %mul3A_446 : i32
              %add3A_448 = arith.constant 1 : i32
              %add3A_449 = arith.addi %mul3A_447, %add3A_448 : i32
              %mul3A_450 = arith.constant 88 : i32
              %mul3A_451 = arith.muli %add3A_449, %mul3A_450 : i32
              %add3A_452 = vector.broadcast %mul3A_451 : i32 to vector<16xi32>
              %add3A_453 = arith.addi %get3A_340, %add3A_452 : vector<16xi32>
              %gather3A_454 = tpu.vector_load_idx %arg6[%add3A_453] : memref<11280xf32, #tpu.memory_space<vmem>>[vector<16xi32>], vector<16xf32>,
              %mul3A_455 = arith.constant 0 : i32
              %mul3A_456 = vector.broadcast %mul3A_455 : i32 to vector<16xi32>
              %mul3A_457 = arith.muli %iota3A, %mul3A_456 : vector<16xi32>
              %add3A_458 = vector.broadcast %add3A_449 : i32 to vector<16xi32>
              %add3A_459 = arith.addi %add3A_458, %mul3A_457 : vector<16xi32>
              tpu.vector_store_idx %arg13[%add3A_343, %add3A_459], %gather3A_454 : memref<64x64xf32, #tpu.memory_space<vmem>>[vector<16xi32>, vector<16xi32>], vector<16xf32>,
              %mul3A_460 = arith.constant 8 : i32
              %mul3A_461 = arith.muli %scan3A_431, %mul3A_460 : i32
              %add3A_462 = arith.constant 2 : i32
              %add3A_463 = arith.addi %mul3A_461, %add3A_462 : i32
              %mul3A_464 = arith.constant 88 : i32
              %mul3A_465 = arith.muli %add3A_463, %mul3A_464 : i32
              %add3A_466 = vector.broadcast %mul3A_465 : i32 to vector<16xi32>
              %add3A_467 = arith.addi %get3A_340, %add3A_466 : vector<16xi32>
              %gather3A_468 = tpu.vector_load_idx %arg6[%add3A_467] : memref<11280xf32, #tpu.memory_space<vmem>>[vector<16xi32>], vector<16xf32>,
              %mul3A_469 = arith.constant 0 : i32
              %mul3A_470 = vector.broadcast %mul3A_469 : i32 to vector<16xi32>
              %mul3A_471 = arith.muli %iota3A, %mul3A_470 : vector<16xi32>
              %add3A_472 = vector.broadcast %add3A_463 : i32 to vector<16xi32>
              %add3A_473 = arith.addi %add3A_472, %mul3A_471 : vector<16xi32>
              tpu.vector_store_idx %arg13[%add3A_343, %add3A_473], %gather3A_468 : memref<64x64xf32, #tpu.memory_space<vmem>>[vector<16xi32>, vector<16xi32>], vector<16xf32>,
              %mul3A_474 = arith.constant 8 : i32
              %mul3A_475 = arith.muli %scan3A_431, %mul3A_474 : i32
              %add3A_476 = arith.constant 3 : i32
              %add3A_477 = arith.addi %mul3A_475, %add3A_476 : i32
              %mul3A_478 = arith.constant 88 : i32
              %mul3A_479 = arith.muli %add3A_477, %mul3A_478 : i32
              %add3A_480 = vector.broadcast %mul3A_479 : i32 to vector<16xi32>
              %add3A_481 = arith.addi %get3A_340, %add3A_480 : vector<16xi32>
              %gather3A_482 = tpu.vector_load_idx %arg6[%add3A_481] : memref<11280xf32, #tpu.memory_space<vmem>>[vector<16xi32>], vector<16xf32>,
              %mul3A_483 = arith.constant 0 : i32
              %mul3A_484 = vector.broadcast %mul3A_483 : i32 to vector<16xi32>
              %mul3A_485 = arith.muli %iota3A, %mul3A_484 : vector<16xi32>
              %add3A_486 = vector.broadcast %add3A_477 : i32 to vector<16xi32>
              %add3A_487 = arith.addi %add3A_486, %mul3A_485 : vector<16xi32>
              tpu.vector_store_idx %arg13[%add3A_343, %add3A_487], %gather3A_482 : memref<64x64xf32, #tpu.memory_space<vmem>>[vector<16xi32>, vector<16xi32>], vector<16xf32>,
              %mul3A_488 = arith.constant 8 : i32
              %mul3A_489 = arith.muli %scan3A_431, %mul3A_488 : i32
              %add3A_490 = arith.constant 4 : i32
              %add3A_491 = arith.addi %mul3A_489, %add3A_490 : i32
              %mul3A_492 = arith.constant 88 : i32
              %mul3A_493 = arith.muli %add3A_491, %mul3A_492 : i32
              %add3A_494 = vector.broadcast %mul3A_493 : i32 to vector<16xi32>
              %add3A_495 = arith.addi %get3A_340, %add3A_494 : vector<16xi32>
              %gather3A_496 = tpu.vector_load_idx %arg6[%add3A_495] : memref<11280xf32, #tpu.memory_space<vmem>>[vector<16xi32>], vector<16xf32>,
              %mul3A_497 = arith.constant 0 : i32
              %mul3A_498 = vector.broadcast %mul3A_497 : i32 to vector<16xi32>
              %mul3A_499 = arith.muli %iota3A, %mul3A_498 : vector<16xi32>
              %add3A_500 = vector.broadcast %add3A_491 : i32 to vector<16xi32>
              %add3A_501 = arith.addi %add3A_500, %mul3A_499 : vector<16xi32>
              tpu.vector_store_idx %arg13[%add3A_343, %add3A_501], %gather3A_496 : memref<64x64xf32, #tpu.memory_space<vmem>>[vector<16xi32>, vector<16xi32>], vector<16xf32>,
              %mul3A_502 = arith.constant 8 : i32
              %mul3A_503 = arith.muli %scan3A_431, %mul3A_502 : i32
              %add3A_504 = arith.constant 5 : i32
              %add3A_505 = arith.addi %mul3A_503, %add3A_504 : i32
              %mul3A_506 = arith.constant 88 : i32
              %mul3A_507 = arith.muli %add3A_505, %mul3A_506 : i32
              %add3A_508 = vector.broadcast %mul3A_507 : i32 to vector<16xi32>
              %add3A_509 = arith.addi %get3A_340, %add3A_508 : vector<16xi32>
              %gather3A_510 = tpu.vector_load_idx %arg6[%add3A_509] : memref<11280xf32, #tpu.memory_space<vmem>>[vector<16xi32>], vector<16xf32>,
              %mul3A_511 = arith.constant 0 : i32
              %mul3A_512 = vector.broadcast %mul3A_511 : i32 to vector<16xi32>
              %mul3A_513 = arith.muli %iota3A, %mul3A_512 : vector<16xi32>
              %add3A_514 = vector.broadcast %add3A_505 : i32 to vector<16xi32>
              %add3A_515 = arith.addi %add3A_514, %mul3A_513 : vector<16xi32>
              tpu.vector_store_idx %arg13[%add3A_343, %add3A_515], %gather3A_510 : memref<64x64xf32, #tpu.memory_space<vmem>>[vector<16xi32>, vector<16xi32>], vector<16xf32>,
              %mul3A_516 = arith.constant 8 : i32
              %mul3A_517 = arith.muli %scan3A_431, %mul3A_516 : i32
              %add3A_518 = arith.constant 6 : i32
              %add3A_519 = arith.addi %mul3A_517, %add3A_518 : i32
              %mul3A_520 = arith.constant 88 : i32
              %mul3A_521 = arith.muli %add3A_519, %mul3A_520 : i32
              %add3A_522 = vector.broadcast %mul3A_521 : i32 to vector<16xi32>
              %add3A_523 = arith.addi %get3A_340, %add3A_522 : vector<16xi32>
              %gather3A_524 = tpu.vector_load_idx %arg6[%add3A_523] : memref<11280xf32, #tpu.memory_space<vmem>>[vector<16xi32>], vector<16xf32>,
              %mul3A_525 = arith.constant 0 : i32
              %mul3A_526 = vector.broadcast %mul3A_525 : i32 to vector<16xi32>
              %mul3A_527 = arith.muli %iota3A, %mul3A_526 : vector<16xi32>
              %add3A_528 = vector.broadcast %add3A_519 : i32 to vector<16xi32>
              %add3A_529 = arith.addi %add3A_528, %mul3A_527 : vector<16xi32>
              tpu.vector_store_idx %arg13[%add3A_343, %add3A_529], %gather3A_524 : memref<64x64xf32, #tpu.memory_space<vmem>>[vector<16xi32>, vector<16xi32>], vector<16xf32>,
              %mul3A_530 = arith.constant 8 : i32
              %mul3A_531 = arith.muli %scan3A_431, %mul3A_530 : i32
              %add3A_532 = arith.constant 7 : i32
              %add3A_533 = arith.addi %mul3A_531, %add3A_532 : i32
              %mul3A_534 = arith.constant 88 : i32
              %mul3A_535 = arith.muli %add3A_533, %mul3A_534 : i32
              %add3A_536 = vector.broadcast %mul3A_535 : i32 to vector<16xi32>
              %add3A_537 = arith.addi %get3A_340, %add3A_536 : vector<16xi32>
              %gather3A_538 = tpu.vector_load_idx %arg6[%add3A_537] : memref<11280xf32, #tpu.memory_space<vmem>>[vector<16xi32>], vector<16xf32>,
              %mul3A_539 = arith.constant 0 : i32
              %mul3A_540 = vector.broadcast %mul3A_539 : i32 to vector<16xi32>
              %mul3A_541 = arith.muli %iota3A, %mul3A_540 : vector<16xi32>
              %add3A_542 = vector.broadcast %add3A_533 : i32 to vector<16xi32>
              %add3A_543 = arith.addi %add3A_542, %mul3A_541 : vector<16xi32>
              tpu.vector_store_idx %arg13[%add3A_343, %add3A_543], %gather3A_538 : memref<64x64xf32, #tpu.memory_space<vmem>>[vector<16xi32>, vector<16xi32>], vector<16xf32>,
              %scan3A_544 = arith.constant 0 : i32
              scf.yield %scan3A_544 : i32
            }
            %scan3A_350 = arith.constant 8 : i32
            %mul3A_351 = arith.constant 64 : i32
            %mul3A_352 = arith.muli %while3A_301, %mul3A_351 : i32
            %add3A_353 = arith.constant 32 : i32
            %add3A_354 = arith.addi %mul3A_352, %add3A_353 : i32
            %get3A_355 = arith.index_cast %add3A_354 : i32 to index
            %get3A_356 = tpu.vector_load %arg11[%get3A_355] {strides = array<i32>} : memref<240xi32, #tpu.memory_space<vmem>>, vector<16xi32>,
            %add3A_357 = arith.constant 32 : i32
            %add3A_358 = vector.broadcast %add3A_357 : i32 to vector<16xi32>
            %add3A_359 = arith.addi %iota3A, %add3A_358 : vector<16xi32>
            %scan3A_360 = arith.constant 0 : i32
            %scan3A_361 = arith.constant 0 : i32
            %scan3A_362 = arith.constant 8 : i32
            %scan3A_363 = arith.addi %scan3A_361, %scan3A_362 : i32
            %scan3A_364 = arith.constant 1 : i32
            %scan3A_365 = scf.for %scan3A_431 = %scan3A_361 to %scan3A_363 step %scan3A_364 iter_args(%scan3A_432 = %scan3A_360) -> (i32)  : i32 {
              %mul3A_433 = arith.constant 8 : i32
              %mul3A_434 = arith.muli %scan3A_431, %mul3A_433 : i32
              %add3A_435 = arith.constant 0 : i32
              %add3A_436 = arith.addi %mul3A_434, %add3A_435 : i32
              %mul3A_437 = arith.constant 88 : i32
              %mul3A_438 = arith.muli %add3A_436, %mul3A_437 : i32
              %add3A_439 = vector.broadcast %mul3A_438 : i32 to vector<16xi32>
              %add3A_440 = arith.addi %get3A_356, %add3A_439 : vector<16xi32>
              %gather3A = tpu.vector_load_idx %arg6[%add3A_440] : memref<11280xf32, #tpu.memory_space<vmem>>[vector<16xi32>], vector<16xf32>,
              %mul3A_441 = arith.constant 0 : i32
              %mul3A_442 = vector.broadcast %mul3A_441 : i32 to vector<16xi32>
              %mul3A_443 = arith.muli %iota3A, %mul3A_442 : vector<16xi32>
              %add3A_444 = vector.broadcast %add3A_436 : i32 to vector<16xi32>
              %add3A_445 = arith.addi %add3A_444, %mul3A_443 : vector<16xi32>
              tpu.vector_store_idx %arg13[%add3A_359, %add3A_445], %gather3A : memref<64x64xf32, #tpu.memory_space<vmem>>[vector<16xi32>, vector<16xi32>], vector<16xf32>,
              %mul3A_446 = arith.constant 8 : i32
              %mul3A_447 = arith.muli %scan3A_431, %mul3A_446 : i32
              %add3A_448 = arith.constant 1 : i32
              %add3A_449 = arith.addi %mul3A_447, %add3A_448 : i32
              %mul3A_450 = arith.constant 88 : i32
              %mul3A_451 = arith.muli %add3A_449, %mul3A_450 : i32
              %add3A_452 = vector.broadcast %mul3A_451 : i32 to vector<16xi32>
              %add3A_453 = arith.addi %get3A_356, %add3A_452 : vector<16xi32>
              %gather3A_454 = tpu.vector_load_idx %arg6[%add3A_453] : memref<11280xf32, #tpu.memory_space<vmem>>[vector<16xi32>], vector<16xf32>,
              %mul3A_455 = arith.constant 0 : i32
              %mul3A_456 = vector.broadcast %mul3A_455 : i32 to vector<16xi32>
              %mul3A_457 = arith.muli %iota3A, %mul3A_456 : vector<16xi32>
              %add3A_458 = vector.broadcast %add3A_449 : i32 to vector<16xi32>
              %add3A_459 = arith.addi %add3A_458, %mul3A_457 : vector<16xi32>
              tpu.vector_store_idx %arg13[%add3A_359, %add3A_459], %gather3A_454 : memref<64x64xf32, #tpu.memory_space<vmem>>[vector<16xi32>, vector<16xi32>], vector<16xf32>,
              %mul3A_460 = arith.constant 8 : i32
              %mul3A_461 = arith.muli %scan3A_431, %mul3A_460 : i32
              %add3A_462 = arith.constant 2 : i32
              %add3A_463 = arith.addi %mul3A_461, %add3A_462 : i32
              %mul3A_464 = arith.constant 88 : i32
              %mul3A_465 = arith.muli %add3A_463, %mul3A_464 : i32
              %add3A_466 = vector.broadcast %mul3A_465 : i32 to vector<16xi32>
              %add3A_467 = arith.addi %get3A_356, %add3A_466 : vector<16xi32>
              %gather3A_468 = tpu.vector_load_idx %arg6[%add3A_467] : memref<11280xf32, #tpu.memory_space<vmem>>[vector<16xi32>], vector<16xf32>,
              %mul3A_469 = arith.constant 0 : i32
              %mul3A_470 = vector.broadcast %mul3A_469 : i32 to vector<16xi32>
              %mul3A_471 = arith.muli %iota3A, %mul3A_470 : vector<16xi32>
              %add3A_472 = vector.broadcast %add3A_463 : i32 to vector<16xi32>
              %add3A_473 = arith.addi %add3A_472, %mul3A_471 : vector<16xi32>
              tpu.vector_store_idx %arg13[%add3A_359, %add3A_473], %gather3A_468 : memref<64x64xf32, #tpu.memory_space<vmem>>[vector<16xi32>, vector<16xi32>], vector<16xf32>,
              %mul3A_474 = arith.constant 8 : i32
              %mul3A_475 = arith.muli %scan3A_431, %mul3A_474 : i32
              %add3A_476 = arith.constant 3 : i32
              %add3A_477 = arith.addi %mul3A_475, %add3A_476 : i32
              %mul3A_478 = arith.constant 88 : i32
              %mul3A_479 = arith.muli %add3A_477, %mul3A_478 : i32
              %add3A_480 = vector.broadcast %mul3A_479 : i32 to vector<16xi32>
              %add3A_481 = arith.addi %get3A_356, %add3A_480 : vector<16xi32>
              %gather3A_482 = tpu.vector_load_idx %arg6[%add3A_481] : memref<11280xf32, #tpu.memory_space<vmem>>[vector<16xi32>], vector<16xf32>,
              %mul3A_483 = arith.constant 0 : i32
              %mul3A_484 = vector.broadcast %mul3A_483 : i32 to vector<16xi32>
              %mul3A_485 = arith.muli %iota3A, %mul3A_484 : vector<16xi32>
              %add3A_486 = vector.broadcast %add3A_477 : i32 to vector<16xi32>
              %add3A_487 = arith.addi %add3A_486, %mul3A_485 : vector<16xi32>
              tpu.vector_store_idx %arg13[%add3A_359, %add3A_487], %gather3A_482 : memref<64x64xf32, #tpu.memory_space<vmem>>[vector<16xi32>, vector<16xi32>], vector<16xf32>,
              %mul3A_488 = arith.constant 8 : i32
              %mul3A_489 = arith.muli %scan3A_431, %mul3A_488 : i32
              %add3A_490 = arith.constant 4 : i32
              %add3A_491 = arith.addi %mul3A_489, %add3A_490 : i32
              %mul3A_492 = arith.constant 88 : i32
              %mul3A_493 = arith.muli %add3A_491, %mul3A_492 : i32
              %add3A_494 = vector.broadcast %mul3A_493 : i32 to vector<16xi32>
              %add3A_495 = arith.addi %get3A_356, %add3A_494 : vector<16xi32>
              %gather3A_496 = tpu.vector_load_idx %arg6[%add3A_495] : memref<11280xf32, #tpu.memory_space<vmem>>[vector<16xi32>], vector<16xf32>,
              %mul3A_497 = arith.constant 0 : i32
              %mul3A_498 = vector.broadcast %mul3A_497 : i32 to vector<16xi32>
              %mul3A_499 = arith.muli %iota3A, %mul3A_498 : vector<16xi32>
              %add3A_500 = vector.broadcast %add3A_491 : i32 to vector<16xi32>
              %add3A_501 = arith.addi %add3A_500, %mul3A_499 : vector<16xi32>
              tpu.vector_store_idx %arg13[%add3A_359, %add3A_501], %gather3A_496 : memref<64x64xf32, #tpu.memory_space<vmem>>[vector<16xi32>, vector<16xi32>], vector<16xf32>,
              %mul3A_502 = arith.constant 8 : i32
              %mul3A_503 = arith.muli %scan3A_431, %mul3A_502 : i32
              %add3A_504 = arith.constant 5 : i32
              %add3A_505 = arith.addi %mul3A_503, %add3A_504 : i32
              %mul3A_506 = arith.constant 88 : i32
              %mul3A_507 = arith.muli %add3A_505, %mul3A_506 : i32
              %add3A_508 = vector.broadcast %mul3A_507 : i32 to vector<16xi32>
              %add3A_509 = arith.addi %get3A_356, %add3A_508 : vector<16xi32>
              %gather3A_510 = tpu.vector_load_idx %arg6[%add3A_509] : memref<11280xf32, #tpu.memory_space<vmem>>[vector<16xi32>], vector<16xf32>,
              %mul3A_511 = arith.constant 0 : i32
              %mul3A_512 = vector.broadcast %mul3A_511 : i32 to vector<16xi32>
              %mul3A_513 = arith.muli %iota3A, %mul3A_512 : vector<16xi32>
              %add3A_514 = vector.broadcast %add3A_505 : i32 to vector<16xi32>
              %add3A_515 = arith.addi %add3A_514, %mul3A_513 : vector<16xi32>
              tpu.vector_store_idx %arg13[%add3A_359, %add3A_515], %gather3A_510 : memref<64x64xf32, #tpu.memory_space<vmem>>[vector<16xi32>, vector<16xi32>], vector<16xf32>,
              %mul3A_516 = arith.constant 8 : i32
              %mul3A_517 = arith.muli %scan3A_431, %mul3A_516 : i32
              %add3A_518 = arith.constant 6 : i32
              %add3A_519 = arith.addi %mul3A_517, %add3A_518 : i32
              %mul3A_520 = arith.constant 88 : i32
              %mul3A_521 = arith.muli %add3A_519, %mul3A_520 : i32
              %add3A_522 = vector.broadcast %mul3A_521 : i32 to vector<16xi32>
              %add3A_523 = arith.addi %get3A_356, %add3A_522 : vector<16xi32>
              %gather3A_524 = tpu.vector_load_idx %arg6[%add3A_523] : memref<11280xf32, #tpu.memory_space<vmem>>[vector<16xi32>], vector<16xf32>,
              %mul3A_525 = arith.constant 0 : i32
              %mul3A_526 = vector.broadcast %mul3A_525 : i32 to vector<16xi32>
              %mul3A_527 = arith.muli %iota3A, %mul3A_526 : vector<16xi32>
              %add3A_528 = vector.broadcast %add3A_519 : i32 to vector<16xi32>
              %add3A_529 = arith.addi %add3A_528, %mul3A_527 : vector<16xi32>
              tpu.vector_store_idx %arg13[%add3A_359, %add3A_529], %gather3A_524 : memref<64x64xf32, #tpu.memory_space<vmem>>[vector<16xi32>, vector<16xi32>], vector<16xf32>,
              %mul3A_530 = arith.constant 8 : i32
              %mul3A_531 = arith.muli %scan3A_431, %mul3A_530 : i32
              %add3A_532 = arith.constant 7 : i32
              %add3A_533 = arith.addi %mul3A_531, %add3A_532 : i32
              %mul3A_534 = arith.constant 88 : i32
              %mul3A_535 = arith.muli %add3A_533, %mul3A_534 : i32
              %add3A_536 = vector.broadcast %mul3A_535 : i32 to vector<16xi32>
              %add3A_537 = arith.addi %get3A_356, %add3A_536 : vector<16xi32>
              %gather3A_538 = tpu.vector_load_idx %arg6[%add3A_537] : memref<11280xf32, #tpu.memory_space<vmem>>[vector<16xi32>], vector<16xf32>,
              %mul3A_539 = arith.constant 0 : i32
              %mul3A_540 = vector.broadcast %mul3A_539 : i32 to vector<16xi32>
              %mul3A_541 = arith.muli %iota3A, %mul3A_540 : vector<16xi32>
              %add3A_542 = vector.broadcast %add3A_533 : i32 to vector<16xi32>
              %add3A_543 = arith.addi %add3A_542, %mul3A_541 : vector<16xi32>
              tpu.vector_store_idx %arg13[%add3A_359, %add3A_543], %gather3A_538 : memref<64x64xf32, #tpu.memory_space<vmem>>[vector<16xi32>, vector<16xi32>], vector<16xf32>,
              %scan3A_544 = arith.constant 0 : i32
              scf.yield %scan3A_544 : i32
            }
            %scan3A_366 = arith.constant 8 : i32
            %mul3A_367 = arith.constant 64 : i32
            %mul3A_368 = arith.muli %while3A_301, %mul3A_367 : i32
            %add3A_369 = arith.constant 48 : i32
            %add3A_370 = arith.addi %mul3A_368, %add3A_369 : i32
            %get3A_371 = arith.index_cast %add3A_370 : i32 to index
            %get3A_372 = tpu.vector_load %arg11[%get3A_371] {strides = array<i32>} : memref<240xi32, #tpu.memory_space<vmem>>, vector<16xi32>,
            %add3A_373 = arith.constant 48 : i32
            %add3A_374 = vector.broadcast %add3A_373 : i32 to vector<16xi32>
            %add3A_375 = arith.addi %iota3A, %add3A_374 : vector<16xi32>
            %scan3A_376 = arith.constant 0 : i32
            %scan3A_377 = arith.constant 0 : i32
            %scan3A_378 = arith.constant 8 : i32
            %scan3A_379 = arith.addi %scan3A_377, %scan3A_378 : i32
            %scan3A_380 = arith.constant 1 : i32
            %scan3A_381 = scf.for %scan3A_431 = %scan3A_377 to %scan3A_379 step %scan3A_380 iter_args(%scan3A_432 = %scan3A_376) -> (i32)  : i32 {
              %mul3A_433 = arith.constant 8 : i32
              %mul3A_434 = arith.muli %scan3A_431, %mul3A_433 : i32
              %add3A_435 = arith.constant 0 : i32
              %add3A_436 = arith.addi %mul3A_434, %add3A_435 : i32
              %mul3A_437 = arith.constant 88 : i32
              %mul3A_438 = arith.muli %add3A_436, %mul3A_437 : i32
              %add3A_439 = vector.broadcast %mul3A_438 : i32 to vector<16xi32>
              %add3A_440 = arith.addi %get3A_372, %add3A_439 : vector<16xi32>
              %gather3A = tpu.vector_load_idx %arg6[%add3A_440] : memref<11280xf32, #tpu.memory_space<vmem>>[vector<16xi32>], vector<16xf32>,
              %mul3A_441 = arith.constant 0 : i32
              %mul3A_442 = vector.broadcast %mul3A_441 : i32 to vector<16xi32>
              %mul3A_443 = arith.muli %iota3A, %mul3A_442 : vector<16xi32>
              %add3A_444 = vector.broadcast %add3A_436 : i32 to vector<16xi32>
              %add3A_445 = arith.addi %add3A_444, %mul3A_443 : vector<16xi32>
              tpu.vector_store_idx %arg13[%add3A_375, %add3A_445], %gather3A : memref<64x64xf32, #tpu.memory_space<vmem>>[vector<16xi32>, vector<16xi32>], vector<16xf32>,
              %mul3A_446 = arith.constant 8 : i32
              %mul3A_447 = arith.muli %scan3A_431, %mul3A_446 : i32
              %add3A_448 = arith.constant 1 : i32
              %add3A_449 = arith.addi %mul3A_447, %add3A_448 : i32
              %mul3A_450 = arith.constant 88 : i32
              %mul3A_451 = arith.muli %add3A_449, %mul3A_450 : i32
              %add3A_452 = vector.broadcast %mul3A_451 : i32 to vector<16xi32>
              %add3A_453 = arith.addi %get3A_372, %add3A_452 : vector<16xi32>
              %gather3A_454 = tpu.vector_load_idx %arg6[%add3A_453] : memref<11280xf32, #tpu.memory_space<vmem>>[vector<16xi32>], vector<16xf32>,
              %mul3A_455 = arith.constant 0 : i32
              %mul3A_456 = vector.broadcast %mul3A_455 : i32 to vector<16xi32>
              %mul3A_457 = arith.muli %iota3A, %mul3A_456 : vector<16xi32>
              %add3A_458 = vector.broadcast %add3A_449 : i32 to vector<16xi32>
              %add3A_459 = arith.addi %add3A_458, %mul3A_457 : vector<16xi32>
              tpu.vector_store_idx %arg13[%add3A_375, %add3A_459], %gather3A_454 : memref<64x64xf32, #tpu.memory_space<vmem>>[vector<16xi32>, vector<16xi32>], vector<16xf32>,
              %mul3A_460 = arith.constant 8 : i32
              %mul3A_461 = arith.muli %scan3A_431, %mul3A_460 : i32
              %add3A_462 = arith.constant 2 : i32
              %add3A_463 = arith.addi %mul3A_461, %add3A_462 : i32
              %mul3A_464 = arith.constant 88 : i32
              %mul3A_465 = arith.muli %add3A_463, %mul3A_464 : i32
              %add3A_466 = vector.broadcast %mul3A_465 : i32 to vector<16xi32>
              %add3A_467 = arith.addi %get3A_372, %add3A_466 : vector<16xi32>
              %gather3A_468 = tpu.vector_load_idx %arg6[%add3A_467] : memref<11280xf32, #tpu.memory_space<vmem>>[vector<16xi32>], vector<16xf32>,
              %mul3A_469 = arith.constant 0 : i32
              %mul3A_470 = vector.broadcast %mul3A_469 : i32 to vector<16xi32>
              %mul3A_471 = arith.muli %iota3A, %mul3A_470 : vector<16xi32>
              %add3A_472 = vector.broadcast %add3A_463 : i32 to vector<16xi32>
              %add3A_473 = arith.addi %add3A_472, %mul3A_471 : vector<16xi32>
              tpu.vector_store_idx %arg13[%add3A_375, %add3A_473], %gather3A_468 : memref<64x64xf32, #tpu.memory_space<vmem>>[vector<16xi32>, vector<16xi32>], vector<16xf32>,
              %mul3A_474 = arith.constant 8 : i32
              %mul3A_475 = arith.muli %scan3A_431, %mul3A_474 : i32
              %add3A_476 = arith.constant 3 : i32
              %add3A_477 = arith.addi %mul3A_475, %add3A_476 : i32
              %mul3A_478 = arith.constant 88 : i32
              %mul3A_479 = arith.muli %add3A_477, %mul3A_478 : i32
              %add3A_480 = vector.broadcast %mul3A_479 : i32 to vector<16xi32>
              %add3A_481 = arith.addi %get3A_372, %add3A_480 : vector<16xi32>
              %gather3A_482 = tpu.vector_load_idx %arg6[%add3A_481] : memref<11280xf32, #tpu.memory_space<vmem>>[vector<16xi32>], vector<16xf32>,
              %mul3A_483 = arith.constant 0 : i32
              %mul3A_484 = vector.broadcast %mul3A_483 : i32 to vector<16xi32>
              %mul3A_485 = arith.muli %iota3A, %mul3A_484 : vector<16xi32>
              %add3A_486 = vector.broadcast %add3A_477 : i32 to vector<16xi32>
              %add3A_487 = arith.addi %add3A_486, %mul3A_485 : vector<16xi32>
              tpu.vector_store_idx %arg13[%add3A_375, %add3A_487], %gather3A_482 : memref<64x64xf32, #tpu.memory_space<vmem>>[vector<16xi32>, vector<16xi32>], vector<16xf32>,
              %mul3A_488 = arith.constant 8 : i32
              %mul3A_489 = arith.muli %scan3A_431, %mul3A_488 : i32
              %add3A_490 = arith.constant 4 : i32
              %add3A_491 = arith.addi %mul3A_489, %add3A_490 : i32
              %mul3A_492 = arith.constant 88 : i32
              %mul3A_493 = arith.muli %add3A_491, %mul3A_492 : i32
              %add3A_494 = vector.broadcast %mul3A_493 : i32 to vector<16xi32>
              %add3A_495 = arith.addi %get3A_372, %add3A_494 : vector<16xi32>
              %gather3A_496 = tpu.vector_load_idx %arg6[%add3A_495] : memref<11280xf32, #tpu.memory_space<vmem>>[vector<16xi32>], vector<16xf32>,
              %mul3A_497 = arith.constant 0 : i32
              %mul3A_498 = vector.broadcast %mul3A_497 : i32 to vector<16xi32>
              %mul3A_499 = arith.muli %iota3A, %mul3A_498 : vector<16xi32>
              %add3A_500 = vector.broadcast %add3A_491 : i32 to vector<16xi32>
              %add3A_501 = arith.addi %add3A_500, %mul3A_499 : vector<16xi32>
              tpu.vector_store_idx %arg13[%add3A_375, %add3A_501], %gather3A_496 : memref<64x64xf32, #tpu.memory_space<vmem>>[vector<16xi32>, vector<16xi32>], vector<16xf32>,
              %mul3A_502 = arith.constant 8 : i32
              %mul3A_503 = arith.muli %scan3A_431, %mul3A_502 : i32
              %add3A_504 = arith.constant 5 : i32
              %add3A_505 = arith.addi %mul3A_503, %add3A_504 : i32
              %mul3A_506 = arith.constant 88 : i32
              %mul3A_507 = arith.muli %add3A_505, %mul3A_506 : i32
              %add3A_508 = vector.broadcast %mul3A_507 : i32 to vector<16xi32>
              %add3A_509 = arith.addi %get3A_372, %add3A_508 : vector<16xi32>
              %gather3A_510 = tpu.vector_load_idx %arg6[%add3A_509] : memref<11280xf32, #tpu.memory_space<vmem>>[vector<16xi32>], vector<16xf32>,
              %mul3A_511 = arith.constant 0 : i32
              %mul3A_512 = vector.broadcast %mul3A_511 : i32 to vector<16xi32>
              %mul3A_513 = arith.muli %iota3A, %mul3A_512 : vector<16xi32>
              %add3A_514 = vector.broadcast %add3A_505 : i32 to vector<16xi32>
              %add3A_515 = arith.addi %add3A_514, %mul3A_513 : vector<16xi32>
              tpu.vector_store_idx %arg13[%add3A_375, %add3A_515], %gather3A_510 : memref<64x64xf32, #tpu.memory_space<vmem>>[vector<16xi32>, vector<16xi32>], vector<16xf32>,
              %mul3A_516 = arith.constant 8 : i32
              %mul3A_517 = arith.muli %scan3A_431, %mul3A_516 : i32
              %add3A_518 = arith.constant 6 : i32
              %add3A_519 = arith.addi %mul3A_517, %add3A_518 : i32
              %mul3A_520 = arith.constant 88 : i32
              %mul3A_521 = arith.muli %add3A_519, %mul3A_520 : i32
              %add3A_522 = vector.broadcast %mul3A_521 : i32 to vector<16xi32>
              %add3A_523 = arith.addi %get3A_372, %add3A_522 : vector<16xi32>
              %gather3A_524 = tpu.vector_load_idx %arg6[%add3A_523] : memref<11280xf32, #tpu.memory_space<vmem>>[vector<16xi32>], vector<16xf32>,
              %mul3A_525 = arith.constant 0 : i32
              %mul3A_526 = vector.broadcast %mul3A_525 : i32 to vector<16xi32>
              %mul3A_527 = arith.muli %iota3A, %mul3A_526 : vector<16xi32>
              %add3A_528 = vector.broadcast %add3A_519 : i32 to vector<16xi32>
              %add3A_529 = arith.addi %add3A_528, %mul3A_527 : vector<16xi32>
              tpu.vector_store_idx %arg13[%add3A_375, %add3A_529], %gather3A_524 : memref<64x64xf32, #tpu.memory_space<vmem>>[vector<16xi32>, vector<16xi32>], vector<16xf32>,
              %mul3A_530 = arith.constant 8 : i32
              %mul3A_531 = arith.muli %scan3A_431, %mul3A_530 : i32
              %add3A_532 = arith.constant 7 : i32
              %add3A_533 = arith.addi %mul3A_531, %add3A_532 : i32
              %mul3A_534 = arith.constant 88 : i32
              %mul3A_535 = arith.muli %add3A_533, %mul3A_534 : i32
              %add3A_536 = vector.broadcast %mul3A_535 : i32 to vector<16xi32>
              %add3A_537 = arith.addi %get3A_372, %add3A_536 : vector<16xi32>
              %gather3A_538 = tpu.vector_load_idx %arg6[%add3A_537] : memref<11280xf32, #tpu.memory_space<vmem>>[vector<16xi32>], vector<16xf32>,
              %mul3A_539 = arith.constant 0 : i32
              %mul3A_540 = vector.broadcast %mul3A_539 : i32 to vector<16xi32>
              %mul3A_541 = arith.muli %iota3A, %mul3A_540 : vector<16xi32>
              %add3A_542 = vector.broadcast %add3A_533 : i32 to vector<16xi32>
              %add3A_543 = arith.addi %add3A_542, %mul3A_541 : vector<16xi32>
              tpu.vector_store_idx %arg13[%add3A_375, %add3A_543], %gather3A_538 : memref<64x64xf32, #tpu.memory_space<vmem>>[vector<16xi32>, vector<16xi32>], vector<16xf32>,
              %scan3A_544 = arith.constant 0 : i32
              scf.yield %scan3A_544 : i32
            }
            %scan3A_382 = arith.constant 8 : i32
            %mul3A_383 = arith.constant 64 : i32
            %mul3A_384 = arith.muli %while3A_301, %mul3A_383 : i32
            %add3A_385 = arith.constant 0 : i32
            %add3A_386 = arith.addi %mul3A_384, %add3A_385 : i32
            %get3A_387 = arith.index_cast %add3A_386 : i32 to index
            %get3A_388 = tpu.vector_load %arg12[%get3A_387] {strides = array<i32>} : memref<240xi32, #tpu.memory_space<vmem>>, vector<16xi32>,
            %dma_start3A_389 = arith.constant 0 : i32
            %dma_start3A_390 = arith.constant 0 : i32
            %dma_start3A_391 = tpu.memref_slice %arg13[%dma_start3A_389, %dma_start3A_390] : memref<64x64xf32, #tpu.memory_space<vmem>> -> memref<16x64xf32, #tpu.memory_space<vmem>>
            %dma_start3A_392 = arith.constant 0 : i32
            %dma_start3A_393 = arith.constant 0 : i32
            %dma_start3A_394 = tpu.memref_slice %arg18[%dma_start3A_392, %dma_start3A_393] : memref<20096x64xf32, #tpu.memory_space<vmem_shared>> -> memref<20096x64xf32, #tpu.memory_space<vmem_shared>>
            tpu.enqueue_indirect_dma source(%dma_start3A_391 : memref<16x64xf32, #tpu.memory_space<vmem>>) target(%dma_start3A_394 : memref<20096x64xf32, #tpu.memory_space<vmem_shared>>) offsets(%get3A_388 : vector<16xi32>) semaphore(%arg20 : memref<!tpu.dma_semaphore, #tpu.memory_space<semaphore_mem>>) {add = true}
            %mul3A_395 = arith.constant 64 : i32
            %mul3A_396 = arith.muli %while3A_301, %mul3A_395 : i32
            %add3A_397 = arith.constant 16 : i32
            %add3A_398 = arith.addi %mul3A_396, %add3A_397 : i32
            %get3A_399 = arith.index_cast %add3A_398 : i32 to index
            %get3A_400 = tpu.vector_load %arg12[%get3A_399] {strides = array<i32>} : memref<240xi32, #tpu.memory_space<vmem>>, vector<16xi32>,
            %dma_start3A_401 = arith.constant 16 : i32
            %dma_start3A_402 = arith.constant 0 : i32
            %dma_start3A_403 = tpu.memref_slice %arg13[%dma_start3A_401, %dma_start3A_402] : memref<64x64xf32, #tpu.memory_space<vmem>> -> memref<16x64xf32, #tpu.memory_space<vmem>>
            %dma_start3A_404 = arith.constant 0 : i32
            %dma_start3A_405 = arith.constant 0 : i32
            %dma_start3A_406 = tpu.memref_slice %arg18[%dma_start3A_404, %dma_start3A_405] : memref<20096x64xf32, #tpu.memory_space<vmem_shared>> -> memref<20096x64xf32, #tpu.memory_space<vmem_shared>>
            tpu.enqueue_indirect_dma source(%dma_start3A_403 : memref<16x64xf32, #tpu.memory_space<vmem>>) target(%dma_start3A_406 : memref<20096x64xf32, #tpu.memory_space<vmem_shared>>) offsets(%get3A_400 : vector<16xi32>) semaphore(%arg20 : memref<!tpu.dma_semaphore, #tpu.memory_space<semaphore_mem>>) {add = true}
            %mul3A_407 = arith.constant 64 : i32
            %mul3A_408 = arith.muli %while3A_301, %mul3A_407 : i32
            %add3A_409 = arith.constant 32 : i32
            %add3A_410 = arith.addi %mul3A_408, %add3A_409 : i32
            %get3A_411 = arith.index_cast %add3A_410 : i32 to index
            %get3A_412 = tpu.vector_load %arg12[%get3A_411] {strides = array<i32>} : memref<240xi32, #tpu.memory_space<vmem>>, vector<16xi32>,
            %dma_start3A_413 = arith.constant 32 : i32
            %dma_start3A_414 = arith.constant 0 : i32
            %dma_start3A_415 = tpu.memref_slice %arg13[%dma_start3A_413, %dma_start3A_414] : memref<64x64xf32, #tpu.memory_space<vmem>> -> memref<16x64xf32, #tpu.memory_space<vmem>>
            %dma_start3A_416 = arith.constant 0 : i32
            %dma_start3A_417 = arith.constant 0 : i32
            %dma_start3A_418 = tpu.memref_slice %arg18[%dma_start3A_416, %dma_start3A_417] : memref<20096x64xf32, #tpu.memory_space<vmem_shared>> -> memref<20096x64xf32, #tpu.memory_space<vmem_shared>>
            tpu.enqueue_indirect_dma source(%dma_start3A_415 : memref<16x64xf32, #tpu.memory_space<vmem>>) target(%dma_start3A_418 : memref<20096x64xf32, #tpu.memory_space<vmem_shared>>) offsets(%get3A_412 : vector<16xi32>) semaphore(%arg20 : memref<!tpu.dma_semaphore, #tpu.memory_space<semaphore_mem>>) {add = true}
            %mul3A_419 = arith.constant 64 : i32
            %mul3A_420 = arith.muli %while3A_301, %mul3A_419 : i32
            %add3A_421 = arith.constant 48 : i32
            %add3A_422 = arith.addi %mul3A_420, %add3A_421 : i32
            %get3A_423 = arith.index_cast %add3A_422 : i32 to index
            %get3A_424 = tpu.vector_load %arg12[%get3A_423] {strides = array<i32>} : memref<240xi32, #tpu.memory_space<vmem>>, vector<16xi32>,
            %dma_start3A_425 = arith.constant 48 : i32
            %dma_start3A_426 = arith.constant 0 : i32
            %dma_start3A_427 = tpu.memref_slice %arg13[%dma_start3A_425, %dma_start3A_426] : memref<64x64xf32, #tpu.memory_space<vmem>> -> memref<16x64xf32, #tpu.memory_space<vmem>>
            %dma_start3A_428 = arith.constant 0 : i32
            %dma_start3A_429 = arith.constant 0 : i32
            %dma_start3A_430 = tpu.memref_slice %arg18[%dma_start3A_428, %dma_start3A_429] : memref<20096x64xf32, #tpu.memory_space<vmem_shared>> -> memref<20096x64xf32, #tpu.memory_space<vmem_shared>>
            tpu.enqueue_indirect_dma source(%dma_start3A_427 : memref<16x64xf32, #tpu.memory_space<vmem>>) target(%dma_start3A_430 : memref<20096x64xf32, #tpu.memory_space<vmem_shared>>) offsets(%get3A_424 : vector<16xi32>) semaphore(%arg20 : memref<!tpu.dma_semaphore, #tpu.memory_space<semaphore_mem>>) {add = true}
          } else {
          }
          %rem3A_308 = arith.constant 2 : i32
          %rem3A_309 = arith.remsi %while3A_301, %rem3A_308 : i32
          %eq3A_310 = arith.constant 1 : i32
          %eq3A_311 = arith.cmpi eq, %rem3A_309, %eq3A_310 : i32
          %convert_element_type3A_312 = arith.extui %eq3A_311 : i1 to i32
          %cond3A_313 = arith.constant 0 : i32
          %cond3A_314 = arith.cmpi ne, %convert_element_type3A_312, %cond3A_313 : i32
          scf.if %cond3A_314 {
            %ge3A = arith.constant 2 : i32
            %ge3A_316 = arith.cmpi sge, %while3A_301, %ge3A : i32
            %convert_element_type3A_317 = arith.extui %ge3A_316 : i1 to i32
            %cond3A_318 = arith.constant 0 : i32
            %cond3A_319 = arith.cmpi ne, %convert_element_type3A_317, %cond3A_318 : i32
            scf.if %cond3A_319 {
              %dma_wait3A_431 = arith.constant 0 : i32
              %dma_wait3A_432 = arith.constant 0 : i32
              %dma_wait3A_433 = tpu.memref_slice %arg14[%dma_wait3A_431, %dma_wait3A_432] : memref<64x64xf32, #tpu.memory_space<vmem>> -> memref<16x64xf32, #tpu.memory_space<vmem>>
              %dma_wait3A_434 = arith.constant 0 : i32
              %dma_wait3A_435 = arith.constant 0 : i32
              %dma_wait3A_436 = tpu.memref_slice %arg18[%dma_wait3A_434, %dma_wait3A_435] : memref<20096x64xf32, #tpu.memory_space<vmem_shared>> -> memref<16x64xf32, #tpu.memory_space<vmem_shared>>
              %dma_wait3A_437 = arith.constant 0 : i32
              %dma_wait3A_438 = arith.constant 0 : i32
              %dma_wait3A_439 = tpu.memref_slice %arg18[%dma_wait3A_437, %dma_wait3A_438] : memref<20096x64xf32, #tpu.memory_space<vmem_shared>> -> memref<16x64xf32, #tpu.memory_space<vmem_shared>>
              %dma_wait3A_440 = arith.constant 0 : i32
              %dma_wait3A_441 = arith.constant 0 : i32
              %dma_wait3A_442 = tpu.memref_slice %arg14[%dma_wait3A_440, %dma_wait3A_441] : memref<64x64xf32, #tpu.memory_space<vmem>> -> memref<16x64xf32, #tpu.memory_space<vmem>>
              tpu.wait_dma2 semaphore(%arg20 : memref<!tpu.dma_semaphore, #tpu.memory_space<semaphore_mem>>) src(%dma_wait3A_442 : memref<16x64xf32, #tpu.memory_space<vmem>>) dst(%dma_wait3A_439 : memref<16x64xf32, #tpu.memory_space<vmem_shared>>)
              %dma_wait3A_443 = arith.constant 16 : i32
              %dma_wait3A_444 = arith.constant 0 : i32
              %dma_wait3A_445 = tpu.memref_slice %arg14[%dma_wait3A_443, %dma_wait3A_444] : memref<64x64xf32, #tpu.memory_space<vmem>> -> memref<16x64xf32, #tpu.memory_space<vmem>>
              %dma_wait3A_446 = arith.constant 0 : i32
              %dma_wait3A_447 = arith.constant 0 : i32
              %dma_wait3A_448 = tpu.memref_slice %arg18[%dma_wait3A_446, %dma_wait3A_447] : memref<20096x64xf32, #tpu.memory_space<vmem_shared>> -> memref<16x64xf32, #tpu.memory_space<vmem_shared>>
              %dma_wait3A_449 = arith.constant 0 : i32
              %dma_wait3A_450 = arith.constant 0 : i32
              %dma_wait3A_451 = tpu.memref_slice %arg18[%dma_wait3A_449, %dma_wait3A_450] : memref<20096x64xf32, #tpu.memory_space<vmem_shared>> -> memref<16x64xf32, #tpu.memory_space<vmem_shared>>
              %dma_wait3A_452 = arith.constant 16 : i32
              %dma_wait3A_453 = arith.constant 0 : i32
              %dma_wait3A_454 = tpu.memref_slice %arg14[%dma_wait3A_452, %dma_wait3A_453] : memref<64x64xf32, #tpu.memory_space<vmem>> -> memref<16x64xf32, #tpu.memory_space<vmem>>
              tpu.wait_dma2 semaphore(%arg20 : memref<!tpu.dma_semaphore, #tpu.memory_space<semaphore_mem>>) src(%dma_wait3A_454 : memref<16x64xf32, #tpu.memory_space<vmem>>) dst(%dma_wait3A_451 : memref<16x64xf32, #tpu.memory_space<vmem_shared>>)
              %dma_wait3A_455 = arith.constant 32 : i32
              %dma_wait3A_456 = arith.constant 0 : i32
              %dma_wait3A_457 = tpu.memref_slice %arg14[%dma_wait3A_455, %dma_wait3A_456] : memref<64x64xf32, #tpu.memory_space<vmem>> -> memref<16x64xf32, #tpu.memory_space<vmem>>
              %dma_wait3A_458 = arith.constant 0 : i32
              %dma_wait3A_459 = arith.constant 0 : i32
              %dma_wait3A_460 = tpu.memref_slice %arg18[%dma_wait3A_458, %dma_wait3A_459] : memref<20096x64xf32, #tpu.memory_space<vmem_shared>> -> memref<16x64xf32, #tpu.memory_space<vmem_shared>>
              %dma_wait3A_461 = arith.constant 0 : i32
              %dma_wait3A_462 = arith.constant 0 : i32
              %dma_wait3A_463 = tpu.memref_slice %arg18[%dma_wait3A_461, %dma_wait3A_462] : memref<20096x64xf32, #tpu.memory_space<vmem_shared>> -> memref<16x64xf32, #tpu.memory_space<vmem_shared>>
              %dma_wait3A_464 = arith.constant 32 : i32
              %dma_wait3A_465 = arith.constant 0 : i32
              %dma_wait3A_466 = tpu.memref_slice %arg14[%dma_wait3A_464, %dma_wait3A_465] : memref<64x64xf32, #tpu.memory_space<vmem>> -> memref<16x64xf32, #tpu.memory_space<vmem>>
              tpu.wait_dma2 semaphore(%arg20 : memref<!tpu.dma_semaphore, #tpu.memory_space<semaphore_mem>>) src(%dma_wait3A_466 : memref<16x64xf32, #tpu.memory_space<vmem>>) dst(%dma_wait3A_463 : memref<16x64xf32, #tpu.memory_space<vmem_shared>>)
              %dma_wait3A_467 = arith.constant 48 : i32
              %dma_wait3A_468 = arith.constant 0 : i32
              %dma_wait3A_469 = tpu.memref_slice %arg14[%dma_wait3A_467, %dma_wait3A_468] : memref<64x64xf32, #tpu.memory_space<vmem>> -> memref<16x64xf32, #tpu.memory_space<vmem>>
              %dma_wait3A_470 = arith.constant 0 : i32
              %dma_wait3A_471 = arith.constant 0 : i32
              %dma_wait3A_472 = tpu.memref_slice %arg18[%dma_wait3A_470, %dma_wait3A_471] : memref<20096x64xf32, #tpu.memory_space<vmem_shared>> -> memref<16x64xf32, #tpu.memory_space<vmem_shared>>
              %dma_wait3A_473 = arith.constant 0 : i32
              %dma_wait3A_474 = arith.constant 0 : i32
              %dma_wait3A_475 = tpu.memref_slice %arg18[%dma_wait3A_473, %dma_wait3A_474] : memref<20096x64xf32, #tpu.memory_space<vmem_shared>> -> memref<16x64xf32, #tpu.memory_space<vmem_shared>>
              %dma_wait3A_476 = arith.constant 48 : i32
              %dma_wait3A_477 = arith.constant 0 : i32
              %dma_wait3A_478 = tpu.memref_slice %arg14[%dma_wait3A_476, %dma_wait3A_477] : memref<64x64xf32, #tpu.memory_space<vmem>> -> memref<16x64xf32, #tpu.memory_space<vmem>>
              tpu.wait_dma2 semaphore(%arg20 : memref<!tpu.dma_semaphore, #tpu.memory_space<semaphore_mem>>) src(%dma_wait3A_478 : memref<16x64xf32, #tpu.memory_space<vmem>>) dst(%dma_wait3A_475 : memref<16x64xf32, #tpu.memory_space<vmem_shared>>)
            } else {
            }
            %mul3A_320 = arith.constant 64 : i32
            %mul3A_321 = arith.muli %while3A_301, %mul3A_320 : i32
            %add3A_322 = arith.constant 0 : i32
            %add3A_323 = arith.addi %mul3A_321, %add3A_322 : i32
            %get3A = arith.index_cast %add3A_323 : i32 to index
            %get3A_324 = tpu.vector_load %arg11[%get3A] {strides = array<i32>} : memref<240xi32, #tpu.memory_space<vmem>>, vector<16xi32>,
            %add3A_325 = arith.constant 0 : i32
            %add3A_326 = vector.broadcast %add3A_325 : i32 to vector<16xi32>
            %add3A_327 = arith.addi %iota3A, %add3A_326 : vector<16xi32>
            %scan3A_328 = arith.constant 0 : i32
            %scan3A_329 = arith.constant 0 : i32
            %scan3A_330 = arith.constant 8 : i32
            %scan3A_331 = arith.addi %scan3A_329, %scan3A_330 : i32
            %scan3A_332 = arith.constant 1 : i32
            %scan3A_333 = scf.for %scan3A_431 = %scan3A_329 to %scan3A_331 step %scan3A_332 iter_args(%scan3A_432 = %scan3A_328) -> (i32)  : i32 {
              %mul3A_433 = arith.constant 8 : i32
              %mul3A_434 = arith.muli %scan3A_431, %mul3A_433 : i32
              %add3A_435 = arith.constant 0 : i32
              %add3A_436 = arith.addi %mul3A_434, %add3A_435 : i32
              %mul3A_437 = arith.constant 88 : i32
              %mul3A_438 = arith.muli %add3A_436, %mul3A_437 : i32
              %add3A_439 = vector.broadcast %mul3A_438 : i32 to vector<16xi32>
              %add3A_440 = arith.addi %get3A_324, %add3A_439 : vector<16xi32>
              %gather3A = tpu.vector_load_idx %arg6[%add3A_440] : memref<11280xf32, #tpu.memory_space<vmem>>[vector<16xi32>], vector<16xf32>,
              %mul3A_441 = arith.constant 0 : i32
              %mul3A_442 = vector.broadcast %mul3A_441 : i32 to vector<16xi32>
              %mul3A_443 = arith.muli %iota3A, %mul3A_442 : vector<16xi32>
              %add3A_444 = vector.broadcast %add3A_436 : i32 to vector<16xi32>
              %add3A_445 = arith.addi %add3A_444, %mul3A_443 : vector<16xi32>
              tpu.vector_store_idx %arg14[%add3A_327, %add3A_445], %gather3A : memref<64x64xf32, #tpu.memory_space<vmem>>[vector<16xi32>, vector<16xi32>], vector<16xf32>,
              %mul3A_446 = arith.constant 8 : i32
              %mul3A_447 = arith.muli %scan3A_431, %mul3A_446 : i32
              %add3A_448 = arith.constant 1 : i32
              %add3A_449 = arith.addi %mul3A_447, %add3A_448 : i32
              %mul3A_450 = arith.constant 88 : i32
              %mul3A_451 = arith.muli %add3A_449, %mul3A_450 : i32
              %add3A_452 = vector.broadcast %mul3A_451 : i32 to vector<16xi32>
              %add3A_453 = arith.addi %get3A_324, %add3A_452 : vector<16xi32>
              %gather3A_454 = tpu.vector_load_idx %arg6[%add3A_453] : memref<11280xf32, #tpu.memory_space<vmem>>[vector<16xi32>], vector<16xf32>,
              %mul3A_455 = arith.constant 0 : i32
              %mul3A_456 = vector.broadcast %mul3A_455 : i32 to vector<16xi32>
              %mul3A_457 = arith.muli %iota3A, %mul3A_456 : vector<16xi32>
              %add3A_458 = vector.broadcast %add3A_449 : i32 to vector<16xi32>
              %add3A_459 = arith.addi %add3A_458, %mul3A_457 : vector<16xi32>
              tpu.vector_store_idx %arg14[%add3A_327, %add3A_459], %gather3A_454 : memref<64x64xf32, #tpu.memory_space<vmem>>[vector<16xi32>, vector<16xi32>], vector<16xf32>,
              %mul3A_460 = arith.constant 8 : i32
              %mul3A_461 = arith.muli %scan3A_431, %mul3A_460 : i32
              %add3A_462 = arith.constant 2 : i32
              %add3A_463 = arith.addi %mul3A_461, %add3A_462 : i32
              %mul3A_464 = arith.constant 88 : i32
              %mul3A_465 = arith.muli %add3A_463, %mul3A_464 : i32
              %add3A_466 = vector.broadcast %mul3A_465 : i32 to vector<16xi32>
              %add3A_467 = arith.addi %get3A_324, %add3A_466 : vector<16xi32>
              %gather3A_468 = tpu.vector_load_idx %arg6[%add3A_467] : memref<11280xf32, #tpu.memory_space<vmem>>[vector<16xi32>], vector<16xf32>,
              %mul3A_469 = arith.constant 0 : i32
              %mul3A_470 = vector.broadcast %mul3A_469 : i32 to vector<16xi32>
              %mul3A_471 = arith.muli %iota3A, %mul3A_470 : vector<16xi32>
              %add3A_472 = vector.broadcast %add3A_463 : i32 to vector<16xi32>
              %add3A_473 = arith.addi %add3A_472, %mul3A_471 : vector<16xi32>
              tpu.vector_store_idx %arg14[%add3A_327, %add3A_473], %gather3A_468 : memref<64x64xf32, #tpu.memory_space<vmem>>[vector<16xi32>, vector<16xi32>], vector<16xf32>,
              %mul3A_474 = arith.constant 8 : i32
              %mul3A_475 = arith.muli %scan3A_431, %mul3A_474 : i32
              %add3A_476 = arith.constant 3 : i32
              %add3A_477 = arith.addi %mul3A_475, %add3A_476 : i32
              %mul3A_478 = arith.constant 88 : i32
              %mul3A_479 = arith.muli %add3A_477, %mul3A_478 : i32
              %add3A_480 = vector.broadcast %mul3A_479 : i32 to vector<16xi32>
              %add3A_481 = arith.addi %get3A_324, %add3A_480 : vector<16xi32>
              %gather3A_482 = tpu.vector_load_idx %arg6[%add3A_481] : memref<11280xf32, #tpu.memory_space<vmem>>[vector<16xi32>], vector<16xf32>,
              %mul3A_483 = arith.constant 0 : i32
              %mul3A_484 = vector.broadcast %mul3A_483 : i32 to vector<16xi32>
              %mul3A_485 = arith.muli %iota3A, %mul3A_484 : vector<16xi32>
              %add3A_486 = vector.broadcast %add3A_477 : i32 to vector<16xi32>
              %add3A_487 = arith.addi %add3A_486, %mul3A_485 : vector<16xi32>
              tpu.vector_store_idx %arg14[%add3A_327, %add3A_487], %gather3A_482 : memref<64x64xf32, #tpu.memory_space<vmem>>[vector<16xi32>, vector<16xi32>], vector<16xf32>,
              %mul3A_488 = arith.constant 8 : i32
              %mul3A_489 = arith.muli %scan3A_431, %mul3A_488 : i32
              %add3A_490 = arith.constant 4 : i32
              %add3A_491 = arith.addi %mul3A_489, %add3A_490 : i32
              %mul3A_492 = arith.constant 88 : i32
              %mul3A_493 = arith.muli %add3A_491, %mul3A_492 : i32
              %add3A_494 = vector.broadcast %mul3A_493 : i32 to vector<16xi32>
              %add3A_495 = arith.addi %get3A_324, %add3A_494 : vector<16xi32>
              %gather3A_496 = tpu.vector_load_idx %arg6[%add3A_495] : memref<11280xf32, #tpu.memory_space<vmem>>[vector<16xi32>], vector<16xf32>,
              %mul3A_497 = arith.constant 0 : i32
              %mul3A_498 = vector.broadcast %mul3A_497 : i32 to vector<16xi32>
              %mul3A_499 = arith.muli %iota3A, %mul3A_498 : vector<16xi32>
              %add3A_500 = vector.broadcast %add3A_491 : i32 to vector<16xi32>
              %add3A_501 = arith.addi %add3A_500, %mul3A_499 : vector<16xi32>
              tpu.vector_store_idx %arg14[%add3A_327, %add3A_501], %gather3A_496 : memref<64x64xf32, #tpu.memory_space<vmem>>[vector<16xi32>, vector<16xi32>], vector<16xf32>,
              %mul3A_502 = arith.constant 8 : i32
              %mul3A_503 = arith.muli %scan3A_431, %mul3A_502 : i32
              %add3A_504 = arith.constant 5 : i32
              %add3A_505 = arith.addi %mul3A_503, %add3A_504 : i32
              %mul3A_506 = arith.constant 88 : i32
              %mul3A_507 = arith.muli %add3A_505, %mul3A_506 : i32
              %add3A_508 = vector.broadcast %mul3A_507 : i32 to vector<16xi32>
              %add3A_509 = arith.addi %get3A_324, %add3A_508 : vector<16xi32>
              %gather3A_510 = tpu.vector_load_idx %arg6[%add3A_509] : memref<11280xf32, #tpu.memory_space<vmem>>[vector<16xi32>], vector<16xf32>,
              %mul3A_511 = arith.constant 0 : i32
              %mul3A_512 = vector.broadcast %mul3A_511 : i32 to vector<16xi32>
              %mul3A_513 = arith.muli %iota3A, %mul3A_512 : vector<16xi32>
              %add3A_514 = vector.broadcast %add3A_505 : i32 to vector<16xi32>
              %add3A_515 = arith.addi %add3A_514, %mul3A_513 : vector<16xi32>
              tpu.vector_store_idx %arg14[%add3A_327, %add3A_515], %gather3A_510 : memref<64x64xf32, #tpu.memory_space<vmem>>[vector<16xi32>, vector<16xi32>], vector<16xf32>,
              %mul3A_516 = arith.constant 8 : i32
              %mul3A_517 = arith.muli %scan3A_431, %mul3A_516 : i32
              %add3A_518 = arith.constant 6 : i32
              %add3A_519 = arith.addi %mul3A_517, %add3A_518 : i32
              %mul3A_520 = arith.constant 88 : i32
              %mul3A_521 = arith.muli %add3A_519, %mul3A_520 : i32
              %add3A_522 = vector.broadcast %mul3A_521 : i32 to vector<16xi32>
              %add3A_523 = arith.addi %get3A_324, %add3A_522 : vector<16xi32>
              %gather3A_524 = tpu.vector_load_idx %arg6[%add3A_523] : memref<11280xf32, #tpu.memory_space<vmem>>[vector<16xi32>], vector<16xf32>,
              %mul3A_525 = arith.constant 0 : i32
              %mul3A_526 = vector.broadcast %mul3A_525 : i32 to vector<16xi32>
              %mul3A_527 = arith.muli %iota3A, %mul3A_526 : vector<16xi32>
              %add3A_528 = vector.broadcast %add3A_519 : i32 to vector<16xi32>
              %add3A_529 = arith.addi %add3A_528, %mul3A_527 : vector<16xi32>
              tpu.vector_store_idx %arg14[%add3A_327, %add3A_529], %gather3A_524 : memref<64x64xf32, #tpu.memory_space<vmem>>[vector<16xi32>, vector<16xi32>], vector<16xf32>,
              %mul3A_530 = arith.constant 8 : i32
              %mul3A_531 = arith.muli %scan3A_431, %mul3A_530 : i32
              %add3A_532 = arith.constant 7 : i32
              %add3A_533 = arith.addi %mul3A_531, %add3A_532 : i32
              %mul3A_534 = arith.constant 88 : i32
              %mul3A_535 = arith.muli %add3A_533, %mul3A_534 : i32
              %add3A_536 = vector.broadcast %mul3A_535 : i32 to vector<16xi32>
              %add3A_537 = arith.addi %get3A_324, %add3A_536 : vector<16xi32>
              %gather3A_538 = tpu.vector_load_idx %arg6[%add3A_537] : memref<11280xf32, #tpu.memory_space<vmem>>[vector<16xi32>], vector<16xf32>,
              %mul3A_539 = arith.constant 0 : i32
              %mul3A_540 = vector.broadcast %mul3A_539 : i32 to vector<16xi32>
              %mul3A_541 = arith.muli %iota3A, %mul3A_540 : vector<16xi32>
              %add3A_542 = vector.broadcast %add3A_533 : i32 to vector<16xi32>
              %add3A_543 = arith.addi %add3A_542, %mul3A_541 : vector<16xi32>
              tpu.vector_store_idx %arg14[%add3A_327, %add3A_543], %gather3A_538 : memref<64x64xf32, #tpu.memory_space<vmem>>[vector<16xi32>, vector<16xi32>], vector<16xf32>,
              %scan3A_544 = arith.constant 0 : i32
              scf.yield %scan3A_544 : i32
            }
            %scan3A_334 = arith.constant 8 : i32
            %mul3A_335 = arith.constant 64 : i32
            %mul3A_336 = arith.muli %while3A_301, %mul3A_335 : i32
            %add3A_337 = arith.constant 16 : i32
            %add3A_338 = arith.addi %mul3A_336, %add3A_337 : i32
            %get3A_339 = arith.index_cast %add3A_338 : i32 to index
            %get3A_340 = tpu.vector_load %arg11[%get3A_339] {strides = array<i32>} : memref<240xi32, #tpu.memory_space<vmem>>, vector<16xi32>,
            %add3A_341 = arith.constant 16 : i32
            %add3A_342 = vector.broadcast %add3A_341 : i32 to vector<16xi32>
            %add3A_343 = arith.addi %iota3A, %add3A_342 : vector<16xi32>
            %scan3A_344 = arith.constant 0 : i32
            %scan3A_345 = arith.constant 0 : i32
            %scan3A_346 = arith.constant 8 : i32
            %scan3A_347 = arith.addi %scan3A_345, %scan3A_346 : i32
            %scan3A_348 = arith.constant 1 : i32
            %scan3A_349 = scf.for %scan3A_431 = %scan3A_345 to %scan3A_347 step %scan3A_348 iter_args(%scan3A_432 = %scan3A_344) -> (i32)  : i32 {
              %mul3A_433 = arith.constant 8 : i32
              %mul3A_434 = arith.muli %scan3A_431, %mul3A_433 : i32
              %add3A_435 = arith.constant 0 : i32
              %add3A_436 = arith.addi %mul3A_434, %add3A_435 : i32
              %mul3A_437 = arith.constant 88 : i32
              %mul3A_438 = arith.muli %add3A_436, %mul3A_437 : i32
              %add3A_439 = vector.broadcast %mul3A_438 : i32 to vector<16xi32>
              %add3A_440 = arith.addi %get3A_340, %add3A_439 : vector<16xi32>
              %gather3A = tpu.vector_load_idx %arg6[%add3A_440] : memref<11280xf32, #tpu.memory_space<vmem>>[vector<16xi32>], vector<16xf32>,
              %mul3A_441 = arith.constant 0 : i32
              %mul3A_442 = vector.broadcast %mul3A_441 : i32 to vector<16xi32>
              %mul3A_443 = arith.muli %iota3A, %mul3A_442 : vector<16xi32>
              %add3A_444 = vector.broadcast %add3A_436 : i32 to vector<16xi32>
              %add3A_445 = arith.addi %add3A_444, %mul3A_443 : vector<16xi32>
              tpu.vector_store_idx %arg14[%add3A_343, %add3A_445], %gather3A : memref<64x64xf32, #tpu.memory_space<vmem>>[vector<16xi32>, vector<16xi32>], vector<16xf32>,
              %mul3A_446 = arith.constant 8 : i32
              %mul3A_447 = arith.muli %scan3A_431, %mul3A_446 : i32
              %add3A_448 = arith.constant 1 : i32
              %add3A_449 = arith.addi %mul3A_447, %add3A_448 : i32
              %mul3A_450 = arith.constant 88 : i32
              %mul3A_451 = arith.muli %add3A_449, %mul3A_450 : i32
              %add3A_452 = vector.broadcast %mul3A_451 : i32 to vector<16xi32>
              %add3A_453 = arith.addi %get3A_340, %add3A_452 : vector<16xi32>
              %gather3A_454 = tpu.vector_load_idx %arg6[%add3A_453] : memref<11280xf32, #tpu.memory_space<vmem>>[vector<16xi32>], vector<16xf32>,
              %mul3A_455 = arith.constant 0 : i32
              %mul3A_456 = vector.broadcast %mul3A_455 : i32 to vector<16xi32>
              %mul3A_457 = arith.muli %iota3A, %mul3A_456 : vector<16xi32>
              %add3A_458 = vector.broadcast %add3A_449 : i32 to vector<16xi32>
              %add3A_459 = arith.addi %add3A_458, %mul3A_457 : vector<16xi32>
              tpu.vector_store_idx %arg14[%add3A_343, %add3A_459], %gather3A_454 : memref<64x64xf32, #tpu.memory_space<vmem>>[vector<16xi32>, vector<16xi32>], vector<16xf32>,
              %mul3A_460 = arith.constant 8 : i32
              %mul3A_461 = arith.muli %scan3A_431, %mul3A_460 : i32
              %add3A_462 = arith.constant 2 : i32
              %add3A_463 = arith.addi %mul3A_461, %add3A_462 : i32
              %mul3A_464 = arith.constant 88 : i32
              %mul3A_465 = arith.muli %add3A_463, %mul3A_464 : i32
              %add3A_466 = vector.broadcast %mul3A_465 : i32 to vector<16xi32>
              %add3A_467 = arith.addi %get3A_340, %add3A_466 : vector<16xi32>
              %gather3A_468 = tpu.vector_load_idx %arg6[%add3A_467] : memref<11280xf32, #tpu.memory_space<vmem>>[vector<16xi32>], vector<16xf32>,
              %mul3A_469 = arith.constant 0 : i32
              %mul3A_470 = vector.broadcast %mul3A_469 : i32 to vector<16xi32>
              %mul3A_471 = arith.muli %iota3A, %mul3A_470 : vector<16xi32>
              %add3A_472 = vector.broadcast %add3A_463 : i32 to vector<16xi32>
              %add3A_473 = arith.addi %add3A_472, %mul3A_471 : vector<16xi32>
              tpu.vector_store_idx %arg14[%add3A_343, %add3A_473], %gather3A_468 : memref<64x64xf32, #tpu.memory_space<vmem>>[vector<16xi32>, vector<16xi32>], vector<16xf32>,
              %mul3A_474 = arith.constant 8 : i32
              %mul3A_475 = arith.muli %scan3A_431, %mul3A_474 : i32
              %add3A_476 = arith.constant 3 : i32
              %add3A_477 = arith.addi %mul3A_475, %add3A_476 : i32
              %mul3A_478 = arith.constant 88 : i32
              %mul3A_479 = arith.muli %add3A_477, %mul3A_478 : i32
              %add3A_480 = vector.broadcast %mul3A_479 : i32 to vector<16xi32>
              %add3A_481 = arith.addi %get3A_340, %add3A_480 : vector<16xi32>
              %gather3A_482 = tpu.vector_load_idx %arg6[%add3A_481] : memref<11280xf32, #tpu.memory_space<vmem>>[vector<16xi32>], vector<16xf32>,
              %mul3A_483 = arith.constant 0 : i32
              %mul3A_484 = vector.broadcast %mul3A_483 : i32 to vector<16xi32>
              %mul3A_485 = arith.muli %iota3A, %mul3A_484 : vector<16xi32>
              %add3A_486 = vector.broadcast %add3A_477 : i32 to vector<16xi32>
              %add3A_487 = arith.addi %add3A_486, %mul3A_485 : vector<16xi32>
              tpu.vector_store_idx %arg14[%add3A_343, %add3A_487], %gather3A_482 : memref<64x64xf32, #tpu.memory_space<vmem>>[vector<16xi32>, vector<16xi32>], vector<16xf32>,
              %mul3A_488 = arith.constant 8 : i32
              %mul3A_489 = arith.muli %scan3A_431, %mul3A_488 : i32
              %add3A_490 = arith.constant 4 : i32
              %add3A_491 = arith.addi %mul3A_489, %add3A_490 : i32
              %mul3A_492 = arith.constant 88 : i32
              %mul3A_493 = arith.muli %add3A_491, %mul3A_492 : i32
              %add3A_494 = vector.broadcast %mul3A_493 : i32 to vector<16xi32>
              %add3A_495 = arith.addi %get3A_340, %add3A_494 : vector<16xi32>
              %gather3A_496 = tpu.vector_load_idx %arg6[%add3A_495] : memref<11280xf32, #tpu.memory_space<vmem>>[vector<16xi32>], vector<16xf32>,
              %mul3A_497 = arith.constant 0 : i32
              %mul3A_498 = vector.broadcast %mul3A_497 : i32 to vector<16xi32>
              %mul3A_499 = arith.muli %iota3A, %mul3A_498 : vector<16xi32>
              %add3A_500 = vector.broadcast %add3A_491 : i32 to vector<16xi32>
              %add3A_501 = arith.addi %add3A_500, %mul3A_499 : vector<16xi32>
              tpu.vector_store_idx %arg14[%add3A_343, %add3A_501], %gather3A_496 : memref<64x64xf32, #tpu.memory_space<vmem>>[vector<16xi32>, vector<16xi32>], vector<16xf32>,
              %mul3A_502 = arith.constant 8 : i32
              %mul3A_503 = arith.muli %scan3A_431, %mul3A_502 : i32
              %add3A_504 = arith.constant 5 : i32
              %add3A_505 = arith.addi %mul3A_503, %add3A_504 : i32
              %mul3A_506 = arith.constant 88 : i32
              %mul3A_507 = arith.muli %add3A_505, %mul3A_506 : i32
              %add3A_508 = vector.broadcast %mul3A_507 : i32 to vector<16xi32>
              %add3A_509 = arith.addi %get3A_340, %add3A_508 : vector<16xi32>
              %gather3A_510 = tpu.vector_load_idx %arg6[%add3A_509] : memref<11280xf32, #tpu.memory_space<vmem>>[vector<16xi32>], vector<16xf32>,
              %mul3A_511 = arith.constant 0 : i32
              %mul3A_512 = vector.broadcast %mul3A_511 : i32 to vector<16xi32>
              %mul3A_513 = arith.muli %iota3A, %mul3A_512 : vector<16xi32>
              %add3A_514 = vector.broadcast %add3A_505 : i32 to vector<16xi32>
              %add3A_515 = arith.addi %add3A_514, %mul3A_513 : vector<16xi32>
              tpu.vector_store_idx %arg14[%add3A_343, %add3A_515], %gather3A_510 : memref<64x64xf32, #tpu.memory_space<vmem>>[vector<16xi32>, vector<16xi32>], vector<16xf32>,
              %mul3A_516 = arith.constant 8 : i32
              %mul3A_517 = arith.muli %scan3A_431, %mul3A_516 : i32
              %add3A_518 = arith.constant 6 : i32
              %add3A_519 = arith.addi %mul3A_517, %add3A_518 : i32
              %mul3A_520 = arith.constant 88 : i32
              %mul3A_521 = arith.muli %add3A_519, %mul3A_520 : i32
              %add3A_522 = vector.broadcast %mul3A_521 : i32 to vector<16xi32>
              %add3A_523 = arith.addi %get3A_340, %add3A_522 : vector<16xi32>
              %gather3A_524 = tpu.vector_load_idx %arg6[%add3A_523] : memref<11280xf32, #tpu.memory_space<vmem>>[vector<16xi32>], vector<16xf32>,
              %mul3A_525 = arith.constant 0 : i32
              %mul3A_526 = vector.broadcast %mul3A_525 : i32 to vector<16xi32>
              %mul3A_527 = arith.muli %iota3A, %mul3A_526 : vector<16xi32>
              %add3A_528 = vector.broadcast %add3A_519 : i32 to vector<16xi32>
              %add3A_529 = arith.addi %add3A_528, %mul3A_527 : vector<16xi32>
              tpu.vector_store_idx %arg14[%add3A_343, %add3A_529], %gather3A_524 : memref<64x64xf32, #tpu.memory_space<vmem>>[vector<16xi32>, vector<16xi32>], vector<16xf32>,
              %mul3A_530 = arith.constant 8 : i32
              %mul3A_531 = arith.muli %scan3A_431, %mul3A_530 : i32
              %add3A_532 = arith.constant 7 : i32
              %add3A_533 = arith.addi %mul3A_531, %add3A_532 : i32
              %mul3A_534 = arith.constant 88 : i32
              %mul3A_535 = arith.muli %add3A_533, %mul3A_534 : i32
              %add3A_536 = vector.broadcast %mul3A_535 : i32 to vector<16xi32>
              %add3A_537 = arith.addi %get3A_340, %add3A_536 : vector<16xi32>
              %gather3A_538 = tpu.vector_load_idx %arg6[%add3A_537] : memref<11280xf32, #tpu.memory_space<vmem>>[vector<16xi32>], vector<16xf32>,
              %mul3A_539 = arith.constant 0 : i32
              %mul3A_540 = vector.broadcast %mul3A_539 : i32 to vector<16xi32>
              %mul3A_541 = arith.muli %iota3A, %mul3A_540 : vector<16xi32>
              %add3A_542 = vector.broadcast %add3A_533 : i32 to vector<16xi32>
              %add3A_543 = arith.addi %add3A_542, %mul3A_541 : vector<16xi32>
              tpu.vector_store_idx %arg14[%add3A_343, %add3A_543], %gather3A_538 : memref<64x64xf32, #tpu.memory_space<vmem>>[vector<16xi32>, vector<16xi32>], vector<16xf32>,
              %scan3A_544 = arith.constant 0 : i32
              scf.yield %scan3A_544 : i32
            }
            %scan3A_350 = arith.constant 8 : i32
            %mul3A_351 = arith.constant 64 : i32
            %mul3A_352 = arith.muli %while3A_301, %mul3A_351 : i32
            %add3A_353 = arith.constant 32 : i32
            %add3A_354 = arith.addi %mul3A_352, %add3A_353 : i32
            %get3A_355 = arith.index_cast %add3A_354 : i32 to index
            %get3A_356 = tpu.vector_load %arg11[%get3A_355] {strides = array<i32>} : memref<240xi32, #tpu.memory_space<vmem>>, vector<16xi32>,
            %add3A_357 = arith.constant 32 : i32
            %add3A_358 = vector.broadcast %add3A_357 : i32 to vector<16xi32>
            %add3A_359 = arith.addi %iota3A, %add3A_358 : vector<16xi32>
            %scan3A_360 = arith.constant 0 : i32
            %scan3A_361 = arith.constant 0 : i32
            %scan3A_362 = arith.constant 8 : i32
            %scan3A_363 = arith.addi %scan3A_361, %scan3A_362 : i32
            %scan3A_364 = arith.constant 1 : i32
            %scan3A_365 = scf.for %scan3A_431 = %scan3A_361 to %scan3A_363 step %scan3A_364 iter_args(%scan3A_432 = %scan3A_360) -> (i32)  : i32 {
              %mul3A_433 = arith.constant 8 : i32
              %mul3A_434 = arith.muli %scan3A_431, %mul3A_433 : i32
              %add3A_435 = arith.constant 0 : i32
              %add3A_436 = arith.addi %mul3A_434, %add3A_435 : i32
              %mul3A_437 = arith.constant 88 : i32
              %mul3A_438 = arith.muli %add3A_436, %mul3A_437 : i32
              %add3A_439 = vector.broadcast %mul3A_438 : i32 to vector<16xi32>
              %add3A_440 = arith.addi %get3A_356, %add3A_439 : vector<16xi32>
              %gather3A = tpu.vector_load_idx %arg6[%add3A_440] : memref<11280xf32, #tpu.memory_space<vmem>>[vector<16xi32>], vector<16xf32>,
              %mul3A_441 = arith.constant 0 : i32
              %mul3A_442 = vector.broadcast %mul3A_441 : i32 to vector<16xi32>
              %mul3A_443 = arith.muli %iota3A, %mul3A_442 : vector<16xi32>
              %add3A_444 = vector.broadcast %add3A_436 : i32 to vector<16xi32>
              %add3A_445 = arith.addi %add3A_444, %mul3A_443 : vector<16xi32>
              tpu.vector_store_idx %arg14[%add3A_359, %add3A_445], %gather3A : memref<64x64xf32, #tpu.memory_space<vmem>>[vector<16xi32>, vector<16xi32>], vector<16xf32>,
              %mul3A_446 = arith.constant 8 : i32
              %mul3A_447 = arith.muli %scan3A_431, %mul3A_446 : i32
              %add3A_448 = arith.constant 1 : i32
              %add3A_449 = arith.addi %mul3A_447, %add3A_448 : i32
              %mul3A_450 = arith.constant 88 : i32
              %mul3A_451 = arith.muli %add3A_449, %mul3A_450 : i32
              %add3A_452 = vector.broadcast %mul3A_451 : i32 to vector<16xi32>
              %add3A_453 = arith.addi %get3A_356, %add3A_452 : vector<16xi32>
              %gather3A_454 = tpu.vector_load_idx %arg6[%add3A_453] : memref<11280xf32, #tpu.memory_space<vmem>>[vector<16xi32>], vector<16xf32>,
              %mul3A_455 = arith.constant 0 : i32
              %mul3A_456 = vector.broadcast %mul3A_455 : i32 to vector<16xi32>
              %mul3A_457 = arith.muli %iota3A, %mul3A_456 : vector<16xi32>
              %add3A_458 = vector.broadcast %add3A_449 : i32 to vector<16xi32>
              %add3A_459 = arith.addi %add3A_458, %mul3A_457 : vector<16xi32>
              tpu.vector_store_idx %arg14[%add3A_359, %add3A_459], %gather3A_454 : memref<64x64xf32, #tpu.memory_space<vmem>>[vector<16xi32>, vector<16xi32>], vector<16xf32>,
              %mul3A_460 = arith.constant 8 : i32
              %mul3A_461 = arith.muli %scan3A_431, %mul3A_460 : i32
              %add3A_462 = arith.constant 2 : i32
              %add3A_463 = arith.addi %mul3A_461, %add3A_462 : i32
              %mul3A_464 = arith.constant 88 : i32
              %mul3A_465 = arith.muli %add3A_463, %mul3A_464 : i32
              %add3A_466 = vector.broadcast %mul3A_465 : i32 to vector<16xi32>
              %add3A_467 = arith.addi %get3A_356, %add3A_466 : vector<16xi32>
              %gather3A_468 = tpu.vector_load_idx %arg6[%add3A_467] : memref<11280xf32, #tpu.memory_space<vmem>>[vector<16xi32>], vector<16xf32>,
              %mul3A_469 = arith.constant 0 : i32
              %mul3A_470 = vector.broadcast %mul3A_469 : i32 to vector<16xi32>
              %mul3A_471 = arith.muli %iota3A, %mul3A_470 : vector<16xi32>
              %add3A_472 = vector.broadcast %add3A_463 : i32 to vector<16xi32>
              %add3A_473 = arith.addi %add3A_472, %mul3A_471 : vector<16xi32>
              tpu.vector_store_idx %arg14[%add3A_359, %add3A_473], %gather3A_468 : memref<64x64xf32, #tpu.memory_space<vmem>>[vector<16xi32>, vector<16xi32>], vector<16xf32>,
              %mul3A_474 = arith.constant 8 : i32
              %mul3A_475 = arith.muli %scan3A_431, %mul3A_474 : i32
              %add3A_476 = arith.constant 3 : i32
              %add3A_477 = arith.addi %mul3A_475, %add3A_476 : i32
              %mul3A_478 = arith.constant 88 : i32
              %mul3A_479 = arith.muli %add3A_477, %mul3A_478 : i32
              %add3A_480 = vector.broadcast %mul3A_479 : i32 to vector<16xi32>
              %add3A_481 = arith.addi %get3A_356, %add3A_480 : vector<16xi32>
              %gather3A_482 = tpu.vector_load_idx %arg6[%add3A_481] : memref<11280xf32, #tpu.memory_space<vmem>>[vector<16xi32>], vector<16xf32>,
              %mul3A_483 = arith.constant 0 : i32
              %mul3A_484 = vector.broadcast %mul3A_483 : i32 to vector<16xi32>
              %mul3A_485 = arith.muli %iota3A, %mul3A_484 : vector<16xi32>
              %add3A_486 = vector.broadcast %add3A_477 : i32 to vector<16xi32>
              %add3A_487 = arith.addi %add3A_486, %mul3A_485 : vector<16xi32>
              tpu.vector_store_idx %arg14[%add3A_359, %add3A_487], %gather3A_482 : memref<64x64xf32, #tpu.memory_space<vmem>>[vector<16xi32>, vector<16xi32>], vector<16xf32>,
              %mul3A_488 = arith.constant 8 : i32
              %mul3A_489 = arith.muli %scan3A_431, %mul3A_488 : i32
              %add3A_490 = arith.constant 4 : i32
              %add3A_491 = arith.addi %mul3A_489, %add3A_490 : i32
              %mul3A_492 = arith.constant 88 : i32
              %mul3A_493 = arith.muli %add3A_491, %mul3A_492 : i32
              %add3A_494 = vector.broadcast %mul3A_493 : i32 to vector<16xi32>
              %add3A_495 = arith.addi %get3A_356, %add3A_494 : vector<16xi32>
              %gather3A_496 = tpu.vector_load_idx %arg6[%add3A_495] : memref<11280xf32, #tpu.memory_space<vmem>>[vector<16xi32>], vector<16xf32>,
              %mul3A_497 = arith.constant 0 : i32
              %mul3A_498 = vector.broadcast %mul3A_497 : i32 to vector<16xi32>
              %mul3A_499 = arith.muli %iota3A, %mul3A_498 : vector<16xi32>
              %add3A_500 = vector.broadcast %add3A_491 : i32 to vector<16xi32>
              %add3A_501 = arith.addi %add3A_500, %mul3A_499 : vector<16xi32>
              tpu.vector_store_idx %arg14[%add3A_359, %add3A_501], %gather3A_496 : memref<64x64xf32, #tpu.memory_space<vmem>>[vector<16xi32>, vector<16xi32>], vector<16xf32>,
              %mul3A_502 = arith.constant 8 : i32
              %mul3A_503 = arith.muli %scan3A_431, %mul3A_502 : i32
              %add3A_504 = arith.constant 5 : i32
              %add3A_505 = arith.addi %mul3A_503, %add3A_504 : i32
              %mul3A_506 = arith.constant 88 : i32
              %mul3A_507 = arith.muli %add3A_505, %mul3A_506 : i32
              %add3A_508 = vector.broadcast %mul3A_507 : i32 to vector<16xi32>
              %add3A_509 = arith.addi %get3A_356, %add3A_508 : vector<16xi32>
              %gather3A_510 = tpu.vector_load_idx %arg6[%add3A_509] : memref<11280xf32, #tpu.memory_space<vmem>>[vector<16xi32>], vector<16xf32>,
              %mul3A_511 = arith.constant 0 : i32
              %mul3A_512 = vector.broadcast %mul3A_511 : i32 to vector<16xi32>
              %mul3A_513 = arith.muli %iota3A, %mul3A_512 : vector<16xi32>
              %add3A_514 = vector.broadcast %add3A_505 : i32 to vector<16xi32>
              %add3A_515 = arith.addi %add3A_514, %mul3A_513 : vector<16xi32>
              tpu.vector_store_idx %arg14[%add3A_359, %add3A_515], %gather3A_510 : memref<64x64xf32, #tpu.memory_space<vmem>>[vector<16xi32>, vector<16xi32>], vector<16xf32>,
              %mul3A_516 = arith.constant 8 : i32
              %mul3A_517 = arith.muli %scan3A_431, %mul3A_516 : i32
              %add3A_518 = arith.constant 6 : i32
              %add3A_519 = arith.addi %mul3A_517, %add3A_518 : i32
              %mul3A_520 = arith.constant 88 : i32
              %mul3A_521 = arith.muli %add3A_519, %mul3A_520 : i32
              %add3A_522 = vector.broadcast %mul3A_521 : i32 to vector<16xi32>
              %add3A_523 = arith.addi %get3A_356, %add3A_522 : vector<16xi32>
              %gather3A_524 = tpu.vector_load_idx %arg6[%add3A_523] : memref<11280xf32, #tpu.memory_space<vmem>>[vector<16xi32>], vector<16xf32>,
              %mul3A_525 = arith.constant 0 : i32
              %mul3A_526 = vector.broadcast %mul3A_525 : i32 to vector<16xi32>
              %mul3A_527 = arith.muli %iota3A, %mul3A_526 : vector<16xi32>
              %add3A_528 = vector.broadcast %add3A_519 : i32 to vector<16xi32>
              %add3A_529 = arith.addi %add3A_528, %mul3A_527 : vector<16xi32>
              tpu.vector_store_idx %arg14[%add3A_359, %add3A_529], %gather3A_524 : memref<64x64xf32, #tpu.memory_space<vmem>>[vector<16xi32>, vector<16xi32>], vector<16xf32>,
              %mul3A_530 = arith.constant 8 : i32
              %mul3A_531 = arith.muli %scan3A_431, %mul3A_530 : i32
              %add3A_532 = arith.constant 7 : i32
              %add3A_533 = arith.addi %mul3A_531, %add3A_532 : i32
              %mul3A_534 = arith.constant 88 : i32
              %mul3A_535 = arith.muli %add3A_533, %mul3A_534 : i32
              %add3A_536 = vector.broadcast %mul3A_535 : i32 to vector<16xi32>
              %add3A_537 = arith.addi %get3A_356, %add3A_536 : vector<16xi32>
              %gather3A_538 = tpu.vector_load_idx %arg6[%add3A_537] : memref<11280xf32, #tpu.memory_space<vmem>>[vector<16xi32>], vector<16xf32>,
              %mul3A_539 = arith.constant 0 : i32
              %mul3A_540 = vector.broadcast %mul3A_539 : i32 to vector<16xi32>
              %mul3A_541 = arith.muli %iota3A, %mul3A_540 : vector<16xi32>
              %add3A_542 = vector.broadcast %add3A_533 : i32 to vector<16xi32>
              %add3A_543 = arith.addi %add3A_542, %mul3A_541 : vector<16xi32>
              tpu.vector_store_idx %arg14[%add3A_359, %add3A_543], %gather3A_538 : memref<64x64xf32, #tpu.memory_space<vmem>>[vector<16xi32>, vector<16xi32>], vector<16xf32>,
              %scan3A_544 = arith.constant 0 : i32
              scf.yield %scan3A_544 : i32
            }
            %scan3A_366 = arith.constant 8 : i32
            %mul3A_367 = arith.constant 64 : i32
            %mul3A_368 = arith.muli %while3A_301, %mul3A_367 : i32
            %add3A_369 = arith.constant 48 : i32
            %add3A_370 = arith.addi %mul3A_368, %add3A_369 : i32
            %get3A_371 = arith.index_cast %add3A_370 : i32 to index
            %get3A_372 = tpu.vector_load %arg11[%get3A_371] {strides = array<i32>} : memref<240xi32, #tpu.memory_space<vmem>>, vector<16xi32>,
            %add3A_373 = arith.constant 48 : i32
            %add3A_374 = vector.broadcast %add3A_373 : i32 to vector<16xi32>
            %add3A_375 = arith.addi %iota3A, %add3A_374 : vector<16xi32>
            %scan3A_376 = arith.constant 0 : i32
            %scan3A_377 = arith.constant 0 : i32
            %scan3A_378 = arith.constant 8 : i32
            %scan3A_379 = arith.addi %scan3A_377, %scan3A_378 : i32
            %scan3A_380 = arith.constant 1 : i32
            %scan3A_381 = scf.for %scan3A_431 = %scan3A_377 to %scan3A_379 step %scan3A_380 iter_args(%scan3A_432 = %scan3A_376) -> (i32)  : i32 {
              %mul3A_433 = arith.constant 8 : i32
              %mul3A_434 = arith.muli %scan3A_431, %mul3A_433 : i32
              %add3A_435 = arith.constant 0 : i32
              %add3A_436 = arith.addi %mul3A_434, %add3A_435 : i32
              %mul3A_437 = arith.constant 88 : i32
              %mul3A_438 = arith.muli %add3A_436, %mul3A_437 : i32
              %add3A_439 = vector.broadcast %mul3A_438 : i32 to vector<16xi32>
              %add3A_440 = arith.addi %get3A_372, %add3A_439 : vector<16xi32>
              %gather3A = tpu.vector_load_idx %arg6[%add3A_440] : memref<11280xf32, #tpu.memory_space<vmem>>[vector<16xi32>], vector<16xf32>,
              %mul3A_441 = arith.constant 0 : i32
              %mul3A_442 = vector.broadcast %mul3A_441 : i32 to vector<16xi32>
              %mul3A_443 = arith.muli %iota3A, %mul3A_442 : vector<16xi32>
              %add3A_444 = vector.broadcast %add3A_436 : i32 to vector<16xi32>
              %add3A_445 = arith.addi %add3A_444, %mul3A_443 : vector<16xi32>
              tpu.vector_store_idx %arg14[%add3A_375, %add3A_445], %gather3A : memref<64x64xf32, #tpu.memory_space<vmem>>[vector<16xi32>, vector<16xi32>], vector<16xf32>,
              %mul3A_446 = arith.constant 8 : i32
              %mul3A_447 = arith.muli %scan3A_431, %mul3A_446 : i32
              %add3A_448 = arith.constant 1 : i32
              %add3A_449 = arith.addi %mul3A_447, %add3A_448 : i32
              %mul3A_450 = arith.constant 88 : i32
              %mul3A_451 = arith.muli %add3A_449, %mul3A_450 : i32
              %add3A_452 = vector.broadcast %mul3A_451 : i32 to vector<16xi32>
              %add3A_453 = arith.addi %get3A_372, %add3A_452 : vector<16xi32>
              %gather3A_454 = tpu.vector_load_idx %arg6[%add3A_453] : memref<11280xf32, #tpu.memory_space<vmem>>[vector<16xi32>], vector<16xf32>,
              %mul3A_455 = arith.constant 0 : i32
              %mul3A_456 = vector.broadcast %mul3A_455 : i32 to vector<16xi32>
              %mul3A_457 = arith.muli %iota3A, %mul3A_456 : vector<16xi32>
              %add3A_458 = vector.broadcast %add3A_449 : i32 to vector<16xi32>
              %add3A_459 = arith.addi %add3A_458, %mul3A_457 : vector<16xi32>
              tpu.vector_store_idx %arg14[%add3A_375, %add3A_459], %gather3A_454 : memref<64x64xf32, #tpu.memory_space<vmem>>[vector<16xi32>, vector<16xi32>], vector<16xf32>,
              %mul3A_460 = arith.constant 8 : i32
              %mul3A_461 = arith.muli %scan3A_431, %mul3A_460 : i32
              %add3A_462 = arith.constant 2 : i32
              %add3A_463 = arith.addi %mul3A_461, %add3A_462 : i32
              %mul3A_464 = arith.constant 88 : i32
              %mul3A_465 = arith.muli %add3A_463, %mul3A_464 : i32
              %add3A_466 = vector.broadcast %mul3A_465 : i32 to vector<16xi32>
              %add3A_467 = arith.addi %get3A_372, %add3A_466 : vector<16xi32>
              %gather3A_468 = tpu.vector_load_idx %arg6[%add3A_467] : memref<11280xf32, #tpu.memory_space<vmem>>[vector<16xi32>], vector<16xf32>,
              %mul3A_469 = arith.constant 0 : i32
              %mul3A_470 = vector.broadcast %mul3A_469 : i32 to vector<16xi32>
              %mul3A_471 = arith.muli %iota3A, %mul3A_470 : vector<16xi32>
              %add3A_472 = vector.broadcast %add3A_463 : i32 to vector<16xi32>
              %add3A_473 = arith.addi %add3A_472, %mul3A_471 : vector<16xi32>
              tpu.vector_store_idx %arg14[%add3A_375, %add3A_473], %gather3A_468 : memref<64x64xf32, #tpu.memory_space<vmem>>[vector<16xi32>, vector<16xi32>], vector<16xf32>,
              %mul3A_474 = arith.constant 8 : i32
              %mul3A_475 = arith.muli %scan3A_431, %mul3A_474 : i32
              %add3A_476 = arith.constant 3 : i32
              %add3A_477 = arith.addi %mul3A_475, %add3A_476 : i32
              %mul3A_478 = arith.constant 88 : i32
              %mul3A_479 = arith.muli %add3A_477, %mul3A_478 : i32
              %add3A_480 = vector.broadcast %mul3A_479 : i32 to vector<16xi32>
              %add3A_481 = arith.addi %get3A_372, %add3A_480 : vector<16xi32>
              %gather3A_482 = tpu.vector_load_idx %arg6[%add3A_481] : memref<11280xf32, #tpu.memory_space<vmem>>[vector<16xi32>], vector<16xf32>,
              %mul3A_483 = arith.constant 0 : i32
              %mul3A_484 = vector.broadcast %mul3A_483 : i32 to vector<16xi32>
              %mul3A_485 = arith.muli %iota3A, %mul3A_484 : vector<16xi32>
              %add3A_486 = vector.broadcast %add3A_477 : i32 to vector<16xi32>
              %add3A_487 = arith.addi %add3A_486, %mul3A_485 : vector<16xi32>
              tpu.vector_store_idx %arg14[%add3A_375, %add3A_487], %gather3A_482 : memref<64x64xf32, #tpu.memory_space<vmem>>[vector<16xi32>, vector<16xi32>], vector<16xf32>,
              %mul3A_488 = arith.constant 8 : i32
              %mul3A_489 = arith.muli %scan3A_431, %mul3A_488 : i32
              %add3A_490 = arith.constant 4 : i32
              %add3A_491 = arith.addi %mul3A_489, %add3A_490 : i32
              %mul3A_492 = arith.constant 88 : i32
              %mul3A_493 = arith.muli %add3A_491, %mul3A_492 : i32
              %add3A_494 = vector.broadcast %mul3A_493 : i32 to vector<16xi32>
              %add3A_495 = arith.addi %get3A_372, %add3A_494 : vector<16xi32>
              %gather3A_496 = tpu.vector_load_idx %arg6[%add3A_495] : memref<11280xf32, #tpu.memory_space<vmem>>[vector<16xi32>], vector<16xf32>,
              %mul3A_497 = arith.constant 0 : i32
              %mul3A_498 = vector.broadcast %mul3A_497 : i32 to vector<16xi32>
              %mul3A_499 = arith.muli %iota3A, %mul3A_498 : vector<16xi32>
              %add3A_500 = vector.broadcast %add3A_491 : i32 to vector<16xi32>
              %add3A_501 = arith.addi %add3A_500, %mul3A_499 : vector<16xi32>
              tpu.vector_store_idx %arg14[%add3A_375, %add3A_501], %gather3A_496 : memref<64x64xf32, #tpu.memory_space<vmem>>[vector<16xi32>, vector<16xi32>], vector<16xf32>,
              %mul3A_502 = arith.constant 8 : i32
              %mul3A_503 = arith.muli %scan3A_431, %mul3A_502 : i32
              %add3A_504 = arith.constant 5 : i32
              %add3A_505 = arith.addi %mul3A_503, %add3A_504 : i32
              %mul3A_506 = arith.constant 88 : i32
              %mul3A_507 = arith.muli %add3A_505, %mul3A_506 : i32
              %add3A_508 = vector.broadcast %mul3A_507 : i32 to vector<16xi32>
              %add3A_509 = arith.addi %get3A_372, %add3A_508 : vector<16xi32>
              %gather3A_510 = tpu.vector_load_idx %arg6[%add3A_509] : memref<11280xf32, #tpu.memory_space<vmem>>[vector<16xi32>], vector<16xf32>,
              %mul3A_511 = arith.constant 0 : i32
              %mul3A_512 = vector.broadcast %mul3A_511 : i32 to vector<16xi32>
              %mul3A_513 = arith.muli %iota3A, %mul3A_512 : vector<16xi32>
              %add3A_514 = vector.broadcast %add3A_505 : i32 to vector<16xi32>
              %add3A_515 = arith.addi %add3A_514, %mul3A_513 : vector<16xi32>
              tpu.vector_store_idx %arg14[%add3A_375, %add3A_515], %gather3A_510 : memref<64x64xf32, #tpu.memory_space<vmem>>[vector<16xi32>, vector<16xi32>], vector<16xf32>,
              %mul3A_516 = arith.constant 8 : i32
              %mul3A_517 = arith.muli %scan3A_431, %mul3A_516 : i32
              %add3A_518 = arith.constant 6 : i32
              %add3A_519 = arith.addi %mul3A_517, %add3A_518 : i32
              %mul3A_520 = arith.constant 88 : i32
              %mul3A_521 = arith.muli %add3A_519, %mul3A_520 : i32
              %add3A_522 = vector.broadcast %mul3A_521 : i32 to vector<16xi32>
              %add3A_523 = arith.addi %get3A_372, %add3A_522 : vector<16xi32>
              %gather3A_524 = tpu.vector_load_idx %arg6[%add3A_523] : memref<11280xf32, #tpu.memory_space<vmem>>[vector<16xi32>], vector<16xf32>,
              %mul3A_525 = arith.constant 0 : i32
              %mul3A_526 = vector.broadcast %mul3A_525 : i32 to vector<16xi32>
              %mul3A_527 = arith.muli %iota3A, %mul3A_526 : vector<16xi32>
              %add3A_528 = vector.broadcast %add3A_519 : i32 to vector<16xi32>
              %add3A_529 = arith.addi %add3A_528, %mul3A_527 : vector<16xi32>
              tpu.vector_store_idx %arg14[%add3A_375, %add3A_529], %gather3A_524 : memref<64x64xf32, #tpu.memory_space<vmem>>[vector<16xi32>, vector<16xi32>], vector<16xf32>,
              %mul3A_530 = arith.constant 8 : i32
              %mul3A_531 = arith.muli %scan3A_431, %mul3A_530 : i32
              %add3A_532 = arith.constant 7 : i32
              %add3A_533 = arith.addi %mul3A_531, %add3A_532 : i32
              %mul3A_534 = arith.constant 88 : i32
              %mul3A_535 = arith.muli %add3A_533, %mul3A_534 : i32
              %add3A_536 = vector.broadcast %mul3A_535 : i32 to vector<16xi32>
              %add3A_537 = arith.addi %get3A_372, %add3A_536 : vector<16xi32>
              %gather3A_538 = tpu.vector_load_idx %arg6[%add3A_537] : memref<11280xf32, #tpu.memory_space<vmem>>[vector<16xi32>], vector<16xf32>,
              %mul3A_539 = arith.constant 0 : i32
              %mul3A_540 = vector.broadcast %mul3A_539 : i32 to vector<16xi32>
              %mul3A_541 = arith.muli %iota3A, %mul3A_540 : vector<16xi32>
              %add3A_542 = vector.broadcast %add3A_533 : i32 to vector<16xi32>
              %add3A_543 = arith.addi %add3A_542, %mul3A_541 : vector<16xi32>
              tpu.vector_store_idx %arg14[%add3A_375, %add3A_543], %gather3A_538 : memref<64x64xf32, #tpu.memory_space<vmem>>[vector<16xi32>, vector<16xi32>], vector<16xf32>,
              %scan3A_544 = arith.constant 0 : i32
              scf.yield %scan3A_544 : i32
            }
            %scan3A_382 = arith.constant 8 : i32
            %mul3A_383 = arith.constant 64 : i32
            %mul3A_384 = arith.muli %while3A_301, %mul3A_383 : i32
            %add3A_385 = arith.constant 0 : i32
            %add3A_386 = arith.addi %mul3A_384, %add3A_385 : i32
            %get3A_387 = arith.index_cast %add3A_386 : i32 to index
            %get3A_388 = tpu.vector_load %arg12[%get3A_387] {strides = array<i32>} : memref<240xi32, #tpu.memory_space<vmem>>, vector<16xi32>,
            %dma_start3A_389 = arith.constant 0 : i32
            %dma_start3A_390 = arith.constant 0 : i32
            %dma_start3A_391 = tpu.memref_slice %arg14[%dma_start3A_389, %dma_start3A_390] : memref<64x64xf32, #tpu.memory_space<vmem>> -> memref<16x64xf32, #tpu.memory_space<vmem>>
            %dma_start3A_392 = arith.constant 0 : i32
            %dma_start3A_393 = arith.constant 0 : i32
            %dma_start3A_394 = tpu.memref_slice %arg18[%dma_start3A_392, %dma_start3A_393] : memref<20096x64xf32, #tpu.memory_space<vmem_shared>> -> memref<20096x64xf32, #tpu.memory_space<vmem_shared>>
            tpu.enqueue_indirect_dma source(%dma_start3A_391 : memref<16x64xf32, #tpu.memory_space<vmem>>) target(%dma_start3A_394 : memref<20096x64xf32, #tpu.memory_space<vmem_shared>>) offsets(%get3A_388 : vector<16xi32>) semaphore(%arg20 : memref<!tpu.dma_semaphore, #tpu.memory_space<semaphore_mem>>) {add = true}
            %mul3A_395 = arith.constant 64 : i32
            %mul3A_396 = arith.muli %while3A_301, %mul3A_395 : i32
            %add3A_397 = arith.constant 16 : i32
            %add3A_398 = arith.addi %mul3A_396, %add3A_397 : i32
            %get3A_399 = arith.index_cast %add3A_398 : i32 to index
            %get3A_400 = tpu.vector_load %arg12[%get3A_399] {strides = array<i32>} : memref<240xi32, #tpu.memory_space<vmem>>, vector<16xi32>,
            %dma_start3A_401 = arith.constant 16 : i32
            %dma_start3A_402 = arith.constant 0 : i32
            %dma_start3A_403 = tpu.memref_slice %arg14[%dma_start3A_401, %dma_start3A_402] : memref<64x64xf32, #tpu.memory_space<vmem>> -> memref<16x64xf32, #tpu.memory_space<vmem>>
            %dma_start3A_404 = arith.constant 0 : i32
            %dma_start3A_405 = arith.constant 0 : i32
            %dma_start3A_406 = tpu.memref_slice %arg18[%dma_start3A_404, %dma_start3A_405] : memref<20096x64xf32, #tpu.memory_space<vmem_shared>> -> memref<20096x64xf32, #tpu.memory_space<vmem_shared>>
            tpu.enqueue_indirect_dma source(%dma_start3A_403 : memref<16x64xf32, #tpu.memory_space<vmem>>) target(%dma_start3A_406 : memref<20096x64xf32, #tpu.memory_space<vmem_shared>>) offsets(%get3A_400 : vector<16xi32>) semaphore(%arg20 : memref<!tpu.dma_semaphore, #tpu.memory_space<semaphore_mem>>) {add = true}
            %mul3A_407 = arith.constant 64 : i32
            %mul3A_408 = arith.muli %while3A_301, %mul3A_407 : i32
            %add3A_409 = arith.constant 32 : i32
            %add3A_410 = arith.addi %mul3A_408, %add3A_409 : i32
            %get3A_411 = arith.index_cast %add3A_410 : i32 to index
            %get3A_412 = tpu.vector_load %arg12[%get3A_411] {strides = array<i32>} : memref<240xi32, #tpu.memory_space<vmem>>, vector<16xi32>,
            %dma_start3A_413 = arith.constant 32 : i32
            %dma_start3A_414 = arith.constant 0 : i32
            %dma_start3A_415 = tpu.memref_slice %arg14[%dma_start3A_413, %dma_start3A_414] : memref<64x64xf32, #tpu.memory_space<vmem>> -> memref<16x64xf32, #tpu.memory_space<vmem>>
            %dma_start3A_416 = arith.constant 0 : i32
            %dma_start3A_417 = arith.constant 0 : i32
            %dma_start3A_418 = tpu.memref_slice %arg18[%dma_start3A_416, %dma_start3A_417] : memref<20096x64xf32, #tpu.memory_space<vmem_shared>> -> memref<20096x64xf32, #tpu.memory_space<vmem_shared>>
            tpu.enqueue_indirect_dma source(%dma_start3A_415 : memref<16x64xf32, #tpu.memory_space<vmem>>) target(%dma_start3A_418 : memref<20096x64xf32, #tpu.memory_space<vmem_shared>>) offsets(%get3A_412 : vector<16xi32>) semaphore(%arg20 : memref<!tpu.dma_semaphore, #tpu.memory_space<semaphore_mem>>) {add = true}
            %mul3A_419 = arith.constant 64 : i32
            %mul3A_420 = arith.muli %while3A_301, %mul3A_419 : i32
            %add3A_421 = arith.constant 48 : i32
            %add3A_422 = arith.addi %mul3A_420, %add3A_421 : i32
            %get3A_423 = arith.index_cast %add3A_422 : i32 to index
            %get3A_424 = tpu.vector_load %arg12[%get3A_423] {strides = array<i32>} : memref<240xi32, #tpu.memory_space<vmem>>, vector<16xi32>,
            %dma_start3A_425 = arith.constant 48 : i32
            %dma_start3A_426 = arith.constant 0 : i32
            %dma_start3A_427 = tpu.memref_slice %arg14[%dma_start3A_425, %dma_start3A_426] : memref<64x64xf32, #tpu.memory_space<vmem>> -> memref<16x64xf32, #tpu.memory_space<vmem>>
            %dma_start3A_428 = arith.constant 0 : i32
            %dma_start3A_429 = arith.constant 0 : i32
            %dma_start3A_430 = tpu.memref_slice %arg18[%dma_start3A_428, %dma_start3A_429] : memref<20096x64xf32, #tpu.memory_space<vmem_shared>> -> memref<20096x64xf32, #tpu.memory_space<vmem_shared>>
            tpu.enqueue_indirect_dma source(%dma_start3A_427 : memref<16x64xf32, #tpu.memory_space<vmem>>) target(%dma_start3A_430 : memref<20096x64xf32, #tpu.memory_space<vmem_shared>>) offsets(%get3A_424 : vector<16xi32>) semaphore(%arg20 : memref<!tpu.dma_semaphore, #tpu.memory_space<semaphore_mem>>) {add = true}
          } else {
          }
          %while3A_315 = arith.constant 0 : i32
          scf.yield %while3A_315 : i32
        }
        %sub3A_286 = arith.constant 2 : i32
        %sub3A_287 = arith.subi %select_n3A_268, %sub3A_286 : i32
        %max3A = arith.constant 0 : i32
        %max3A_288 = arith.maxsi %sub3A_287, %max3A : i32
        %while3A_289 = arith.constant 0 : i32
        %while3A_290 = arith.subi %select_n3A_268, %max3A_288 : i32
        %while3A_291 = arith.addi %max3A_288, %while3A_290 : i32
        %while3A_292 = arith.constant 1 : i32
        %while3A_293 = arith.divsi %while3A_290, %while3A_292 : i32
        %while3A_294 = arith.muli %while3A_293, %while3A_292 : i32
        %while3A_295 = arith.addi %max3A_288, %while3A_294 : i32
        %while3A_296 = arith.constant 1 : i32
        %while3A_297 = scf.for %while3A_301 = %max3A_288 to %while3A_295 step %while3A_296 iter_args(%while3A_302 = %while3A_289) -> (i32)  : i32 {
          %rem3A_303 = arith.constant 2 : i32
          %rem3A_304 = arith.remsi %while3A_301, %rem3A_303 : i32
          %eq3A_305 = arith.constant 0 : i32
          %eq3A_306 = arith.cmpi eq, %rem3A_304, %eq3A_305 : i32
          %convert_element_type3A = arith.extui %eq3A_306 : i1 to i32
          %cond3A = arith.constant 0 : i32
          %cond3A_307 = arith.cmpi ne, %convert_element_type3A, %cond3A : i32
          scf.if %cond3A_307 {
            %dma_wait3A_316 = arith.constant 0 : i32
            %dma_wait3A_317 = arith.constant 0 : i32
            %dma_wait3A_318 = tpu.memref_slice %arg13[%dma_wait3A_316, %dma_wait3A_317] : memref<64x64xf32, #tpu.memory_space<vmem>> -> memref<16x64xf32, #tpu.memory_space<vmem>>
            %dma_wait3A_319 = arith.constant 0 : i32
            %dma_wait3A_320 = arith.constant 0 : i32
            %dma_wait3A_321 = tpu.memref_slice %arg18[%dma_wait3A_319, %dma_wait3A_320] : memref<20096x64xf32, #tpu.memory_space<vmem_shared>> -> memref<16x64xf32, #tpu.memory_space<vmem_shared>>
            %dma_wait3A_322 = arith.constant 0 : i32
            %dma_wait3A_323 = arith.constant 0 : i32
            %dma_wait3A_324 = tpu.memref_slice %arg18[%dma_wait3A_322, %dma_wait3A_323] : memref<20096x64xf32, #tpu.memory_space<vmem_shared>> -> memref<16x64xf32, #tpu.memory_space<vmem_shared>>
            %dma_wait3A_325 = arith.constant 0 : i32
            %dma_wait3A_326 = arith.constant 0 : i32
            %dma_wait3A_327 = tpu.memref_slice %arg13[%dma_wait3A_325, %dma_wait3A_326] : memref<64x64xf32, #tpu.memory_space<vmem>> -> memref<16x64xf32, #tpu.memory_space<vmem>>
            tpu.wait_dma2 semaphore(%arg20 : memref<!tpu.dma_semaphore, #tpu.memory_space<semaphore_mem>>) src(%dma_wait3A_327 : memref<16x64xf32, #tpu.memory_space<vmem>>) dst(%dma_wait3A_324 : memref<16x64xf32, #tpu.memory_space<vmem_shared>>)
            %dma_wait3A_328 = arith.constant 16 : i32
            %dma_wait3A_329 = arith.constant 0 : i32
            %dma_wait3A_330 = tpu.memref_slice %arg13[%dma_wait3A_328, %dma_wait3A_329] : memref<64x64xf32, #tpu.memory_space<vmem>> -> memref<16x64xf32, #tpu.memory_space<vmem>>
            %dma_wait3A_331 = arith.constant 0 : i32
            %dma_wait3A_332 = arith.constant 0 : i32
            %dma_wait3A_333 = tpu.memref_slice %arg18[%dma_wait3A_331, %dma_wait3A_332] : memref<20096x64xf32, #tpu.memory_space<vmem_shared>> -> memref<16x64xf32, #tpu.memory_space<vmem_shared>>
            %dma_wait3A_334 = arith.constant 0 : i32
            %dma_wait3A_335 = arith.constant 0 : i32
            %dma_wait3A_336 = tpu.memref_slice %arg18[%dma_wait3A_334, %dma_wait3A_335] : memref<20096x64xf32, #tpu.memory_space<vmem_shared>> -> memref<16x64xf32, #tpu.memory_space<vmem_shared>>
            %dma_wait3A_337 = arith.constant 16 : i32
            %dma_wait3A_338 = arith.constant 0 : i32
            %dma_wait3A_339 = tpu.memref_slice %arg13[%dma_wait3A_337, %dma_wait3A_338] : memref<64x64xf32, #tpu.memory_space<vmem>> -> memref<16x64xf32, #tpu.memory_space<vmem>>
            tpu.wait_dma2 semaphore(%arg20 : memref<!tpu.dma_semaphore, #tpu.memory_space<semaphore_mem>>) src(%dma_wait3A_339 : memref<16x64xf32, #tpu.memory_space<vmem>>) dst(%dma_wait3A_336 : memref<16x64xf32, #tpu.memory_space<vmem_shared>>)
            %dma_wait3A_340 = arith.constant 32 : i32
            %dma_wait3A_341 = arith.constant 0 : i32
            %dma_wait3A_342 = tpu.memref_slice %arg13[%dma_wait3A_340, %dma_wait3A_341] : memref<64x64xf32, #tpu.memory_space<vmem>> -> memref<16x64xf32, #tpu.memory_space<vmem>>
            %dma_wait3A_343 = arith.constant 0 : i32
            %dma_wait3A_344 = arith.constant 0 : i32
            %dma_wait3A_345 = tpu.memref_slice %arg18[%dma_wait3A_343, %dma_wait3A_344] : memref<20096x64xf32, #tpu.memory_space<vmem_shared>> -> memref<16x64xf32, #tpu.memory_space<vmem_shared>>
            %dma_wait3A_346 = arith.constant 0 : i32
            %dma_wait3A_347 = arith.constant 0 : i32
            %dma_wait3A_348 = tpu.memref_slice %arg18[%dma_wait3A_346, %dma_wait3A_347] : memref<20096x64xf32, #tpu.memory_space<vmem_shared>> -> memref<16x64xf32, #tpu.memory_space<vmem_shared>>
            %dma_wait3A_349 = arith.constant 32 : i32
            %dma_wait3A_350 = arith.constant 0 : i32
            %dma_wait3A_351 = tpu.memref_slice %arg13[%dma_wait3A_349, %dma_wait3A_350] : memref<64x64xf32, #tpu.memory_space<vmem>> -> memref<16x64xf32, #tpu.memory_space<vmem>>
            tpu.wait_dma2 semaphore(%arg20 : memref<!tpu.dma_semaphore, #tpu.memory_space<semaphore_mem>>) src(%dma_wait3A_351 : memref<16x64xf32, #tpu.memory_space<vmem>>) dst(%dma_wait3A_348 : memref<16x64xf32, #tpu.memory_space<vmem_shared>>)
            %dma_wait3A_352 = arith.constant 48 : i32
            %dma_wait3A_353 = arith.constant 0 : i32
            %dma_wait3A_354 = tpu.memref_slice %arg13[%dma_wait3A_352, %dma_wait3A_353] : memref<64x64xf32, #tpu.memory_space<vmem>> -> memref<16x64xf32, #tpu.memory_space<vmem>>
            %dma_wait3A_355 = arith.constant 0 : i32
            %dma_wait3A_356 = arith.constant 0 : i32
            %dma_wait3A_357 = tpu.memref_slice %arg18[%dma_wait3A_355, %dma_wait3A_356] : memref<20096x64xf32, #tpu.memory_space<vmem_shared>> -> memref<16x64xf32, #tpu.memory_space<vmem_shared>>
            %dma_wait3A_358 = arith.constant 0 : i32
            %dma_wait3A_359 = arith.constant 0 : i32
            %dma_wait3A_360 = tpu.memref_slice %arg18[%dma_wait3A_358, %dma_wait3A_359] : memref<20096x64xf32, #tpu.memory_space<vmem_shared>> -> memref<16x64xf32, #tpu.memory_space<vmem_shared>>
            %dma_wait3A_361 = arith.constant 48 : i32
            %dma_wait3A_362 = arith.constant 0 : i32
            %dma_wait3A_363 = tpu.memref_slice %arg13[%dma_wait3A_361, %dma_wait3A_362] : memref<64x64xf32, #tpu.memory_space<vmem>> -> memref<16x64xf32, #tpu.memory_space<vmem>>
            tpu.wait_dma2 semaphore(%arg20 : memref<!tpu.dma_semaphore, #tpu.memory_space<semaphore_mem>>) src(%dma_wait3A_363 : memref<16x64xf32, #tpu.memory_space<vmem>>) dst(%dma_wait3A_360 : memref<16x64xf32, #tpu.memory_space<vmem_shared>>)
          } else {
          }
          %rem3A_308 = arith.constant 2 : i32
          %rem3A_309 = arith.remsi %while3A_301, %rem3A_308 : i32
          %eq3A_310 = arith.constant 1 : i32
          %eq3A_311 = arith.cmpi eq, %rem3A_309, %eq3A_310 : i32
          %convert_element_type3A_312 = arith.extui %eq3A_311 : i1 to i32
          %cond3A_313 = arith.constant 0 : i32
          %cond3A_314 = arith.cmpi ne, %convert_element_type3A_312, %cond3A_313 : i32
          scf.if %cond3A_314 {
            %dma_wait3A_316 = arith.constant 0 : i32
            %dma_wait3A_317 = arith.constant 0 : i32
            %dma_wait3A_318 = tpu.memref_slice %arg14[%dma_wait3A_316, %dma_wait3A_317] : memref<64x64xf32, #tpu.memory_space<vmem>> -> memref<16x64xf32, #tpu.memory_space<vmem>>
            %dma_wait3A_319 = arith.constant 0 : i32
            %dma_wait3A_320 = arith.constant 0 : i32
            %dma_wait3A_321 = tpu.memref_slice %arg18[%dma_wait3A_319, %dma_wait3A_320] : memref<20096x64xf32, #tpu.memory_space<vmem_shared>> -> memref<16x64xf32, #tpu.memory_space<vmem_shared>>
            %dma_wait3A_322 = arith.constant 0 : i32
            %dma_wait3A_323 = arith.constant 0 : i32
            %dma_wait3A_324 = tpu.memref_slice %arg18[%dma_wait3A_322, %dma_wait3A_323] : memref<20096x64xf32, #tpu.memory_space<vmem_shared>> -> memref<16x64xf32, #tpu.memory_space<vmem_shared>>
            %dma_wait3A_325 = arith.constant 0 : i32
            %dma_wait3A_326 = arith.constant 0 : i32
            %dma_wait3A_327 = tpu.memref_slice %arg14[%dma_wait3A_325, %dma_wait3A_326] : memref<64x64xf32, #tpu.memory_space<vmem>> -> memref<16x64xf32, #tpu.memory_space<vmem>>
            tpu.wait_dma2 semaphore(%arg20 : memref<!tpu.dma_semaphore, #tpu.memory_space<semaphore_mem>>) src(%dma_wait3A_327 : memref<16x64xf32, #tpu.memory_space<vmem>>) dst(%dma_wait3A_324 : memref<16x64xf32, #tpu.memory_space<vmem_shared>>)
            %dma_wait3A_328 = arith.constant 16 : i32
            %dma_wait3A_329 = arith.constant 0 : i32
            %dma_wait3A_330 = tpu.memref_slice %arg14[%dma_wait3A_328, %dma_wait3A_329] : memref<64x64xf32, #tpu.memory_space<vmem>> -> memref<16x64xf32, #tpu.memory_space<vmem>>
            %dma_wait3A_331 = arith.constant 0 : i32
            %dma_wait3A_332 = arith.constant 0 : i32
            %dma_wait3A_333 = tpu.memref_slice %arg18[%dma_wait3A_331, %dma_wait3A_332] : memref<20096x64xf32, #tpu.memory_space<vmem_shared>> -> memref<16x64xf32, #tpu.memory_space<vmem_shared>>
            %dma_wait3A_334 = arith.constant 0 : i32
            %dma_wait3A_335 = arith.constant 0 : i32
            %dma_wait3A_336 = tpu.memref_slice %arg18[%dma_wait3A_334, %dma_wait3A_335] : memref<20096x64xf32, #tpu.memory_space<vmem_shared>> -> memref<16x64xf32, #tpu.memory_space<vmem_shared>>
            %dma_wait3A_337 = arith.constant 16 : i32
            %dma_wait3A_338 = arith.constant 0 : i32
            %dma_wait3A_339 = tpu.memref_slice %arg14[%dma_wait3A_337, %dma_wait3A_338] : memref<64x64xf32, #tpu.memory_space<vmem>> -> memref<16x64xf32, #tpu.memory_space<vmem>>
            tpu.wait_dma2 semaphore(%arg20 : memref<!tpu.dma_semaphore, #tpu.memory_space<semaphore_mem>>) src(%dma_wait3A_339 : memref<16x64xf32, #tpu.memory_space<vmem>>) dst(%dma_wait3A_336 : memref<16x64xf32, #tpu.memory_space<vmem_shared>>)
            %dma_wait3A_340 = arith.constant 32 : i32
            %dma_wait3A_341 = arith.constant 0 : i32
            %dma_wait3A_342 = tpu.memref_slice %arg14[%dma_wait3A_340, %dma_wait3A_341] : memref<64x64xf32, #tpu.memory_space<vmem>> -> memref<16x64xf32, #tpu.memory_space<vmem>>
            %dma_wait3A_343 = arith.constant 0 : i32
            %dma_wait3A_344 = arith.constant 0 : i32
            %dma_wait3A_345 = tpu.memref_slice %arg18[%dma_wait3A_343, %dma_wait3A_344] : memref<20096x64xf32, #tpu.memory_space<vmem_shared>> -> memref<16x64xf32, #tpu.memory_space<vmem_shared>>
            %dma_wait3A_346 = arith.constant 0 : i32
            %dma_wait3A_347 = arith.constant 0 : i32
            %dma_wait3A_348 = tpu.memref_slice %arg18[%dma_wait3A_346, %dma_wait3A_347] : memref<20096x64xf32, #tpu.memory_space<vmem_shared>> -> memref<16x64xf32, #tpu.memory_space<vmem_shared>>
            %dma_wait3A_349 = arith.constant 32 : i32
            %dma_wait3A_350 = arith.constant 0 : i32
            %dma_wait3A_351 = tpu.memref_slice %arg14[%dma_wait3A_349, %dma_wait3A_350] : memref<64x64xf32, #tpu.memory_space<vmem>> -> memref<16x64xf32, #tpu.memory_space<vmem>>
            tpu.wait_dma2 semaphore(%arg20 : memref<!tpu.dma_semaphore, #tpu.memory_space<semaphore_mem>>) src(%dma_wait3A_351 : memref<16x64xf32, #tpu.memory_space<vmem>>) dst(%dma_wait3A_348 : memref<16x64xf32, #tpu.memory_space<vmem_shared>>)
            %dma_wait3A_352 = arith.constant 48 : i32
            %dma_wait3A_353 = arith.constant 0 : i32
            %dma_wait3A_354 = tpu.memref_slice %arg14[%dma_wait3A_352, %dma_wait3A_353] : memref<64x64xf32, #tpu.memory_space<vmem>> -> memref<16x64xf32, #tpu.memory_space<vmem>>
            %dma_wait3A_355 = arith.constant 0 : i32
            %dma_wait3A_356 = arith.constant 0 : i32
            %dma_wait3A_357 = tpu.memref_slice %arg18[%dma_wait3A_355, %dma_wait3A_356] : memref<20096x64xf32, #tpu.memory_space<vmem_shared>> -> memref<16x64xf32, #tpu.memory_space<vmem_shared>>
            %dma_wait3A_358 = arith.constant 0 : i32
            %dma_wait3A_359 = arith.constant 0 : i32
            %dma_wait3A_360 = tpu.memref_slice %arg18[%dma_wait3A_358, %dma_wait3A_359] : memref<20096x64xf32, #tpu.memory_space<vmem_shared>> -> memref<16x64xf32, #tpu.memory_space<vmem_shared>>
            %dma_wait3A_361 = arith.constant 48 : i32
            %dma_wait3A_362 = arith.constant 0 : i32
            %dma_wait3A_363 = tpu.memref_slice %arg14[%dma_wait3A_361, %dma_wait3A_362] : memref<64x64xf32, #tpu.memory_space<vmem>> -> memref<16x64xf32, #tpu.memory_space<vmem>>
            tpu.wait_dma2 semaphore(%arg20 : memref<!tpu.dma_semaphore, #tpu.memory_space<semaphore_mem>>) src(%dma_wait3A_363 : memref<16x64xf32, #tpu.memory_space<vmem>>) dst(%dma_wait3A_360 : memref<16x64xf32, #tpu.memory_space<vmem_shared>>)
          } else {
          }
          %while3A_315 = arith.constant 0 : i32
          scf.yield %while3A_315 : i32
        }
        %while3A_298 = arith.constant 1 : i32
        %while3A_299 = scf.for %while3A_301 = %while3A_295 to %while3A_291 step %while3A_298 iter_args(%while3A_302 = %while3A_297) -> (i32)  : i32 {
          %rem3A_303 = arith.constant 2 : i32
          %rem3A_304 = arith.remsi %while3A_301, %rem3A_303 : i32
          %eq3A_305 = arith.constant 0 : i32
          %eq3A_306 = arith.cmpi eq, %rem3A_304, %eq3A_305 : i32
          %convert_element_type3A = arith.extui %eq3A_306 : i1 to i32
          %cond3A = arith.constant 0 : i32
          %cond3A_307 = arith.cmpi ne, %convert_element_type3A, %cond3A : i32
          scf.if %cond3A_307 {
            %dma_wait3A_316 = arith.constant 0 : i32
            %dma_wait3A_317 = arith.constant 0 : i32
            %dma_wait3A_318 = tpu.memref_slice %arg13[%dma_wait3A_316, %dma_wait3A_317] : memref<64x64xf32, #tpu.memory_space<vmem>> -> memref<16x64xf32, #tpu.memory_space<vmem>>
            %dma_wait3A_319 = arith.constant 0 : i32
            %dma_wait3A_320 = arith.constant 0 : i32
            %dma_wait3A_321 = tpu.memref_slice %arg18[%dma_wait3A_319, %dma_wait3A_320] : memref<20096x64xf32, #tpu.memory_space<vmem_shared>> -> memref<16x64xf32, #tpu.memory_space<vmem_shared>>
            %dma_wait3A_322 = arith.constant 0 : i32
            %dma_wait3A_323 = arith.constant 0 : i32
            %dma_wait3A_324 = tpu.memref_slice %arg18[%dma_wait3A_322, %dma_wait3A_323] : memref<20096x64xf32, #tpu.memory_space<vmem_shared>> -> memref<16x64xf32, #tpu.memory_space<vmem_shared>>
            %dma_wait3A_325 = arith.constant 0 : i32
            %dma_wait3A_326 = arith.constant 0 : i32
            %dma_wait3A_327 = tpu.memref_slice %arg13[%dma_wait3A_325, %dma_wait3A_326] : memref<64x64xf32, #tpu.memory_space<vmem>> -> memref<16x64xf32, #tpu.memory_space<vmem>>
            tpu.wait_dma2 semaphore(%arg20 : memref<!tpu.dma_semaphore, #tpu.memory_space<semaphore_mem>>) src(%dma_wait3A_327 : memref<16x64xf32, #tpu.memory_space<vmem>>) dst(%dma_wait3A_324 : memref<16x64xf32, #tpu.memory_space<vmem_shared>>)
            %dma_wait3A_328 = arith.constant 16 : i32
            %dma_wait3A_329 = arith.constant 0 : i32
            %dma_wait3A_330 = tpu.memref_slice %arg13[%dma_wait3A_328, %dma_wait3A_329] : memref<64x64xf32, #tpu.memory_space<vmem>> -> memref<16x64xf32, #tpu.memory_space<vmem>>
            %dma_wait3A_331 = arith.constant 0 : i32
            %dma_wait3A_332 = arith.constant 0 : i32
            %dma_wait3A_333 = tpu.memref_slice %arg18[%dma_wait3A_331, %dma_wait3A_332] : memref<20096x64xf32, #tpu.memory_space<vmem_shared>> -> memref<16x64xf32, #tpu.memory_space<vmem_shared>>
            %dma_wait3A_334 = arith.constant 0 : i32
            %dma_wait3A_335 = arith.constant 0 : i32
            %dma_wait3A_336 = tpu.memref_slice %arg18[%dma_wait3A_334, %dma_wait3A_335] : memref<20096x64xf32, #tpu.memory_space<vmem_shared>> -> memref<16x64xf32, #tpu.memory_space<vmem_shared>>
            %dma_wait3A_337 = arith.constant 16 : i32
            %dma_wait3A_338 = arith.constant 0 : i32
            %dma_wait3A_339 = tpu.memref_slice %arg13[%dma_wait3A_337, %dma_wait3A_338] : memref<64x64xf32, #tpu.memory_space<vmem>> -> memref<16x64xf32, #tpu.memory_space<vmem>>
            tpu.wait_dma2 semaphore(%arg20 : memref<!tpu.dma_semaphore, #tpu.memory_space<semaphore_mem>>) src(%dma_wait3A_339 : memref<16x64xf32, #tpu.memory_space<vmem>>) dst(%dma_wait3A_336 : memref<16x64xf32, #tpu.memory_space<vmem_shared>>)
            %dma_wait3A_340 = arith.constant 32 : i32
            %dma_wait3A_341 = arith.constant 0 : i32
            %dma_wait3A_342 = tpu.memref_slice %arg13[%dma_wait3A_340, %dma_wait3A_341] : memref<64x64xf32, #tpu.memory_space<vmem>> -> memref<16x64xf32, #tpu.memory_space<vmem>>
            %dma_wait3A_343 = arith.constant 0 : i32
            %dma_wait3A_344 = arith.constant 0 : i32
            %dma_wait3A_345 = tpu.memref_slice %arg18[%dma_wait3A_343, %dma_wait3A_344] : memref<20096x64xf32, #tpu.memory_space<vmem_shared>> -> memref<16x64xf32, #tpu.memory_space<vmem_shared>>
            %dma_wait3A_346 = arith.constant 0 : i32
            %dma_wait3A_347 = arith.constant 0 : i32
            %dma_wait3A_348 = tpu.memref_slice %arg18[%dma_wait3A_346, %dma_wait3A_347] : memref<20096x64xf32, #tpu.memory_space<vmem_shared>> -> memref<16x64xf32, #tpu.memory_space<vmem_shared>>
            %dma_wait3A_349 = arith.constant 32 : i32
            %dma_wait3A_350 = arith.constant 0 : i32
            %dma_wait3A_351 = tpu.memref_slice %arg13[%dma_wait3A_349, %dma_wait3A_350] : memref<64x64xf32, #tpu.memory_space<vmem>> -> memref<16x64xf32, #tpu.memory_space<vmem>>
            tpu.wait_dma2 semaphore(%arg20 : memref<!tpu.dma_semaphore, #tpu.memory_space<semaphore_mem>>) src(%dma_wait3A_351 : memref<16x64xf32, #tpu.memory_space<vmem>>) dst(%dma_wait3A_348 : memref<16x64xf32, #tpu.memory_space<vmem_shared>>)
            %dma_wait3A_352 = arith.constant 48 : i32
            %dma_wait3A_353 = arith.constant 0 : i32
            %dma_wait3A_354 = tpu.memref_slice %arg13[%dma_wait3A_352, %dma_wait3A_353] : memref<64x64xf32, #tpu.memory_space<vmem>> -> memref<16x64xf32, #tpu.memory_space<vmem>>
            %dma_wait3A_355 = arith.constant 0 : i32
            %dma_wait3A_356 = arith.constant 0 : i32
            %dma_wait3A_357 = tpu.memref_slice %arg18[%dma_wait3A_355, %dma_wait3A_356] : memref<20096x64xf32, #tpu.memory_space<vmem_shared>> -> memref<16x64xf32, #tpu.memory_space<vmem_shared>>
            %dma_wait3A_358 = arith.constant 0 : i32
            %dma_wait3A_359 = arith.constant 0 : i32
            %dma_wait3A_360 = tpu.memref_slice %arg18[%dma_wait3A_358, %dma_wait3A_359] : memref<20096x64xf32, #tpu.memory_space<vmem_shared>> -> memref<16x64xf32, #tpu.memory_space<vmem_shared>>
            %dma_wait3A_361 = arith.constant 48 : i32
            %dma_wait3A_362 = arith.constant 0 : i32
            %dma_wait3A_363 = tpu.memref_slice %arg13[%dma_wait3A_361, %dma_wait3A_362] : memref<64x64xf32, #tpu.memory_space<vmem>> -> memref<16x64xf32, #tpu.memory_space<vmem>>
            tpu.wait_dma2 semaphore(%arg20 : memref<!tpu.dma_semaphore, #tpu.memory_space<semaphore_mem>>) src(%dma_wait3A_363 : memref<16x64xf32, #tpu.memory_space<vmem>>) dst(%dma_wait3A_360 : memref<16x64xf32, #tpu.memory_space<vmem_shared>>)
          } else {
          }
          %rem3A_308 = arith.constant 2 : i32
          %rem3A_309 = arith.remsi %while3A_301, %rem3A_308 : i32
          %eq3A_310 = arith.constant 1 : i32
          %eq3A_311 = arith.cmpi eq, %rem3A_309, %eq3A_310 : i32
          %convert_element_type3A_312 = arith.extui %eq3A_311 : i1 to i32
          %cond3A_313 = arith.constant 0 : i32
          %cond3A_314 = arith.cmpi ne, %convert_element_type3A_312, %cond3A_313 : i32
          scf.if %cond3A_314 {
            %dma_wait3A_316 = arith.constant 0 : i32
            %dma_wait3A_317 = arith.constant 0 : i32
            %dma_wait3A_318 = tpu.memref_slice %arg14[%dma_wait3A_316, %dma_wait3A_317] : memref<64x64xf32, #tpu.memory_space<vmem>> -> memref<16x64xf32, #tpu.memory_space<vmem>>
            %dma_wait3A_319 = arith.constant 0 : i32
            %dma_wait3A_320 = arith.constant 0 : i32
            %dma_wait3A_321 = tpu.memref_slice %arg18[%dma_wait3A_319, %dma_wait3A_320] : memref<20096x64xf32, #tpu.memory_space<vmem_shared>> -> memref<16x64xf32, #tpu.memory_space<vmem_shared>>
            %dma_wait3A_322 = arith.constant 0 : i32
            %dma_wait3A_323 = arith.constant 0 : i32
            %dma_wait3A_324 = tpu.memref_slice %arg18[%dma_wait3A_322, %dma_wait3A_323] : memref<20096x64xf32, #tpu.memory_space<vmem_shared>> -> memref<16x64xf32, #tpu.memory_space<vmem_shared>>
            %dma_wait3A_325 = arith.constant 0 : i32
            %dma_wait3A_326 = arith.constant 0 : i32
            %dma_wait3A_327 = tpu.memref_slice %arg14[%dma_wait3A_325, %dma_wait3A_326] : memref<64x64xf32, #tpu.memory_space<vmem>> -> memref<16x64xf32, #tpu.memory_space<vmem>>
            tpu.wait_dma2 semaphore(%arg20 : memref<!tpu.dma_semaphore, #tpu.memory_space<semaphore_mem>>) src(%dma_wait3A_327 : memref<16x64xf32, #tpu.memory_space<vmem>>) dst(%dma_wait3A_324 : memref<16x64xf32, #tpu.memory_space<vmem_shared>>)
            %dma_wait3A_328 = arith.constant 16 : i32
            %dma_wait3A_329 = arith.constant 0 : i32
            %dma_wait3A_330 = tpu.memref_slice %arg14[%dma_wait3A_328, %dma_wait3A_329] : memref<64x64xf32, #tpu.memory_space<vmem>> -> memref<16x64xf32, #tpu.memory_space<vmem>>
            %dma_wait3A_331 = arith.constant 0 : i32
            %dma_wait3A_332 = arith.constant 0 : i32
            %dma_wait3A_333 = tpu.memref_slice %arg18[%dma_wait3A_331, %dma_wait3A_332] : memref<20096x64xf32, #tpu.memory_space<vmem_shared>> -> memref<16x64xf32, #tpu.memory_space<vmem_shared>>
            %dma_wait3A_334 = arith.constant 0 : i32
            %dma_wait3A_335 = arith.constant 0 : i32
            %dma_wait3A_336 = tpu.memref_slice %arg18[%dma_wait3A_334, %dma_wait3A_335] : memref<20096x64xf32, #tpu.memory_space<vmem_shared>> -> memref<16x64xf32, #tpu.memory_space<vmem_shared>>
            %dma_wait3A_337 = arith.constant 16 : i32
            %dma_wait3A_338 = arith.constant 0 : i32
            %dma_wait3A_339 = tpu.memref_slice %arg14[%dma_wait3A_337, %dma_wait3A_338] : memref<64x64xf32, #tpu.memory_space<vmem>> -> memref<16x64xf32, #tpu.memory_space<vmem>>
            tpu.wait_dma2 semaphore(%arg20 : memref<!tpu.dma_semaphore, #tpu.memory_space<semaphore_mem>>) src(%dma_wait3A_339 : memref<16x64xf32, #tpu.memory_space<vmem>>) dst(%dma_wait3A_336 : memref<16x64xf32, #tpu.memory_space<vmem_shared>>)
            %dma_wait3A_340 = arith.constant 32 : i32
            %dma_wait3A_341 = arith.constant 0 : i32
            %dma_wait3A_342 = tpu.memref_slice %arg14[%dma_wait3A_340, %dma_wait3A_341] : memref<64x64xf32, #tpu.memory_space<vmem>> -> memref<16x64xf32, #tpu.memory_space<vmem>>
            %dma_wait3A_343 = arith.constant 0 : i32
            %dma_wait3A_344 = arith.constant 0 : i32
            %dma_wait3A_345 = tpu.memref_slice %arg18[%dma_wait3A_343, %dma_wait3A_344] : memref<20096x64xf32, #tpu.memory_space<vmem_shared>> -> memref<16x64xf32, #tpu.memory_space<vmem_shared>>
            %dma_wait3A_346 = arith.constant 0 : i32
            %dma_wait3A_347 = arith.constant 0 : i32
            %dma_wait3A_348 = tpu.memref_slice %arg18[%dma_wait3A_346, %dma_wait3A_347] : memref<20096x64xf32, #tpu.memory_space<vmem_shared>> -> memref<16x64xf32, #tpu.memory_space<vmem_shared>>
            %dma_wait3A_349 = arith.constant 32 : i32
            %dma_wait3A_350 = arith.constant 0 : i32
            %dma_wait3A_351 = tpu.memref_slice %arg14[%dma_wait3A_349, %dma_wait3A_350] : memref<64x64xf32, #tpu.memory_space<vmem>> -> memref<16x64xf32, #tpu.memory_space<vmem>>
            tpu.wait_dma2 semaphore(%arg20 : memref<!tpu.dma_semaphore, #tpu.memory_space<semaphore_mem>>) src(%dma_wait3A_351 : memref<16x64xf32, #tpu.memory_space<vmem>>) dst(%dma_wait3A_348 : memref<16x64xf32, #tpu.memory_space<vmem_shared>>)
            %dma_wait3A_352 = arith.constant 48 : i32
            %dma_wait3A_353 = arith.constant 0 : i32
            %dma_wait3A_354 = tpu.memref_slice %arg14[%dma_wait3A_352, %dma_wait3A_353] : memref<64x64xf32, #tpu.memory_space<vmem>> -> memref<16x64xf32, #tpu.memory_space<vmem>>
            %dma_wait3A_355 = arith.constant 0 : i32
            %dma_wait3A_356 = arith.constant 0 : i32
            %dma_wait3A_357 = tpu.memref_slice %arg18[%dma_wait3A_355, %dma_wait3A_356] : memref<20096x64xf32, #tpu.memory_space<vmem_shared>> -> memref<16x64xf32, #tpu.memory_space<vmem_shared>>
            %dma_wait3A_358 = arith.constant 0 : i32
            %dma_wait3A_359 = arith.constant 0 : i32
            %dma_wait3A_360 = tpu.memref_slice %arg18[%dma_wait3A_358, %dma_wait3A_359] : memref<20096x64xf32, #tpu.memory_space<vmem_shared>> -> memref<16x64xf32, #tpu.memory_space<vmem_shared>>
            %dma_wait3A_361 = arith.constant 48 : i32
            %dma_wait3A_362 = arith.constant 0 : i32
            %dma_wait3A_363 = tpu.memref_slice %arg14[%dma_wait3A_361, %dma_wait3A_362] : memref<64x64xf32, #tpu.memory_space<vmem>> -> memref<16x64xf32, #tpu.memory_space<vmem>>
            tpu.wait_dma2 semaphore(%arg20 : memref<!tpu.dma_semaphore, #tpu.memory_space<semaphore_mem>>) src(%dma_wait3A_363 : memref<16x64xf32, #tpu.memory_space<vmem>>) dst(%dma_wait3A_360 : memref<16x64xf32, #tpu.memory_space<vmem_shared>>)
          } else {
          }
          %while3A_315 = arith.constant 0 : i32
          scf.yield %while3A_315 : i32
        }
        %scan3A_300 = arith.constant 0 : i32
        scf.yield %scan3A_300 : i32
      }
      %scan3A_54 = arith.constant 48 : i32
      %barrier3A_55 = arith.constant 0 : index
      tpu.barrier barrier_id(%barrier3A_55)
      %sub3A_56 = arith.constant 100 : i32
      %sub3A_57 = arith.subi %sub3A_56, %arg1 : i32
      %add3A_58 = arith.constant 16 : i32
      %add3A_59 = arith.addi %sub3A_57, %add3A_58 : i32
      %sub3A_60 = arith.constant 1 : i32
      %sub3A_61 = arith.subi %add3A_59, %sub3A_60 : i32
      %jit3A_62 = arith.constant 16 : i32
      %div3A_63 = arith.divsi %sub3A_61, %jit3A_62 : i32
      %sign3A_64 = arith.constant 0 : i32
      %sign3A_65 = arith.cmpi sgt, %sub3A_61, %sign3A_64 : i32
      %sign3A_66 = arith.extui %sign3A_65 : i1 to i32
      %sign3A_67 = arith.constant 0 : i32
      %sign3A_68 = arith.cmpi slt, %sub3A_61, %sign3A_67 : i32
      %sign3A_69 = arith.extui %sign3A_68 : i1 to i32
      %sign3A_70 = arith.subi %sign3A_66, %sign3A_69 : i32
      %sign3A_71 = arith.constant 0 : i32
      %sign3A_72 = arith.cmpi sgt, %jit3A_62, %sign3A_71 : i32
      %sign3A_73 = arith.extui %sign3A_72 : i1 to i32
      %sign3A_74 = arith.constant 0 : i32
      %sign3A_75 = arith.cmpi slt, %jit3A_62, %sign3A_74 : i32
      %sign3A_76 = arith.extui %sign3A_75 : i1 to i32
      %sign3A_77 = arith.subi %sign3A_73, %sign3A_76 : i32
      %ne3A_78 = arith.cmpi ne, %sign3A_70, %sign3A_77 : i32
      %rem3A_79 = arith.remsi %sub3A_61, %jit3A_62 : i32
      %ne3A_80 = arith.constant 0 : i32
      %ne3A_81 = arith.cmpi ne, %rem3A_79, %ne3A_80 : i32
      %and3A_82 = arith.andi %ne3A_78, %ne3A_81 : i1
      %sub3A_83 = arith.constant 1 : i32
      %sub3A_84 = arith.subi %div3A_63, %sub3A_83 : i32
      %select_n3A_85 = arith.select %and3A_82, %sub3A_84, %div3A_63 : i32
      %while3A_86 = arith.constant 0 : i32
      %while3A_87 = arith.constant 0 : i32
      %while3A_88 = arith.subi %select_n3A_85, %while3A_86 : i32
      %while3A_89 = arith.addi %while3A_86, %while3A_88 : i32
      %while3A_90 = arith.constant 1 : i32
      %while3A_91 = arith.divsi %while3A_88, %while3A_90 : i32
      %while3A_92 = arith.muli %while3A_91, %while3A_90 : i32
      %while3A_93 = arith.addi %while3A_86, %while3A_92 : i32
      %while3A_94 = arith.constant 1 : i32
      %while3A_95 = scf.for %while3A_100 = %while3A_86 to %while3A_93 step %while3A_94 iter_args(%while3A_101 = %while3A_87) -> (i32)  : i32 {
        %mul3A_102 = arith.constant 16 : i32
        %mul3A_103 = arith.muli %while3A_100, %mul3A_102 : i32
        %add3A_104 = arith.addi %mul3A_103, %arg1 : i32
        %mul3A_105 = arith.constant 200 : i32
        %mul3A_106 = arith.muli %add3A_104, %mul3A_105 : i32
        %add3A_107 = arith.constant 0 : i32
        %add3A_108 = arith.addi %mul3A_106, %add3A_107 : i32
        "tpu.region"() ({
          %run_scoped3A = tpu.sem_alloc : memref<!tpu.dma_semaphore, #tpu.memory_space<semaphore_mem>>
          %dma_start3A = arith.constant 0 : i32
          %dma_start3A_134 = arith.constant 0 : i32
          %dma_start3A_135 = tpu.memref_slice %arg15[%dma_start3A, %dma_start3A_134] : memref<112x64xf32, #tpu.memory_space<vmem>> -> memref<96x64xf32, #tpu.memory_space<vmem>>
          %dma_start3A_136 = arith.constant 0 : i32
          %dma_start3A_137 = tpu.memref_slice %arg18[%add3A_108, %dma_start3A_136] : memref<20096x64xf32, #tpu.memory_space<vmem_shared>> -> memref<96x64xf32, #tpu.memory_space<vmem_shared>>
          %dma_start3A_138 = arith.constant 0 : i32
          %dma_start3A_139 = arith.constant 0 : i32
          %dma_start3A_140 = tpu.memref_slice %arg15[%dma_start3A_138, %dma_start3A_139] : memref<112x64xf32, #tpu.memory_space<vmem>> -> memref<96x64xf32, #tpu.memory_space<vmem>>
          %dma_start3A_141 = arith.constant 0 : i32
          %dma_start3A_142 = tpu.memref_slice %arg18[%add3A_108, %dma_start3A_141] : memref<20096x64xf32, #tpu.memory_space<vmem_shared>> -> memref<96x64xf32, #tpu.memory_space<vmem_shared>>
          tpu.enqueue_dma source(%dma_start3A_142 : memref<96x64xf32, #tpu.memory_space<vmem_shared>>) target(%dma_start3A_140 : memref<96x64xf32, #tpu.memory_space<vmem>>) target_semaphore(%run_scoped3A : memref<!tpu.dma_semaphore, #tpu.memory_space<semaphore_mem>>)
          %dma_wait3A = arith.constant 0 : i32
          %dma_wait3A_143 = arith.constant 0 : i32
          %dma_wait3A_144 = tpu.memref_slice %arg15[%dma_wait3A, %dma_wait3A_143] : memref<112x64xf32, #tpu.memory_space<vmem>> -> memref<96x64xf32, #tpu.memory_space<vmem>>
          %dma_wait3A_145 = arith.constant 0 : i32
          %dma_wait3A_146 = tpu.memref_slice %arg18[%add3A_108, %dma_wait3A_145] : memref<20096x64xf32, #tpu.memory_space<vmem_shared>> -> memref<96x64xf32, #tpu.memory_space<vmem_shared>>
          %dma_wait3A_147 = arith.constant 0 : i32
          %dma_wait3A_148 = arith.constant 0 : i32
          %dma_wait3A_149 = tpu.memref_slice %arg15[%dma_wait3A_147, %dma_wait3A_148] : memref<112x64xf32, #tpu.memory_space<vmem>> -> memref<96x64xf32, #tpu.memory_space<vmem>>
          %dma_wait3A_150 = arith.constant 0 : i32
          %dma_wait3A_151 = tpu.memref_slice %arg18[%add3A_108, %dma_wait3A_150] : memref<20096x64xf32, #tpu.memory_space<vmem_shared>> -> memref<96x64xf32, #tpu.memory_space<vmem_shared>>
          tpu.wait_dma2 semaphore(%run_scoped3A : memref<!tpu.dma_semaphore, #tpu.memory_space<semaphore_mem>>) src(%dma_wait3A_151 : memref<96x64xf32, #tpu.memory_space<vmem_shared>>) dst(%dma_wait3A_149 : memref<96x64xf32, #tpu.memory_space<vmem>>)
          tpu.yield
        }) : () -> ()
        %scan3A_109 = arith.constant 0 : i32
        %scan3A_110 = arith.constant 0 : i32
        %scan3A_111 = arith.constant 64 : i32
        %scan3A_112 = arith.addi %scan3A_110, %scan3A_111 : i32
        %scan3A_113 = arith.constant 1 : i32
        %scan3A_114 = scf.for %scan3A_134 = %scan3A_110 to %scan3A_112 step %scan3A_113 iter_args(%scan3A_135 = %scan3A_109) -> (i32)  : i32 {
          %add3A_136 = arith.constant 0 : i32
          %add3A_137 = vector.broadcast %add3A_136 : i32 to vector<16xi32>
          %add3A_138 = arith.addi %add3A_137, %iota3A : vector<16xi32>
          %mul3A_139 = arith.constant 0 : i32
          %mul3A_140 = vector.broadcast %mul3A_139 : i32 to vector<16xi32>
          %mul3A_141 = arith.muli %iota3A, %mul3A_140 : vector<16xi32>
          %add3A_142 = vector.broadcast %scan3A_134 : i32 to vector<16xi32>
          %add3A_143 = arith.addi %add3A_142, %mul3A_141 : vector<16xi32>
          %gather3A = tpu.vector_load_idx %arg15[%add3A_138, %add3A_143] : memref<112x64xf32, #tpu.memory_space<vmem>>[vector<16xi32>, vector<16xi32>], vector<16xf32>,
          %swap3A = arith.constant 0 : i32
          %swap3A_144 = arith.index_cast %scan3A_134 : i32 to index
          %swap3A_145 = arith.index_cast %swap3A : i32 to index
          %swap3A_146 = arith.constant 0 : index
          %swap3A_147 = tpu.vector_load %arg16[%swap3A_144, %swap3A_145, %swap3A_146] {strides = array<i32>} : memref<64x1x120xf32, #tpu.memory_space<vmem>>, vector<16xf32>,
          tpu.vector_store %arg16[%swap3A_144, %swap3A_145, %swap3A_146], %gather3A {strides = array<i32>} : memref<64x1x120xf32, #tpu.memory_space<vmem>>, vector<16xf32>,
          %add3A_148 = arith.constant 16 : i32
          %add3A_149 = vector.broadcast %add3A_148 : i32 to vector<16xi32>
          %add3A_150 = arith.addi %add3A_149, %iota3A : vector<16xi32>
          %mul3A_151 = arith.constant 0 : i32
          %mul3A_152 = vector.broadcast %mul3A_151 : i32 to vector<16xi32>
          %mul3A_153 = arith.muli %iota3A, %mul3A_152 : vector<16xi32>
          %add3A_154 = vector.broadcast %scan3A_134 : i32 to vector<16xi32>
          %add3A_155 = arith.addi %add3A_154, %mul3A_153 : vector<16xi32>
          %gather3A_156 = tpu.vector_load_idx %arg15[%add3A_150, %add3A_155] : memref<112x64xf32, #tpu.memory_space<vmem>>[vector<16xi32>, vector<16xi32>], vector<16xf32>,
          %swap3A_157 = arith.constant 0 : i32
          %swap3A_158 = arith.index_cast %scan3A_134 : i32 to index
          %swap3A_159 = arith.index_cast %swap3A_157 : i32 to index
          %swap3A_160 = arith.constant 16 : index
          %swap3A_161 = tpu.vector_load %arg16[%swap3A_158, %swap3A_159, %swap3A_160] {strides = array<i32>} : memref<64x1x120xf32, #tpu.memory_space<vmem>>, vector<16xf32>,
          tpu.vector_store %arg16[%swap3A_158, %swap3A_159, %swap3A_160], %gather3A_156 {strides = array<i32>} : memref<64x1x120xf32, #tpu.memory_space<vmem>>, vector<16xf32>,
          %add3A_162 = arith.constant 32 : i32
          %add3A_163 = vector.broadcast %add3A_162 : i32 to vector<16xi32>
          %add3A_164 = arith.addi %add3A_163, %iota3A : vector<16xi32>
          %mul3A_165 = arith.constant 0 : i32
          %mul3A_166 = vector.broadcast %mul3A_165 : i32 to vector<16xi32>
          %mul3A_167 = arith.muli %iota3A, %mul3A_166 : vector<16xi32>
          %add3A_168 = vector.broadcast %scan3A_134 : i32 to vector<16xi32>
          %add3A_169 = arith.addi %add3A_168, %mul3A_167 : vector<16xi32>
          %gather3A_170 = tpu.vector_load_idx %arg15[%add3A_164, %add3A_169] : memref<112x64xf32, #tpu.memory_space<vmem>>[vector<16xi32>, vector<16xi32>], vector<16xf32>,
          %swap3A_171 = arith.constant 0 : i32
          %swap3A_172 = arith.index_cast %scan3A_134 : i32 to index
          %swap3A_173 = arith.index_cast %swap3A_171 : i32 to index
          %swap3A_174 = arith.constant 32 : index
          %swap3A_175 = tpu.vector_load %arg16[%swap3A_172, %swap3A_173, %swap3A_174] {strides = array<i32>} : memref<64x1x120xf32, #tpu.memory_space<vmem>>, vector<16xf32>,
          tpu.vector_store %arg16[%swap3A_172, %swap3A_173, %swap3A_174], %gather3A_170 {strides = array<i32>} : memref<64x1x120xf32, #tpu.memory_space<vmem>>, vector<16xf32>,
          %add3A_176 = arith.constant 48 : i32
          %add3A_177 = vector.broadcast %add3A_176 : i32 to vector<16xi32>
          %add3A_178 = arith.addi %add3A_177, %iota3A : vector<16xi32>
          %mul3A_179 = arith.constant 0 : i32
          %mul3A_180 = vector.broadcast %mul3A_179 : i32 to vector<16xi32>
          %mul3A_181 = arith.muli %iota3A, %mul3A_180 : vector<16xi32>
          %add3A_182 = vector.broadcast %scan3A_134 : i32 to vector<16xi32>
          %add3A_183 = arith.addi %add3A_182, %mul3A_181 : vector<16xi32>
          %gather3A_184 = tpu.vector_load_idx %arg15[%add3A_178, %add3A_183] : memref<112x64xf32, #tpu.memory_space<vmem>>[vector<16xi32>, vector<16xi32>], vector<16xf32>,
          %swap3A_185 = arith.constant 0 : i32
          %swap3A_186 = arith.index_cast %scan3A_134 : i32 to index
          %swap3A_187 = arith.index_cast %swap3A_185 : i32 to index
          %swap3A_188 = arith.constant 48 : index
          %swap3A_189 = tpu.vector_load %arg16[%swap3A_186, %swap3A_187, %swap3A_188] {strides = array<i32>} : memref<64x1x120xf32, #tpu.memory_space<vmem>>, vector<16xf32>,
          tpu.vector_store %arg16[%swap3A_186, %swap3A_187, %swap3A_188], %gather3A_184 {strides = array<i32>} : memref<64x1x120xf32, #tpu.memory_space<vmem>>, vector<16xf32>,
          %add3A_190 = arith.constant 64 : i32
          %add3A_191 = vector.broadcast %add3A_190 : i32 to vector<16xi32>
          %add3A_192 = arith.addi %add3A_191, %iota3A : vector<16xi32>
          %mul3A_193 = arith.constant 0 : i32
          %mul3A_194 = vector.broadcast %mul3A_193 : i32 to vector<16xi32>
          %mul3A_195 = arith.muli %iota3A, %mul3A_194 : vector<16xi32>
          %add3A_196 = vector.broadcast %scan3A_134 : i32 to vector<16xi32>
          %add3A_197 = arith.addi %add3A_196, %mul3A_195 : vector<16xi32>
          %gather3A_198 = tpu.vector_load_idx %arg15[%add3A_192, %add3A_197] : memref<112x64xf32, #tpu.memory_space<vmem>>[vector<16xi32>, vector<16xi32>], vector<16xf32>,
          %swap3A_199 = arith.constant 0 : i32
          %swap3A_200 = arith.index_cast %scan3A_134 : i32 to index
          %swap3A_201 = arith.index_cast %swap3A_199 : i32 to index
          %swap3A_202 = arith.constant 64 : index
          %swap3A_203 = tpu.vector_load %arg16[%swap3A_200, %swap3A_201, %swap3A_202] {strides = array<i32>} : memref<64x1x120xf32, #tpu.memory_space<vmem>>, vector<16xf32>,
          tpu.vector_store %arg16[%swap3A_200, %swap3A_201, %swap3A_202], %gather3A_198 {strides = array<i32>} : memref<64x1x120xf32, #tpu.memory_space<vmem>>, vector<16xf32>,
          %add3A_204 = arith.constant 80 : i32
          %add3A_205 = vector.broadcast %add3A_204 : i32 to vector<16xi32>
          %add3A_206 = arith.addi %add3A_205, %iota3A : vector<16xi32>
          %mul3A_207 = arith.constant 0 : i32
          %mul3A_208 = vector.broadcast %mul3A_207 : i32 to vector<16xi32>
          %mul3A_209 = arith.muli %iota3A, %mul3A_208 : vector<16xi32>
          %add3A_210 = vector.broadcast %scan3A_134 : i32 to vector<16xi32>
          %add3A_211 = arith.addi %add3A_210, %mul3A_209 : vector<16xi32>
          %gather3A_212 = tpu.vector_load_idx %arg15[%add3A_206, %add3A_211] : memref<112x64xf32, #tpu.memory_space<vmem>>[vector<16xi32>, vector<16xi32>], vector<16xf32>,
          %swap3A_213 = arith.constant 0 : i32
          %swap3A_214 = arith.index_cast %scan3A_134 : i32 to index
          %swap3A_215 = arith.index_cast %swap3A_213 : i32 to index
          %swap3A_216 = arith.constant 80 : index
          %swap3A_217 = tpu.vector_load %arg16[%swap3A_214, %swap3A_215, %swap3A_216] {strides = array<i32>} : memref<64x1x120xf32, #tpu.memory_space<vmem>>, vector<16xf32>,
          tpu.vector_store %arg16[%swap3A_214, %swap3A_215, %swap3A_216], %gather3A_212 {strides = array<i32>} : memref<64x1x120xf32, #tpu.memory_space<vmem>>, vector<16xf32>,
          %scan3A_218 = arith.constant 0 : i32
          scf.yield %scan3A_218 : i32
        }
        %scan3A_115 = arith.constant 64 : i32
        %mul3A_116 = arith.constant 64 : i32
        %mul3A_117 = arith.muli %scan3A_14, %mul3A_116 : i32
        %add3A_118 = arith.addi %mul3A_0, %add3A_104 : i32
        "tpu.region"() ({
          %run_scoped3A = tpu.sem_alloc : memref<!tpu.dma_semaphore, #tpu.memory_space<semaphore_mem>>
          %dma_start3A = arith.constant 0 : i32
          %dma_start3A_134 = arith.constant 0 : i32
          %dma_start3A_135 = arith.constant 0 : i32
          %dma_start3A_136 = tpu.memref_slice %arg16[%dma_start3A, %dma_start3A_134, %dma_start3A_135] : memref<64x1x120xf32, #tpu.memory_space<vmem>> -> memref<64x1x96xf32, #tpu.memory_space<vmem>>
          %dma_start3A_137 = arith.constant 0 : i32
          %dma_start3A_138 = tpu.memref_slice %arg5[%mul3A_117, %add3A_118, %dma_start3A_137] : memref<256x200x200xf32, #tpu.memory_space<hbm>> -> memref<64x1x96xf32, #tpu.memory_space<hbm>>
          %dma_start3A_139 = arith.constant 0 : i32
          %dma_start3A_140 = tpu.memref_slice %arg5[%mul3A_117, %add3A_118, %dma_start3A_139] : memref<256x200x200xf32, #tpu.memory_space<hbm>> -> memref<64x1x96xf32, #tpu.memory_space<hbm>>
          %dma_start3A_141 = arith.constant 0 : i32
          %dma_start3A_142 = arith.constant 0 : i32
          %dma_start3A_143 = arith.constant 0 : i32
          %dma_start3A_144 = tpu.memref_slice %arg16[%dma_start3A_141, %dma_start3A_142, %dma_start3A_143] : memref<64x1x120xf32, #tpu.memory_space<vmem>> -> memref<64x1x96xf32, #tpu.memory_space<vmem>>
          tpu.enqueue_dma source(%dma_start3A_144 : memref<64x1x96xf32, #tpu.memory_space<vmem>>) target(%dma_start3A_140 : memref<64x1x96xf32, #tpu.memory_space<hbm>>) target_semaphore(%run_scoped3A : memref<!tpu.dma_semaphore, #tpu.memory_space<semaphore_mem>>)
          %dma_wait3A = arith.constant 0 : i32
          %dma_wait3A_145 = arith.constant 0 : i32
          %dma_wait3A_146 = arith.constant 0 : i32
          %dma_wait3A_147 = tpu.memref_slice %arg16[%dma_wait3A, %dma_wait3A_145, %dma_wait3A_146] : memref<64x1x120xf32, #tpu.memory_space<vmem>> -> memref<64x1x96xf32, #tpu.memory_space<vmem>>
          %dma_wait3A_148 = arith.constant 0 : i32
          %dma_wait3A_149 = tpu.memref_slice %arg5[%mul3A_117, %add3A_118, %dma_wait3A_148] : memref<256x200x200xf32, #tpu.memory_space<hbm>> -> memref<64x1x96xf32, #tpu.memory_space<hbm>>
          %dma_wait3A_150 = arith.constant 0 : i32
          %dma_wait3A_151 = tpu.memref_slice %arg5[%mul3A_117, %add3A_118, %dma_wait3A_150] : memref<256x200x200xf32, #tpu.memory_space<hbm>> -> memref<64x1x96xf32, #tpu.memory_space<hbm>>
          %dma_wait3A_152 = arith.constant 0 : i32
          %dma_wait3A_153 = arith.constant 0 : i32
          %dma_wait3A_154 = arith.constant 0 : i32
          %dma_wait3A_155 = tpu.memref_slice %arg16[%dma_wait3A_152, %dma_wait3A_153, %dma_wait3A_154] : memref<64x1x120xf32, #tpu.memory_space<vmem>> -> memref<64x1x96xf32, #tpu.memory_space<vmem>>
          tpu.wait_dma2 semaphore(%run_scoped3A : memref<!tpu.dma_semaphore, #tpu.memory_space<semaphore_mem>>) src(%dma_wait3A_155 : memref<64x1x96xf32, #tpu.memory_space<vmem>>) dst(%dma_wait3A_151 : memref<64x1x96xf32, #tpu.memory_space<hbm>>)
          tpu.yield
        }) : () -> ()
        %mul3A_119 = arith.constant 200 : i32
        %mul3A_120 = arith.muli %add3A_104, %mul3A_119 : i32
        %add3A_121 = arith.constant 96 : i32
        %add3A_122 = arith.addi %mul3A_120, %add3A_121 : i32
        "tpu.region"() ({
          %run_scoped3A = tpu.sem_alloc : memref<!tpu.dma_semaphore, #tpu.memory_space<semaphore_mem>>
          %dma_start3A = arith.constant 0 : i32
          %dma_start3A_134 = arith.constant 0 : i32
          %dma_start3A_135 = tpu.memref_slice %arg15[%dma_start3A, %dma_start3A_134] : memref<112x64xf32, #tpu.memory_space<vmem>> -> memref<104x64xf32, #tpu.memory_space<vmem>>
          %dma_start3A_136 = arith.constant 0 : i32
          %dma_start3A_137 = tpu.memref_slice %arg18[%add3A_122, %dma_start3A_136] : memref<20096x64xf32, #tpu.memory_space<vmem_shared>> -> memref<104x64xf32, #tpu.memory_space<vmem_shared>>
          %dma_start3A_138 = arith.constant 0 : i32
          %dma_start3A_139 = arith.constant 0 : i32
          %dma_start3A_140 = tpu.memref_slice %arg15[%dma_start3A_138, %dma_start3A_139] : memref<112x64xf32, #tpu.memory_space<vmem>> -> memref<104x64xf32, #tpu.memory_space<vmem>>
          %dma_start3A_141 = arith.constant 0 : i32
          %dma_start3A_142 = tpu.memref_slice %arg18[%add3A_122, %dma_start3A_141] : memref<20096x64xf32, #tpu.memory_space<vmem_shared>> -> memref<104x64xf32, #tpu.memory_space<vmem_shared>>
          tpu.enqueue_dma source(%dma_start3A_142 : memref<104x64xf32, #tpu.memory_space<vmem_shared>>) target(%dma_start3A_140 : memref<104x64xf32, #tpu.memory_space<vmem>>) target_semaphore(%run_scoped3A : memref<!tpu.dma_semaphore, #tpu.memory_space<semaphore_mem>>)
          %dma_wait3A = arith.constant 0 : i32
          %dma_wait3A_143 = arith.constant 0 : i32
          %dma_wait3A_144 = tpu.memref_slice %arg15[%dma_wait3A, %dma_wait3A_143] : memref<112x64xf32, #tpu.memory_space<vmem>> -> memref<104x64xf32, #tpu.memory_space<vmem>>
          %dma_wait3A_145 = arith.constant 0 : i32
          %dma_wait3A_146 = tpu.memref_slice %arg18[%add3A_122, %dma_wait3A_145] : memref<20096x64xf32, #tpu.memory_space<vmem_shared>> -> memref<104x64xf32, #tpu.memory_space<vmem_shared>>
          %dma_wait3A_147 = arith.constant 0 : i32
          %dma_wait3A_148 = arith.constant 0 : i32
          %dma_wait3A_149 = tpu.memref_slice %arg15[%dma_wait3A_147, %dma_wait3A_148] : memref<112x64xf32, #tpu.memory_space<vmem>> -> memref<104x64xf32, #tpu.memory_space<vmem>>
          %dma_wait3A_150 = arith.constant 0 : i32
          %dma_wait3A_151 = tpu.memref_slice %arg18[%add3A_122, %dma_wait3A_150] : memref<20096x64xf32, #tpu.memory_space<vmem_shared>> -> memref<104x64xf32, #tpu.memory_space<vmem_shared>>
          tpu.wait_dma2 semaphore(%run_scoped3A : memref<!tpu.dma_semaphore, #tpu.memory_space<semaphore_mem>>) src(%dma_wait3A_151 : memref<104x64xf32, #tpu.memory_space<vmem_shared>>) dst(%dma_wait3A_149 : memref<104x64xf32, #tpu.memory_space<vmem>>)
          tpu.yield
        }) : () -> ()
        %scan3A_123 = arith.constant 0 : i32
        %scan3A_124 = arith.constant 0 : i32
        %scan3A_125 = arith.constant 64 : i32
        %scan3A_126 = arith.addi %scan3A_124, %scan3A_125 : i32
        %scan3A_127 = arith.constant 1 : i32
        %scan3A_128 = scf.for %scan3A_134 = %scan3A_124 to %scan3A_126 step %scan3A_127 iter_args(%scan3A_135 = %scan3A_123) -> (i32)  : i32 {
          %add3A_136 = arith.constant 0 : i32
          %add3A_137 = vector.broadcast %add3A_136 : i32 to vector<16xi32>
          %add3A_138 = arith.addi %add3A_137, %iota3A : vector<16xi32>
          %mul3A_139 = arith.constant 0 : i32
          %mul3A_140 = vector.broadcast %mul3A_139 : i32 to vector<16xi32>
          %mul3A_141 = arith.muli %iota3A, %mul3A_140 : vector<16xi32>
          %add3A_142 = vector.broadcast %scan3A_134 : i32 to vector<16xi32>
          %add3A_143 = arith.addi %add3A_142, %mul3A_141 : vector<16xi32>
          %gather3A = tpu.vector_load_idx %arg15[%add3A_138, %add3A_143] : memref<112x64xf32, #tpu.memory_space<vmem>>[vector<16xi32>, vector<16xi32>], vector<16xf32>,
          %swap3A = arith.constant 0 : i32
          %swap3A_144 = arith.index_cast %scan3A_134 : i32 to index
          %swap3A_145 = arith.index_cast %swap3A : i32 to index
          %swap3A_146 = arith.constant 0 : index
          %swap3A_147 = tpu.vector_load %arg16[%swap3A_144, %swap3A_145, %swap3A_146] {strides = array<i32>} : memref<64x1x120xf32, #tpu.memory_space<vmem>>, vector<16xf32>,
          tpu.vector_store %arg16[%swap3A_144, %swap3A_145, %swap3A_146], %gather3A {strides = array<i32>} : memref<64x1x120xf32, #tpu.memory_space<vmem>>, vector<16xf32>,
          %add3A_148 = arith.constant 16 : i32
          %add3A_149 = vector.broadcast %add3A_148 : i32 to vector<16xi32>
          %add3A_150 = arith.addi %add3A_149, %iota3A : vector<16xi32>
          %mul3A_151 = arith.constant 0 : i32
          %mul3A_152 = vector.broadcast %mul3A_151 : i32 to vector<16xi32>
          %mul3A_153 = arith.muli %iota3A, %mul3A_152 : vector<16xi32>
          %add3A_154 = vector.broadcast %scan3A_134 : i32 to vector<16xi32>
          %add3A_155 = arith.addi %add3A_154, %mul3A_153 : vector<16xi32>
          %gather3A_156 = tpu.vector_load_idx %arg15[%add3A_150, %add3A_155] : memref<112x64xf32, #tpu.memory_space<vmem>>[vector<16xi32>, vector<16xi32>], vector<16xf32>,
          %swap3A_157 = arith.constant 0 : i32
          %swap3A_158 = arith.index_cast %scan3A_134 : i32 to index
          %swap3A_159 = arith.index_cast %swap3A_157 : i32 to index
          %swap3A_160 = arith.constant 16 : index
          %swap3A_161 = tpu.vector_load %arg16[%swap3A_158, %swap3A_159, %swap3A_160] {strides = array<i32>} : memref<64x1x120xf32, #tpu.memory_space<vmem>>, vector<16xf32>,
          tpu.vector_store %arg16[%swap3A_158, %swap3A_159, %swap3A_160], %gather3A_156 {strides = array<i32>} : memref<64x1x120xf32, #tpu.memory_space<vmem>>, vector<16xf32>,
          %add3A_162 = arith.constant 32 : i32
          %add3A_163 = vector.broadcast %add3A_162 : i32 to vector<16xi32>
          %add3A_164 = arith.addi %add3A_163, %iota3A : vector<16xi32>
          %mul3A_165 = arith.constant 0 : i32
          %mul3A_166 = vector.broadcast %mul3A_165 : i32 to vector<16xi32>
          %mul3A_167 = arith.muli %iota3A, %mul3A_166 : vector<16xi32>
          %add3A_168 = vector.broadcast %scan3A_134 : i32 to vector<16xi32>
          %add3A_169 = arith.addi %add3A_168, %mul3A_167 : vector<16xi32>
          %gather3A_170 = tpu.vector_load_idx %arg15[%add3A_164, %add3A_169] : memref<112x64xf32, #tpu.memory_space<vmem>>[vector<16xi32>, vector<16xi32>], vector<16xf32>,
          %swap3A_171 = arith.constant 0 : i32
          %swap3A_172 = arith.index_cast %scan3A_134 : i32 to index
          %swap3A_173 = arith.index_cast %swap3A_171 : i32 to index
          %swap3A_174 = arith.constant 32 : index
          %swap3A_175 = tpu.vector_load %arg16[%swap3A_172, %swap3A_173, %swap3A_174] {strides = array<i32>} : memref<64x1x120xf32, #tpu.memory_space<vmem>>, vector<16xf32>,
          tpu.vector_store %arg16[%swap3A_172, %swap3A_173, %swap3A_174], %gather3A_170 {strides = array<i32>} : memref<64x1x120xf32, #tpu.memory_space<vmem>>, vector<16xf32>,
          %add3A_176 = arith.constant 48 : i32
          %add3A_177 = vector.broadcast %add3A_176 : i32 to vector<16xi32>
          %add3A_178 = arith.addi %add3A_177, %iota3A : vector<16xi32>
          %mul3A_179 = arith.constant 0 : i32
          %mul3A_180 = vector.broadcast %mul3A_179 : i32 to vector<16xi32>
          %mul3A_181 = arith.muli %iota3A, %mul3A_180 : vector<16xi32>
          %add3A_182 = vector.broadcast %scan3A_134 : i32 to vector<16xi32>
          %add3A_183 = arith.addi %add3A_182, %mul3A_181 : vector<16xi32>
          %gather3A_184 = tpu.vector_load_idx %arg15[%add3A_178, %add3A_183] : memref<112x64xf32, #tpu.memory_space<vmem>>[vector<16xi32>, vector<16xi32>], vector<16xf32>,
          %swap3A_185 = arith.constant 0 : i32
          %swap3A_186 = arith.index_cast %scan3A_134 : i32 to index
          %swap3A_187 = arith.index_cast %swap3A_185 : i32 to index
          %swap3A_188 = arith.constant 48 : index
          %swap3A_189 = tpu.vector_load %arg16[%swap3A_186, %swap3A_187, %swap3A_188] {strides = array<i32>} : memref<64x1x120xf32, #tpu.memory_space<vmem>>, vector<16xf32>,
          tpu.vector_store %arg16[%swap3A_186, %swap3A_187, %swap3A_188], %gather3A_184 {strides = array<i32>} : memref<64x1x120xf32, #tpu.memory_space<vmem>>, vector<16xf32>,
          %add3A_190 = arith.constant 64 : i32
          %add3A_191 = vector.broadcast %add3A_190 : i32 to vector<16xi32>
          %add3A_192 = arith.addi %add3A_191, %iota3A : vector<16xi32>
          %mul3A_193 = arith.constant 0 : i32
          %mul3A_194 = vector.broadcast %mul3A_193 : i32 to vector<16xi32>
          %mul3A_195 = arith.muli %iota3A, %mul3A_194 : vector<16xi32>
          %add3A_196 = vector.broadcast %scan3A_134 : i32 to vector<16xi32>
          %add3A_197 = arith.addi %add3A_196, %mul3A_195 : vector<16xi32>
          %gather3A_198 = tpu.vector_load_idx %arg15[%add3A_192, %add3A_197] : memref<112x64xf32, #tpu.memory_space<vmem>>[vector<16xi32>, vector<16xi32>], vector<16xf32>,
          %swap3A_199 = arith.constant 0 : i32
          %swap3A_200 = arith.index_cast %scan3A_134 : i32 to index
          %swap3A_201 = arith.index_cast %swap3A_199 : i32 to index
          %swap3A_202 = arith.constant 64 : index
          %swap3A_203 = tpu.vector_load %arg16[%swap3A_200, %swap3A_201, %swap3A_202] {strides = array<i32>} : memref<64x1x120xf32, #tpu.memory_space<vmem>>, vector<16xf32>,
          tpu.vector_store %arg16[%swap3A_200, %swap3A_201, %swap3A_202], %gather3A_198 {strides = array<i32>} : memref<64x1x120xf32, #tpu.memory_space<vmem>>, vector<16xf32>,
          %add3A_204 = arith.constant 80 : i32
          %add3A_205 = vector.broadcast %add3A_204 : i32 to vector<16xi32>
          %add3A_206 = arith.addi %add3A_205, %iota3A : vector<16xi32>
          %mul3A_207 = arith.constant 0 : i32
          %mul3A_208 = vector.broadcast %mul3A_207 : i32 to vector<16xi32>
          %mul3A_209 = arith.muli %iota3A, %mul3A_208 : vector<16xi32>
          %add3A_210 = vector.broadcast %scan3A_134 : i32 to vector<16xi32>
          %add3A_211 = arith.addi %add3A_210, %mul3A_209 : vector<16xi32>
          %gather3A_212 = tpu.vector_load_idx %arg15[%add3A_206, %add3A_211] : memref<112x64xf32, #tpu.memory_space<vmem>>[vector<16xi32>, vector<16xi32>], vector<16xf32>,
          %swap3A_213 = arith.constant 0 : i32
          %swap3A_214 = arith.index_cast %scan3A_134 : i32 to index
          %swap3A_215 = arith.index_cast %swap3A_213 : i32 to index
          %swap3A_216 = arith.constant 80 : index
          %swap3A_217 = tpu.vector_load %arg16[%swap3A_214, %swap3A_215, %swap3A_216] {strides = array<i32>} : memref<64x1x120xf32, #tpu.memory_space<vmem>>, vector<16xf32>,
          tpu.vector_store %arg16[%swap3A_214, %swap3A_215, %swap3A_216], %gather3A_212 {strides = array<i32>} : memref<64x1x120xf32, #tpu.memory_space<vmem>>, vector<16xf32>,
          %add3A_218 = arith.constant 96 : i32
          %add3A_219 = vector.broadcast %add3A_218 : i32 to vector<16xi32>
          %add3A_220 = arith.addi %add3A_219, %iota3A : vector<16xi32>
          %mul3A_221 = arith.constant 0 : i32
          %mul3A_222 = vector.broadcast %mul3A_221 : i32 to vector<16xi32>
          %mul3A_223 = arith.muli %iota3A, %mul3A_222 : vector<16xi32>
          %add3A_224 = vector.broadcast %scan3A_134 : i32 to vector<16xi32>
          %add3A_225 = arith.addi %add3A_224, %mul3A_223 : vector<16xi32>
          %gather3A_226 = tpu.vector_load_idx %arg15[%add3A_220, %add3A_225] : memref<112x64xf32, #tpu.memory_space<vmem>>[vector<16xi32>, vector<16xi32>], vector<16xf32>,
          %swap3A_227 = arith.constant 0 : i32
          %swap3A_228 = arith.index_cast %scan3A_134 : i32 to index
          %swap3A_229 = arith.index_cast %swap3A_227 : i32 to index
          %swap3A_230 = arith.constant 96 : index
          %swap3A_231 = tpu.vector_load %arg16[%swap3A_228, %swap3A_229, %swap3A_230] {strides = array<i32>} : memref<64x1x120xf32, #tpu.memory_space<vmem>>, vector<16xf32>,
          tpu.vector_store %arg16[%swap3A_228, %swap3A_229, %swap3A_230], %gather3A_226 {strides = array<i32>} : memref<64x1x120xf32, #tpu.memory_space<vmem>>, vector<16xf32>,
          %scan3A_232 = arith.constant 0 : i32
          scf.yield %scan3A_232 : i32
        }
        %scan3A_129 = arith.constant 64 : i32
        %mul3A_130 = arith.constant 64 : i32
        %mul3A_131 = arith.muli %scan3A_14, %mul3A_130 : i32
        %add3A_132 = arith.addi %mul3A_0, %add3A_104 : i32
        "tpu.region"() ({
          %run_scoped3A = tpu.sem_alloc : memref<!tpu.dma_semaphore, #tpu.memory_space<semaphore_mem>>
          %dma_start3A = arith.constant 0 : i32
          %dma_start3A_134 = arith.constant 0 : i32
          %dma_start3A_135 = arith.constant 0 : i32
          %dma_start3A_136 = tpu.memref_slice %arg16[%dma_start3A, %dma_start3A_134, %dma_start3A_135] : memref<64x1x120xf32, #tpu.memory_space<vmem>> -> memref<64x1x104xf32, #tpu.memory_space<vmem>>
          %dma_start3A_137 = arith.constant 96 : i32
          %dma_start3A_138 = tpu.memref_slice %arg5[%mul3A_131, %add3A_132, %dma_start3A_137] : memref<256x200x200xf32, #tpu.memory_space<hbm>> -> memref<64x1x104xf32, #tpu.memory_space<hbm>>
          %dma_start3A_139 = arith.constant 96 : i32
          %dma_start3A_140 = tpu.memref_slice %arg5[%mul3A_131, %add3A_132, %dma_start3A_139] : memref<256x200x200xf32, #tpu.memory_space<hbm>> -> memref<64x1x104xf32, #tpu.memory_space<hbm>>
          %dma_start3A_141 = arith.constant 0 : i32
          %dma_start3A_142 = arith.constant 0 : i32
          %dma_start3A_143 = arith.constant 0 : i32
          %dma_start3A_144 = tpu.memref_slice %arg16[%dma_start3A_141, %dma_start3A_142, %dma_start3A_143] : memref<64x1x120xf32, #tpu.memory_space<vmem>> -> memref<64x1x104xf32, #tpu.memory_space<vmem>>
          tpu.enqueue_dma source(%dma_start3A_144 : memref<64x1x104xf32, #tpu.memory_space<vmem>>) target(%dma_start3A_140 : memref<64x1x104xf32, #tpu.memory_space<hbm>>) target_semaphore(%run_scoped3A : memref<!tpu.dma_semaphore, #tpu.memory_space<semaphore_mem>>)
          %dma_wait3A = arith.constant 0 : i32
          %dma_wait3A_145 = arith.constant 0 : i32
          %dma_wait3A_146 = arith.constant 0 : i32
          %dma_wait3A_147 = tpu.memref_slice %arg16[%dma_wait3A, %dma_wait3A_145, %dma_wait3A_146] : memref<64x1x120xf32, #tpu.memory_space<vmem>> -> memref<64x1x104xf32, #tpu.memory_space<vmem>>
          %dma_wait3A_148 = arith.constant 96 : i32
          %dma_wait3A_149 = tpu.memref_slice %arg5[%mul3A_131, %add3A_132, %dma_wait3A_148] : memref<256x200x200xf32, #tpu.memory_space<hbm>> -> memref<64x1x104xf32, #tpu.memory_space<hbm>>
          %dma_wait3A_150 = arith.constant 96 : i32
          %dma_wait3A_151 = tpu.memref_slice %arg5[%mul3A_131, %add3A_132, %dma_wait3A_150] : memref<256x200x200xf32, #tpu.memory_space<hbm>> -> memref<64x1x104xf32, #tpu.memory_space<hbm>>
          %dma_wait3A_152 = arith.constant 0 : i32
          %dma_wait3A_153 = arith.constant 0 : i32
          %dma_wait3A_154 = arith.constant 0 : i32
          %dma_wait3A_155 = tpu.memref_slice %arg16[%dma_wait3A_152, %dma_wait3A_153, %dma_wait3A_154] : memref<64x1x120xf32, #tpu.memory_space<vmem>> -> memref<64x1x104xf32, #tpu.memory_space<vmem>>
          tpu.wait_dma2 semaphore(%run_scoped3A : memref<!tpu.dma_semaphore, #tpu.memory_space<semaphore_mem>>) src(%dma_wait3A_155 : memref<64x1x104xf32, #tpu.memory_space<vmem>>) dst(%dma_wait3A_151 : memref<64x1x104xf32, #tpu.memory_space<hbm>>)
          tpu.yield
        }) : () -> ()
        %while3A_133 = arith.constant 0 : i32
        scf.yield %while3A_133 : i32
      }
      %while3A_96 = arith.constant 1 : i32
      %while3A_97 = scf.for %while3A_100 = %while3A_93 to %while3A_89 step %while3A_96 iter_args(%while3A_101 = %while3A_95) -> (i32)  : i32 {
        %mul3A_102 = arith.constant 16 : i32
        %mul3A_103 = arith.muli %while3A_100, %mul3A_102 : i32
        %add3A_104 = arith.addi %mul3A_103, %arg1 : i32
        %mul3A_105 = arith.constant 200 : i32
        %mul3A_106 = arith.muli %add3A_104, %mul3A_105 : i32
        %add3A_107 = arith.constant 0 : i32
        %add3A_108 = arith.addi %mul3A_106, %add3A_107 : i32
        "tpu.region"() ({
          %run_scoped3A = tpu.sem_alloc : memref<!tpu.dma_semaphore, #tpu.memory_space<semaphore_mem>>
          %dma_start3A = arith.constant 0 : i32
          %dma_start3A_134 = arith.constant 0 : i32
          %dma_start3A_135 = tpu.memref_slice %arg15[%dma_start3A, %dma_start3A_134] : memref<112x64xf32, #tpu.memory_space<vmem>> -> memref<96x64xf32, #tpu.memory_space<vmem>>
          %dma_start3A_136 = arith.constant 0 : i32
          %dma_start3A_137 = tpu.memref_slice %arg18[%add3A_108, %dma_start3A_136] : memref<20096x64xf32, #tpu.memory_space<vmem_shared>> -> memref<96x64xf32, #tpu.memory_space<vmem_shared>>
          %dma_start3A_138 = arith.constant 0 : i32
          %dma_start3A_139 = arith.constant 0 : i32
          %dma_start3A_140 = tpu.memref_slice %arg15[%dma_start3A_138, %dma_start3A_139] : memref<112x64xf32, #tpu.memory_space<vmem>> -> memref<96x64xf32, #tpu.memory_space<vmem>>
          %dma_start3A_141 = arith.constant 0 : i32
          %dma_start3A_142 = tpu.memref_slice %arg18[%add3A_108, %dma_start3A_141] : memref<20096x64xf32, #tpu.memory_space<vmem_shared>> -> memref<96x64xf32, #tpu.memory_space<vmem_shared>>
          tpu.enqueue_dma source(%dma_start3A_142 : memref<96x64xf32, #tpu.memory_space<vmem_shared>>) target(%dma_start3A_140 : memref<96x64xf32, #tpu.memory_space<vmem>>) target_semaphore(%run_scoped3A : memref<!tpu.dma_semaphore, #tpu.memory_space<semaphore_mem>>)
          %dma_wait3A = arith.constant 0 : i32
          %dma_wait3A_143 = arith.constant 0 : i32
          %dma_wait3A_144 = tpu.memref_slice %arg15[%dma_wait3A, %dma_wait3A_143] : memref<112x64xf32, #tpu.memory_space<vmem>> -> memref<96x64xf32, #tpu.memory_space<vmem>>
          %dma_wait3A_145 = arith.constant 0 : i32
          %dma_wait3A_146 = tpu.memref_slice %arg18[%add3A_108, %dma_wait3A_145] : memref<20096x64xf32, #tpu.memory_space<vmem_shared>> -> memref<96x64xf32, #tpu.memory_space<vmem_shared>>
          %dma_wait3A_147 = arith.constant 0 : i32
          %dma_wait3A_148 = arith.constant 0 : i32
          %dma_wait3A_149 = tpu.memref_slice %arg15[%dma_wait3A_147, %dma_wait3A_148] : memref<112x64xf32, #tpu.memory_space<vmem>> -> memref<96x64xf32, #tpu.memory_space<vmem>>
          %dma_wait3A_150 = arith.constant 0 : i32
          %dma_wait3A_151 = tpu.memref_slice %arg18[%add3A_108, %dma_wait3A_150] : memref<20096x64xf32, #tpu.memory_space<vmem_shared>> -> memref<96x64xf32, #tpu.memory_space<vmem_shared>>
          tpu.wait_dma2 semaphore(%run_scoped3A : memref<!tpu.dma_semaphore, #tpu.memory_space<semaphore_mem>>) src(%dma_wait3A_151 : memref<96x64xf32, #tpu.memory_space<vmem_shared>>) dst(%dma_wait3A_149 : memref<96x64xf32, #tpu.memory_space<vmem>>)
          tpu.yield
        }) : () -> ()
        %scan3A_109 = arith.constant 0 : i32
        %scan3A_110 = arith.constant 0 : i32
        %scan3A_111 = arith.constant 64 : i32
        %scan3A_112 = arith.addi %scan3A_110, %scan3A_111 : i32
        %scan3A_113 = arith.constant 1 : i32
        %scan3A_114 = scf.for %scan3A_134 = %scan3A_110 to %scan3A_112 step %scan3A_113 iter_args(%scan3A_135 = %scan3A_109) -> (i32)  : i32 {
          %add3A_136 = arith.constant 0 : i32
          %add3A_137 = vector.broadcast %add3A_136 : i32 to vector<16xi32>
          %add3A_138 = arith.addi %add3A_137, %iota3A : vector<16xi32>
          %mul3A_139 = arith.constant 0 : i32
          %mul3A_140 = vector.broadcast %mul3A_139 : i32 to vector<16xi32>
          %mul3A_141 = arith.muli %iota3A, %mul3A_140 : vector<16xi32>
          %add3A_142 = vector.broadcast %scan3A_134 : i32 to vector<16xi32>
          %add3A_143 = arith.addi %add3A_142, %mul3A_141 : vector<16xi32>
          %gather3A = tpu.vector_load_idx %arg15[%add3A_138, %add3A_143] : memref<112x64xf32, #tpu.memory_space<vmem>>[vector<16xi32>, vector<16xi32>], vector<16xf32>,
          %swap3A = arith.constant 0 : i32
          %swap3A_144 = arith.index_cast %scan3A_134 : i32 to index
          %swap3A_145 = arith.index_cast %swap3A : i32 to index
          %swap3A_146 = arith.constant 0 : index
          %swap3A_147 = tpu.vector_load %arg16[%swap3A_144, %swap3A_145, %swap3A_146] {strides = array<i32>} : memref<64x1x120xf32, #tpu.memory_space<vmem>>, vector<16xf32>,
          tpu.vector_store %arg16[%swap3A_144, %swap3A_145, %swap3A_146], %gather3A {strides = array<i32>} : memref<64x1x120xf32, #tpu.memory_space<vmem>>, vector<16xf32>,
          %add3A_148 = arith.constant 16 : i32
          %add3A_149 = vector.broadcast %add3A_148 : i32 to vector<16xi32>
          %add3A_150 = arith.addi %add3A_149, %iota3A : vector<16xi32>
          %mul3A_151 = arith.constant 0 : i32
          %mul3A_152 = vector.broadcast %mul3A_151 : i32 to vector<16xi32>
          %mul3A_153 = arith.muli %iota3A, %mul3A_152 : vector<16xi32>
          %add3A_154 = vector.broadcast %scan3A_134 : i32 to vector<16xi32>
          %add3A_155 = arith.addi %add3A_154, %mul3A_153 : vector<16xi32>
          %gather3A_156 = tpu.vector_load_idx %arg15[%add3A_150, %add3A_155] : memref<112x64xf32, #tpu.memory_space<vmem>>[vector<16xi32>, vector<16xi32>], vector<16xf32>,
          %swap3A_157 = arith.constant 0 : i32
          %swap3A_158 = arith.index_cast %scan3A_134 : i32 to index
          %swap3A_159 = arith.index_cast %swap3A_157 : i32 to index
          %swap3A_160 = arith.constant 16 : index
          %swap3A_161 = tpu.vector_load %arg16[%swap3A_158, %swap3A_159, %swap3A_160] {strides = array<i32>} : memref<64x1x120xf32, #tpu.memory_space<vmem>>, vector<16xf32>,
          tpu.vector_store %arg16[%swap3A_158, %swap3A_159, %swap3A_160], %gather3A_156 {strides = array<i32>} : memref<64x1x120xf32, #tpu.memory_space<vmem>>, vector<16xf32>,
          %add3A_162 = arith.constant 32 : i32
          %add3A_163 = vector.broadcast %add3A_162 : i32 to vector<16xi32>
          %add3A_164 = arith.addi %add3A_163, %iota3A : vector<16xi32>
          %mul3A_165 = arith.constant 0 : i32
          %mul3A_166 = vector.broadcast %mul3A_165 : i32 to vector<16xi32>
          %mul3A_167 = arith.muli %iota3A, %mul3A_166 : vector<16xi32>
          %add3A_168 = vector.broadcast %scan3A_134 : i32 to vector<16xi32>
          %add3A_169 = arith.addi %add3A_168, %mul3A_167 : vector<16xi32>
          %gather3A_170 = tpu.vector_load_idx %arg15[%add3A_164, %add3A_169] : memref<112x64xf32, #tpu.memory_space<vmem>>[vector<16xi32>, vector<16xi32>], vector<16xf32>,
          %swap3A_171 = arith.constant 0 : i32
          %swap3A_172 = arith.index_cast %scan3A_134 : i32 to index
          %swap3A_173 = arith.index_cast %swap3A_171 : i32 to index
          %swap3A_174 = arith.constant 32 : index
          %swap3A_175 = tpu.vector_load %arg16[%swap3A_172, %swap3A_173, %swap3A_174] {strides = array<i32>} : memref<64x1x120xf32, #tpu.memory_space<vmem>>, vector<16xf32>,
          tpu.vector_store %arg16[%swap3A_172, %swap3A_173, %swap3A_174], %gather3A_170 {strides = array<i32>} : memref<64x1x120xf32, #tpu.memory_space<vmem>>, vector<16xf32>,
          %add3A_176 = arith.constant 48 : i32
          %add3A_177 = vector.broadcast %add3A_176 : i32 to vector<16xi32>
          %add3A_178 = arith.addi %add3A_177, %iota3A : vector<16xi32>
          %mul3A_179 = arith.constant 0 : i32
          %mul3A_180 = vector.broadcast %mul3A_179 : i32 to vector<16xi32>
          %mul3A_181 = arith.muli %iota3A, %mul3A_180 : vector<16xi32>
          %add3A_182 = vector.broadcast %scan3A_134 : i32 to vector<16xi32>
          %add3A_183 = arith.addi %add3A_182, %mul3A_181 : vector<16xi32>
          %gather3A_184 = tpu.vector_load_idx %arg15[%add3A_178, %add3A_183] : memref<112x64xf32, #tpu.memory_space<vmem>>[vector<16xi32>, vector<16xi32>], vector<16xf32>,
          %swap3A_185 = arith.constant 0 : i32
          %swap3A_186 = arith.index_cast %scan3A_134 : i32 to index
          %swap3A_187 = arith.index_cast %swap3A_185 : i32 to index
          %swap3A_188 = arith.constant 48 : index
          %swap3A_189 = tpu.vector_load %arg16[%swap3A_186, %swap3A_187, %swap3A_188] {strides = array<i32>} : memref<64x1x120xf32, #tpu.memory_space<vmem>>, vector<16xf32>,
          tpu.vector_store %arg16[%swap3A_186, %swap3A_187, %swap3A_188], %gather3A_184 {strides = array<i32>} : memref<64x1x120xf32, #tpu.memory_space<vmem>>, vector<16xf32>,
          %add3A_190 = arith.constant 64 : i32
          %add3A_191 = vector.broadcast %add3A_190 : i32 to vector<16xi32>
          %add3A_192 = arith.addi %add3A_191, %iota3A : vector<16xi32>
          %mul3A_193 = arith.constant 0 : i32
          %mul3A_194 = vector.broadcast %mul3A_193 : i32 to vector<16xi32>
          %mul3A_195 = arith.muli %iota3A, %mul3A_194 : vector<16xi32>
          %add3A_196 = vector.broadcast %scan3A_134 : i32 to vector<16xi32>
          %add3A_197 = arith.addi %add3A_196, %mul3A_195 : vector<16xi32>
          %gather3A_198 = tpu.vector_load_idx %arg15[%add3A_192, %add3A_197] : memref<112x64xf32, #tpu.memory_space<vmem>>[vector<16xi32>, vector<16xi32>], vector<16xf32>,
          %swap3A_199 = arith.constant 0 : i32
          %swap3A_200 = arith.index_cast %scan3A_134 : i32 to index
          %swap3A_201 = arith.index_cast %swap3A_199 : i32 to index
          %swap3A_202 = arith.constant 64 : index
          %swap3A_203 = tpu.vector_load %arg16[%swap3A_200, %swap3A_201, %swap3A_202] {strides = array<i32>} : memref<64x1x120xf32, #tpu.memory_space<vmem>>, vector<16xf32>,
          tpu.vector_store %arg16[%swap3A_200, %swap3A_201, %swap3A_202], %gather3A_198 {strides = array<i32>} : memref<64x1x120xf32, #tpu.memory_space<vmem>>, vector<16xf32>,
          %add3A_204 = arith.constant 80 : i32
          %add3A_205 = vector.broadcast %add3A_204 : i32 to vector<16xi32>
          %add3A_206 = arith.addi %add3A_205, %iota3A : vector<16xi32>
          %mul3A_207 = arith.constant 0 : i32
          %mul3A_208 = vector.broadcast %mul3A_207 : i32 to vector<16xi32>
          %mul3A_209 = arith.muli %iota3A, %mul3A_208 : vector<16xi32>
          %add3A_210 = vector.broadcast %scan3A_134 : i32 to vector<16xi32>
          %add3A_211 = arith.addi %add3A_210, %mul3A_209 : vector<16xi32>
          %gather3A_212 = tpu.vector_load_idx %arg15[%add3A_206, %add3A_211] : memref<112x64xf32, #tpu.memory_space<vmem>>[vector<16xi32>, vector<16xi32>], vector<16xf32>,
          %swap3A_213 = arith.constant 0 : i32
          %swap3A_214 = arith.index_cast %scan3A_134 : i32 to index
          %swap3A_215 = arith.index_cast %swap3A_213 : i32 to index
          %swap3A_216 = arith.constant 80 : index
          %swap3A_217 = tpu.vector_load %arg16[%swap3A_214, %swap3A_215, %swap3A_216] {strides = array<i32>} : memref<64x1x120xf32, #tpu.memory_space<vmem>>, vector<16xf32>,
          tpu.vector_store %arg16[%swap3A_214, %swap3A_215, %swap3A_216], %gather3A_212 {strides = array<i32>} : memref<64x1x120xf32, #tpu.memory_space<vmem>>, vector<16xf32>,
          %scan3A_218 = arith.constant 0 : i32
          scf.yield %scan3A_218 : i32
        }
        %scan3A_115 = arith.constant 64 : i32
        %mul3A_116 = arith.constant 64 : i32
        %mul3A_117 = arith.muli %scan3A_14, %mul3A_116 : i32
        %add3A_118 = arith.addi %mul3A_0, %add3A_104 : i32
        "tpu.region"() ({
          %run_scoped3A = tpu.sem_alloc : memref<!tpu.dma_semaphore, #tpu.memory_space<semaphore_mem>>
          %dma_start3A = arith.constant 0 : i32
          %dma_start3A_134 = arith.constant 0 : i32
          %dma_start3A_135 = arith.constant 0 : i32
          %dma_start3A_136 = tpu.memref_slice %arg16[%dma_start3A, %dma_start3A_134, %dma_start3A_135] : memref<64x1x120xf32, #tpu.memory_space<vmem>> -> memref<64x1x96xf32, #tpu.memory_space<vmem>>
          %dma_start3A_137 = arith.constant 0 : i32
          %dma_start3A_138 = tpu.memref_slice %arg5[%mul3A_117, %add3A_118, %dma_start3A_137] : memref<256x200x200xf32, #tpu.memory_space<hbm>> -> memref<64x1x96xf32, #tpu.memory_space<hbm>>
          %dma_start3A_139 = arith.constant 0 : i32
          %dma_start3A_140 = tpu.memref_slice %arg5[%mul3A_117, %add3A_118, %dma_start3A_139] : memref<256x200x200xf32, #tpu.memory_space<hbm>> -> memref<64x1x96xf32, #tpu.memory_space<hbm>>
          %dma_start3A_141 = arith.constant 0 : i32
          %dma_start3A_142 = arith.constant 0 : i32
          %dma_start3A_143 = arith.constant 0 : i32
          %dma_start3A_144 = tpu.memref_slice %arg16[%dma_start3A_141, %dma_start3A_142, %dma_start3A_143] : memref<64x1x120xf32, #tpu.memory_space<vmem>> -> memref<64x1x96xf32, #tpu.memory_space<vmem>>
          tpu.enqueue_dma source(%dma_start3A_144 : memref<64x1x96xf32, #tpu.memory_space<vmem>>) target(%dma_start3A_140 : memref<64x1x96xf32, #tpu.memory_space<hbm>>) target_semaphore(%run_scoped3A : memref<!tpu.dma_semaphore, #tpu.memory_space<semaphore_mem>>)
          %dma_wait3A = arith.constant 0 : i32
          %dma_wait3A_145 = arith.constant 0 : i32
          %dma_wait3A_146 = arith.constant 0 : i32
          %dma_wait3A_147 = tpu.memref_slice %arg16[%dma_wait3A, %dma_wait3A_145, %dma_wait3A_146] : memref<64x1x120xf32, #tpu.memory_space<vmem>> -> memref<64x1x96xf32, #tpu.memory_space<vmem>>
          %dma_wait3A_148 = arith.constant 0 : i32
          %dma_wait3A_149 = tpu.memref_slice %arg5[%mul3A_117, %add3A_118, %dma_wait3A_148] : memref<256x200x200xf32, #tpu.memory_space<hbm>> -> memref<64x1x96xf32, #tpu.memory_space<hbm>>
          %dma_wait3A_150 = arith.constant 0 : i32
          %dma_wait3A_151 = tpu.memref_slice %arg5[%mul3A_117, %add3A_118, %dma_wait3A_150] : memref<256x200x200xf32, #tpu.memory_space<hbm>> -> memref<64x1x96xf32, #tpu.memory_space<hbm>>
          %dma_wait3A_152 = arith.constant 0 : i32
          %dma_wait3A_153 = arith.constant 0 : i32
          %dma_wait3A_154 = arith.constant 0 : i32
          %dma_wait3A_155 = tpu.memref_slice %arg16[%dma_wait3A_152, %dma_wait3A_153, %dma_wait3A_154] : memref<64x1x120xf32, #tpu.memory_space<vmem>> -> memref<64x1x96xf32, #tpu.memory_space<vmem>>
          tpu.wait_dma2 semaphore(%run_scoped3A : memref<!tpu.dma_semaphore, #tpu.memory_space<semaphore_mem>>) src(%dma_wait3A_155 : memref<64x1x96xf32, #tpu.memory_space<vmem>>) dst(%dma_wait3A_151 : memref<64x1x96xf32, #tpu.memory_space<hbm>>)
          tpu.yield
        }) : () -> ()
        %mul3A_119 = arith.constant 200 : i32
        %mul3A_120 = arith.muli %add3A_104, %mul3A_119 : i32
        %add3A_121 = arith.constant 96 : i32
        %add3A_122 = arith.addi %mul3A_120, %add3A_121 : i32
        "tpu.region"() ({
          %run_scoped3A = tpu.sem_alloc : memref<!tpu.dma_semaphore, #tpu.memory_space<semaphore_mem>>
          %dma_start3A = arith.constant 0 : i32
          %dma_start3A_134 = arith.constant 0 : i32
          %dma_start3A_135 = tpu.memref_slice %arg15[%dma_start3A, %dma_start3A_134] : memref<112x64xf32, #tpu.memory_space<vmem>> -> memref<104x64xf32, #tpu.memory_space<vmem>>
          %dma_start3A_136 = arith.constant 0 : i32
          %dma_start3A_137 = tpu.memref_slice %arg18[%add3A_122, %dma_start3A_136] : memref<20096x64xf32, #tpu.memory_space<vmem_shared>> -> memref<104x64xf32, #tpu.memory_space<vmem_shared>>
          %dma_start3A_138 = arith.constant 0 : i32
          %dma_start3A_139 = arith.constant 0 : i32
          %dma_start3A_140 = tpu.memref_slice %arg15[%dma_start3A_138, %dma_start3A_139] : memref<112x64xf32, #tpu.memory_space<vmem>> -> memref<104x64xf32, #tpu.memory_space<vmem>>
          %dma_start3A_141 = arith.constant 0 : i32
          %dma_start3A_142 = tpu.memref_slice %arg18[%add3A_122, %dma_start3A_141] : memref<20096x64xf32, #tpu.memory_space<vmem_shared>> -> memref<104x64xf32, #tpu.memory_space<vmem_shared>>
          tpu.enqueue_dma source(%dma_start3A_142 : memref<104x64xf32, #tpu.memory_space<vmem_shared>>) target(%dma_start3A_140 : memref<104x64xf32, #tpu.memory_space<vmem>>) target_semaphore(%run_scoped3A : memref<!tpu.dma_semaphore, #tpu.memory_space<semaphore_mem>>)
          %dma_wait3A = arith.constant 0 : i32
          %dma_wait3A_143 = arith.constant 0 : i32
          %dma_wait3A_144 = tpu.memref_slice %arg15[%dma_wait3A, %dma_wait3A_143] : memref<112x64xf32, #tpu.memory_space<vmem>> -> memref<104x64xf32, #tpu.memory_space<vmem>>
          %dma_wait3A_145 = arith.constant 0 : i32
          %dma_wait3A_146 = tpu.memref_slice %arg18[%add3A_122, %dma_wait3A_145] : memref<20096x64xf32, #tpu.memory_space<vmem_shared>> -> memref<104x64xf32, #tpu.memory_space<vmem_shared>>
          %dma_wait3A_147 = arith.constant 0 : i32
          %dma_wait3A_148 = arith.constant 0 : i32
          %dma_wait3A_149 = tpu.memref_slice %arg15[%dma_wait3A_147, %dma_wait3A_148] : memref<112x64xf32, #tpu.memory_space<vmem>> -> memref<104x64xf32, #tpu.memory_space<vmem>>
          %dma_wait3A_150 = arith.constant 0 : i32
          %dma_wait3A_151 = tpu.memref_slice %arg18[%add3A_122, %dma_wait3A_150] : memref<20096x64xf32, #tpu.memory_space<vmem_shared>> -> memref<104x64xf32, #tpu.memory_space<vmem_shared>>
          tpu.wait_dma2 semaphore(%run_scoped3A : memref<!tpu.dma_semaphore, #tpu.memory_space<semaphore_mem>>) src(%dma_wait3A_151 : memref<104x64xf32, #tpu.memory_space<vmem_shared>>) dst(%dma_wait3A_149 : memref<104x64xf32, #tpu.memory_space<vmem>>)
          tpu.yield
        }) : () -> ()
        %scan3A_123 = arith.constant 0 : i32
        %scan3A_124 = arith.constant 0 : i32
        %scan3A_125 = arith.constant 64 : i32
        %scan3A_126 = arith.addi %scan3A_124, %scan3A_125 : i32
        %scan3A_127 = arith.constant 1 : i32
        %scan3A_128 = scf.for %scan3A_134 = %scan3A_124 to %scan3A_126 step %scan3A_127 iter_args(%scan3A_135 = %scan3A_123) -> (i32)  : i32 {
          %add3A_136 = arith.constant 0 : i32
          %add3A_137 = vector.broadcast %add3A_136 : i32 to vector<16xi32>
          %add3A_138 = arith.addi %add3A_137, %iota3A : vector<16xi32>
          %mul3A_139 = arith.constant 0 : i32
          %mul3A_140 = vector.broadcast %mul3A_139 : i32 to vector<16xi32>
          %mul3A_141 = arith.muli %iota3A, %mul3A_140 : vector<16xi32>
          %add3A_142 = vector.broadcast %scan3A_134 : i32 to vector<16xi32>
          %add3A_143 = arith.addi %add3A_142, %mul3A_141 : vector<16xi32>
          %gather3A = tpu.vector_load_idx %arg15[%add3A_138, %add3A_143] : memref<112x64xf32, #tpu.memory_space<vmem>>[vector<16xi32>, vector<16xi32>], vector<16xf32>,
          %swap3A = arith.constant 0 : i32
          %swap3A_144 = arith.index_cast %scan3A_134 : i32 to index
          %swap3A_145 = arith.index_cast %swap3A : i32 to index
          %swap3A_146 = arith.constant 0 : index
          %swap3A_147 = tpu.vector_load %arg16[%swap3A_144, %swap3A_145, %swap3A_146] {strides = array<i32>} : memref<64x1x120xf32, #tpu.memory_space<vmem>>, vector<16xf32>,
          tpu.vector_store %arg16[%swap3A_144, %swap3A_145, %swap3A_146], %gather3A {strides = array<i32>} : memref<64x1x120xf32, #tpu.memory_space<vmem>>, vector<16xf32>,
          %add3A_148 = arith.constant 16 : i32
          %add3A_149 = vector.broadcast %add3A_148 : i32 to vector<16xi32>
          %add3A_150 = arith.addi %add3A_149, %iota3A : vector<16xi32>
          %mul3A_151 = arith.constant 0 : i32
          %mul3A_152 = vector.broadcast %mul3A_151 : i32 to vector<16xi32>
          %mul3A_153 = arith.muli %iota3A, %mul3A_152 : vector<16xi32>
          %add3A_154 = vector.broadcast %scan3A_134 : i32 to vector<16xi32>
          %add3A_155 = arith.addi %add3A_154, %mul3A_153 : vector<16xi32>
          %gather3A_156 = tpu.vector_load_idx %arg15[%add3A_150, %add3A_155] : memref<112x64xf32, #tpu.memory_space<vmem>>[vector<16xi32>, vector<16xi32>], vector<16xf32>,
          %swap3A_157 = arith.constant 0 : i32
          %swap3A_158 = arith.index_cast %scan3A_134 : i32 to index
          %swap3A_159 = arith.index_cast %swap3A_157 : i32 to index
          %swap3A_160 = arith.constant 16 : index
          %swap3A_161 = tpu.vector_load %arg16[%swap3A_158, %swap3A_159, %swap3A_160] {strides = array<i32>} : memref<64x1x120xf32, #tpu.memory_space<vmem>>, vector<16xf32>,
          tpu.vector_store %arg16[%swap3A_158, %swap3A_159, %swap3A_160], %gather3A_156 {strides = array<i32>} : memref<64x1x120xf32, #tpu.memory_space<vmem>>, vector<16xf32>,
          %add3A_162 = arith.constant 32 : i32
          %add3A_163 = vector.broadcast %add3A_162 : i32 to vector<16xi32>
          %add3A_164 = arith.addi %add3A_163, %iota3A : vector<16xi32>
          %mul3A_165 = arith.constant 0 : i32
          %mul3A_166 = vector.broadcast %mul3A_165 : i32 to vector<16xi32>
          %mul3A_167 = arith.muli %iota3A, %mul3A_166 : vector<16xi32>
          %add3A_168 = vector.broadcast %scan3A_134 : i32 to vector<16xi32>
          %add3A_169 = arith.addi %add3A_168, %mul3A_167 : vector<16xi32>
          %gather3A_170 = tpu.vector_load_idx %arg15[%add3A_164, %add3A_169] : memref<112x64xf32, #tpu.memory_space<vmem>>[vector<16xi32>, vector<16xi32>], vector<16xf32>,
          %swap3A_171 = arith.constant 0 : i32
          %swap3A_172 = arith.index_cast %scan3A_134 : i32 to index
          %swap3A_173 = arith.index_cast %swap3A_171 : i32 to index
          %swap3A_174 = arith.constant 32 : index
          %swap3A_175 = tpu.vector_load %arg16[%swap3A_172, %swap3A_173, %swap3A_174] {strides = array<i32>} : memref<64x1x120xf32, #tpu.memory_space<vmem>>, vector<16xf32>,
          tpu.vector_store %arg16[%swap3A_172, %swap3A_173, %swap3A_174], %gather3A_170 {strides = array<i32>} : memref<64x1x120xf32, #tpu.memory_space<vmem>>, vector<16xf32>,
          %add3A_176 = arith.constant 48 : i32
          %add3A_177 = vector.broadcast %add3A_176 : i32 to vector<16xi32>
          %add3A_178 = arith.addi %add3A_177, %iota3A : vector<16xi32>
          %mul3A_179 = arith.constant 0 : i32
          %mul3A_180 = vector.broadcast %mul3A_179 : i32 to vector<16xi32>
          %mul3A_181 = arith.muli %iota3A, %mul3A_180 : vector<16xi32>
          %add3A_182 = vector.broadcast %scan3A_134 : i32 to vector<16xi32>
          %add3A_183 = arith.addi %add3A_182, %mul3A_181 : vector<16xi32>
          %gather3A_184 = tpu.vector_load_idx %arg15[%add3A_178, %add3A_183] : memref<112x64xf32, #tpu.memory_space<vmem>>[vector<16xi32>, vector<16xi32>], vector<16xf32>,
          %swap3A_185 = arith.constant 0 : i32
          %swap3A_186 = arith.index_cast %scan3A_134 : i32 to index
          %swap3A_187 = arith.index_cast %swap3A_185 : i32 to index
          %swap3A_188 = arith.constant 48 : index
          %swap3A_189 = tpu.vector_load %arg16[%swap3A_186, %swap3A_187, %swap3A_188] {strides = array<i32>} : memref<64x1x120xf32, #tpu.memory_space<vmem>>, vector<16xf32>,
          tpu.vector_store %arg16[%swap3A_186, %swap3A_187, %swap3A_188], %gather3A_184 {strides = array<i32>} : memref<64x1x120xf32, #tpu.memory_space<vmem>>, vector<16xf32>,
          %add3A_190 = arith.constant 64 : i32
          %add3A_191 = vector.broadcast %add3A_190 : i32 to vector<16xi32>
          %add3A_192 = arith.addi %add3A_191, %iota3A : vector<16xi32>
          %mul3A_193 = arith.constant 0 : i32
          %mul3A_194 = vector.broadcast %mul3A_193 : i32 to vector<16xi32>
          %mul3A_195 = arith.muli %iota3A, %mul3A_194 : vector<16xi32>
          %add3A_196 = vector.broadcast %scan3A_134 : i32 to vector<16xi32>
          %add3A_197 = arith.addi %add3A_196, %mul3A_195 : vector<16xi32>
          %gather3A_198 = tpu.vector_load_idx %arg15[%add3A_192, %add3A_197] : memref<112x64xf32, #tpu.memory_space<vmem>>[vector<16xi32>, vector<16xi32>], vector<16xf32>,
          %swap3A_199 = arith.constant 0 : i32
          %swap3A_200 = arith.index_cast %scan3A_134 : i32 to index
          %swap3A_201 = arith.index_cast %swap3A_199 : i32 to index
          %swap3A_202 = arith.constant 64 : index
          %swap3A_203 = tpu.vector_load %arg16[%swap3A_200, %swap3A_201, %swap3A_202] {strides = array<i32>} : memref<64x1x120xf32, #tpu.memory_space<vmem>>, vector<16xf32>,
          tpu.vector_store %arg16[%swap3A_200, %swap3A_201, %swap3A_202], %gather3A_198 {strides = array<i32>} : memref<64x1x120xf32, #tpu.memory_space<vmem>>, vector<16xf32>,
          %add3A_204 = arith.constant 80 : i32
          %add3A_205 = vector.broadcast %add3A_204 : i32 to vector<16xi32>
          %add3A_206 = arith.addi %add3A_205, %iota3A : vector<16xi32>
          %mul3A_207 = arith.constant 0 : i32
          %mul3A_208 = vector.broadcast %mul3A_207 : i32 to vector<16xi32>
          %mul3A_209 = arith.muli %iota3A, %mul3A_208 : vector<16xi32>
          %add3A_210 = vector.broadcast %scan3A_134 : i32 to vector<16xi32>
          %add3A_211 = arith.addi %add3A_210, %mul3A_209 : vector<16xi32>
          %gather3A_212 = tpu.vector_load_idx %arg15[%add3A_206, %add3A_211] : memref<112x64xf32, #tpu.memory_space<vmem>>[vector<16xi32>, vector<16xi32>], vector<16xf32>,
          %swap3A_213 = arith.constant 0 : i32
          %swap3A_214 = arith.index_cast %scan3A_134 : i32 to index
          %swap3A_215 = arith.index_cast %swap3A_213 : i32 to index
          %swap3A_216 = arith.constant 80 : index
          %swap3A_217 = tpu.vector_load %arg16[%swap3A_214, %swap3A_215, %swap3A_216] {strides = array<i32>} : memref<64x1x120xf32, #tpu.memory_space<vmem>>, vector<16xf32>,
          tpu.vector_store %arg16[%swap3A_214, %swap3A_215, %swap3A_216], %gather3A_212 {strides = array<i32>} : memref<64x1x120xf32, #tpu.memory_space<vmem>>, vector<16xf32>,
          %add3A_218 = arith.constant 96 : i32
          %add3A_219 = vector.broadcast %add3A_218 : i32 to vector<16xi32>
          %add3A_220 = arith.addi %add3A_219, %iota3A : vector<16xi32>
          %mul3A_221 = arith.constant 0 : i32
          %mul3A_222 = vector.broadcast %mul3A_221 : i32 to vector<16xi32>
          %mul3A_223 = arith.muli %iota3A, %mul3A_222 : vector<16xi32>
          %add3A_224 = vector.broadcast %scan3A_134 : i32 to vector<16xi32>
          %add3A_225 = arith.addi %add3A_224, %mul3A_223 : vector<16xi32>
          %gather3A_226 = tpu.vector_load_idx %arg15[%add3A_220, %add3A_225] : memref<112x64xf32, #tpu.memory_space<vmem>>[vector<16xi32>, vector<16xi32>], vector<16xf32>,
          %swap3A_227 = arith.constant 0 : i32
          %swap3A_228 = arith.index_cast %scan3A_134 : i32 to index
          %swap3A_229 = arith.index_cast %swap3A_227 : i32 to index
          %swap3A_230 = arith.constant 96 : index
          %swap3A_231 = tpu.vector_load %arg16[%swap3A_228, %swap3A_229, %swap3A_230] {strides = array<i32>} : memref<64x1x120xf32, #tpu.memory_space<vmem>>, vector<16xf32>,
          tpu.vector_store %arg16[%swap3A_228, %swap3A_229, %swap3A_230], %gather3A_226 {strides = array<i32>} : memref<64x1x120xf32, #tpu.memory_space<vmem>>, vector<16xf32>,
          %scan3A_232 = arith.constant 0 : i32
          scf.yield %scan3A_232 : i32
        }
        %scan3A_129 = arith.constant 64 : i32
        %mul3A_130 = arith.constant 64 : i32
        %mul3A_131 = arith.muli %scan3A_14, %mul3A_130 : i32
        %add3A_132 = arith.addi %mul3A_0, %add3A_104 : i32
        "tpu.region"() ({
          %run_scoped3A = tpu.sem_alloc : memref<!tpu.dma_semaphore, #tpu.memory_space<semaphore_mem>>
          %dma_start3A = arith.constant 0 : i32
          %dma_start3A_134 = arith.constant 0 : i32
          %dma_start3A_135 = arith.constant 0 : i32
          %dma_start3A_136 = tpu.memref_slice %arg16[%dma_start3A, %dma_start3A_134, %dma_start3A_135] : memref<64x1x120xf32, #tpu.memory_space<vmem>> -> memref<64x1x104xf32, #tpu.memory_space<vmem>>
          %dma_start3A_137 = arith.constant 96 : i32
          %dma_start3A_138 = tpu.memref_slice %arg5[%mul3A_131, %add3A_132, %dma_start3A_137] : memref<256x200x200xf32, #tpu.memory_space<hbm>> -> memref<64x1x104xf32, #tpu.memory_space<hbm>>
          %dma_start3A_139 = arith.constant 96 : i32
          %dma_start3A_140 = tpu.memref_slice %arg5[%mul3A_131, %add3A_132, %dma_start3A_139] : memref<256x200x200xf32, #tpu.memory_space<hbm>> -> memref<64x1x104xf32, #tpu.memory_space<hbm>>
          %dma_start3A_141 = arith.constant 0 : i32
          %dma_start3A_142 = arith.constant 0 : i32
          %dma_start3A_143 = arith.constant 0 : i32
          %dma_start3A_144 = tpu.memref_slice %arg16[%dma_start3A_141, %dma_start3A_142, %dma_start3A_143] : memref<64x1x120xf32, #tpu.memory_space<vmem>> -> memref<64x1x104xf32, #tpu.memory_space<vmem>>
          tpu.enqueue_dma source(%dma_start3A_144 : memref<64x1x104xf32, #tpu.memory_space<vmem>>) target(%dma_start3A_140 : memref<64x1x104xf32, #tpu.memory_space<hbm>>) target_semaphore(%run_scoped3A : memref<!tpu.dma_semaphore, #tpu.memory_space<semaphore_mem>>)
          %dma_wait3A = arith.constant 0 : i32
          %dma_wait3A_145 = arith.constant 0 : i32
          %dma_wait3A_146 = arith.constant 0 : i32
          %dma_wait3A_147 = tpu.memref_slice %arg16[%dma_wait3A, %dma_wait3A_145, %dma_wait3A_146] : memref<64x1x120xf32, #tpu.memory_space<vmem>> -> memref<64x1x104xf32, #tpu.memory_space<vmem>>
          %dma_wait3A_148 = arith.constant 96 : i32
          %dma_wait3A_149 = tpu.memref_slice %arg5[%mul3A_131, %add3A_132, %dma_wait3A_148] : memref<256x200x200xf32, #tpu.memory_space<hbm>> -> memref<64x1x104xf32, #tpu.memory_space<hbm>>
          %dma_wait3A_150 = arith.constant 96 : i32
          %dma_wait3A_151 = tpu.memref_slice %arg5[%mul3A_131, %add3A_132, %dma_wait3A_150] : memref<256x200x200xf32, #tpu.memory_space<hbm>> -> memref<64x1x104xf32, #tpu.memory_space<hbm>>
          %dma_wait3A_152 = arith.constant 0 : i32
          %dma_wait3A_153 = arith.constant 0 : i32
          %dma_wait3A_154 = arith.constant 0 : i32
          %dma_wait3A_155 = tpu.memref_slice %arg16[%dma_wait3A_152, %dma_wait3A_153, %dma_wait3A_154] : memref<64x1x120xf32, #tpu.memory_space<vmem>> -> memref<64x1x104xf32, #tpu.memory_space<vmem>>
          tpu.wait_dma2 semaphore(%run_scoped3A : memref<!tpu.dma_semaphore, #tpu.memory_space<semaphore_mem>>) src(%dma_wait3A_155 : memref<64x1x104xf32, #tpu.memory_space<vmem>>) dst(%dma_wait3A_151 : memref<64x1x104xf32, #tpu.memory_space<hbm>>)
          tpu.yield
        }) : () -> ()
        %while3A_133 = arith.constant 0 : i32
        scf.yield %while3A_133 : i32
      }
      %barrier3A_98 = arith.constant 0 : index
      tpu.barrier barrier_id(%barrier3A_98)
      %scan3A_99 = arith.constant 0 : i32
      scf.yield %scan3A_99 : i32
    }
    %scan3A_13 = arith.constant 4 : i32
    return
  }
}

</mosaic_0001>

<sc_bundles>
// kernel: kernel.3.cloned.1.call-start
scs
__scs_entry_jumppad:
0x0: {  	(pc) =	sbr.rel $0x88, $3  }
0x1: {  	(tag) =	ssettag $0x0;
	lr =	simm.s32 $0x1  }
0x2: {  	[smem:$0x3F9E] =	sst lr;
	_ =	strace $0xD0000000  }
0x3: {  	_ = 	snop  }
0x4: {  	_ = 	snop  }
0x5: {  	_ = 	snop  }
0x6: {  	_ = 	snop  }
0x7: {  	_ = 	snop  }
__scs_overlays_trampoline_lowered:
0x8: {  	[smem:$0x3FAD] =	sst s0  }
0x9: {  	[smem:$0x3FAE] =	sst s1  }
0xa: {  	[smem:$0x3FAF] =	sst s2  }
0xb: {  	[smem:$0x3FB0] =	sst s3  }
0xc: {  	[smem:$0x3FB1] =	sst s4  }
0xd: {  	[smem:$0x3FB2] =	sst s5  }
0xe: {  	[smem:$0x3FB3] =	sst s6  }
0xf: {  	[smem:$0x3FB4] =	sst s7  }
0x10: {  	[smem:$0x3FB5] =	sst s8  }
0x11: {  	[smem:$0x3FB6] =	sst s9;
	s0 =	simm.s32 @!p0 $0x0  }
0x12: {  	s1 =	sld [smem:$0x3F9C];
	s0 =	simm.s32 @p0 $0x1  }
0x13: {  	[smem:$0x3FB7] =	sst s0;
	s0 =	simm.s32 @!p1 $0x0  }
0x14: {  	s2 =	sld [smem:$0x3F9B];
	s0 =	simm.s32 @p1 $0x1  }
0x15: {  	[smem:$0x3FB8] =	sst s0;
	s0 =	simm.s32 @!p2 $0x0  }
0x16: {  	s3 =	sld [smem:$0x3FDB];
	s0 =	simm.s32 @p2 $0x1  }
0x17: {  	s4 =	simm.s32 $0x1BF5;
	[smem:$0x3FBA] =	sst s0  }
0x18: {  	s0 =	sld [smem:$0x3F9D];
	_ =	swait.ge [sflag:s4], $0x0  }
0x19: {  	s7 =	sld [smem:$0x3F9E]  }
0x1a: {  	s8 =	sadd.s32 $0xFFFFE003, lr  }
0x1b: {  	s9 =	sadd.s32 $0xFFFFFEF7, lr;
	s5 =	simm.s32 $0xFFFFFFFF;
	p2 =	slt.u32 s8, $0xFFFFF086  }
0x1c: {  	p1 =	slt.u32 s9, $0xF7A;
	s5 =	simm.s32 @!p2 $0x0  }
0x1d: {  	s5 =	simm.s32 @p1 $0x1;
	p0 =	seq.s32 s7, s2  }
0x1e: {  	s7 =	smul.u32 @!p0 $0xF7A, s2;
	p2 =	seq.s32 @!p0 s5, $0x0  }
0x1f: {  	s9 =	smul.u32 $0xF7A, s1;
	s8 =	simm.s32 @!p0 $0x1BF5;
	p2 =	por !p2, p0  }
0x20: {  	[sflag:s8] =	ssyncset.s32 @!p0 $0xFFFFF086;
	s6 =	sadd.s32 @!p0 s3, s7;
	s7 =	simm.s32 @!p0 $0x108  }
0x21: {  	s3 =	sadd.s32 s3, s9;
	s6 =	sadd.s32 @!p0 $0x88, s6;
	s7 =	simm.s32 @p2 $0x1082  }
0x22: {  	[simem:s7], [sflag:s8] =	dma.local @!p0 [hbm:s6], $0xF7A  }
0x23: {  	s9 =	sor.u32 $0xD0000000, s2;
	s6 =	simm.s32 $0x108;
	_ =	swait.ge @!p0 [sflag:s8], $0x0  }
0x24: {  	s3 =	sadd.s32 $0x88, s3;
	s6 =	simm.s32 @!p1 $0x1082;
	[sflag:s4] =	ssyncset.s32 $0xFFFFF086  }
0x25: {  	[simem:s6], [sflag:s4] =	dma.local [hbm:s3], $0xF7A  }
0x26: {  	[smem:$0x3F9E] =	sst s1;
	(tag) =	ssettag s2;
	_ =	strace s9  }
0x27: {  	s1 =	sld [smem:$0x3FAE]  }
0x28: {  	s2 =	sld [smem:$0x3FAF]  }
0x29: {  	s4 =	sld [smem:$0x3FB1]  }
0x2a: {  	p0 =	seq.s32 s5, $0x0;
	s5 =	sld [smem:$0x3FB2]  }
0x2b: {  	s6 =	sld [smem:$0x3FB3]  }
0x2c: {  	s7 =	sld [smem:$0x3FB4]  }
0x2d: {  	s3 =	simm.s32 $0x108;
	s8 =	sld [smem:$0x3FB5]  }
0x2e: {  	s3 =	simm.s32 @!p0 $0x1082;
	s9 =	sld [smem:$0x3FB6]  }
0x2f: {  	lr =	sadd.s32 s0, s3;
	s0 =	sld [smem:$0x3FAD]  }
0x30: {  	s3 =	sld [smem:$0x3FB0]  }
0x31: {  	[smem:$0x3FB9] =	sst s10  }
0x32: {  	s10 =	sld [smem:$0x3FB7];
	_ =	sdelay $0x3  }
0x33: {  	p0 =	seq.s32 s10, $0x1;
	s10 =	sld [smem:$0x3FB9];
	_ =	sdelay $0x3  }
0x34: {  	[smem:$0x3FB9] =	sst s10  }
0x35: {  	s10 =	sld [smem:$0x3FB8];
	_ =	sdelay $0x3  }
0x36: {  	p1 =	seq.s32 s10, $0x1;
	s10 =	sld [smem:$0x3FB9];
	_ =	sdelay $0x3  }
0x37: {  	[smem:$0x3FB9] =	sst s10  }
0x38: {  	s10 =	sld [smem:$0x3FBA]  }
0x39: {  	_ = 	snop;
	(pc) =	sbr.ind lr, $3  }
0x3a: {  	_ = 	snop  }
0x3b: {  	_ = 	snop  }
0x3c: {  	p2 =	seq.s32 s10, $0x1;
	s10 =	sld [smem:$0x3FB9]  }
0x3d: {  	_ =	shalt  }
0x3e: {  	_ =	shalt  }
0x3f: {  	_ =	shalt  }
0x40: {  	_ =	shalt  }
0x41: {  	_ =	shalt  }
0x42: {  	_ =	shalt  }
0x43: {  	_ =	shalt  }
0x44: {  	_ =	shalt  }
0x45: {  	_ =	shalt  }
0x46: {  	_ =	shalt  }
0x47: {  	_ =	shalt  }
0x48: {  	_ =	shalt  }
0x49: {  	_ =	shalt  }
0x4a: {  	_ =	shalt  }
0x4b: {  	_ =	shalt  }
0x4c: {  	_ =	shalt  }
0x4d: {  	_ =	shalt  }
0x4e: {  	_ =	shalt  }
0x4f: {  	_ =	shalt  }
0x50: {  	_ =	shalt  }
0x51: {  	_ =	shalt  }
0x52: {  	_ =	shalt  }
0x53: {  	_ =	shalt  }
0x54: {  	_ =	shalt  }
0x55: {  	_ =	shalt  }
0x56: {  	_ =	shalt  }
0x57: {  	_ =	shalt  }
0x58: {  	_ =	shalt  }
0x59: {  	_ =	shalt  }
0x5a: {  	_ =	shalt  }
0x5b: {  	_ =	shalt  }
0x5c: {  	_ =	shalt  }
0x5d: {  	_ =	shalt  }
0x5e: {  	_ =	shalt  }
0x5f: {  	_ =	shalt  }
0x60: {  	_ =	shalt  }
0x61: {  	_ =	shalt  }
0x62: {  	_ =	shalt  }
0x63: {  	_ =	shalt  }
0x64: {  	_ =	shalt  }
0x65: {  	_ =	shalt  }
0x66: {  	_ =	shalt  }
0x67: {  	_ =	shalt  }
0x68: {  	_ =	shalt  }
0x69: {  	_ =	shalt  }
0x6a: {  	_ =	shalt  }
0x6b: {  	_ =	shalt  }
0x6c: {  	_ =	shalt  }
0x6d: {  	_ =	shalt  }
0x6e: {  	_ =	shalt  }
0x6f: {  	_ =	shalt  }
0x70: {  	_ =	shalt  }
0x71: {  	_ =	shalt  }
0x72: {  	_ =	shalt  }
0x73: {  	_ =	shalt  }
0x74: {  	_ =	shalt  }
0x75: {  	_ =	shalt  }
0x76: {  	_ =	shalt  }
0x77: {  	_ =	shalt  }
0x78: {  	_ =	shalt  }
0x79: {  	_ =	shalt  }
0x7a: {  	_ =	shalt  }
0x7b: {  	_ =	shalt  }
0x7c: {  	_ =	shalt  }
0x7d: {  	_ =	shalt  }
0x7e: {  	_ =	shalt  }
0x7f: {  	_ =	shalt  }
0x80: {  	_ =	shalt  }
0x81: {  	_ =	shalt  }
0x82: {  	_ =	shalt  }
0x83: {  	_ =	shalt  }
0x84: {  	_ =	shalt  }
0x85: {  	_ =	shalt  }
0x86: {  	_ =	shalt  }
0x87: {  	_ =	shalt  }
.Lfunc_end0:
.L_simem_size_0:
called_computation_lowered:
.L_overlay_start_0:
0x88: {  	s2 =	sld [smem:$0x3FD9]  }
0x89: {  	s3 =	sld [smem:$0x3FFE];
	_ =	sdelay $0x1  }
0x8a: {  	s1 =	srdreg.scid  }
0x8b: {  	s0 =	sand.u32 $0x1, s1  }
0x8c: {  	s17 =	sshll.u32 s0, $0xA;
	s2 =	sadd.s32 s3, s2  }
0x8d: {  	s2 =	sadd.s32 s2, s17  }
0x8e: {  	[smem:$0x3FC5] =	sst s2  }
0x8f: {  	_ = 	snop  }
0x90: {  	s2 =	sld [smem:$0x3FD0];
	(tm) =	ssettm $0x1  }
0x91: {  	s18 =	sld [smem:$0x3FFB];
	_ =	sdelay $0x3  }
0x92: {  	_ =	strace s18  }
0x93: {  	s3 =	sld [smem:$0x3FFC];
	_ =	sdelay $0x3  }
0x94: {  	_ =	strace s3  }
0x95: {  	s3 =	sld [smem:$0x3FFD];
	_ =	sdelay $0x3  }
0x96: {  	_ =	strace s3  }
0x97: {  	_ =	strace $0x8FFFFFFF  }
0x98: {  	s19 =	sld [smem:$0x3FDB];
	_ =	sdelay $0x1  }
0x99: {  	s4 =	simm.s32 $_scs_section_size  }
0x9a: {  	s5 =	simm.s32 $_size__tile_overlayer_lowered;
	s6 =	simm.s32 $_tile_overlayer_lowered  }
0x9b: {  	s22 =	simm.s32 $0x1BFF;
	s21 =	sshll.u32 s6, $0x1;
	s3 =	sadd.s32 s4, s19  }
0x9c: {  	s7 =	simm.s32 $0x0;
	s20 =	sshll.u32 s5, $0x1;
	s5 =	sadd.s32 s21, s3  }
0x9d: {  	[timem:s7], [sflag:s22] =	dma.local [hbm:s5], s20  }
0x9e: {  	_ =	swait.ge [sflag:s22], s20  }
0x9f: {  	s4 =	ssub.s32 $0x0, s20;
	[sflag:s22] =	ssyncset.done $0x0  }
0xa0: {  	[sflag:s22] =	ssyncadd.s32 s4;
	_ =	sdelay $0x1  }
0xa1: {  	s23 =	simm.s32 $0x1B8B  }
0xa2: {  	_ =	swait.ge [sflag:s23], $0x1  }
0xa3: {  	[sflag:s23] =	ssyncset.done $0x0  }
0xa4: {  	s25 =	simm.s32 $0x1B8E;
	s24 =	sld [smem:$0x3FFE];
	[sflag:s23] =	ssyncadd.s32 $0xFFFFFFFF  }
0xa5: {  	s26 =	simm.s32 $execute0_lowered;
	[smem:$0x3FD2] =	sst s25  }
0xa6: {  	s5 =	sshll.u32 s26, $0x1;
	_ =	strace $0x80000046;
	[dreg:$0x1] =	wrdreg $0xFFFFFFFF  }
0xa7: {  	s28 =	simm.s32 $_size_execute0_lowered;
	s3 =	sadd.s32 s3, s5;
	[dreg:$0x0] =	wrdreg $0x0  }
0xa8: {  	s5 =	sshll.u32 s28, $0x1;
	[dreg:$0x2] =	wrdreg s3  }
0xa9: {  	[dreg:$0x3] =	wrdreg s5  }
0xaa: {  	[dreg:$0x4] =	wrdreg $0xC0  }
0xab: {  	_ =	task [dreg:s7], $0x5FFFF  }
0xac: {  	[dreg:$0x1] =	wrdreg $0xFFFFFFFF  }
0xad: {  	[dreg:$0x0] =	wrdreg $0x60  }
0xae: {  	[dreg:$0x2] =	wrdreg s24  }
0xaf: {  	[dreg:$0x3] =	wrdreg s2  }
0xb0: {  	[dreg:$0x4] =	wrdreg $0x92F00  }
0xb1: {  	[dreg:$0x5] =	wrdreg $0x9  }
0xb2: {  	_ =	task.clear_ibuf [dreg:s7], $0x6FFFF;
	_ =	strace $0x90000046  }
0xb3: {  	s29 =	simm.s32 $0x9;
	_ =	strace $0x80000048  }
0xb4: {  	_ =	swait.ge [sflag:s29], $0x1  }
0xb5: {  	[sflag:s29] =	ssyncadd.s32 $0xFFFFFFFF  }
0xb6: {  	_ =	strace $0x90000048  }
0xb7: {  	_ =	sfence  }
0xb8: {  	s30 =	sld [smem:$0x0];
	_ =	sdelay $0x2  }
0xb9: {  	s31 =	sshll.u32 s1, $0xD;
	s1 =	sshrl.u32 s1, $0x2  }
0xba: {  	s3 =	sand.u32 $0x4000, s31;
	s1 =	sadd.s32 s1, s30  }
0xbb: {  	s0 =	sor.u32 s3, s0;
	s1 =	sshll.u32 s1, $0x11  }
0xbc: {  	s0 =	sor.u32 s1, s0  }
0xbd: {  	s0 =	sadd.s32 $0x8F2B, s0  }
0xbe: {  	[sflag:s0] =	ssyncadd.remote.s32 $0x1  }
0xbf: {  	_ =	sfence.sel $0xFFFF  }
0xc0: {  	[dreg:$0x0] =	wrdreg $0xFFFFFFFF;
	(pc) =	sbr.abs _section_cstart, $3  }
0xc1: {  	[dreg:$0x1] =	wrdreg $0xFFFFFFFF  }
0xc2: {  	_ =	task.clear_ibuf [dreg:s7], $0x2FFFF;
	_ =	strace $0x9FFFFFFF  }
0xc3: {  	(tm) =	ssettm $0x7FFFFFFF  }
tec
execute0_lowered:
.L_overlay_start_1:
0x0: {  	(tag) =	ssettag $0x1  }
0x1: {  	v0 =	vlaneseq.u32  }
0x2: {  	v2 =	vimm.f32 $0.0e+00;
	v6 =	vimm.s32 $0x0;
	v7 =	vimm.s32 $0x4E20  }
0x3: {  	s2 =	rddreg [dreg:$0x0];
	vm0 =	vcmask $0x300;
	v3 =	vmul.u32 $0xFFFFFFFF, v0;
	v5 =	vmul.u32 $0x40, v0  }
0x4: {  	s0 =	srdreg.scid;
	s3 =	rddreg [dreg:$0x2];
	v4 =	vor.u32 $0x1600, v0;
	v8 =	vsel vm0, $0x3, v6;
	vm0 =	vmmov $0xffff  }
0x5: {  	s4 =	simm.s32 $0x0;
	s24 =	stileid.u32;
	s15 =	simm.s32 $0x8AF0;
	v3 =	vadd.s32 $0x58, v3;
	v9 =	vor.u32 $0x1, v5;
	v10 =	vor.u32 $0x2, v5  }
0x6: {  	s16 =	simm.s32 $0x3;
	s17 =	simm.s32 $0x1;
	s18 =	simm.s32 $0x40F0;
	v11 =	vor.u32 $0x3, v5;
	v12 =	vor.u32 $0x4, v5;
	v13 =	vor.u32 $0x5, v5  }
0x7: {  	s19 =	simm.s32 $0x30F0;
	s20 =	simm.s32 $0x2;
	s1 =	sand.u32 $0x1, s0;
	v14 =	vor.u32 $0x6, v5;
	v15 =	vor.u32 $0x7, v5;
	v16 =	vor.u32 $0x400, v5  }
0x8: {  	[smem:$0x7FF] =	sst s4;
	s6 =	sadd.s32 $0xA00, s2;
	s7 =	sadd.s32 $0x400, s2;
	v17 =	vor.u32 $0x401, v5;
	v18 =	vor.u32 $0x402, v5;
	v19 =	vor.u32 $0x403, v5  }
0x9: {  	s9 =	ssub.s32 $0x283, s24;
	s8 =	sadd.s32 $0x420A00, s2;
	s29 =	smul.u32 $0x60, s24;
	v20 =	vor.u32 $0x404, v5;
	v21 =	vor.u32 $0x405, v5;
	v22 =	vor.u32 $0x406, v5  }
0xa: {  	s26 =	sshll.u32 s24, $0xB;
	s0 =	smul.u32 $0x3, s24;
	s25 =	sshrl.u32 s9, $0x4;
	v23 =	vor.u32 $0x407, v5;
	v24 =	vor.u32 $0x800, v5;
	v25 =	vor.u32 $0x801, v5  }
0xb: {  	s22 =	smul.u32 $0x64, s1;
	_ =	strace $0x80000047;
	[dreg:$0x5] =	wrdreg s25;
	v26 =	vor.u32 $0x802, v5;
	v27 =	vor.u32 $0x803, v5;
	v28 =	vor.u32 $0x804, v5  }
0xc: {  	s1 =	ssub.s32 $0x2, s1;
	s2 =	sadd.s32 s26, s3;
	[dreg:$0x6] =	wrdreg s29;
	v29 =	vor.u32 $0x805, v5;
	v30 =	vor.u32 $0x806, v5;
	v31 =	vor.u32 $0x807, v5  }
0xd: {  	s21 =	simm.s32 $0x50F0;
	s5 =	sshrl.u32 s1, $0x1;
	[dreg:$0x7] =	wrdreg s2;
	v32 =	vor.u32 $0xC00, v5;
	v33 =	vor.u32 $0xC01, v5;
	v34 =	vor.u32 $0xC02, v5  }
0xe: {  	s28 =	simm.s32 $0x0;
	[dreg:$0x8] =	wrdreg s0;
	v35 =	vor.u32 $0xC03, v5;
	v36 =	vor.u32 $0xC04, v5;
	v37 =	vor.u32 $0xC05, v5;
	s1 =	ssub.s32 s1, s5  }
0xf: {  	s30 =	ssub.s32 $0x73, s24;
	v38 =	vor.u32 $0xC06, v5;
	v39 =	vor.u32 $0xC07, v5;
	v40 =	vor.u32 $0x1000, v5;
	[dreg:$0x4] =	wrdreg s22;
	s31 =	smax.u32 s1, $0x1  }
0x10: {  	s13 =	sshrl.u32 s30, $0x4;
	v41 =	vor.u32 $0x1400, v5;
	v42 =	vor.u32 $0x1800, v5;
	v1 =	vmov s22;
	s1 =	simm.s32 $0x0;
	[dreg:$0x9] =	wrdreg s31  }
.LBB2_1:
0x11: {  	[dreg:$0xa] =	wrdreg s1;
	s1 =	simm.s32 $0x0  }
.LBB2_2:
0x12: {  	p0 =	sne.s32 s1, $0x1F00  }
.Ltmp0:
0x13: {  	s2 =	sshra.s32 s1, $0x2;
	(pc) =	sbr.rel @p0 .LBB2_2-.Ltmp0, $4  }
0x14: {  	[tilespmem:s2+$0x8AF0] =	vst v2  }
0x15: {  	[tilespmem:s2+$0x8B00] =	vst v2  }
0x16: {  	[tilespmem:s2+$0x8B10] =	vst v2  }
0x17: {  	s1 =	sadd.s32 $0x100, s1;
	[tilespmem:s2+$0x8B20] =	vst v2  }
0x18: {  	s26 =	simm.s32 $0x0  }
.LBB2_4:
0x19: {  	s0 =	rddreg [dreg:$0x5]  }
0x1a: {  	p0 =	sne.s32 s0, $0x1  }
.Ltmp1:
0x1b: {  	_ = 	snop;
	(pc) =	sbr.rel @!p0 .LBB2_6-.Ltmp1, $4  }
0x1c: {  	s2 =	rddreg [dreg:$0x7]  }
0x1d: {  	[spmem:s2] =	stream.linear.scatter [tilespmem:s15], [sflag:$0x3], $0x800, $0x38;
	[tilespmem:$0x1CCF0] =	vst v63  }
0x1e: {  	_ =	swait.ge [sflag:s16], $0x800  }
0x1f: {  	s1 =	sadd.s32 $0xFFFFFFFF, s0;
	[sflag:s16] =	ssyncset.done $0x0  }
.LBB2_5:
0x20: {  	p0 =	sne.s32 s1, $0x1;
	[sflag:s16] =	ssyncadd.s32 $0xFFFFF800;
	s2 =	sadd.s32 $0x8000, s2  }
.Ltmp2:
0x21: {  	s1 =	sadd.s32 $0xFFFFFFFF, s1;
	(pc) =	sbr.rel @p0 .LBB2_5-.Ltmp2, $4  }
0x22: {  	_ = 	snop  }
0x23: {  	[spmem:s2] =	stream.linear.scatter [tilespmem:s15], [sflag:$0x3], $0x800, $0x38;
	[tilespmem:$0x1CCF0] =	vst v63  }
0x24: {  	_ =	swait.ge [sflag:s16], $0x800  }
0x25: {  	[sflag:s16] =	ssyncset.done $0x0  }
.LBB2_6:
0x26: {  	[sflag:s16] =	ssyncadd.s32 $0xFFFFF800  }
.Ltmp3:
0x27: {  	[bflag:$0x0] =	sbarrier.arrive $0xFFFF;
	(pc) =	sbr.rel .LBB2_7-.Ltmp3, $4  }
0x28: {  	s1 =	smul.u32 $0x600, s26;
	s0 =	rddreg [dreg:$0x6]  }
0x29: {  	s2 =	smul.u32 $0x30, s26;
	s31 =	rddreg [dreg:$0x8]  }
0x2a: {  	s29 =	simm.s32 $0x0;
	[dreg:$0xb] =	wrdreg s26  }
0x2b: {  	s26 =	smul.u32 $0xB00, s26;
	s24 =	sadd.s32 s0, s1;
	s25 =	sadd.s32 s31, s2  }
.LBB2_35:
0x2c: {  	[sflag:s20] =	ssyncadd.s32 $0xFFFFFC00  }
.LBB2_36:
0x2d: {  	s29 =	sadd.s32 $0x1, s29  }
0x2e: {  	p0 =	sne.s32 s29, $0x30  }
.Ltmp4:
0x2f: {  	_ = 	snop;
	(pc) =	sbr.rel @!p0 .LBB2_37-.Ltmp4, $1  }
0x30: {  	_ =	sdelay $0x3  }
.LBB2_7:
0x31: {  	s1 =	sshrl.u32 s29, $0x4;
	s5 =	sand.u32 $0xF, s29  }
0x32: {  	s2 =	sshll.u32 s1, $0x5;
	s9 =	sshll.u32 s5, $0x1  }
0x33: {  	s1 =	sadd.s32 s1, s25;
	s5 =	smul.u32 $0xB0, s5;
	s2 =	sadd.s32 s2, s24  }
0x34: {  	s1 =	smul.u32 $0x2100, s1;
	s2 =	sor.u32 s9, s2  }
0x35: {  	s2 =	smul.u32 $0x2C0, s2  }
0x36: {  	s1 =	sadd.s32 s5, s1  }
0x37: {  	s0 =	rddreg [dreg:$0x1];
	s1 =	sshrl.u32 s1, $0x3;
	s2 =	sadd.s32 s6, s2  }
0x38: {  	[tilespmem:s28], [sflag:$0x1] =	stream.linear.gather [hbm4b:s2+s28], $0x2C00, $0x38;
	[tilespmem:$0x1CCF0] =	vst v63  }
0x39: {  	s10 =	simm.s32 $0x2C10;
	s23 =	sadd.s32 s0, s1  }
0x3a: {  	[tilespmem:s10], [sflag:$0x3] =	stream.linear.gather [hbm4b:s23+s28], $0xB0, $0x38;
	[tilespmem:$0x1CCF0] =	vst v63  }
0x3b: {  	_ =	swait.ge [sflag:s16], $0xB0  }
0x3c: {  	[sflag:s16] =	ssyncset.done $0x0  }
0x3d: {  	s1 =	simm.s32 $0x2CD0;
	s30 =	sadd.s32 $0x160, s23;
	[sflag:s16] =	ssyncadd.s32 $0xFFFFFF50  }
0x3e: {  	[tilespmem:s1], [sflag:$0x3] =	stream.linear.gather [hbm4b:s30+s28], $0xB0, $0x38;
	[tilespmem:$0x1CCF0] =	vst v63  }
0x3f: {  	_ =	swait.ge [sflag:s16], $0xB0  }
0x40: {  	[sflag:s16] =	ssyncset.done $0x0  }
0x41: {  	s31 =	sadd.s32 $0x2C0, s23;
	s2 =	simm.s32 $0x2D90;
	[sflag:s16] =	ssyncadd.s32 $0xFFFFFF50  }
0x42: {  	[tilespmem:s2], [sflag:$0x3] =	stream.linear.gather [hbm4b:s31+s28], $0xB0, $0x38;
	[tilespmem:$0x1CCF0] =	vst v63  }
0x43: {  	s5 =	sadd.s32 s26, s5;
	_ =	swait.ge [sflag:s16], $0xB0  }
0x44: {  	s5 =	sshrl.u32 s5, $0x3;
	[sflag:s16] =	ssyncset.done $0x0  }
0x45: {  	s9 =	simm.s32 $0x2E50;
	s5 =	sadd.s32 s7, s5;
	[sflag:s16] =	ssyncadd.s32 $0xFFFFFF50  }
0x46: {  	[tilespmem:s9], [sflag:$0x3] =	stream.linear.gather [hbm4b:s5+s28], $0xB0, $0x38;
	[tilespmem:$0x1CCF0] =	vst v63  }
0x47: {  	_ =	swait.ge [sflag:s16], $0xB0  }
0x48: {  	[sflag:s16] =	ssyncset.done $0x0  }
0x49: {  	[sflag:s16] =	ssyncadd.s32 $0xFFFFFF50  }
0x4a: {  	v43 =	vld [tilespmem:s10+$0x0];
	_ =	sdelay $0x1  }
0x4b: {  	v44 =	vld [tilespmem:s1+$0x0];
	_ =	sdelay $0x2  }
0x4c: {  	v43 =	vadd.f32 $5.000000000e+01, v43;
	_ =	sdelay $0x1  }
0x4d: {  	v45 =	vld [tilespmem:s2+$0x0];
	v44 =	vadd.f32 $5.000000000e+01, v44;
	v43 =	vadd.f32 v43, v43;
	_ =	sdelay $0x1  }
0x4e: {  	v44 =	vadd.f32 v44, v44;
	v43 =	vtrunc.f32 v43  }
0x4f: {  	v43 =	vcvt.f32.s32 v43  }
0x50: {  	v46 =	vor.u32 s28, v0;
	v47 =	vld [tilespmem:s9+$0x0];
	v44 =	vtrunc.f32 v44  }
0x51: {  	v45 =	vadd.f32 $1.000000000e+01, v45;
	v44 =	vcvt.f32.s32 v44;
	v43 =	vsub.s32 v43, v1  }
0x52: {  	vm1 =	vlt.u32 v46, $0x58;
	vm2 =	vlt.u32 v43, $0x64  }
0x53: {  	v45 =	vand.u32 $0x7FFFFFFF, v45;
	vm1 =	vmand vm1, vm2;
	vm2 =	vlt.u32 v44, $0xC8  }
0x54: {  	vm1 =	vmand vm2, vm1;
	vm2 =	vlt.f32 v45, $2.000000000e+01  }
0x55: {  	v43 =	vmul.u32 $0xC8, v43;
	vm1 =	vmand vm2, vm1;
	vm2 =	vgt.f32 v47, $5.000000000e-01  }
0x56: {  	vm1 =	vmand vm2, vm1  }
0x57: {  	v43 =	vadd.s32 v44, v43;
	[tilespmem:s28+$0x2F10] =	vst.msk vm1, v46;
	v63 =	vmpcnt.ones.xlane vm1  }
0x58: {  	s12 =	simm.s32 $0x2C20;
	[tilespmem:s28+$0x3000] =	vst.msk vm1, v43  }
0x59: {  	s11 =	simm.s32 $0x10;
	s14 =	simm.s32 $0x20;
	s10 =	simm.s32 $0x0;
	v43 =	vld [tilespmem:s12+$0x0];
	(v2sf) =	vpush v63, $0x0  }
.LBB2_8:
0x5a: {  	p0 =	sne.s32 s14, $0x50;
	s1 =	sadd.s32 $0x10, s1  }
0x5b: {  	v44 =	vld [tilespmem:s1+$0x0];
	_ =	sdelay $0x2  }
0x5c: {  	v43 =	vadd.f32 $5.000000000e+01, v43  }
0x5d: {  	s2 =	sadd.s32 $0x10, s2  }
0x5e: {  	v45 =	vld [tilespmem:s2+$0x0];
	v43 =	vadd.f32 v43, v43;
	v44 =	vadd.f32 $5.000000000e+01, v44;
	_ =	sdelay $0x1  }
0x5f: {  	v43 =	vtrunc.f32 v43;
	v44 =	vadd.f32 v44, v44  }
0x60: {  	s9 =	sadd.s32 $0x10, s9;
	v43 =	vcvt.f32.s32 v43  }
0x61: {  	v46 =	vor.u32 s11, v0;
	s11 =	smov.u32 s14;
	v47 =	vld [tilespmem:s9+$0x0];
	v44 =	vtrunc.f32 v44  }
0x62: {  	v44 =	vcvt.f32.s32 v44;
	v45 =	vadd.f32 $1.000000000e+01, v45;
	v43 =	vsub.s32 v43, v1  }
0x63: {  	vm1 =	vlt.u32 v46, $0x58;
	vm2 =	vlt.u32 v43, $0x64;
	v43 =	vmul.u32 $0xC8, v43  }
0x64: {  	vm1 =	vmand vm1, vm2;
	vm2 =	vlt.u32 v44, $0xC8;
	v45 =	vand.u32 $0x7FFFFFFF, v45  }
0x65: {  	vm1 =	vmand vm2, vm1;
	vm2 =	vlt.f32 v45, $2.000000000e+01;
	v43 =	vadd.s32 v44, v43;
	s5 =	spop (v2sf)  }
.Ltmp5:
0x66: {  	vm1 =	vmand vm2, vm1;
	vm2 =	vgt.f32 v47, $5.000000000e-01;
	s10 =	sadd.s32 s10, s5;
	(pc) =	sbr.rel @p0 .LBB2_8-.Ltmp5, $4  }
0x67: {  	vm1 =	vmand vm2, vm1  }
0x68: {  	[tilespmem:s10+$0x2F10] =	vst.msk vm1, v46;
	v44 =	vmpcnt.ones.xlane vm1  }
0x69: {  	s12 =	sadd.s32 $0x10, s12;
	[tilespmem:s10+$0x3000] =	vst.msk vm1, v43  }
0x6a: {  	s14 =	sadd.s32 $0x10, s14;
	v43 =	vld [tilespmem:s12+$0x0];
	(v2sf) =	vpush v44, $0x0  }
0x6b: {  	s1 =	sadd.s32 $0x10, s1  }
0x6c: {  	v44 =	vld [tilespmem:s1+$0x0];
	_ =	sdelay $0x2  }
0x6d: {  	v43 =	vadd.f32 $5.000000000e+01, v43  }
0x6e: {  	s14 =	sadd.s32 $0x10, s2  }
0x6f: {  	v45 =	vld [tilespmem:s14+$0x0];
	v43 =	vadd.f32 v43, v43;
	v44 =	vadd.f32 $5.000000000e+01, v44;
	_ =	sdelay $0x1  }
0x70: {  	v43 =	vtrunc.f32 v43;
	v44 =	vadd.f32 v44, v44  }
0x71: {  	s22 =	sadd.s32 $0x10, s9;
	v43 =	vcvt.f32.s32 v43  }
0x72: {  	v46 =	vor.u32 s11, v0;
	v47 =	vld [tilespmem:s22+$0x0];
	v44 =	vtrunc.f32 v44  }
0x73: {  	v45 =	vadd.f32 $1.000000000e+01, v45;
	v44 =	vcvt.f32.s32 v44;
	v43 =	vsub.s32 v43, v1  }
0x74: {  	vm1 =	vlt.u32 v46, $0x58;
	vm2 =	vlt.u32 v43, $0x64  }
0x75: {  	v45 =	vand.u32 $0x7FFFFFFF, v45;
	vm1 =	vmand vm1, vm2;
	vm2 =	vlt.u32 v44, $0xC8  }
0x76: {  	vm1 =	vmand vm2, vm1;
	vm2 =	vlt.f32 v45, $2.000000000e+01  }
0x77: {  	v43 =	vmul.u32 $0xC8, v43;
	s23 =	spop (v2sf);
	vm1 =	vmand vm2, vm1;
	vm2 =	vgt.f32 v47, $5.000000000e-01  }
0x78: {  	s1 =	sadd.s32 s10, s23;
	vm1 =	vmand vm2, vm1  }
0x79: {  	v43 =	vadd.s32 v44, v43;
	[tilespmem:s1+$0x2F10] =	vst.msk vm1, v46  }
0x7a: {  	s30 =	simm.s32 $0x2C68;
	v57 =	vmpcnt.ones.xlane vm1;
	[tilespmem:s1+$0x3000] =	vst.msk vm1, v43  }
0x7b: {  	v43 =	vld [tilespmem:s30+$0x0]  }
0x7c: {  	s2 =	simm.s32 $0x2D28;
	(v2sf) =	vpush v57, $0x0  }
0x7d: {  	v58 =	vld [tilespmem:s2+$0x0];
	_ =	sdelay $0x2  }
0x7e: {  	v43 =	vadd.f32 $5.000000000e+01, v43  }
0x7f: {  	s9 =	simm.s32 $0x2DE8  }
0x80: {  	v59 =	vld [tilespmem:s9+$0x0];
	v44 =	vadd.f32 $5.000000000e+01, v58;
	v43 =	vadd.f32 v43, v43;
	_ =	sdelay $0x1  }
0x81: {  	v44 =	vadd.f32 v44, v44;
	v43 =	vtrunc.f32 v43  }
0x82: {  	s5 =	simm.s32 $0x0;
	s10 =	simm.s32 $0x2EA8;
	v43 =	vcvt.f32.s32 v43  }
0x83: {  	v60 =	vmov s5;
	v61 =	vld [tilespmem:s10+$0x0];
	v44 =	vtrunc.f32 v44  }
0x84: {  	v45 =	vadd.f32 $1.000000000e+01, v59;
	v44 =	vcvt.f32.s32 v44;
	v43 =	vsub.s32 v43, v1  }
0x85: {  	vm1 =	vlt.u32 v60, v3;
	vm2 =	vlt.u32 v43, $0x64  }
0x86: {  	v45 =	vand.u32 $0x7FFFFFFF, v45;
	vm1 =	vmand vm1, vm2;
	vm2 =	vlt.u32 v44, $0xC8  }
0x87: {  	vm1 =	vmand vm2, vm1;
	vm2 =	vlt.f32 v45, $2.000000000e+01  }
0x88: {  	v43 =	vmul.u32 $0xC8, v43;
	s31 =	spop (v2sf);
	vm1 =	vmand vm2, vm1;
	vm2 =	vgt.f32 v61, $5.000000000e-01  }
0x89: {  	v62 =	vor.u32 s5, v4;
	s1 =	sadd.s32 s1, s31;
	vm1 =	vmand vm2, vm1  }
0x8a: {  	v43 =	vadd.s32 v44, v43;
	[tilespmem:s1+$0x2F10] =	vst.msk vm1, v62;
	v63 =	vmpcnt.ones.xlane vm1  }
0x8b: {  	s12 =	simm.s32 $0x2C78;
	[tilespmem:s1+$0x3000] =	vst.msk vm1, v43  }
0x8c: {  	s11 =	simm.s32 $0x10;
	s14 =	simm.s32 $0x20;
	v43 =	vld [tilespmem:s12+$0x0];
	(v2sf) =	vpush v63, $0x0  }
.LBB2_10:
0x8d: {  	p0 =	sne.s32 s14, $0x50;
	s2 =	sadd.s32 $0x10, s2  }
0x8e: {  	v44 =	vld [tilespmem:s2+$0x0];
	_ =	sdelay $0x2  }
0x8f: {  	v43 =	vadd.f32 $5.000000000e+01, v43  }
0x90: {  	s9 =	sadd.s32 $0x10, s9  }
0x91: {  	v45 =	vld [tilespmem:s9+$0x0];
	v43 =	vadd.f32 v43, v43;
	v44 =	vadd.f32 $5.000000000e+01, v44;
	_ =	sdelay $0x1  }
0x92: {  	v43 =	vtrunc.f32 v43;
	v44 =	vadd.f32 v44, v44  }
0x93: {  	s10 =	sadd.s32 $0x10, s10;
	v43 =	vcvt.f32.s32 v43  }
0x94: {  	v46 =	vmov s11;
	v47 =	vld [tilespmem:s10+$0x0];
	v44 =	vtrunc.f32 v44  }
0x95: {  	v44 =	vcvt.f32.s32 v44;
	v45 =	vadd.f32 $1.000000000e+01, v45;
	v43 =	vsub.s32 v43, v1  }
0x96: {  	vm1 =	vlt.u32 v46, v3;
	vm2 =	vlt.u32 v43, $0x64;
	v43 =	vmul.u32 $0xC8, v43  }
0x97: {  	vm1 =	vmand vm1, vm2;
	vm2 =	vlt.u32 v44, $0xC8;
	v45 =	vand.u32 $0x7FFFFFFF, v45  }
0x98: {  	vm1 =	vmand vm2, vm1;
	vm2 =	vlt.f32 v45, $2.000000000e+01;
	v43 =	vadd.s32 v44, v43;
	s5 =	spop (v2sf)  }
.Ltmp6:
0x99: {  	vm1 =	vmand vm2, vm1;
	vm2 =	vgt.f32 v47, $5.000000000e-01;
	s1 =	sadd.s32 s1, s5;
	(pc) =	sbr.rel @p0 .LBB2_10-.Ltmp6, $4  }
0x9a: {  	v44 =	vor.u32 s11, v4;
	s11 =	smov.u32 s14;
	vm1 =	vmand vm2, vm1  }
0x9b: {  	[tilespmem:s1+$0x2F10] =	vst.msk vm1, v44;
	v44 =	vmpcnt.ones.xlane vm1  }
0x9c: {  	s12 =	sadd.s32 $0x10, s12;
	[tilespmem:s1+$0x3000] =	vst.msk vm1, v43  }
0x9d: {  	s14 =	sadd.s32 $0x10, s14;
	v43 =	vld [tilespmem:s12+$0x0];
	(v2sf) =	vpush v44, $0x0  }
0x9e: {  	s2 =	sadd.s32 $0x10, s2  }
0x9f: {  	v44 =	vld [tilespmem:s2+$0x0];
	_ =	sdelay $0x2  }
0xa0: {  	v43 =	vadd.f32 $5.000000000e+01, v43  }
0xa1: {  	s9 =	sadd.s32 $0x10, s9  }
0xa2: {  	v45 =	vld [tilespmem:s9+$0x0];
	v43 =	vadd.f32 v43, v43;
	v44 =	vadd.f32 $5.000000000e+01, v44;
	_ =	sdelay $0x1  }
0xa3: {  	v43 =	vtrunc.f32 v43;
	v44 =	vadd.f32 v44, v44  }
0xa4: {  	s10 =	sadd.s32 $0x10, s10;
	v43 =	vcvt.f32.s32 v43  }
0xa5: {  	v46 =	vmov s11;
	v47 =	vld [tilespmem:s10+$0x0];
	v44 =	vtrunc.f32 v44  }
0xa6: {  	v45 =	vadd.f32 $1.000000000e+01, v45;
	v44 =	vcvt.f32.s32 v44;
	v43 =	vsub.s32 v43, v1  }
0xa7: {  	vm1 =	vlt.u32 v46, v3;
	vm2 =	vlt.u32 v43, $0x64  }
0xa8: {  	v45 =	vand.u32 $0x7FFFFFFF, v45;
	vm1 =	vmand vm1, vm2;
	vm2 =	vlt.u32 v44, $0xC8  }
0xa9: {  	vm1 =	vmand vm2, vm1;
	vm2 =	vlt.f32 v45, $2.000000000e+01  }
0xaa: {  	vm1 =	vmand vm2, vm1;
	vm2 =	vgt.f32 v47, $5.000000000e-01  }
0xab: {  	vm1 =	vmand vm2, vm1  }
0xac: {  	v62 =	vmpcnt.ones.xlane vm1;
	_ =	sdelay $0x1  }
0xad: {  	(v2sf) =	vpush v62, $0x0;
	_ =	sdelay $0xc  }
0xae: {  	v43 =	vmul.u32 $0xC8, v43;
	s12 =	spop (v2sf)  }
0xaf: {  	v63 =	vor.u32 s11, v4;
	s1 =	sadd.s32 s1, s12  }
0xb0: {  	v43 =	vadd.s32 v44, v43;
	[tilespmem:s1+$0x2F10] =	vst.msk vm1, v63;
	s14 =	spop (v2sf)  }
0xb1: {  	[tilespmem:s1+$0x3000] =	vst.msk vm1, v43;
	s1 =	sadd.s32 s1, s14  }
0xb2: {  	s2 =	sadd.s32 $0x3F, s1  }
0xb3: {  	s5 =	sand.u32 $0x3F, s2  }
0xb4: {  	[tilespmem:s1+$0x2F10] =	vst v6;
	s22 =	sshra.s32 s2, $0x1F;
	p0 =	slt.s32 s2, $0x1;
	p1 =	sne.s32 s5, $0x0  }
0xb5: {  	[tilespmem:s1+$0x3000] =	vst v7;
	s23 =	sshrl.u32 s22, $0x1A;
	p0 =	por !p0, !p1  }
0xb6: {  	[tilespmem:s1+$0x2F20] =	vst v6;
	s5 =	simm.s32 $0x1;
	s2 =	sadd.s32 s23, s2;
	p0 =	por !p0, !p0  }
0xb7: {  	[tilespmem:s1+$0x3010] =	vst v7;
	s30 =	sshra.s32 s2, $0x6;
	s5 =	simm.s32 @!p0 $0x0  }
0xb8: {  	[tilespmem:s1+$0x2F30] =	vst v6;
	s31 =	ssub.s32 s30, s5  }
0xb9: {  	[tilespmem:s1+$0x3020] =	vst v7;
	p1 =	slt.s32 s31, $0x1  }
.Ltmp7:
0xba: {  	[tilespmem:s1+$0x2F40] =	vst v6;
	(pc) =	sbr.rel @!p1 .LBB2_12-.Ltmp7, $4  }
0xbb: {  	[tilespmem:s1+$0x3030] =	vst v7  }
0xbc: {  	_ =	swait.ge [sflag:s17], $0x2C00  }
0xbd: {  	[sflag:s17] =	ssyncset.done $0x0  }
0xbe: {  	[sflag:s17] =	ssyncadd.s32 $0xFFFFD400;
	s2 =	simm.s32 $0x0  }
.LBB2_32:
0xbf: {  	p1 =	sgt.s32 s31, $0x2;
	s1 =	smov.u32 s31  }
0xc0: {  	s1 =	simm.s32 @!p1 $0x2  }
0xc1: {  	s0 =	sadd.s32 $0xFFFFFFFE, s1  }
0xc2: {  	p1 =	sge.s32 s0, s31  }
.Ltmp8:
0xc3: {  	_ = 	snop;
	(pc) =	sbr.rel @p1 .LBB2_36-.Ltmp8, $1  }
0xc4: {  	_ =	sdelay $0x3  }
0xc5: {  	_ =	swait.ge [sflag:s20], $0x400;
	s0 =	simm.s32 $0xFFFFFFFF  }
0xc6: {  	[sflag:s20] =	ssyncset.done $0x0;
	s0 =	simm.s32 @!p0 $0x0  }
0xc7: {  	[sflag:s20] =	ssyncadd.s32 $0xFFFFFC00;
	s0 =	sadd.s32 s0, s30  }
0xc8: {  	_ =	swait.ge [sflag:s20], $0x400;
	s0 =	ssub.s32 s0, s1  }
0xc9: {  	[sflag:s20] =	ssyncset.done $0x0;
	s0 =	sadd.s32 $0x2, s0  }
0xca: {  	[sflag:s20] =	ssyncadd.s32 $0xFFFFFC00;
	p0 =	sne.s32 s0, $0x1  }
.Ltmp9:
0xcb: {  	_ =	swait.ge [sflag:s20], $0x400;
	(pc) =	sbr.rel @!p0 .LBB2_35-.Ltmp9, $4  }
0xcc: {  	[sflag:s20] =	ssyncset.done $0x0  }
0xcd: {  	[sflag:s20] =	ssyncadd.s32 $0xFFFFFC00  }
0xce: {  	_ =	swait.ge [sflag:s20], $0x400  }
0xcf: {  	s1 =	sadd.s32 $0xFFFFFFFF, s0;
	[sflag:s20] =	ssyncset.done $0x0  }
.LBB2_34:
0xd0: {  	p0 =	sne.s32 s1, $0x1;
	s1 =	sadd.s32 $0xFFFFFFFF, s1;
	[sflag:s20] =	ssyncadd.s32 $0xFFFFFC00  }
0xd1: {  	_ =	swait.ge [sflag:s20], $0x400  }
0xd2: {  	[sflag:s20] =	ssyncset.done $0x0  }
0xd3: {  	[sflag:s20] =	ssyncadd.s32 $0xFFFFFC00  }
0xd4: {  	_ =	swait.ge [sflag:s20], $0x400  }
0xd5: {  	[sflag:s20] =	ssyncset.done $0x0  }
0xd6: {  	[sflag:s20] =	ssyncadd.s32 $0xFFFFFC00  }
.Ltmp10:
0xd7: {  	_ =	swait.ge [sflag:s20], $0x400;
	(pc) =	sbr.rel @p0 .LBB2_34-.Ltmp10, $4  }
0xd8: {  	[sflag:s20] =	ssyncset.done $0x0  }
0xd9: {  	[sflag:s20] =	ssyncadd.s32 $0xFFFFFC00  }
0xda: {  	_ =	swait.ge [sflag:s20], $0x400  }
0xdb: {  	[sflag:s20] =	ssyncset.done $0x0  }
.Ltmp11:
0xdc: {  	_ = 	snop;
	(pc) =	sbr.rel .LBB2_35-.Ltmp11, $1  }
0xdd: {  	_ =	sdelay $0x3  }
.LBB2_21:
0xde: {  	v44 =	vmov s5  }
0xdf: {  	v44 =	vshrl.u32 v44, $0x3  }
0xe0: {  	v44 =	vshll.u32 v44, v8  }
0xe1: {  	v44 =	vbroadcast v44, $0x0  }
0xe2: {  	[tilespmem:v46+s9+$0x0] =	vst.idx.msk $0xffff, v45  }
0xe3: {  	s0 =	sadd.s32 $0x58, s11;
	s1 =	sadd.s32 $0xFFFFFFFA, s23;
	v45 =	vld.idx.msk [tilespmem:v47+s4+$0x0], $0xffff;
	v44 =	vor.u32 v32, v44  }
0xe4: {  	v59 =	vadd.s32 s0, v43;
	v60 =	vmov s1  }
0xe5: {  	v47 =	vshrl.u32 v60, $0x3  }
0xe6: {  	v47 =	vshll.u32 v47, v8  }
0xe7: {  	s1 =	simm.s32 $0x30F0;
	v47 =	vbroadcast v47, $0x0  }
0xe8: {  	[tilespmem:v44+s1+$0x0] =	vst.idx.msk $0xffff, v45  }
0xe9: {  	s5 =	sadd.s32 $0xB0, s11;
	s9 =	sadd.s32 $0xFFFFFFFB, s23;
	v61 =	vadd.s32 v33, v47;
	v44 =	vld.idx.msk [tilespmem:v59+s4+$0x0], $0xffff  }
0xea: {  	v62 =	vadd.s32 s5, v43;
	v63 =	vmov s9  }
0xeb: {  	v47 =	vshrl.u32 v63, $0x3  }
0xec: {  	v47 =	vshll.u32 v47, v8  }
0xed: {  	v47 =	vbroadcast v47, $0x0  }
0xee: {  	[tilespmem:v61+s1+$0x0] =	vst.idx.msk $0xffff, v44  }
0xef: {  	s5 =	sadd.s32 $0x108, s11;
	s9 =	sadd.s32 $0xFFFFFFFC, s23;
	v48 =	vadd.s32 v34, v47;
	v44 =	vld.idx.msk [tilespmem:v62+s4+$0x0], $0xffff  }
0xf0: {  	v49 =	vadd.s32 s5, v43;
	v50 =	vmov s9  }
0xf1: {  	v47 =	vshrl.u32 v50, $0x3  }
0xf2: {  	v47 =	vshll.u32 v47, v8  }
0xf3: {  	v47 =	vbroadcast v47, $0x0  }
0xf4: {  	[tilespmem:v48+s1+$0x0] =	vst.idx.msk $0xffff, v44  }
0xf5: {  	s5 =	sadd.s32 $0x160, s11;
	s9 =	sadd.s32 $0xFFFFFFFD, s23;
	v51 =	vadd.s32 v35, v47;
	v44 =	vld.idx.msk [tilespmem:v49+s4+$0x0], $0xffff  }
0xf6: {  	v52 =	vadd.s32 s5, v43;
	v53 =	vmov s9  }
0xf7: {  	v47 =	vshrl.u32 v53, $0x3  }
0xf8: {  	v47 =	vshll.u32 v47, v8  }
0xf9: {  	v47 =	vbroadcast v47, $0x0  }
0xfa: {  	[tilespmem:v51+s1+$0x0] =	vst.idx.msk $0xffff, v44  }
0xfb: {  	s5 =	sadd.s32 $0x1B8, s11;
	s9 =	sadd.s32 $0xFFFFFFFE, s23;
	v54 =	vadd.s32 v36, v47;
	v44 =	vld.idx.msk [tilespmem:v52+s4+$0x0], $0xffff  }
0xfc: {  	v55 =	vadd.s32 s5, v43;
	v56 =	vmov s9  }
0xfd: {  	v47 =	vshrl.u32 v56, $0x3  }
0xfe: {  	v47 =	vshll.u32 v47, v8  }
0xff: {  	v47 =	vbroadcast v47, $0x0  }
0x100: {  	[tilespmem:v54+s1+$0x0] =	vst.idx.msk $0xffff, v44  }
0x101: {  	s5 =	sadd.s32 $0x210, s11;
	s9 =	sadd.s32 $0xFFFFFFFF, s23;
	v57 =	vadd.s32 v37, v47;
	v44 =	vld.idx.msk [tilespmem:v55+s4+$0x0], $0xffff  }
0x102: {  	v58 =	vadd.s32 s5, v43;
	v59 =	vmov s9  }
0x103: {  	v47 =	vshrl.u32 v59, $0x3  }
0x104: {  	v47 =	vshll.u32 v47, v8  }
0x105: {  	v47 =	vbroadcast v47, $0x0  }
0x106: {  	[tilespmem:v57+s1+$0x0] =	vst.idx.msk $0xffff, v44  }
0x107: {  	s11 =	sadd.s32 $0x268, s11;
	v60 =	vadd.s32 v38, v47;
	v44 =	vld.idx.msk [tilespmem:v58+s4+$0x0], $0xffff  }
0x108: {  	v61 =	vadd.s32 s11, v43;
	v62 =	vmov s23  }
0x109: {  	v46 =	vshrl.u32 v62, $0x3  }
0x10a: {  	v46 =	vshll.u32 v46, v8  }
0x10b: {  	v46 =	vbroadcast v46, $0x0  }
0x10c: {  	[tilespmem:v60+s1+$0x0] =	vst.idx.msk $0xffff, v44  }
0x10d: {  	v63 =	vadd.s32 v39, v46;
	v43 =	vld.idx.msk [tilespmem:v61+s4+$0x0], $0xffff;
	_ =	sdelay $0x4  }
0x10e: {  	[tilespmem:v63+s1+$0x0] =	vst.idx.msk $0xffff, v43  }
.LBB2_31:
0x10f: {  	v43 =	vld [tilespmem:s14+$0x3000];
	_ =	sdelay $0x7  }
0x110: {  	[spmem:s3] =	stream.indirect_vreg.scatter.add.f32 [tilespmem:s1], [sflag:$0x2], $0x40, v43, vm0, $0xb8;
	[tilespmem:$0x1CCF0] =	vst v63  }
0x111: {  	v43 =	vld [tilespmem:s22+$0x3000];
	_ =	sdelay $0x6  }
0x112: {  	s0 =	sadd.s32 $0x400, s1  }
0x113: {  	[spmem:s3] =	stream.indirect_vreg.scatter.add.f32 [tilespmem:s0], [sflag:$0x2], $0x40, v43, vm0, $0xb8;
	[tilespmem:$0x1CCF0] =	vst v63  }
0x114: {  	v43 =	vld [tilespmem:s10+$0x3000];
	_ =	sdelay $0x6  }
0x115: {  	s22 =	sadd.s32 $0x800, s1  }
0x116: {  	[spmem:s3] =	stream.indirect_vreg.scatter.add.f32 [tilespmem:s22], [sflag:$0x2], $0x40, v43, vm0, $0xb8;
	[tilespmem:$0x1CCF0] =	vst v63  }
0x117: {  	v43 =	vld [tilespmem:s12+$0x3000];
	_ =	sdelay $0x1  }
0x118: {  	s2 =	sadd.s32 $0x1, s2  }
0x119: {  	p1 =	sne.s32 s2, s31  }
.Ltmp12:
0x11a: {  	_ = 	snop;
	(pc) =	sbr.rel @!p1 .LBB2_32-.Ltmp12, $3  }
0x11b: {  	_ =	sdelay $0x1  }
0x11c: {  	s23 =	sadd.s32 $0xC00, s1  }
0x11d: {  	[spmem:s3] =	stream.indirect_vreg.scatter.add.f32 [tilespmem:s23], [sflag:$0x2], $0x40, v43, vm0, $0xb8;
	[tilespmem:$0x1CCF0] =	vst v63  }
.LBB2_12:
0x11e: {  	s1 =	sand.u32 $0x1, s2  }
0x11f: {  	p2 =	seq.s32 s1, $0x1  }
.Ltmp13:
0x120: {  	_ = 	snop;
	(pc) =	sbr.rel @!p2 .LBB2_13-.Ltmp13, $2  }
0x121: {  	_ =	sdelay $0x2  }
0x122: {  	p1 =	slt.u32 s2, $0x2  }
0x123: {  	s0 =	simm.s32 @!p1 $0x2  }
0x124: {  	_ =	swait.ge @!p1 [sflag:s0], $0x400  }
0x125: {  	[sflag:s0] =	ssyncset.done @!p1 $0x0  }
0x126: {  	[sflag:s0] =	ssyncadd.s32 @!p1 $0xFFFFFC00  }
0x127: {  	_ =	swait.ge @!p1 [sflag:s0], $0x400  }
0x128: {  	[sflag:s0] =	ssyncset.done @!p1 $0x0  }
0x129: {  	[sflag:s0] =	ssyncadd.s32 @!p1 $0xFFFFFC00  }
0x12a: {  	_ =	swait.ge @!p1 [sflag:s0], $0x400  }
0x12b: {  	[sflag:s0] =	ssyncset.done @!p1 $0x0  }
0x12c: {  	[sflag:s0] =	ssyncadd.s32 @!p1 $0xFFFFFC00  }
0x12d: {  	_ =	swait.ge @!p1 [sflag:s0], $0x400  }
0x12e: {  	[sflag:s0] =	ssyncset.done @!p1 $0x0  }
0x12f: {  	s14 =	sshll.u32 s2, $0x6;
	[sflag:s0] =	ssyncadd.s32 @!p1 $0xFFFFFC00  }
0x130: {  	v43 =	vld [tilespmem:s14+$0x2F10];
	_ =	sdelay $0x1  }
0x131: {  	s1 =	simm.s32 $0x0  }
0x132: {  	v44 =	vmov s1  }
0x133: {  	v44 =	vshrl.u32 v44, $0x3  }
0x134: {  	v44 =	vshll.u32 v44, v8  }
0x135: {  	v44 =	vbroadcast v44, $0x0;
	_ =	sdelay $0x1  }
0x136: {  	s5 =	simm.s32 $0x58;
	s1 =	simm.s32 $0x1;
	v44 =	vor.u32 v5, v44;
	v45 =	vld.idx.msk [tilespmem:v43+s4+$0x0], $0xffff  }
0x137: {  	v47 =	vmov s1;
	v46 =	vadd.s32 s5, v43  }
0x138: {  	v47 =	vshrl.u32 v47, $0x3  }
0x139: {  	v47 =	vshll.u32 v47, v8  }
0x13a: {  	v47 =	vbroadcast v47, $0x0  }
0x13b: {  	[tilespmem:v44+s18+$0x0] =	vst.idx.msk $0xffff, v45  }
0x13c: {  	s9 =	simm.s32 $0xB0;
	s10 =	simm.s32 $0x2;
	v62 =	vadd.s32 v9, v47;
	v44 =	vld.idx.msk [tilespmem:v46+s4+$0x0], $0xffff  }
0x13d: {  	v48 =	vmov s10;
	v63 =	vadd.s32 s9, v43  }
0x13e: {  	v47 =	vshrl.u32 v48, $0x3  }
0x13f: {  	v47 =	vshll.u32 v47, v8  }
0x140: {  	v47 =	vbroadcast v47, $0x0  }
0x141: {  	[tilespmem:v62+s18+$0x0] =	vst.idx.msk $0xffff, v44  }
0x142: {  	s11 =	simm.s32 $0x108;
	s12 =	simm.s32 $0x3;
	v49 =	vadd.s32 v10, v47;
	v44 =	vld.idx.msk [tilespmem:v63+s4+$0x0], $0xffff  }
0x143: {  	v51 =	vmov s12;
	v50 =	vadd.s32 s11, v43  }
0x144: {  	v47 =	vshrl.u32 v51, $0x3  }
0x145: {  	v47 =	vshll.u32 v47, v8  }
0x146: {  	v47 =	vbroadcast v47, $0x0  }
0x147: {  	[tilespmem:v49+s18+$0x0] =	vst.idx.msk $0xffff, v44  }
0x148: {  	s22 =	simm.s32 $0x160;
	s23 =	simm.s32 $0x4;
	v52 =	vadd.s32 v11, v47;
	v44 =	vld.idx.msk [tilespmem:v50+s4+$0x0], $0xffff  }
0x149: {  	v54 =	vmov s23;
	v53 =	vadd.s32 s22, v43  }
0x14a: {  	v47 =	vshrl.u32 v54, $0x3  }
0x14b: {  	v47 =	vshll.u32 v47, v8  }
0x14c: {  	v47 =	vbroadcast v47, $0x0  }
0x14d: {  	[tilespmem:v52+s18+$0x0] =	vst.idx.msk $0xffff, v44  }
0x14e: {  	s5 =	simm.s32 $0x1B8;
	s9 =	simm.s32 $0x5;
	v55 =	vadd.s32 v12, v47;
	v44 =	vld.idx.msk [tilespmem:v53+s4+$0x0], $0xffff  }
0x14f: {  	v56 =	vadd.s32 s5, v43;
	v57 =	vmov s9  }
0x150: {  	v47 =	vshrl.u32 v57, $0x3  }
0x151: {  	v47 =	vshll.u32 v47, v8  }
0x152: {  	v47 =	vbroadcast v47, $0x0  }
0x153: {  	[tilespmem:v55+s18+$0x0] =	vst.idx.msk $0xffff, v44  }
0x154: {  	s10 =	simm.s32 $0x210;
	s11 =	simm.s32 $0x6;
	v58 =	vadd.s32 v13, v47;
	v44 =	vld.idx.msk [tilespmem:v56+s4+$0x0], $0xffff  }
0x155: {  	v59 =	vadd.s32 s10, v43;
	v60 =	vmov s11  }
0x156: {  	v47 =	vshrl.u32 v60, $0x3  }
0x157: {  	v47 =	vshll.u32 v47, v8  }
0x158: {  	v47 =	vbroadcast v47, $0x0  }
0x159: {  	[tilespmem:v58+s18+$0x0] =	vst.idx.msk $0xffff, v44  }
0x15a: {  	s12 =	simm.s32 $0x7;
	s22 =	simm.s32 $0x268;
	v61 =	vadd.s32 v14, v47;
	v45 =	vld.idx.msk [tilespmem:v59+s4+$0x0], $0xffff  }
0x15b: {  	v62 =	vadd.s32 s22, v43;
	v63 =	vmov s12  }
0x15c: {  	v44 =	vshrl.u32 v63, $0x3  }
0x15d: {  	v44 =	vshll.u32 v44, v8  }
0x15e: {  	v48 =	vbroadcast v44, $0x0  }
0x15f: {  	[tilespmem:v61+s18+$0x0] =	vst.idx.msk $0xffff, v45  }
0x160: {  	s23 =	simm.s32 $0x0;
	s1 =	simm.s32 $0x580;
	v44 =	vadd.s32 $0x2C0, v43;
	v46 =	vadd.s32 v15, v48;
	v45 =	vld.idx.msk [tilespmem:v62+s4+$0x0], $0xffff  }
0x161: {  	s10 =	simm.s32 $0xF;
	s9 =	simm.s32 $0x2C0;
	s5 =	simm.s32 $0x8;
	v47 =	vadd.s32 s23, v44  }
.LBB2_23:
0x162: {  	p1 =	sne.s32 s1, $0x1340;
	v48 =	vmov s5  }
0x163: {  	v48 =	vshrl.u32 v48, $0x3  }
0x164: {  	v48 =	vshll.u32 v48, v8  }
0x165: {  	v48 =	vbroadcast v48, $0x0;
	[tilespmem:v46+s18+$0x0] =	vst.idx.msk $0xffff, v45  }
0x166: {  	v45 =	vld.idx.msk [tilespmem:v47+s4+$0x0], $0xffff  }
0x167: {  	s0 =	sadd.s32 $0x58, s9;
	v46 =	vor.u32 v5, v48  }
0x168: {  	s5 =	sadd.s32 $0xFFFFFFFA, s10;
	v47 =	vadd.s32 s0, v43  }
0x169: {  	v48 =	vmov s5  }
0x16a: {  	v48 =	vshrl.u32 v48, $0x3  }
0x16b: {  	v48 =	vshll.u32 v48, v8  }
0x16c: {  	[tilespmem:v46+s18+$0x0] =	vst.idx.msk $0xffff, v45;
	v45 =	vbroadcast v48, $0x0  }
0x16d: {  	v46 =	vld.idx.msk [tilespmem:v47+s4+$0x0], $0xffff  }
0x16e: {  	s0 =	sadd.s32 $0xB0, s9;
	v45 =	vadd.s32 v9, v45  }
0x16f: {  	s5 =	sadd.s32 $0xFFFFFFFB, s10;
	v47 =	vadd.s32 s0, v43  }
0x170: {  	v48 =	vmov s5  }
0x171: {  	v48 =	vshrl.u32 v48, $0x3  }
0x172: {  	v48 =	vshll.u32 v48, v8  }
0x173: {  	[tilespmem:v45+s18+$0x0] =	vst.idx.msk $0xffff, v46;
	v45 =	vbroadcast v48, $0x0  }
0x174: {  	v46 =	vld.idx.msk [tilespmem:v47+s4+$0x0], $0xffff  }
0x175: {  	s0 =	sadd.s32 $0x108, s9;
	v45 =	vadd.s32 v10, v45  }
0x176: {  	s5 =	sadd.s32 $0xFFFFFFFC, s10;
	v47 =	vadd.s32 s0, v43  }
0x177: {  	v48 =	vmov s5  }
0x178: {  	v48 =	vshrl.u32 v48, $0x3  }
0x179: {  	v48 =	vshll.u32 v48, v8  }
0x17a: {  	[tilespmem:v45+s18+$0x0] =	vst.idx.msk $0xffff, v46;
	v45 =	vbroadcast v48, $0x0  }
0x17b: {  	v46 =	vld.idx.msk [tilespmem:v47+s4+$0x0], $0xffff  }
0x17c: {  	s0 =	sadd.s32 $0x160, s9;
	v45 =	vadd.s32 v11, v45  }
0x17d: {  	s5 =	sadd.s32 $0xFFFFFFFD, s10;
	v47 =	vadd.s32 s0, v43  }
0x17e: {  	v48 =	vmov s5  }
0x17f: {  	v48 =	vshrl.u32 v48, $0x3  }
0x180: {  	v48 =	vshll.u32 v48, v8  }
0x181: {  	[tilespmem:v45+s18+$0x0] =	vst.idx.msk $0xffff, v46;
	v45 =	vbroadcast v48, $0x0  }
0x182: {  	v46 =	vld.idx.msk [tilespmem:v47+s4+$0x0], $0xffff  }
0x183: {  	s0 =	sadd.s32 $0x1B8, s9;
	v45 =	vadd.s32 v12, v45  }
0x184: {  	s5 =	sadd.s32 $0xFFFFFFFE, s10;
	v47 =	vadd.s32 s0, v43  }
0x185: {  	v48 =	vmov s5  }
0x186: {  	v48 =	vshrl.u32 v48, $0x3  }
0x187: {  	v48 =	vshll.u32 v48, v8  }
0x188: {  	[tilespmem:v45+s18+$0x0] =	vst.idx.msk $0xffff, v46;
	v45 =	vbroadcast v48, $0x0  }
0x189: {  	v46 =	vld.idx.msk [tilespmem:v47+s4+$0x0], $0xffff  }
0x18a: {  	s0 =	sadd.s32 $0x210, s9;
	v45 =	vadd.s32 v13, v45  }
0x18b: {  	s5 =	sadd.s32 $0xFFFFFFFF, s10;
	v47 =	vadd.s32 s0, v43  }
0x18c: {  	v48 =	vmov s5  }
0x18d: {  	v48 =	vshrl.u32 v48, $0x3  }
0x18e: {  	v48 =	vshll.u32 v48, v8  }
0x18f: {  	[tilespmem:v45+s18+$0x0] =	vst.idx.msk $0xffff, v46;
	v45 =	vbroadcast v48, $0x0  }
0x190: {  	v46 =	vld.idx.msk [tilespmem:v47+s4+$0x0], $0xffff  }
0x191: {  	s0 =	sadd.s32 $0x268, s9;
	v45 =	vadd.s32 v14, v45  }
0x192: {  	v47 =	vadd.s32 s0, v43  }
0x193: {  	v48 =	vmov s10  }
0x194: {  	v48 =	vshrl.u32 v48, $0x3  }
.Ltmp14:
0x195: {  	v48 =	vshll.u32 v48, v8;
	(pc) =	sbr.rel @p1 .LBB2_23-.Ltmp14, $4  }
0x196: {  	[tilespmem:v45+s18+$0x0] =	vst.idx.msk $0xffff, v46;
	v46 =	vbroadcast v48, $0x0  }
0x197: {  	v45 =	vld.idx.msk [tilespmem:v47+s4+$0x0], $0xffff  }
0x198: {  	s10 =	sadd.s32 $0x8, s10;
	v46 =	vadd.s32 v15, v46  }
0x199: {  	s5 =	sadd.s32 $0xFFFFFFF9, s10;
	v47 =	vadd.s32 s9, v44;
	s9 =	smov.u32 s1;
	s1 =	sadd.s32 $0x2C0, s1  }
0x19a: {  	v44 =	vmov s5  }
0x19b: {  	v44 =	vshrl.u32 v44, $0x3  }
0x19c: {  	v44 =	vshll.u32 v44, v8  }
0x19d: {  	v44 =	vbroadcast v44, $0x0  }
0x19e: {  	[tilespmem:v46+s18+$0x0] =	vst.idx.msk $0xffff, v45  }
0x19f: {  	s0 =	sadd.s32 $0x58, s9;
	s1 =	sadd.s32 $0xFFFFFFFA, s10;
	v45 =	vld.idx.msk [tilespmem:v47+s4+$0x0], $0xffff;
	v44 =	vor.u32 v5, v44  }
0x1a0: {  	v54 =	vadd.s32 s0, v43;
	v55 =	vmov s1  }
0x1a1: {  	v47 =	vshrl.u32 v55, $0x3  }
0x1a2: {  	v47 =	vshll.u32 v47, v8  }
0x1a3: {  	v47 =	vbroadcast v47, $0x0  }
0x1a4: {  	[tilespmem:v44+s18+$0x0] =	vst.idx.msk $0xffff, v45  }
0x1a5: {  	s5 =	sadd.s32 $0xFFFFFFFB, s10;
	s1 =	sadd.s32 $0xB0, s9;
	v56 =	vadd.s32 v9, v47;
	v44 =	vld.idx.msk [tilespmem:v54+s4+$0x0], $0xffff  }
0x1a6: {  	v58 =	vmov s5;
	v57 =	vadd.s32 s1, v43  }
0x1a7: {  	v47 =	vshrl.u32 v58, $0x3  }
0x1a8: {  	v47 =	vshll.u32 v47, v8  }
0x1a9: {  	v47 =	vbroadcast v47, $0x0  }
0x1aa: {  	[tilespmem:v56+s18+$0x0] =	vst.idx.msk $0xffff, v44  }
0x1ab: {  	s11 =	sadd.s32 $0x108, s9;
	s12 =	sadd.s32 $0xFFFFFFFC, s10;
	v59 =	vadd.s32 v10, v47;
	v44 =	vld.idx.msk [tilespmem:v57+s4+$0x0], $0xffff  }
0x1ac: {  	v60 =	vadd.s32 s11, v43;
	v61 =	vmov s12  }
0x1ad: {  	v47 =	vshrl.u32 v61, $0x3  }
0x1ae: {  	v47 =	vshll.u32 v47, v8  }
0x1af: {  	v47 =	vbroadcast v47, $0x0  }
0x1b0: {  	[tilespmem:v59+s18+$0x0] =	vst.idx.msk $0xffff, v44  }
0x1b1: {  	s22 =	sadd.s32 $0x160, s9;
	s23 =	sadd.s32 $0xFFFFFFFD, s10;
	v62 =	vadd.s32 v11, v47;
	v44 =	vld.idx.msk [tilespmem:v60+s4+$0x0], $0xffff  }
0x1b2: {  	v63 =	vadd.s32 s22, v43;
	v48 =	vmov s23  }
0x1b3: {  	v47 =	vshrl.u32 v48, $0x3  }
0x1b4: {  	v47 =	vshll.u32 v47, v8  }
0x1b5: {  	v47 =	vbroadcast v47, $0x0  }
0x1b6: {  	[tilespmem:v62+s18+$0x0] =	vst.idx.msk $0xffff, v44  }
0x1b7: {  	s5 =	sadd.s32 $0xFFFFFFFE, s10;
	s1 =	sadd.s32 $0x1B8, s9;
	v49 =	vadd.s32 v12, v47;
	v44 =	vld.idx.msk [tilespmem:v63+s4+$0x0], $0xffff  }
0x1b8: {  	v51 =	vmov s5;
	v50 =	vadd.s32 s1, v43  }
0x1b9: {  	v47 =	vshrl.u32 v51, $0x3  }
0x1ba: {  	v47 =	vshll.u32 v47, v8  }
0x1bb: {  	v47 =	vbroadcast v47, $0x0  }
0x1bc: {  	[tilespmem:v49+s18+$0x0] =	vst.idx.msk $0xffff, v44  }
0x1bd: {  	s11 =	sadd.s32 $0x210, s9;
	s12 =	sadd.s32 $0xFFFFFFFF, s10;
	v52 =	vadd.s32 v13, v47;
	v44 =	vld.idx.msk [tilespmem:v50+s4+$0x0], $0xffff  }
0x1be: {  	v53 =	vadd.s32 s11, v43;
	v54 =	vmov s12  }
0x1bf: {  	v47 =	vshrl.u32 v54, $0x3  }
0x1c0: {  	v47 =	vshll.u32 v47, v8  }
0x1c1: {  	v47 =	vbroadcast v47, $0x0  }
0x1c2: {  	[tilespmem:v52+s18+$0x0] =	vst.idx.msk $0xffff, v44  }
0x1c3: {  	s22 =	sadd.s32 $0x268, s9;
	v55 =	vadd.s32 v14, v47;
	v44 =	vld.idx.msk [tilespmem:v53+s4+$0x0], $0xffff  }
0x1c4: {  	v56 =	vadd.s32 s22, v43;
	v57 =	vmov s10  }
0x1c5: {  	v46 =	vshrl.u32 v57, $0x3  }
0x1c6: {  	v46 =	vshll.u32 v46, v8  }
0x1c7: {  	v46 =	vbroadcast v46, $0x0  }
0x1c8: {  	[tilespmem:v55+s18+$0x0] =	vst.idx.msk $0xffff, v44  }
0x1c9: {  	v58 =	vadd.s32 v15, v46;
	v43 =	vld.idx.msk [tilespmem:v56+s4+$0x0], $0xffff;
	_ =	sdelay $0x4  }
0x1ca: {  	[tilespmem:v58+s18+$0x0] =	vst.idx.msk $0xffff, v43  }
0x1cb: {  	v43 =	vld [tilespmem:s14+$0x2F20];
	_ =	sdelay $0x1  }
0x1cc: {  	s23 =	simm.s32 $0x0  }
0x1cd: {  	v59 =	vmov s23  }
0x1ce: {  	v44 =	vshrl.u32 v59, $0x3  }
0x1cf: {  	v44 =	vshll.u32 v44, v8  }
0x1d0: {  	v44 =	vbroadcast v44, $0x0;
	_ =	sdelay $0x1  }
0x1d1: {  	s5 =	simm.s32 $0x1;
	s1 =	simm.s32 $0x58;
	v44 =	vor.u32 v16, v44;
	v45 =	vld.idx.msk [tilespmem:v43+s4+$0x0], $0xffff  }
0x1d2: {  	v61 =	vmov s5;
	v60 =	vadd.s32 s1, v43  }
0x1d3: {  	v47 =	vshrl.u32 v61, $0x3  }
0x1d4: {  	v47 =	vshll.u32 v47, v8  }
0x1d5: {  	v47 =	vbroadcast v47, $0x0  }
0x1d6: {  	[tilespmem:v44+s18+$0x0] =	vst.idx.msk $0xffff, v45  }
0x1d7: {  	s9 =	simm.s32 $0xB0;
	s10 =	simm.s32 $0x2;
	v62 =	vadd.s32 v17, v47;
	v44 =	vld.idx.msk [tilespmem:v60+s4+$0x0], $0xffff  }
0x1d8: {  	v48 =	vmov s10;
	v63 =	vadd.s32 s9, v43  }
0x1d9: {  	v47 =	vshrl.u32 v48, $0x3  }
0x1da: {  	v47 =	vshll.u32 v47, v8  }
0x1db: {  	v47 =	vbroadcast v47, $0x0  }
0x1dc: {  	[tilespmem:v62+s18+$0x0] =	vst.idx.msk $0xffff, v44  }
0x1dd: {  	s11 =	simm.s32 $0x108;
	s12 =	simm.s32 $0x3;
	v49 =	vadd.s32 v18, v47;
	v44 =	vld.idx.msk [tilespmem:v63+s4+$0x0], $0xffff  }
0x1de: {  	v51 =	vmov s12;
	v50 =	vadd.s32 s11, v43  }
0x1df: {  	v47 =	vshrl.u32 v51, $0x3  }
0x1e0: {  	v47 =	vshll.u32 v47, v8  }
0x1e1: {  	v47 =	vbroadcast v47, $0x0  }
0x1e2: {  	[tilespmem:v49+s18+$0x0] =	vst.idx.msk $0xffff, v44  }
0x1e3: {  	s22 =	simm.s32 $0x160;
	s23 =	simm.s32 $0x4;
	v52 =	vadd.s32 v19, v47;
	v44 =	vld.idx.msk [tilespmem:v50+s4+$0x0], $0xffff  }
0x1e4: {  	v54 =	vmov s23;
	v53 =	vadd.s32 s22, v43  }
0x1e5: {  	v47 =	vshrl.u32 v54, $0x3  }
0x1e6: {  	v47 =	vshll.u32 v47, v8  }
0x1e7: {  	v47 =	vbroadcast v47, $0x0  }
0x1e8: {  	[tilespmem:v52+s18+$0x0] =	vst.idx.msk $0xffff, v44  }
0x1e9: {  	s5 =	simm.s32 $0x1B8;
	v55 =	vadd.s32 v20, v47;
	s9 =	simm.s32 $0x5;
	v44 =	vld.idx.msk [tilespmem:v53+s4+$0x0], $0xffff  }
0x1ea: {  	v56 =	vadd.s32 s5, v43;
	v57 =	vmov s9  }
0x1eb: {  	v47 =	vshrl.u32 v57, $0x3  }
0x1ec: {  	v47 =	vshll.u32 v47, v8  }
0x1ed: {  	v47 =	vbroadcast v47, $0x0  }
0x1ee: {  	[tilespmem:v55+s18+$0x0] =	vst.idx.msk $0xffff, v44  }
0x1ef: {  	s10 =	simm.s32 $0x210;
	s11 =	simm.s32 $0x6;
	v58 =	vadd.s32 v21, v47;
	v44 =	vld.idx.msk [tilespmem:v56+s4+$0x0], $0xffff  }
0x1f0: {  	v59 =	vadd.s32 s10, v43;
	v60 =	vmov s11  }
0x1f1: {  	v47 =	vshrl.u32 v60, $0x3  }
0x1f2: {  	v47 =	vshll.u32 v47, v8  }
0x1f3: {  	v47 =	vbroadcast v47, $0x0  }
0x1f4: {  	[tilespmem:v58+s18+$0x0] =	vst.idx.msk $0xffff, v44  }
0x1f5: {  	s12 =	simm.s32 $0x7;
	s22 =	simm.s32 $0x268;
	v61 =	vadd.s32 v22, v47;
	v45 =	vld.idx.msk [tilespmem:v59+s4+$0x0], $0xffff  }
0x1f6: {  	v62 =	vadd.s32 s22, v43;
	v63 =	vmov s12  }
0x1f7: {  	v44 =	vshrl.u32 v63, $0x3  }
0x1f8: {  	v44 =	vshll.u32 v44, v8  }
0x1f9: {  	v48 =	vbroadcast v44, $0x0  }
0x1fa: {  	[tilespmem:v61+s18+$0x0] =	vst.idx.msk $0xffff, v45  }
0x1fb: {  	s23 =	simm.s32 $0x0;
	s10 =	simm.s32 $0xF;
	s5 =	simm.s32 $0x8;
	v44 =	vadd.s32 $0x2C0, v43;
	v46 =	vadd.s32 v23, v48;
	v45 =	vld.idx.msk [tilespmem:v62+s4+$0x0], $0xffff  }
0x1fc: {  	s1 =	simm.s32 $0x580;
	s9 =	simm.s32 $0x2C0;
	s22 =	sor.u32 $0x10, s14;
	v47 =	vadd.s32 s23, v44  }
.LBB2_25:
0x1fd: {  	p1 =	sne.s32 s1, $0x1340;
	v48 =	vmov s5  }
0x1fe: {  	v48 =	vshrl.u32 v48, $0x3  }
0x1ff: {  	v48 =	vshll.u32 v48, v8  }
0x200: {  	v48 =	vbroadcast v48, $0x0;
	[tilespmem:v46+s18+$0x0] =	vst.idx.msk $0xffff, v45  }
0x201: {  	v45 =	vld.idx.msk [tilespmem:v47+s4+$0x0], $0xffff  }
0x202: {  	s0 =	sadd.s32 $0x58, s9;
	v46 =	vor.u32 v16, v48  }
0x203: {  	s5 =	sadd.s32 $0xFFFFFFFA, s10;
	v47 =	vadd.s32 s0, v43  }
0x204: {  	v48 =	vmov s5  }
0x205: {  	v48 =	vshrl.u32 v48, $0x3  }
0x206: {  	v48 =	vshll.u32 v48, v8  }
0x207: {  	[tilespmem:v46+s18+$0x0] =	vst.idx.msk $0xffff, v45;
	v45 =	vbroadcast v48, $0x0  }
0x208: {  	v46 =	vld.idx.msk [tilespmem:v47+s4+$0x0], $0xffff  }
0x209: {  	s0 =	sadd.s32 $0xB0, s9;
	v45 =	vadd.s32 v17, v45  }
0x20a: {  	s5 =	sadd.s32 $0xFFFFFFFB, s10;
	v47 =	vadd.s32 s0, v43  }
0x20b: {  	v48 =	vmov s5  }
0x20c: {  	v48 =	vshrl.u32 v48, $0x3  }
0x20d: {  	v48 =	vshll.u32 v48, v8  }
0x20e: {  	[tilespmem:v45+s18+$0x0] =	vst.idx.msk $0xffff, v46;
	v45 =	vbroadcast v48, $0x0  }
0x20f: {  	v46 =	vld.idx.msk [tilespmem:v47+s4+$0x0], $0xffff  }
0x210: {  	s0 =	sadd.s32 $0x108, s9;
	v45 =	vadd.s32 v18, v45  }
0x211: {  	s5 =	sadd.s32 $0xFFFFFFFC, s10;
	v47 =	vadd.s32 s0, v43  }
0x212: {  	v48 =	vmov s5  }
0x213: {  	v48 =	vshrl.u32 v48, $0x3  }
0x214: {  	v48 =	vshll.u32 v48, v8  }
0x215: {  	[tilespmem:v45+s18+$0x0] =	vst.idx.msk $0xffff, v46;
	v45 =	vbroadcast v48, $0x0  }
0x216: {  	v46 =	vld.idx.msk [tilespmem:v47+s4+$0x0], $0xffff  }
0x217: {  	s0 =	sadd.s32 $0x160, s9;
	v45 =	vadd.s32 v19, v45  }
0x218: {  	s5 =	sadd.s32 $0xFFFFFFFD, s10;
	v47 =	vadd.s32 s0, v43  }
0x219: {  	v48 =	vmov s5  }
0x21a: {  	v48 =	vshrl.u32 v48, $0x3  }
0x21b: {  	v48 =	vshll.u32 v48, v8  }
0x21c: {  	[tilespmem:v45+s18+$0x0] =	vst.idx.msk $0xffff, v46;
	v45 =	vbroadcast v48, $0x0  }
0x21d: {  	v46 =	vld.idx.msk [tilespmem:v47+s4+$0x0], $0xffff  }
0x21e: {  	s0 =	sadd.s32 $0x1B8, s9;
	v45 =	vadd.s32 v20, v45  }
0x21f: {  	s5 =	sadd.s32 $0xFFFFFFFE, s10;
	v47 =	vadd.s32 s0, v43  }
0x220: {  	v48 =	vmov s5  }
0x221: {  	v48 =	vshrl.u32 v48, $0x3  }
0x222: {  	v48 =	vshll.u32 v48, v8  }
0x223: {  	[tilespmem:v45+s18+$0x0] =	vst.idx.msk $0xffff, v46;
	v45 =	vbroadcast v48, $0x0  }
0x224: {  	v46 =	vld.idx.msk [tilespmem:v47+s4+$0x0], $0xffff  }
0x225: {  	s0 =	sadd.s32 $0x210, s9;
	v45 =	vadd.s32 v21, v45  }
0x226: {  	s5 =	sadd.s32 $0xFFFFFFFF, s10;
	v47 =	vadd.s32 s0, v43  }
0x227: {  	v48 =	vmov s5  }
0x228: {  	v48 =	vshrl.u32 v48, $0x3  }
0x229: {  	v48 =	vshll.u32 v48, v8  }
0x22a: {  	[tilespmem:v45+s18+$0x0] =	vst.idx.msk $0xffff, v46;
	v45 =	vbroadcast v48, $0x0  }
0x22b: {  	v46 =	vld.idx.msk [tilespmem:v47+s4+$0x0], $0xffff  }
0x22c: {  	s0 =	sadd.s32 $0x268, s9;
	v45 =	vadd.s32 v22, v45  }
0x22d: {  	v47 =	vadd.s32 s0, v43  }
0x22e: {  	v48 =	vmov s10  }
0x22f: {  	v48 =	vshrl.u32 v48, $0x3  }
.Ltmp15:
0x230: {  	v48 =	vshll.u32 v48, v8;
	(pc) =	sbr.rel @p1 .LBB2_25-.Ltmp15, $4  }
0x231: {  	[tilespmem:v45+s18+$0x0] =	vst.idx.msk $0xffff, v46;
	v46 =	vbroadcast v48, $0x0  }
0x232: {  	v45 =	vld.idx.msk [tilespmem:v47+s4+$0x0], $0xffff  }
0x233: {  	s10 =	sadd.s32 $0x8, s10;
	v46 =	vadd.s32 v23, v46  }
0x234: {  	s5 =	sadd.s32 $0xFFFFFFF9, s10;
	v47 =	vadd.s32 s9, v44;
	s9 =	smov.u32 s1;
	s1 =	sadd.s32 $0x2C0, s1  }
0x235: {  	v44 =	vmov s5  }
0x236: {  	v44 =	vshrl.u32 v44, $0x3  }
0x237: {  	v44 =	vshll.u32 v44, v8  }
0x238: {  	v44 =	vbroadcast v44, $0x0  }
0x239: {  	[tilespmem:v46+s18+$0x0] =	vst.idx.msk $0xffff, v45  }
0x23a: {  	s0 =	sadd.s32 $0x58, s9;
	s1 =	sadd.s32 $0xFFFFFFFA, s10;
	v45 =	vld.idx.msk [tilespmem:v47+s4+$0x0], $0xffff;
	v44 =	vor.u32 v16, v44  }
0x23b: {  	v54 =	vadd.s32 s0, v43;
	v55 =	vmov s1  }
0x23c: {  	v47 =	vshrl.u32 v55, $0x3  }
0x23d: {  	v47 =	vshll.u32 v47, v8  }
0x23e: {  	v47 =	vbroadcast v47, $0x0  }
0x23f: {  	[tilespmem:v44+s18+$0x0] =	vst.idx.msk $0xffff, v45  }
0x240: {  	s5 =	sadd.s32 $0xB0, s9;
	s11 =	sadd.s32 $0xFFFFFFFB, s10;
	v56 =	vadd.s32 v17, v47;
	v44 =	vld.idx.msk [tilespmem:v54+s4+$0x0], $0xffff  }
0x241: {  	v57 =	vadd.s32 s5, v43;
	v58 =	vmov s11  }
0x242: {  	v47 =	vshrl.u32 v58, $0x3  }
0x243: {  	v47 =	vshll.u32 v47, v8  }
0x244: {  	v47 =	vbroadcast v47, $0x0  }
0x245: {  	[tilespmem:v56+s18+$0x0] =	vst.idx.msk $0xffff, v44  }
0x246: {  	s12 =	sadd.s32 $0x108, s9;
	s23 =	sadd.s32 $0xFFFFFFFC, s10;
	v59 =	vadd.s32 v18, v47;
	v44 =	vld.idx.msk [tilespmem:v57+s4+$0x0], $0xffff  }
0x247: {  	v60 =	vadd.s32 s12, v43;
	v61 =	vmov s23  }
0x248: {  	v47 =	vshrl.u32 v61, $0x3  }
0x249: {  	v47 =	vshll.u32 v47, v8  }
0x24a: {  	v47 =	vbroadcast v47, $0x0  }
0x24b: {  	[tilespmem:v59+s18+$0x0] =	vst.idx.msk $0xffff, v44  }
0x24c: {  	s5 =	sadd.s32 $0x160, s9;
	s11 =	sadd.s32 $0xFFFFFFFD, s10;
	v62 =	vadd.s32 v19, v47;
	v44 =	vld.idx.msk [tilespmem:v60+s4+$0x0], $0xffff  }
0x24d: {  	v63 =	vadd.s32 s5, v43;
	v48 =	vmov s11  }
0x24e: {  	v47 =	vshrl.u32 v48, $0x3  }
0x24f: {  	v47 =	vshll.u32 v47, v8  }
0x250: {  	v47 =	vbroadcast v47, $0x0  }
0x251: {  	[tilespmem:v62+s18+$0x0] =	vst.idx.msk $0xffff, v44  }
0x252: {  	s12 =	sadd.s32 $0x1B8, s9;
	s23 =	sadd.s32 $0xFFFFFFFE, s10;
	v49 =	vadd.s32 v20, v47;
	v44 =	vld.idx.msk [tilespmem:v63+s4+$0x0], $0xffff  }
0x253: {  	v50 =	vadd.s32 s12, v43;
	v51 =	vmov s23  }
0x254: {  	v47 =	vshrl.u32 v51, $0x3  }
0x255: {  	v47 =	vshll.u32 v47, v8  }
0x256: {  	v47 =	vbroadcast v47, $0x0  }
0x257: {  	[tilespmem:v49+s18+$0x0] =	vst.idx.msk $0xffff, v44  }
0x258: {  	s1 =	sadd.s32 $0x210, s9;
	s5 =	sadd.s32 $0xFFFFFFFF, s10;
	v52 =	vadd.s32 v21, v47;
	v44 =	vld.idx.msk [tilespmem:v50+s4+$0x0], $0xffff  }
0x259: {  	v53 =	vadd.s32 s1, v43;
	v54 =	vmov s5  }
0x25a: {  	v47 =	vshrl.u32 v54, $0x3  }
0x25b: {  	v47 =	vshll.u32 v47, v8  }
0x25c: {  	v47 =	vbroadcast v47, $0x0  }
0x25d: {  	[tilespmem:v52+s18+$0x0] =	vst.idx.msk $0xffff, v44  }
0x25e: {  	s9 =	sadd.s32 $0x268, s9;
	v55 =	vadd.s32 v22, v47;
	v44 =	vld.idx.msk [tilespmem:v53+s4+$0x0], $0xffff  }
0x25f: {  	v56 =	vadd.s32 s9, v43;
	v57 =	vmov s10  }
0x260: {  	v46 =	vshrl.u32 v57, $0x3  }
0x261: {  	v46 =	vshll.u32 v46, v8  }
0x262: {  	v46 =	vbroadcast v46, $0x0  }
0x263: {  	[tilespmem:v55+s18+$0x0] =	vst.idx.msk $0xffff, v44  }
0x264: {  	v58 =	vadd.s32 v23, v46;
	v43 =	vld.idx.msk [tilespmem:v56+s4+$0x0], $0xffff;
	_ =	sdelay $0x4  }
0x265: {  	[tilespmem:v58+s18+$0x0] =	vst.idx.msk $0xffff, v43  }
0x266: {  	v43 =	vld [tilespmem:s14+$0x2F30];
	_ =	sdelay $0x1  }
0x267: {  	s11 =	simm.s32 $0x0  }
0x268: {  	v59 =	vmov s11  }
0x269: {  	v44 =	vshrl.u32 v59, $0x3  }
0x26a: {  	v44 =	vshll.u32 v44, v8  }
0x26b: {  	v44 =	vbroadcast v44, $0x0;
	_ =	sdelay $0x1  }
0x26c: {  	s12 =	simm.s32 $0x58;
	s23 =	simm.s32 $0x1;
	v44 =	vor.u32 v24, v44;
	v45 =	vld.idx.msk [tilespmem:v43+s4+$0x0], $0xffff  }
0x26d: {  	v61 =	vmov s23;
	v60 =	vadd.s32 s12, v43  }
0x26e: {  	v47 =	vshrl.u32 v61, $0x3  }
0x26f: {  	v47 =	vshll.u32 v47, v8  }
0x270: {  	v47 =	vbroadcast v47, $0x0  }
0x271: {  	[tilespmem:v44+s18+$0x0] =	vst.idx.msk $0xffff, v45  }
0x272: {  	s5 =	simm.s32 $0xB0;
	s9 =	simm.s32 $0x2;
	v62 =	vadd.s32 v25, v47;
	v44 =	vld.idx.msk [tilespmem:v60+s4+$0x0], $0xffff  }
0x273: {  	v48 =	vmov s9;
	v63 =	vadd.s32 s5, v43  }
0x274: {  	v47 =	vshrl.u32 v48, $0x3  }
0x275: {  	v47 =	vshll.u32 v47, v8  }
0x276: {  	v47 =	vbroadcast v47, $0x0  }
0x277: {  	[tilespmem:v62+s18+$0x0] =	vst.idx.msk $0xffff, v44  }
0x278: {  	s10 =	simm.s32 $0x108;
	s11 =	simm.s32 $0x3;
	v49 =	vadd.s32 v26, v47;
	v44 =	vld.idx.msk [tilespmem:v63+s4+$0x0], $0xffff  }
0x279: {  	v51 =	vmov s11;
	v50 =	vadd.s32 s10, v43  }
0x27a: {  	v47 =	vshrl.u32 v51, $0x3  }
0x27b: {  	v47 =	vshll.u32 v47, v8  }
0x27c: {  	v47 =	vbroadcast v47, $0x0  }
0x27d: {  	[tilespmem:v49+s18+$0x0] =	vst.idx.msk $0xffff, v44  }
0x27e: {  	s23 =	simm.s32 $0x4;
	v52 =	vadd.s32 v27, v47;
	s12 =	simm.s32 $0x160;
	v44 =	vld.idx.msk [tilespmem:v50+s4+$0x0], $0xffff  }
0x27f: {  	v54 =	vmov s23;
	v53 =	vadd.s32 s12, v43  }
0x280: {  	v47 =	vshrl.u32 v54, $0x3  }
0x281: {  	v47 =	vshll.u32 v47, v8  }
0x282: {  	v47 =	vbroadcast v47, $0x0  }
0x283: {  	[tilespmem:v52+s18+$0x0] =	vst.idx.msk $0xffff, v44  }
0x284: {  	s1 =	simm.s32 $0x1B8;
	v55 =	vadd.s32 v28, v47;
	s5 =	simm.s32 $0x5;
	v44 =	vld.idx.msk [tilespmem:v53+s4+$0x0], $0xffff  }
0x285: {  	v56 =	vadd.s32 s1, v43;
	v57 =	vmov s5  }
0x286: {  	v47 =	vshrl.u32 v57, $0x3  }
0x287: {  	v47 =	vshll.u32 v47, v8  }
0x288: {  	v47 =	vbroadcast v47, $0x0  }
0x289: {  	[tilespmem:v55+s18+$0x0] =	vst.idx.msk $0xffff, v44  }
0x28a: {  	s9 =	simm.s32 $0x210;
	s10 =	simm.s32 $0x6;
	v58 =	vadd.s32 v29, v47;
	v44 =	vld.idx.msk [tilespmem:v56+s4+$0x0], $0xffff  }
0x28b: {  	v59 =	vadd.s32 s9, v43;
	v60 =	vmov s10  }
0x28c: {  	v47 =	vshrl.u32 v60, $0x3  }
0x28d: {  	v47 =	vshll.u32 v47, v8  }
0x28e: {  	v47 =	vbroadcast v47, $0x0  }
0x28f: {  	[tilespmem:v58+s18+$0x0] =	vst.idx.msk $0xffff, v44  }
0x290: {  	s11 =	simm.s32 $0x7;
	s12 =	simm.s32 $0x268;
	v61 =	vadd.s32 v30, v47;
	v45 =	vld.idx.msk [tilespmem:v59+s4+$0x0], $0xffff  }
0x291: {  	v62 =	vadd.s32 s12, v43;
	v63 =	vmov s11  }
0x292: {  	v44 =	vshrl.u32 v63, $0x3  }
0x293: {  	v44 =	vshll.u32 v44, v8  }
0x294: {  	v48 =	vbroadcast v44, $0x0  }
0x295: {  	[tilespmem:v61+s18+$0x0] =	vst.idx.msk $0xffff, v45  }
0x296: {  	s23 =	simm.s32 $0x0;
	s9 =	simm.s32 $0x2C0;
	s1 =	simm.s32 $0x580;
	v44 =	vadd.s32 $0x2C0, v43;
	v46 =	vadd.s32 v31, v48;
	v45 =	vld.idx.msk [tilespmem:v62+s4+$0x0], $0xffff  }
0x297: {  	s5 =	simm.s32 $0x8;
	s10 =	sor.u32 $0x20, s14;
	s11 =	simm.s32 $0xF;
	v47 =	vadd.s32 s23, v44  }
.LBB2_27:
0x298: {  	p1 =	sne.s32 s1, $0x1340;
	v48 =	vmov s5  }
0x299: {  	v48 =	vshrl.u32 v48, $0x3  }
0x29a: {  	v48 =	vshll.u32 v48, v8  }
0x29b: {  	v48 =	vbroadcast v48, $0x0;
	[tilespmem:v46+s18+$0x0] =	vst.idx.msk $0xffff, v45  }
0x29c: {  	v45 =	vld.idx.msk [tilespmem:v47+s4+$0x0], $0xffff  }
0x29d: {  	s0 =	sadd.s32 $0x58, s9;
	v46 =	vor.u32 v24, v48  }
0x29e: {  	s5 =	sadd.s32 $0xFFFFFFFA, s11;
	v47 =	vadd.s32 s0, v43  }
0x29f: {  	v48 =	vmov s5  }
0x2a0: {  	v48 =	vshrl.u32 v48, $0x3  }
0x2a1: {  	v48 =	vshll.u32 v48, v8  }
0x2a2: {  	[tilespmem:v46+s18+$0x0] =	vst.idx.msk $0xffff, v45;
	v45 =	vbroadcast v48, $0x0  }
0x2a3: {  	v46 =	vld.idx.msk [tilespmem:v47+s4+$0x0], $0xffff  }
0x2a4: {  	s0 =	sadd.s32 $0xB0, s9;
	v45 =	vadd.s32 v25, v45  }
0x2a5: {  	s5 =	sadd.s32 $0xFFFFFFFB, s11;
	v47 =	vadd.s32 s0, v43  }
0x2a6: {  	v48 =	vmov s5  }
0x2a7: {  	v48 =	vshrl.u32 v48, $0x3  }
0x2a8: {  	v48 =	vshll.u32 v48, v8  }
0x2a9: {  	[tilespmem:v45+s18+$0x0] =	vst.idx.msk $0xffff, v46;
	v45 =	vbroadcast v48, $0x0  }
0x2aa: {  	v46 =	vld.idx.msk [tilespmem:v47+s4+$0x0], $0xffff  }
0x2ab: {  	s0 =	sadd.s32 $0x108, s9;
	v45 =	vadd.s32 v26, v45  }
0x2ac: {  	s5 =	sadd.s32 $0xFFFFFFFC, s11;
	v47 =	vadd.s32 s0, v43  }
0x2ad: {  	v48 =	vmov s5  }
0x2ae: {  	v48 =	vshrl.u32 v48, $0x3  }
0x2af: {  	v48 =	vshll.u32 v48, v8  }
0x2b0: {  	[tilespmem:v45+s18+$0x0] =	vst.idx.msk $0xffff, v46;
	v45 =	vbroadcast v48, $0x0  }
0x2b1: {  	v46 =	vld.idx.msk [tilespmem:v47+s4+$0x0], $0xffff  }
0x2b2: {  	s0 =	sadd.s32 $0x160, s9;
	v45 =	vadd.s32 v27, v45  }
0x2b3: {  	s5 =	sadd.s32 $0xFFFFFFFD, s11;
	v47 =	vadd.s32 s0, v43  }
0x2b4: {  	v48 =	vmov s5  }
0x2b5: {  	v48 =	vshrl.u32 v48, $0x3  }
0x2b6: {  	v48 =	vshll.u32 v48, v8  }
0x2b7: {  	[tilespmem:v45+s18+$0x0] =	vst.idx.msk $0xffff, v46;
	v45 =	vbroadcast v48, $0x0  }
0x2b8: {  	v46 =	vld.idx.msk [tilespmem:v47+s4+$0x0], $0xffff  }
0x2b9: {  	s0 =	sadd.s32 $0x1B8, s9;
	v45 =	vadd.s32 v28, v45  }
0x2ba: {  	s5 =	sadd.s32 $0xFFFFFFFE, s11;
	v47 =	vadd.s32 s0, v43  }
0x2bb: {  	v48 =	vmov s5  }
0x2bc: {  	v48 =	vshrl.u32 v48, $0x3  }
0x2bd: {  	v48 =	vshll.u32 v48, v8  }
0x2be: {  	[tilespmem:v45+s18+$0x0] =	vst.idx.msk $0xffff, v46;
	v45 =	vbroadcast v48, $0x0  }
0x2bf: {  	v46 =	vld.idx.msk [tilespmem:v47+s4+$0x0], $0xffff  }
0x2c0: {  	s0 =	sadd.s32 $0x210, s9;
	v45 =	vadd.s32 v29, v45  }
0x2c1: {  	s5 =	sadd.s32 $0xFFFFFFFF, s11;
	v47 =	vadd.s32 s0, v43  }
0x2c2: {  	v48 =	vmov s5  }
0x2c3: {  	v48 =	vshrl.u32 v48, $0x3  }
0x2c4: {  	v48 =	vshll.u32 v48, v8  }
0x2c5: {  	[tilespmem:v45+s18+$0x0] =	vst.idx.msk $0xffff, v46;
	v45 =	vbroadcast v48, $0x0  }
0x2c6: {  	v46 =	vld.idx.msk [tilespmem:v47+s4+$0x0], $0xffff  }
0x2c7: {  	s0 =	sadd.s32 $0x268, s9;
	v45 =	vadd.s32 v30, v45  }
0x2c8: {  	v47 =	vadd.s32 s0, v43  }
0x2c9: {  	v48 =	vmov s11  }
0x2ca: {  	v48 =	vshrl.u32 v48, $0x3  }
.Ltmp16:
0x2cb: {  	v48 =	vshll.u32 v48, v8;
	(pc) =	sbr.rel @p1 .LBB2_27-.Ltmp16, $4  }
0x2cc: {  	[tilespmem:v45+s18+$0x0] =	vst.idx.msk $0xffff, v46;
	v46 =	vbroadcast v48, $0x0  }
0x2cd: {  	v45 =	vld.idx.msk [tilespmem:v47+s4+$0x0], $0xffff  }
0x2ce: {  	s11 =	sadd.s32 $0x8, s11;
	v46 =	vadd.s32 v31, v46  }
0x2cf: {  	s5 =	sadd.s32 $0xFFFFFFF9, s11;
	v47 =	vadd.s32 s9, v44;
	s9 =	smov.u32 s1;
	s1 =	sadd.s32 $0x2C0, s1  }
0x2d0: {  	v44 =	vmov s5  }
0x2d1: {  	v44 =	vshrl.u32 v44, $0x3  }
0x2d2: {  	v44 =	vshll.u32 v44, v8  }
0x2d3: {  	v44 =	vbroadcast v44, $0x0  }
0x2d4: {  	[tilespmem:v46+s18+$0x0] =	vst.idx.msk $0xffff, v45  }
0x2d5: {  	s0 =	sadd.s32 $0x58, s9;
	s1 =	sadd.s32 $0xFFFFFFFA, s11;
	v45 =	vld.idx.msk [tilespmem:v47+s4+$0x0], $0xffff;
	v44 =	vor.u32 v24, v44  }
0x2d6: {  	v54 =	vadd.s32 s0, v43;
	v55 =	vmov s1  }
0x2d7: {  	v47 =	vshrl.u32 v55, $0x3  }
0x2d8: {  	v47 =	vshll.u32 v47, v8  }
0x2d9: {  	v47 =	vbroadcast v47, $0x0  }
0x2da: {  	[tilespmem:v44+s18+$0x0] =	vst.idx.msk $0xffff, v45  }
0x2db: {  	s5 =	sadd.s32 $0xFFFFFFFB, s11;
	s1 =	sadd.s32 $0xB0, s9;
	v56 =	vadd.s32 v25, v47;
	v44 =	vld.idx.msk [tilespmem:v54+s4+$0x0], $0xffff  }
0x2dc: {  	v58 =	vmov s5;
	v57 =	vadd.s32 s1, v43  }
0x2dd: {  	v47 =	vshrl.u32 v58, $0x3  }
0x2de: {  	v47 =	vshll.u32 v47, v8  }
0x2df: {  	v47 =	vbroadcast v47, $0x0  }
0x2e0: {  	[tilespmem:v56+s18+$0x0] =	vst.idx.msk $0xffff, v44  }
0x2e1: {  	s12 =	sadd.s32 $0x108, s9;
	s23 =	sadd.s32 $0xFFFFFFFC, s11;
	v59 =	vadd.s32 v26, v47;
	v44 =	vld.idx.msk [tilespmem:v57+s4+$0x0], $0xffff  }
0x2e2: {  	v60 =	vadd.s32 s12, v43;
	v61 =	vmov s23  }
0x2e3: {  	v47 =	vshrl.u32 v61, $0x3  }
0x2e4: {  	v47 =	vshll.u32 v47, v8  }
0x2e5: {  	v47 =	vbroadcast v47, $0x0  }
0x2e6: {  	[tilespmem:v59+s18+$0x0] =	vst.idx.msk $0xffff, v44  }
0x2e7: {  	s5 =	sadd.s32 $0xFFFFFFFD, s11;
	s1 =	sadd.s32 $0x160, s9;
	v62 =	vadd.s32 v27, v47;
	v44 =	vld.idx.msk [tilespmem:v60+s4+$0x0], $0xffff  }
0x2e8: {  	v48 =	vmov s5;
	v63 =	vadd.s32 s1, v43  }
0x2e9: {  	v47 =	vshrl.u32 v48, $0x3  }
0x2ea: {  	v47 =	vshll.u32 v47, v8  }
0x2eb: {  	v47 =	vbroadcast v47, $0x0  }
0x2ec: {  	[tilespmem:v62+s18+$0x0] =	vst.idx.msk $0xffff, v44  }
0x2ed: {  	s12 =	sadd.s32 $0x1B8, s9;
	s23 =	sadd.s32 $0xFFFFFFFE, s11;
	v49 =	vadd.s32 v28, v47;
	v44 =	vld.idx.msk [tilespmem:v63+s4+$0x0], $0xffff  }
0x2ee: {  	v50 =	vadd.s32 s12, v43;
	v51 =	vmov s23  }
0x2ef: {  	v47 =	vshrl.u32 v51, $0x3  }
0x2f0: {  	v47 =	vshll.u32 v47, v8  }
0x2f1: {  	v47 =	vbroadcast v47, $0x0  }
0x2f2: {  	[tilespmem:v49+s18+$0x0] =	vst.idx.msk $0xffff, v44  }
0x2f3: {  	s5 =	sadd.s32 $0xFFFFFFFF, s11;
	s1 =	sadd.s32 $0x210, s9;
	v52 =	vadd.s32 v29, v47;
	v44 =	vld.idx.msk [tilespmem:v50+s4+$0x0], $0xffff  }
0x2f4: {  	v53 =	vadd.s32 s1, v43;
	v54 =	vmov s5  }
0x2f5: {  	v47 =	vshrl.u32 v54, $0x3  }
0x2f6: {  	v47 =	vshll.u32 v47, v8  }
0x2f7: {  	v47 =	vbroadcast v47, $0x0  }
0x2f8: {  	[tilespmem:v52+s18+$0x0] =	vst.idx.msk $0xffff, v44  }
0x2f9: {  	s9 =	sadd.s32 $0x268, s9;
	v55 =	vadd.s32 v30, v47;
	v44 =	vld.idx.msk [tilespmem:v53+s4+$0x0], $0xffff  }
0x2fa: {  	v56 =	vadd.s32 s9, v43;
	v57 =	vmov s11  }
0x2fb: {  	v46 =	vshrl.u32 v57, $0x3  }
0x2fc: {  	v46 =	vshll.u32 v46, v8  }
0x2fd: {  	v46 =	vbroadcast v46, $0x0  }
0x2fe: {  	[tilespmem:v55+s18+$0x0] =	vst.idx.msk $0xffff, v44  }
0x2ff: {  	v58 =	vadd.s32 v31, v46;
	v43 =	vld.idx.msk [tilespmem:v56+s4+$0x0], $0xffff;
	_ =	sdelay $0x4  }
0x300: {  	[tilespmem:v58+s18+$0x0] =	vst.idx.msk $0xffff, v43  }
0x301: {  	v43 =	vld [tilespmem:s14+$0x2F40];
	_ =	sdelay $0x1  }
0x302: {  	s11 =	simm.s32 $0x0  }
0x303: {  	v59 =	vmov s11  }
0x304: {  	v44 =	vshrl.u32 v59, $0x3  }
0x305: {  	v44 =	vshll.u32 v44, v8  }
0x306: {  	v44 =	vbroadcast v44, $0x0;
	_ =	sdelay $0x1  }
0x307: {  	s12 =	simm.s32 $0x58;
	s23 =	simm.s32 $0x1;
	v44 =	vor.u32 v32, v44;
	v45 =	vld.idx.msk [tilespmem:v43+s4+$0x0], $0xffff  }
0x308: {  	v61 =	vmov s23;
	v60 =	vadd.s32 s12, v43  }
0x309: {  	v47 =	vshrl.u32 v61, $0x3  }
0x30a: {  	v47 =	vshll.u32 v47, v8  }
0x30b: {  	s9 =	simm.s32 $0x40F0;
	v47 =	vbroadcast v47, $0x0  }
0x30c: {  	[tilespmem:v44+s9+$0x0] =	vst.idx.msk $0xffff, v45  }
0x30d: {  	s5 =	simm.s32 $0xB0;
	s11 =	simm.s32 $0x2;
	v62 =	vadd.s32 v33, v47;
	v44 =	vld.idx.msk [tilespmem:v60+s4+$0x0], $0xffff  }
0x30e: {  	v48 =	vmov s11;
	v63 =	vadd.s32 s5, v43  }
0x30f: {  	v47 =	vshrl.u32 v48, $0x3  }
0x310: {  	v47 =	vshll.u32 v47, v8  }
0x311: {  	v47 =	vbroadcast v47, $0x0  }
0x312: {  	[tilespmem:v62+s9+$0x0] =	vst.idx.msk $0xffff, v44  }
0x313: {  	s23 =	simm.s32 $0x3;
	v49 =	vadd.s32 v34, v47;
	s12 =	simm.s32 $0x108;
	v44 =	vld.idx.msk [tilespmem:v63+s4+$0x0], $0xffff  }
0x314: {  	v51 =	vmov s23;
	v50 =	vadd.s32 s12, v43  }
0x315: {  	v47 =	vshrl.u32 v51, $0x3  }
0x316: {  	v47 =	vshll.u32 v47, v8  }
0x317: {  	v47 =	vbroadcast v47, $0x0  }
0x318: {  	[tilespmem:v49+s9+$0x0] =	vst.idx.msk $0xffff, v44  }
0x319: {  	s11 =	simm.s32 $0x4;
	v52 =	vadd.s32 v35, v47;
	s5 =	simm.s32 $0x160;
	v44 =	vld.idx.msk [tilespmem:v50+s4+$0x0], $0xffff  }
0x31a: {  	v54 =	vmov s11;
	v53 =	vadd.s32 s5, v43  }
0x31b: {  	v47 =	vshrl.u32 v54, $0x3  }
0x31c: {  	v47 =	vshll.u32 v47, v8  }
0x31d: {  	v47 =	vbroadcast v47, $0x0  }
0x31e: {  	[tilespmem:v52+s9+$0x0] =	vst.idx.msk $0xffff, v44  }
0x31f: {  	s23 =	simm.s32 $0x5;
	v55 =	vadd.s32 v36, v47;
	s12 =	simm.s32 $0x1B8;
	v44 =	vld.idx.msk [tilespmem:v53+s4+$0x0], $0xffff  }
0x320: {  	v57 =	vmov s23;
	v56 =	vadd.s32 s12, v43  }
0x321: {  	v47 =	vshrl.u32 v57, $0x3  }
0x322: {  	v47 =	vshll.u32 v47, v8  }
0x323: {  	v47 =	vbroadcast v47, $0x0  }
0x324: {  	[tilespmem:v55+s9+$0x0] =	vst.idx.msk $0xffff, v44  }
0x325: {  	s11 =	simm.s32 $0x6;
	v58 =	vadd.s32 v37, v47;
	s5 =	simm.s32 $0x210;
	v44 =	vld.idx.msk [tilespmem:v56+s4+$0x0], $0xffff  }
0x326: {  	v59 =	vadd.s32 s5, v43;
	v60 =	vmov s11  }
0x327: {  	v47 =	vshrl.u32 v60, $0x3  }
0x328: {  	v47 =	vshll.u32 v47, v8  }
0x329: {  	v47 =	vbroadcast v47, $0x0  }
0x32a: {  	[tilespmem:v58+s9+$0x0] =	vst.idx.msk $0xffff, v44  }
0x32b: {  	s23 =	simm.s32 $0x268;
	s12 =	simm.s32 $0x7;
	v61 =	vadd.s32 v38, v47;
	v45 =	vld.idx.msk [tilespmem:v59+s4+$0x0], $0xffff  }
0x32c: {  	v62 =	vadd.s32 s23, v43;
	v63 =	vmov s12  }
0x32d: {  	v44 =	vshrl.u32 v63, $0x3  }
0x32e: {  	v44 =	vshll.u32 v44, v8  }
0x32f: {  	v48 =	vbroadcast v44, $0x0  }
0x330: {  	[tilespmem:v61+s9+$0x0] =	vst.idx.msk $0xffff, v45  }
0x331: {  	s0 =	simm.s32 $0x0;
	s1 =	simm.s32 $0x580;
	s5 =	simm.s32 $0x8;
	v44 =	vadd.s32 $0x2C0, v43;
	v46 =	vadd.s32 v39, v48;
	v45 =	vld.idx.msk [tilespmem:v62+s4+$0x0], $0xffff  }
0x332: {  	s11 =	simm.s32 $0x2C0;
	s23 =	simm.s32 $0xF;
	s12 =	sor.u32 $0x30, s14;
	v47 =	vadd.s32 s0, v44  }
.LBB2_29:
0x333: {  	p1 =	sne.s32 s1, $0x1340;
	v48 =	vmov s5  }
0x334: {  	v48 =	vshrl.u32 v48, $0x3  }
0x335: {  	v48 =	vshll.u32 v48, v8  }
0x336: {  	v48 =	vbroadcast v48, $0x0;
	[tilespmem:v46+s9+$0x0] =	vst.idx.msk $0xffff, v45  }
0x337: {  	v45 =	vld.idx.msk [tilespmem:v47+s4+$0x0], $0xffff  }
0x338: {  	s0 =	sadd.s32 $0x58, s11;
	v46 =	vor.u32 v32, v48  }
0x339: {  	s5 =	sadd.s32 $0xFFFFFFFA, s23;
	v47 =	vadd.s32 s0, v43  }
0x33a: {  	v48 =	vmov s5  }
0x33b: {  	v48 =	vshrl.u32 v48, $0x3  }
0x33c: {  	v48 =	vshll.u32 v48, v8  }
0x33d: {  	[tilespmem:v46+s9+$0x0] =	vst.idx.msk $0xffff, v45;
	v45 =	vbroadcast v48, $0x0  }
0x33e: {  	v46 =	vld.idx.msk [tilespmem:v47+s4+$0x0], $0xffff  }
0x33f: {  	s0 =	sadd.s32 $0xB0, s11;
	v45 =	vadd.s32 v33, v45  }
0x340: {  	s5 =	sadd.s32 $0xFFFFFFFB, s23;
	v47 =	vadd.s32 s0, v43  }
0x341: {  	v48 =	vmov s5  }
0x342: {  	v48 =	vshrl.u32 v48, $0x3  }
0x343: {  	v48 =	vshll.u32 v48, v8  }
0x344: {  	[tilespmem:v45+s9+$0x0] =	vst.idx.msk $0xffff, v46;
	v45 =	vbroadcast v48, $0x0  }
0x345: {  	v46 =	vld.idx.msk [tilespmem:v47+s4+$0x0], $0xffff  }
0x346: {  	s0 =	sadd.s32 $0x108, s11;
	v45 =	vadd.s32 v34, v45  }
0x347: {  	s5 =	sadd.s32 $0xFFFFFFFC, s23;
	v47 =	vadd.s32 s0, v43  }
0x348: {  	v48 =	vmov s5  }
0x349: {  	v48 =	vshrl.u32 v48, $0x3  }
0x34a: {  	v48 =	vshll.u32 v48, v8  }
0x34b: {  	[tilespmem:v45+s9+$0x0] =	vst.idx.msk $0xffff, v46;
	v45 =	vbroadcast v48, $0x0  }
0x34c: {  	v46 =	vld.idx.msk [tilespmem:v47+s4+$0x0], $0xffff  }
0x34d: {  	s0 =	sadd.s32 $0x160, s11;
	v45 =	vadd.s32 v35, v45  }
0x34e: {  	s5 =	sadd.s32 $0xFFFFFFFD, s23;
	v47 =	vadd.s32 s0, v43  }
0x34f: {  	v48 =	vmov s5  }
0x350: {  	v48 =	vshrl.u32 v48, $0x3  }
0x351: {  	v48 =	vshll.u32 v48, v8  }
0x352: {  	[tilespmem:v45+s9+$0x0] =	vst.idx.msk $0xffff, v46;
	v45 =	vbroadcast v48, $0x0  }
0x353: {  	v46 =	vld.idx.msk [tilespmem:v47+s4+$0x0], $0xffff  }
0x354: {  	s0 =	sadd.s32 $0x1B8, s11;
	v45 =	vadd.s32 v36, v45  }
0x355: {  	s5 =	sadd.s32 $0xFFFFFFFE, s23;
	v47 =	vadd.s32 s0, v43  }
0x356: {  	v48 =	vmov s5  }
0x357: {  	v48 =	vshrl.u32 v48, $0x3  }
0x358: {  	v48 =	vshll.u32 v48, v8  }
0x359: {  	[tilespmem:v45+s9+$0x0] =	vst.idx.msk $0xffff, v46;
	v45 =	vbroadcast v48, $0x0  }
0x35a: {  	v46 =	vld.idx.msk [tilespmem:v47+s4+$0x0], $0xffff  }
0x35b: {  	s0 =	sadd.s32 $0x210, s11;
	v45 =	vadd.s32 v37, v45  }
0x35c: {  	s5 =	sadd.s32 $0xFFFFFFFF, s23;
	v47 =	vadd.s32 s0, v43  }
0x35d: {  	v48 =	vmov s5  }
0x35e: {  	v48 =	vshrl.u32 v48, $0x3  }
0x35f: {  	v48 =	vshll.u32 v48, v8  }
0x360: {  	[tilespmem:v45+s9+$0x0] =	vst.idx.msk $0xffff, v46;
	v45 =	vbroadcast v48, $0x0  }
0x361: {  	v46 =	vld.idx.msk [tilespmem:v47+s4+$0x0], $0xffff  }
0x362: {  	s0 =	sadd.s32 $0x268, s11;
	v45 =	vadd.s32 v38, v45  }
0x363: {  	v47 =	vadd.s32 s0, v43  }
0x364: {  	v48 =	vmov s23  }
0x365: {  	v48 =	vshrl.u32 v48, $0x3  }
.Ltmp17:
0x366: {  	v48 =	vshll.u32 v48, v8;
	(pc) =	sbr.rel @p1 .LBB2_29-.Ltmp17, $4  }
0x367: {  	[tilespmem:v45+s9+$0x0] =	vst.idx.msk $0xffff, v46;
	v46 =	vbroadcast v48, $0x0  }
0x368: {  	v45 =	vld.idx.msk [tilespmem:v47+s4+$0x0], $0xffff  }
0x369: {  	s23 =	sadd.s32 $0x8, s23;
	v46 =	vadd.s32 v39, v46  }
0x36a: {  	s5 =	sadd.s32 $0xFFFFFFF9, s23;
	v47 =	vadd.s32 s11, v44;
	s11 =	smov.u32 s1;
	s1 =	sadd.s32 $0x2C0, s1  }
0x36b: {  	v44 =	vmov s5  }
0x36c: {  	v44 =	vshrl.u32 v44, $0x3  }
0x36d: {  	v44 =	vshll.u32 v44, v8  }
0x36e: {  	v44 =	vbroadcast v44, $0x0  }
0x36f: {  	[tilespmem:v46+s9+$0x0] =	vst.idx.msk $0xffff, v45  }
0x370: {  	s0 =	sadd.s32 $0x58, s11;
	s1 =	sadd.s32 $0xFFFFFFFA, s23;
	v45 =	vld.idx.msk [tilespmem:v47+s4+$0x0], $0xffff;
	v44 =	vor.u32 v32, v44  }
0x371: {  	v59 =	vadd.s32 s0, v43;
	v60 =	vmov s1  }
0x372: {  	v47 =	vshrl.u32 v60, $0x3  }
0x373: {  	v47 =	vshll.u32 v47, v8  }
0x374: {  	s1 =	simm.s32 $0x40F0;
	v47 =	vbroadcast v47, $0x0  }
0x375: {  	[tilespmem:v44+s1+$0x0] =	vst.idx.msk $0xffff, v45  }
0x376: {  	s5 =	sadd.s32 $0xB0, s11;
	s9 =	sadd.s32 $0xFFFFFFFB, s23;
	v61 =	vadd.s32 v33, v47;
	v44 =	vld.idx.msk [tilespmem:v59+s4+$0x0], $0xffff  }
0x377: {  	v62 =	vadd.s32 s5, v43;
	v63 =	vmov s9  }
0x378: {  	v47 =	vshrl.u32 v63, $0x3  }
0x379: {  	v47 =	vshll.u32 v47, v8  }
0x37a: {  	v47 =	vbroadcast v47, $0x0  }
0x37b: {  	[tilespmem:v61+s1+$0x0] =	vst.idx.msk $0xffff, v44  }
0x37c: {  	s5 =	sadd.s32 $0x108, s11;
	s9 =	sadd.s32 $0xFFFFFFFC, s23;
	v48 =	vadd.s32 v34, v47;
	v44 =	vld.idx.msk [tilespmem:v62+s4+$0x0], $0xffff  }
0x37d: {  	v49 =	vadd.s32 s5, v43;
	v50 =	vmov s9  }
0x37e: {  	v47 =	vshrl.u32 v50, $0x3  }
0x37f: {  	v47 =	vshll.u32 v47, v8  }
0x380: {  	v47 =	vbroadcast v47, $0x0  }
0x381: {  	[tilespmem:v48+s1+$0x0] =	vst.idx.msk $0xffff, v44  }
0x382: {  	s5 =	sadd.s32 $0x160, s11;
	s9 =	sadd.s32 $0xFFFFFFFD, s23;
	v51 =	vadd.s32 v35, v47;
	v44 =	vld.idx.msk [tilespmem:v49+s4+$0x0], $0xffff  }
0x383: {  	v52 =	vadd.s32 s5, v43;
	v53 =	vmov s9  }
0x384: {  	v47 =	vshrl.u32 v53, $0x3  }
0x385: {  	v47 =	vshll.u32 v47, v8  }
0x386: {  	v47 =	vbroadcast v47, $0x0  }
0x387: {  	[tilespmem:v51+s1+$0x0] =	vst.idx.msk $0xffff, v44  }
0x388: {  	s5 =	sadd.s32 $0x1B8, s11;
	s9 =	sadd.s32 $0xFFFFFFFE, s23;
	v54 =	vadd.s32 v36, v47;
	v44 =	vld.idx.msk [tilespmem:v52+s4+$0x0], $0xffff  }
0x389: {  	v55 =	vadd.s32 s5, v43;
	v56 =	vmov s9  }
0x38a: {  	v47 =	vshrl.u32 v56, $0x3  }
0x38b: {  	v47 =	vshll.u32 v47, v8  }
0x38c: {  	v47 =	vbroadcast v47, $0x0  }
0x38d: {  	[tilespmem:v54+s1+$0x0] =	vst.idx.msk $0xffff, v44  }
0x38e: {  	s5 =	sadd.s32 $0x210, s11;
	s9 =	sadd.s32 $0xFFFFFFFF, s23;
	v57 =	vadd.s32 v37, v47;
	v44 =	vld.idx.msk [tilespmem:v55+s4+$0x0], $0xffff  }
0x38f: {  	v58 =	vadd.s32 s5, v43;
	v59 =	vmov s9  }
0x390: {  	v47 =	vshrl.u32 v59, $0x3  }
0x391: {  	v47 =	vshll.u32 v47, v8  }
0x392: {  	v47 =	vbroadcast v47, $0x0  }
0x393: {  	[tilespmem:v57+s1+$0x0] =	vst.idx.msk $0xffff, v44  }
0x394: {  	s11 =	sadd.s32 $0x268, s11;
	v60 =	vadd.s32 v38, v47;
	v44 =	vld.idx.msk [tilespmem:v58+s4+$0x0], $0xffff  }
0x395: {  	v61 =	vadd.s32 s11, v43;
	v62 =	vmov s23  }
0x396: {  	v46 =	vshrl.u32 v62, $0x3  }
0x397: {  	v46 =	vshll.u32 v46, v8  }
0x398: {  	v46 =	vbroadcast v46, $0x0  }
0x399: {  	[tilespmem:v60+s1+$0x0] =	vst.idx.msk $0xffff, v44  }
0x39a: {  	v63 =	vadd.s32 v39, v46;
	v43 =	vld.idx.msk [tilespmem:v61+s4+$0x0], $0xffff  }
.Ltmp18:
0x39b: {  	_ = 	snop;
	(pc) =	sbr.rel .LBB2_31-.Ltmp18, $2  }
0x39c: {  	_ =	sdelay $0x2  }
0x39d: {  	[tilespmem:v63+s1+$0x0] =	vst.idx.msk $0xffff, v43  }
.LBB2_13:
0x39e: {  	s1 =	simm.s32 @!p1 $0x2  }
0x39f: {  	_ =	swait.ge @!p1 [sflag:s1], $0x400  }
0x3a0: {  	[sflag:s1] =	ssyncset.done @!p1 $0x0  }
0x3a1: {  	[sflag:s1] =	ssyncadd.s32 @!p1 $0xFFFFFC00  }
0x3a2: {  	_ =	swait.ge @!p1 [sflag:s1], $0x400  }
0x3a3: {  	[sflag:s1] =	ssyncset.done @!p1 $0x0  }
0x3a4: {  	[sflag:s1] =	ssyncadd.s32 @!p1 $0xFFFFFC00  }
0x3a5: {  	_ =	swait.ge @!p1 [sflag:s1], $0x400  }
0x3a6: {  	[sflag:s1] =	ssyncset.done @!p1 $0x0  }
0x3a7: {  	[sflag:s1] =	ssyncadd.s32 @!p1 $0xFFFFFC00  }
0x3a8: {  	_ =	swait.ge @!p1 [sflag:s1], $0x400  }
0x3a9: {  	[sflag:s1] =	ssyncset.done @!p1 $0x0  }
0x3aa: {  	s14 =	sshll.u32 s2, $0x6;
	[sflag:s1] =	ssyncadd.s32 @!p1 $0xFFFFFC00  }
0x3ab: {  	v43 =	vld [tilespmem:s14+$0x2F10];
	_ =	sdelay $0x1  }
0x3ac: {  	s5 =	simm.s32 $0x0  }
0x3ad: {  	v44 =	vmov s5  }
0x3ae: {  	v44 =	vshrl.u32 v44, $0x3  }
0x3af: {  	v44 =	vshll.u32 v44, v8  }
0x3b0: {  	v44 =	vbroadcast v44, $0x0;
	_ =	sdelay $0x1  }
0x3b1: {  	s9 =	simm.s32 $0x58;
	s5 =	simm.s32 $0x1;
	v44 =	vor.u32 v5, v44;
	v45 =	vld.idx.msk [tilespmem:v43+s4+$0x0], $0xffff  }
0x3b2: {  	v47 =	vmov s5;
	v46 =	vadd.s32 s9, v43  }
0x3b3: {  	v47 =	vshrl.u32 v47, $0x3  }
0x3b4: {  	v47 =	vshll.u32 v47, v8  }
0x3b5: {  	v47 =	vbroadcast v47, $0x0  }
0x3b6: {  	[tilespmem:v44+s19+$0x0] =	vst.idx.msk $0xffff, v45  }
0x3b7: {  	s10 =	simm.s32 $0xB0;
	s11 =	simm.s32 $0x2;
	v62 =	vadd.s32 v9, v47;
	v44 =	vld.idx.msk [tilespmem:v46+s4+$0x0], $0xffff  }
0x3b8: {  	v48 =	vmov s11;
	v63 =	vadd.s32 s10, v43  }
0x3b9: {  	v47 =	vshrl.u32 v48, $0x3  }
0x3ba: {  	v47 =	vshll.u32 v47, v8  }
0x3bb: {  	v47 =	vbroadcast v47, $0x0  }
0x3bc: {  	[tilespmem:v62+s19+$0x0] =	vst.idx.msk $0xffff, v44  }
0x3bd: {  	s12 =	simm.s32 $0x108;
	s22 =	simm.s32 $0x3;
	v49 =	vadd.s32 v10, v47;
	v44 =	vld.idx.msk [tilespmem:v63+s4+$0x0], $0xffff  }
0x3be: {  	v51 =	vmov s22;
	v50 =	vadd.s32 s12, v43  }
0x3bf: {  	v47 =	vshrl.u32 v51, $0x3  }
0x3c0: {  	v47 =	vshll.u32 v47, v8  }
0x3c1: {  	v47 =	vbroadcast v47, $0x0  }
0x3c2: {  	[tilespmem:v49+s19+$0x0] =	vst.idx.msk $0xffff, v44  }
0x3c3: {  	s23 =	simm.s32 $0x160;
	s0 =	simm.s32 $0x4;
	v52 =	vadd.s32 v11, v47;
	v44 =	vld.idx.msk [tilespmem:v50+s4+$0x0], $0xffff  }
0x3c4: {  	v54 =	vmov s0;
	v53 =	vadd.s32 s23, v43  }
0x3c5: {  	v47 =	vshrl.u32 v54, $0x3  }
0x3c6: {  	v47 =	vshll.u32 v47, v8  }
0x3c7: {  	v47 =	vbroadcast v47, $0x0  }
0x3c8: {  	[tilespmem:v52+s19+$0x0] =	vst.idx.msk $0xffff, v44  }
0x3c9: {  	s5 =	simm.s32 $0x1B8;
	s9 =	simm.s32 $0x5;
	v55 =	vadd.s32 v12, v47;
	v44 =	vld.idx.msk [tilespmem:v53+s4+$0x0], $0xffff  }
0x3ca: {  	v56 =	vadd.s32 s5, v43;
	v57 =	vmov s9  }
0x3cb: {  	v47 =	vshrl.u32 v57, $0x3  }
0x3cc: {  	v47 =	vshll.u32 v47, v8  }
0x3cd: {  	v47 =	vbroadcast v47, $0x0  }
0x3ce: {  	[tilespmem:v55+s19+$0x0] =	vst.idx.msk $0xffff, v44  }
0x3cf: {  	s11 =	simm.s32 $0x6;
	s10 =	simm.s32 $0x210;
	v58 =	vadd.s32 v13, v47;
	v44 =	vld.idx.msk [tilespmem:v56+s4+$0x0], $0xffff  }
0x3d0: {  	v60 =	vmov s11;
	v59 =	vadd.s32 s10, v43  }
0x3d1: {  	v47 =	vshrl.u32 v60, $0x3  }
0x3d2: {  	v47 =	vshll.u32 v47, v8  }
0x3d3: {  	v47 =	vbroadcast v47, $0x0  }
0x3d4: {  	[tilespmem:v58+s19+$0x0] =	vst.idx.msk $0xffff, v44  }
0x3d5: {  	s22 =	simm.s32 $0x268;
	s12 =	simm.s32 $0x7;
	v61 =	vadd.s32 v14, v47;
	v45 =	vld.idx.msk [tilespmem:v59+s4+$0x0], $0xffff  }
0x3d6: {  	v62 =	vadd.s32 s22, v43;
	v63 =	vmov s12  }
0x3d7: {  	v44 =	vshrl.u32 v63, $0x3  }
0x3d8: {  	v44 =	vshll.u32 v44, v8  }
0x3d9: {  	v48 =	vbroadcast v44, $0x0  }
0x3da: {  	[tilespmem:v61+s19+$0x0] =	vst.idx.msk $0xffff, v45  }
0x3db: {  	s11 =	simm.s32 $0x580;
	s23 =	simm.s32 $0x0;
	v44 =	vadd.s32 $0x2C0, v43;
	v46 =	vadd.s32 v15, v48;
	v45 =	vld.idx.msk [tilespmem:v62+s4+$0x0], $0xffff  }
0x3dc: {  	s1 =	simm.s32 $0x8;
	s9 =	simm.s32 $0x2C0;
	s10 =	simm.s32 $0xF;
	v47 =	vadd.s32 s23, v44  }
.LBB2_14:
0x3dd: {  	p1 =	sne.s32 s11, $0x1340;
	v48 =	vmov s1  }
0x3de: {  	v48 =	vshrl.u32 v48, $0x3  }
0x3df: {  	v48 =	vshll.u32 v48, v8  }
0x3e0: {  	v48 =	vbroadcast v48, $0x0;
	[tilespmem:v46+s19+$0x0] =	vst.idx.msk $0xffff, v45  }
0x3e1: {  	v45 =	vld.idx.msk [tilespmem:v47+s4+$0x0], $0xffff  }
0x3e2: {  	s1 =	sadd.s32 $0x58, s9;
	v46 =	vor.u32 v5, v48  }
0x3e3: {  	s5 =	sadd.s32 $0xFFFFFFFA, s10;
	v47 =	vadd.s32 s1, v43  }
0x3e4: {  	v48 =	vmov s5  }
0x3e5: {  	v48 =	vshrl.u32 v48, $0x3  }
0x3e6: {  	v48 =	vshll.u32 v48, v8  }
0x3e7: {  	[tilespmem:v46+s19+$0x0] =	vst.idx.msk $0xffff, v45;
	v45 =	vbroadcast v48, $0x0  }
0x3e8: {  	v46 =	vld.idx.msk [tilespmem:v47+s4+$0x0], $0xffff  }
0x3e9: {  	s1 =	sadd.s32 $0xB0, s9;
	v45 =	vadd.s32 v9, v45  }
0x3ea: {  	s5 =	sadd.s32 $0xFFFFFFFB, s10;
	v47 =	vadd.s32 s1, v43  }
0x3eb: {  	v48 =	vmov s5  }
0x3ec: {  	v48 =	vshrl.u32 v48, $0x3  }
0x3ed: {  	v48 =	vshll.u32 v48, v8  }
0x3ee: {  	[tilespmem:v45+s19+$0x0] =	vst.idx.msk $0xffff, v46;
	v45 =	vbroadcast v48, $0x0  }
0x3ef: {  	v46 =	vld.idx.msk [tilespmem:v47+s4+$0x0], $0xffff  }
0x3f0: {  	s1 =	sadd.s32 $0x108, s9;
	v45 =	vadd.s32 v10, v45  }
0x3f1: {  	s5 =	sadd.s32 $0xFFFFFFFC, s10;
	v47 =	vadd.s32 s1, v43  }
0x3f2: {  	v48 =	vmov s5  }
0x3f3: {  	v48 =	vshrl.u32 v48, $0x3  }
0x3f4: {  	v48 =	vshll.u32 v48, v8  }
0x3f5: {  	[tilespmem:v45+s19+$0x0] =	vst.idx.msk $0xffff, v46;
	v45 =	vbroadcast v48, $0x0  }
0x3f6: {  	v46 =	vld.idx.msk [tilespmem:v47+s4+$0x0], $0xffff  }
0x3f7: {  	s1 =	sadd.s32 $0x160, s9;
	v45 =	vadd.s32 v11, v45  }
0x3f8: {  	s5 =	sadd.s32 $0xFFFFFFFD, s10;
	v47 =	vadd.s32 s1, v43  }
0x3f9: {  	v48 =	vmov s5  }
0x3fa: {  	v48 =	vshrl.u32 v48, $0x3  }
0x3fb: {  	v48 =	vshll.u32 v48, v8  }
0x3fc: {  	[tilespmem:v45+s19+$0x0] =	vst.idx.msk $0xffff, v46;
	v45 =	vbroadcast v48, $0x0  }
0x3fd: {  	v46 =	vld.idx.msk [tilespmem:v47+s4+$0x0], $0xffff  }
0x3fe: {  	s1 =	sadd.s32 $0x1B8, s9;
	v45 =	vadd.s32 v12, v45  }
0x3ff: {  	s5 =	sadd.s32 $0xFFFFFFFE, s10;
	v47 =	vadd.s32 s1, v43  }
0x400: {  	v48 =	vmov s5  }
0x401: {  	v48 =	vshrl.u32 v48, $0x3  }
0x402: {  	v48 =	vshll.u32 v48, v8  }
0x403: {  	[tilespmem:v45+s19+$0x0] =	vst.idx.msk $0xffff, v46;
	v45 =	vbroadcast v48, $0x0  }
0x404: {  	v46 =	vld.idx.msk [tilespmem:v47+s4+$0x0], $0xffff  }
0x405: {  	s1 =	sadd.s32 $0x210, s9;
	v45 =	vadd.s32 v13, v45  }
0x406: {  	s5 =	sadd.s32 $0xFFFFFFFF, s10;
	v47 =	vadd.s32 s1, v43  }
0x407: {  	v48 =	vmov s5  }
0x408: {  	v48 =	vshrl.u32 v48, $0x3  }
0x409: {  	v48 =	vshll.u32 v48, v8  }
0x40a: {  	[tilespmem:v45+s19+$0x0] =	vst.idx.msk $0xffff, v46;
	v45 =	vbroadcast v48, $0x0  }
0x40b: {  	v46 =	vld.idx.msk [tilespmem:v47+s4+$0x0], $0xffff  }
0x40c: {  	s1 =	sadd.s32 $0x268, s9;
	v45 =	vadd.s32 v14, v45  }
0x40d: {  	v47 =	vadd.s32 s1, v43  }
0x40e: {  	v48 =	vmov s10  }
0x40f: {  	v48 =	vshrl.u32 v48, $0x3  }
.Ltmp19:
0x410: {  	v48 =	vshll.u32 v48, v8;
	(pc) =	sbr.rel @p1 .LBB2_14-.Ltmp19, $4  }
0x411: {  	[tilespmem:v45+s19+$0x0] =	vst.idx.msk $0xffff, v46;
	v46 =	vbroadcast v48, $0x0  }
0x412: {  	v45 =	vld.idx.msk [tilespmem:v47+s4+$0x0], $0xffff  }
0x413: {  	s10 =	sadd.s32 $0x8, s10;
	v46 =	vadd.s32 v15, v46  }
0x414: {  	s1 =	sadd.s32 $0xFFFFFFF9, s10;
	v47 =	vadd.s32 s9, v44;
	s9 =	smov.u32 s11;
	s11 =	sadd.s32 $0x2C0, s11  }
0x415: {  	v44 =	vmov s1  }
0x416: {  	v44 =	vshrl.u32 v44, $0x3  }
0x417: {  	v44 =	vshll.u32 v44, v8  }
0x418: {  	v44 =	vbroadcast v44, $0x0  }
0x419: {  	[tilespmem:v46+s19+$0x0] =	vst.idx.msk $0xffff, v45  }
0x41a: {  	s0 =	sadd.s32 $0x58, s9;
	s5 =	sadd.s32 $0xFFFFFFFA, s10;
	v45 =	vld.idx.msk [tilespmem:v47+s4+$0x0], $0xffff;
	v44 =	vor.u32 v5, v44  }
0x41b: {  	v54 =	vadd.s32 s0, v43;
	v55 =	vmov s5  }
0x41c: {  	v47 =	vshrl.u32 v55, $0x3  }
0x41d: {  	v47 =	vshll.u32 v47, v8  }
0x41e: {  	v47 =	vbroadcast v47, $0x0  }
0x41f: {  	[tilespmem:v44+s19+$0x0] =	vst.idx.msk $0xffff, v45  }
0x420: {  	s11 =	sadd.s32 $0xFFFFFFFB, s10;
	s5 =	sadd.s32 $0xB0, s9;
	v56 =	vadd.s32 v9, v47;
	v44 =	vld.idx.msk [tilespmem:v54+s4+$0x0], $0xffff  }
0x421: {  	v58 =	vmov s11;
	v57 =	vadd.s32 s5, v43  }
0x422: {  	v47 =	vshrl.u32 v58, $0x3  }
0x423: {  	v47 =	vshll.u32 v47, v8  }
0x424: {  	v47 =	vbroadcast v47, $0x0  }
0x425: {  	[tilespmem:v56+s19+$0x0] =	vst.idx.msk $0xffff, v44  }
0x426: {  	s12 =	sadd.s32 $0x108, s9;
	s22 =	sadd.s32 $0xFFFFFFFC, s10;
	v59 =	vadd.s32 v10, v47;
	v44 =	vld.idx.msk [tilespmem:v57+s4+$0x0], $0xffff  }
0x427: {  	v60 =	vadd.s32 s12, v43;
	v61 =	vmov s22  }
0x428: {  	v47 =	vshrl.u32 v61, $0x3  }
0x429: {  	v47 =	vshll.u32 v47, v8  }
0x42a: {  	v47 =	vbroadcast v47, $0x0  }
0x42b: {  	[tilespmem:v59+s19+$0x0] =	vst.idx.msk $0xffff, v44  }
0x42c: {  	s23 =	sadd.s32 $0x160, s9;
	s0 =	sadd.s32 $0xFFFFFFFD, s10;
	v62 =	vadd.s32 v11, v47;
	v44 =	vld.idx.msk [tilespmem:v60+s4+$0x0], $0xffff  }
0x42d: {  	v63 =	vadd.s32 s23, v43;
	v48 =	vmov s0  }
0x42e: {  	v47 =	vshrl.u32 v48, $0x3  }
0x42f: {  	v47 =	vshll.u32 v47, v8  }
0x430: {  	v47 =	vbroadcast v47, $0x0  }
0x431: {  	[tilespmem:v62+s19+$0x0] =	vst.idx.msk $0xffff, v44  }
0x432: {  	s11 =	sadd.s32 $0xFFFFFFFE, s10;
	s5 =	sadd.s32 $0x1B8, s9;
	v49 =	vadd.s32 v12, v47;
	v44 =	vld.idx.msk [tilespmem:v63+s4+$0x0], $0xffff  }
0x433: {  	v51 =	vmov s11;
	v50 =	vadd.s32 s5, v43  }
0x434: {  	v47 =	vshrl.u32 v51, $0x3  }
0x435: {  	v47 =	vshll.u32 v47, v8  }
0x436: {  	v47 =	vbroadcast v47, $0x0  }
0x437: {  	[tilespmem:v49+s19+$0x0] =	vst.idx.msk $0xffff, v44  }
0x438: {  	s12 =	sadd.s32 $0x210, s9;
	s22 =	sadd.s32 $0xFFFFFFFF, s10;
	v52 =	vadd.s32 v13, v47;
	v44 =	vld.idx.msk [tilespmem:v50+s4+$0x0], $0xffff  }
0x439: {  	v53 =	vadd.s32 s12, v43;
	v54 =	vmov s22  }
0x43a: {  	v47 =	vshrl.u32 v54, $0x3  }
0x43b: {  	v47 =	vshll.u32 v47, v8  }
0x43c: {  	v47 =	vbroadcast v47, $0x0  }
0x43d: {  	[tilespmem:v52+s19+$0x0] =	vst.idx.msk $0xffff, v44  }
0x43e: {  	s23 =	sadd.s32 $0x268, s9;
	v55 =	vadd.s32 v14, v47;
	v44 =	vld.idx.msk [tilespmem:v53+s4+$0x0], $0xffff  }
0x43f: {  	v56 =	vadd.s32 s23, v43;
	v57 =	vmov s10  }
0x440: {  	v46 =	vshrl.u32 v57, $0x3  }
0x441: {  	v46 =	vshll.u32 v46, v8  }
0x442: {  	v46 =	vbroadcast v46, $0x0  }
0x443: {  	[tilespmem:v55+s19+$0x0] =	vst.idx.msk $0xffff, v44  }
0x444: {  	v58 =	vadd.s32 v15, v46;
	v43 =	vld.idx.msk [tilespmem:v56+s4+$0x0], $0xffff;
	_ =	sdelay $0x4  }
0x445: {  	[tilespmem:v58+s19+$0x0] =	vst.idx.msk $0xffff, v43  }
0x446: {  	v43 =	vld [tilespmem:s14+$0x2F20];
	_ =	sdelay $0x1  }
0x447: {  	s0 =	simm.s32 $0x0  }
0x448: {  	v59 =	vmov s0  }
0x449: {  	v44 =	vshrl.u32 v59, $0x3  }
0x44a: {  	v44 =	vshll.u32 v44, v8  }
0x44b: {  	v44 =	vbroadcast v44, $0x0;
	_ =	sdelay $0x1  }
0x44c: {  	s9 =	simm.s32 $0x1;
	s5 =	simm.s32 $0x58;
	v44 =	vor.u32 v16, v44;
	v45 =	vld.idx.msk [tilespmem:v43+s4+$0x0], $0xffff  }
0x44d: {  	v61 =	vmov s9;
	v60 =	vadd.s32 s5, v43  }
0x44e: {  	v47 =	vshrl.u32 v61, $0x3  }
0x44f: {  	v47 =	vshll.u32 v47, v8  }
0x450: {  	v47 =	vbroadcast v47, $0x0  }
0x451: {  	[tilespmem:v44+s19+$0x0] =	vst.idx.msk $0xffff, v45  }
0x452: {  	s11 =	simm.s32 $0x2;
	s10 =	simm.s32 $0xB0;
	v62 =	vadd.s32 v17, v47;
	v44 =	vld.idx.msk [tilespmem:v60+s4+$0x0], $0xffff  }
0x453: {  	v48 =	vmov s11;
	v63 =	vadd.s32 s10, v43  }
0x454: {  	v47 =	vshrl.u32 v48, $0x3  }
0x455: {  	v47 =	vshll.u32 v47, v8  }
0x456: {  	v47 =	vbroadcast v47, $0x0  }
0x457: {  	[tilespmem:v62+s19+$0x0] =	vst.idx.msk $0xffff, v44  }
0x458: {  	s12 =	simm.s32 $0x108;
	s22 =	simm.s32 $0x3;
	v49 =	vadd.s32 v18, v47;
	v44 =	vld.idx.msk [tilespmem:v63+s4+$0x0], $0xffff  }
0x459: {  	v51 =	vmov s22;
	v50 =	vadd.s32 s12, v43  }
0x45a: {  	v47 =	vshrl.u32 v51, $0x3  }
0x45b: {  	v47 =	vshll.u32 v47, v8  }
0x45c: {  	v47 =	vbroadcast v47, $0x0  }
0x45d: {  	[tilespmem:v49+s19+$0x0] =	vst.idx.msk $0xffff, v44  }
0x45e: {  	s23 =	simm.s32 $0x160;
	s0 =	simm.s32 $0x4;
	v52 =	vadd.s32 v19, v47;
	v44 =	vld.idx.msk [tilespmem:v50+s4+$0x0], $0xffff  }
0x45f: {  	v54 =	vmov s0;
	v53 =	vadd.s32 s23, v43  }
0x460: {  	v47 =	vshrl.u32 v54, $0x3  }
0x461: {  	v47 =	vshll.u32 v47, v8  }
0x462: {  	v47 =	vbroadcast v47, $0x0  }
0x463: {  	[tilespmem:v52+s19+$0x0] =	vst.idx.msk $0xffff, v44  }
0x464: {  	s9 =	simm.s32 $0x5;
	v55 =	vadd.s32 v20, v47;
	s5 =	simm.s32 $0x1B8;
	v44 =	vld.idx.msk [tilespmem:v53+s4+$0x0], $0xffff  }
0x465: {  	v57 =	vmov s9;
	v56 =	vadd.s32 s5, v43  }
0x466: {  	v47 =	vshrl.u32 v57, $0x3  }
0x467: {  	v47 =	vshll.u32 v47, v8  }
0x468: {  	v47 =	vbroadcast v47, $0x0  }
0x469: {  	[tilespmem:v55+s19+$0x0] =	vst.idx.msk $0xffff, v44  }
0x46a: {  	s11 =	simm.s32 $0x6;
	v58 =	vadd.s32 v21, v47;
	s10 =	simm.s32 $0x210;
	v44 =	vld.idx.msk [tilespmem:v56+s4+$0x0], $0xffff  }
0x46b: {  	v59 =	vadd.s32 s10, v43;
	v60 =	vmov s11  }
0x46c: {  	v47 =	vshrl.u32 v60, $0x3  }
0x46d: {  	v47 =	vshll.u32 v47, v8  }
0x46e: {  	v47 =	vbroadcast v47, $0x0  }
0x46f: {  	[tilespmem:v58+s19+$0x0] =	vst.idx.msk $0xffff, v44  }
0x470: {  	s22 =	simm.s32 $0x268;
	s12 =	simm.s32 $0x7;
	v61 =	vadd.s32 v22, v47;
	v45 =	vld.idx.msk [tilespmem:v59+s4+$0x0], $0xffff  }
0x471: {  	v62 =	vadd.s32 s22, v43;
	v63 =	vmov s12  }
0x472: {  	v44 =	vshrl.u32 v63, $0x3  }
0x473: {  	v44 =	vshll.u32 v44, v8  }
0x474: {  	v48 =	vbroadcast v44, $0x0  }
0x475: {  	[tilespmem:v61+s19+$0x0] =	vst.idx.msk $0xffff, v45  }
0x476: {  	s1 =	simm.s32 $0x8;
	s9 =	simm.s32 $0x2C0;
	s23 =	simm.s32 $0x0;
	v44 =	vadd.s32 $0x2C0, v43;
	v46 =	vadd.s32 v23, v48;
	v45 =	vld.idx.msk [tilespmem:v62+s4+$0x0], $0xffff  }
0x477: {  	s10 =	simm.s32 $0xF;
	s11 =	simm.s32 $0x580;
	s22 =	sor.u32 $0x10, s14;
	v47 =	vadd.s32 s23, v44  }
.LBB2_16:
0x478: {  	p1 =	sne.s32 s11, $0x1340;
	v48 =	vmov s1  }
0x479: {  	v48 =	vshrl.u32 v48, $0x3  }
0x47a: {  	v48 =	vshll.u32 v48, v8  }
0x47b: {  	v48 =	vbroadcast v48, $0x0;
	[tilespmem:v46+s19+$0x0] =	vst.idx.msk $0xffff, v45  }
0x47c: {  	v45 =	vld.idx.msk [tilespmem:v47+s4+$0x0], $0xffff  }
0x47d: {  	s1 =	sadd.s32 $0x58, s9;
	v46 =	vor.u32 v16, v48  }
0x47e: {  	s5 =	sadd.s32 $0xFFFFFFFA, s10;
	v47 =	vadd.s32 s1, v43  }
0x47f: {  	v48 =	vmov s5  }
0x480: {  	v48 =	vshrl.u32 v48, $0x3  }
0x481: {  	v48 =	vshll.u32 v48, v8  }
0x482: {  	[tilespmem:v46+s19+$0x0] =	vst.idx.msk $0xffff, v45;
	v45 =	vbroadcast v48, $0x0  }
0x483: {  	v46 =	vld.idx.msk [tilespmem:v47+s4+$0x0], $0xffff  }
0x484: {  	s1 =	sadd.s32 $0xB0, s9;
	v45 =	vadd.s32 v17, v45  }
0x485: {  	s5 =	sadd.s32 $0xFFFFFFFB, s10;
	v47 =	vadd.s32 s1, v43  }
0x486: {  	v48 =	vmov s5  }
0x487: {  	v48 =	vshrl.u32 v48, $0x3  }
0x488: {  	v48 =	vshll.u32 v48, v8  }
0x489: {  	[tilespmem:v45+s19+$0x0] =	vst.idx.msk $0xffff, v46;
	v45 =	vbroadcast v48, $0x0  }
0x48a: {  	v46 =	vld.idx.msk [tilespmem:v47+s4+$0x0], $0xffff  }
0x48b: {  	s1 =	sadd.s32 $0x108, s9;
	v45 =	vadd.s32 v18, v45  }
0x48c: {  	s5 =	sadd.s32 $0xFFFFFFFC, s10;
	v47 =	vadd.s32 s1, v43  }
0x48d: {  	v48 =	vmov s5  }
0x48e: {  	v48 =	vshrl.u32 v48, $0x3  }
0x48f: {  	v48 =	vshll.u32 v48, v8  }
0x490: {  	[tilespmem:v45+s19+$0x0] =	vst.idx.msk $0xffff, v46;
	v45 =	vbroadcast v48, $0x0  }
0x491: {  	v46 =	vld.idx.msk [tilespmem:v47+s4+$0x0], $0xffff  }
0x492: {  	s1 =	sadd.s32 $0x160, s9;
	v45 =	vadd.s32 v19, v45  }
0x493: {  	s5 =	sadd.s32 $0xFFFFFFFD, s10;
	v47 =	vadd.s32 s1, v43  }
0x494: {  	v48 =	vmov s5  }
0x495: {  	v48 =	vshrl.u32 v48, $0x3  }
0x496: {  	v48 =	vshll.u32 v48, v8  }
0x497: {  	[tilespmem:v45+s19+$0x0] =	vst.idx.msk $0xffff, v46;
	v45 =	vbroadcast v48, $0x0  }
0x498: {  	v46 =	vld.idx.msk [tilespmem:v47+s4+$0x0], $0xffff  }
0x499: {  	s1 =	sadd.s32 $0x1B8, s9;
	v45 =	vadd.s32 v20, v45  }
0x49a: {  	s5 =	sadd.s32 $0xFFFFFFFE, s10;
	v47 =	vadd.s32 s1, v43  }
0x49b: {  	v48 =	vmov s5  }
0x49c: {  	v48 =	vshrl.u32 v48, $0x3  }
0x49d: {  	v48 =	vshll.u32 v48, v8  }
0x49e: {  	[tilespmem:v45+s19+$0x0] =	vst.idx.msk $0xffff, v46;
	v45 =	vbroadcast v48, $0x0  }
0x49f: {  	v46 =	vld.idx.msk [tilespmem:v47+s4+$0x0], $0xffff  }
0x4a0: {  	s1 =	sadd.s32 $0x210, s9;
	v45 =	vadd.s32 v21, v45  }
0x4a1: {  	s5 =	sadd.s32 $0xFFFFFFFF, s10;
	v47 =	vadd.s32 s1, v43  }
0x4a2: {  	v48 =	vmov s5  }
0x4a3: {  	v48 =	vshrl.u32 v48, $0x3  }
0x4a4: {  	v48 =	vshll.u32 v48, v8  }
0x4a5: {  	[tilespmem:v45+s19+$0x0] =	vst.idx.msk $0xffff, v46;
	v45 =	vbroadcast v48, $0x0  }
0x4a6: {  	v46 =	vld.idx.msk [tilespmem:v47+s4+$0x0], $0xffff  }
0x4a7: {  	s1 =	sadd.s32 $0x268, s9;
	v45 =	vadd.s32 v22, v45  }
0x4a8: {  	v47 =	vadd.s32 s1, v43  }
0x4a9: {  	v48 =	vmov s10  }
0x4aa: {  	v48 =	vshrl.u32 v48, $0x3  }
.Ltmp20:
0x4ab: {  	v48 =	vshll.u32 v48, v8;
	(pc) =	sbr.rel @p1 .LBB2_16-.Ltmp20, $4  }
0x4ac: {  	[tilespmem:v45+s19+$0x0] =	vst.idx.msk $0xffff, v46;
	v46 =	vbroadcast v48, $0x0  }
0x4ad: {  	v45 =	vld.idx.msk [tilespmem:v47+s4+$0x0], $0xffff  }
0x4ae: {  	s10 =	sadd.s32 $0x8, s10;
	v46 =	vadd.s32 v23, v46  }
0x4af: {  	s1 =	sadd.s32 $0xFFFFFFF9, s10;
	v47 =	vadd.s32 s9, v44;
	s9 =	smov.u32 s11;
	s11 =	sadd.s32 $0x2C0, s11  }
0x4b0: {  	v44 =	vmov s1  }
0x4b1: {  	v44 =	vshrl.u32 v44, $0x3  }
0x4b2: {  	v44 =	vshll.u32 v44, v8  }
0x4b3: {  	v44 =	vbroadcast v44, $0x0  }
0x4b4: {  	[tilespmem:v46+s19+$0x0] =	vst.idx.msk $0xffff, v45  }
0x4b5: {  	s12 =	sadd.s32 $0x58, s9;
	s5 =	sadd.s32 $0xFFFFFFFA, s10;
	v45 =	vld.idx.msk [tilespmem:v47+s4+$0x0], $0xffff;
	v44 =	vor.u32 v16, v44  }
0x4b6: {  	v54 =	vadd.s32 s12, v43;
	v55 =	vmov s5  }
0x4b7: {  	v47 =	vshrl.u32 v55, $0x3  }
0x4b8: {  	v47 =	vshll.u32 v47, v8  }
0x4b9: {  	v47 =	vbroadcast v47, $0x0  }
0x4ba: {  	[tilespmem:v44+s19+$0x0] =	vst.idx.msk $0xffff, v45  }
0x4bb: {  	s23 =	sadd.s32 $0xB0, s9;
	s0 =	sadd.s32 $0xFFFFFFFB, s10;
	v56 =	vadd.s32 v17, v47;
	v44 =	vld.idx.msk [tilespmem:v54+s4+$0x0], $0xffff  }
0x4bc: {  	v57 =	vadd.s32 s23, v43;
	v58 =	vmov s0  }
0x4bd: {  	v47 =	vshrl.u32 v58, $0x3  }
0x4be: {  	v47 =	vshll.u32 v47, v8  }
0x4bf: {  	v47 =	vbroadcast v47, $0x0  }
0x4c0: {  	[tilespmem:v56+s19+$0x0] =	vst.idx.msk $0xffff, v44  }
0x4c1: {  	s11 =	sadd.s32 $0x108, s9;
	s12 =	sadd.s32 $0xFFFFFFFC, s10;
	v59 =	vadd.s32 v18, v47;
	v44 =	vld.idx.msk [tilespmem:v57+s4+$0x0], $0xffff  }
0x4c2: {  	v60 =	vadd.s32 s11, v43;
	v61 =	vmov s12  }
0x4c3: {  	v47 =	vshrl.u32 v61, $0x3  }
0x4c4: {  	v47 =	vshll.u32 v47, v8  }
0x4c5: {  	v47 =	vbroadcast v47, $0x0  }
0x4c6: {  	[tilespmem:v59+s19+$0x0] =	vst.idx.msk $0xffff, v44  }
0x4c7: {  	s23 =	sadd.s32 $0x160, s9;
	s0 =	sadd.s32 $0xFFFFFFFD, s10;
	v62 =	vadd.s32 v19, v47;
	v44 =	vld.idx.msk [tilespmem:v60+s4+$0x0], $0xffff  }
0x4c8: {  	v63 =	vadd.s32 s23, v43;
	v48 =	vmov s0  }
0x4c9: {  	v47 =	vshrl.u32 v48, $0x3  }
0x4ca: {  	v47 =	vshll.u32 v47, v8  }
0x4cb: {  	v47 =	vbroadcast v47, $0x0  }
0x4cc: {  	[tilespmem:v62+s19+$0x0] =	vst.idx.msk $0xffff, v44  }
0x4cd: {  	s11 =	sadd.s32 $0x1B8, s9;
	s12 =	sadd.s32 $0xFFFFFFFE, s10;
	v49 =	vadd.s32 v20, v47;
	v44 =	vld.idx.msk [tilespmem:v63+s4+$0x0], $0xffff  }
0x4ce: {  	v50 =	vadd.s32 s11, v43;
	v51 =	vmov s12  }
0x4cf: {  	v47 =	vshrl.u32 v51, $0x3  }
0x4d0: {  	v47 =	vshll.u32 v47, v8  }
0x4d1: {  	v47 =	vbroadcast v47, $0x0  }
0x4d2: {  	[tilespmem:v49+s19+$0x0] =	vst.idx.msk $0xffff, v44  }
0x4d3: {  	s23 =	sadd.s32 $0x210, s9;
	s0 =	sadd.s32 $0xFFFFFFFF, s10;
	v52 =	vadd.s32 v21, v47;
	v44 =	vld.idx.msk [tilespmem:v50+s4+$0x0], $0xffff  }
0x4d4: {  	v53 =	vadd.s32 s23, v43;
	v54 =	vmov s0  }
0x4d5: {  	v47 =	vshrl.u32 v54, $0x3  }
0x4d6: {  	v47 =	vshll.u32 v47, v8  }
0x4d7: {  	v47 =	vbroadcast v47, $0x0  }
0x4d8: {  	[tilespmem:v52+s19+$0x0] =	vst.idx.msk $0xffff, v44  }
0x4d9: {  	s9 =	sadd.s32 $0x268, s9;
	v55 =	vadd.s32 v22, v47;
	v44 =	vld.idx.msk [tilespmem:v53+s4+$0x0], $0xffff  }
0x4da: {  	v56 =	vadd.s32 s9, v43;
	v57 =	vmov s10  }
0x4db: {  	v46 =	vshrl.u32 v57, $0x3  }
0x4dc: {  	v46 =	vshll.u32 v46, v8  }
0x4dd: {  	v46 =	vbroadcast v46, $0x0  }
0x4de: {  	[tilespmem:v55+s19+$0x0] =	vst.idx.msk $0xffff, v44  }
0x4df: {  	v58 =	vadd.s32 v23, v46;
	v43 =	vld.idx.msk [tilespmem:v56+s4+$0x0], $0xffff;
	_ =	sdelay $0x4  }
0x4e0: {  	[tilespmem:v58+s19+$0x0] =	vst.idx.msk $0xffff, v43  }
0x4e1: {  	v43 =	vld [tilespmem:s14+$0x2F30];
	_ =	sdelay $0x1  }
0x4e2: {  	s10 =	simm.s32 $0x0  }
0x4e3: {  	v59 =	vmov s10  }
0x4e4: {  	v44 =	vshrl.u32 v59, $0x3  }
0x4e5: {  	v44 =	vshll.u32 v44, v8  }
0x4e6: {  	v44 =	vbroadcast v44, $0x0;
	_ =	sdelay $0x1  }
0x4e7: {  	s11 =	simm.s32 $0x58;
	s12 =	simm.s32 $0x1;
	v44 =	vor.u32 v24, v44;
	v45 =	vld.idx.msk [tilespmem:v43+s4+$0x0], $0xffff  }
0x4e8: {  	v61 =	vmov s12;
	v60 =	vadd.s32 s11, v43  }
0x4e9: {  	v47 =	vshrl.u32 v61, $0x3  }
0x4ea: {  	v47 =	vshll.u32 v47, v8  }
0x4eb: {  	v47 =	vbroadcast v47, $0x0  }
0x4ec: {  	[tilespmem:v44+s19+$0x0] =	vst.idx.msk $0xffff, v45  }
0x4ed: {  	s23 =	simm.s32 $0xB0;
	s0 =	simm.s32 $0x2;
	v62 =	vadd.s32 v25, v47;
	v44 =	vld.idx.msk [tilespmem:v60+s4+$0x0], $0xffff  }
0x4ee: {  	v48 =	vmov s0;
	v63 =	vadd.s32 s23, v43  }
0x4ef: {  	v47 =	vshrl.u32 v48, $0x3  }
0x4f0: {  	v47 =	vshll.u32 v47, v8  }
0x4f1: {  	v47 =	vbroadcast v47, $0x0  }
0x4f2: {  	[tilespmem:v62+s19+$0x0] =	vst.idx.msk $0xffff, v44  }
0x4f3: {  	s9 =	simm.s32 $0x108;
	s10 =	simm.s32 $0x3;
	v49 =	vadd.s32 v26, v47;
	v44 =	vld.idx.msk [tilespmem:v63+s4+$0x0], $0xffff  }
0x4f4: {  	v51 =	vmov s10;
	v50 =	vadd.s32 s9, v43  }
0x4f5: {  	v47 =	vshrl.u32 v51, $0x3  }
0x4f6: {  	v47 =	vshll.u32 v47, v8  }
0x4f7: {  	v47 =	vbroadcast v47, $0x0  }
0x4f8: {  	[tilespmem:v49+s19+$0x0] =	vst.idx.msk $0xffff, v44  }
0x4f9: {  	s12 =	simm.s32 $0x4;
	v52 =	vadd.s32 v27, v47;
	s11 =	simm.s32 $0x160;
	v44 =	vld.idx.msk [tilespmem:v50+s4+$0x0], $0xffff  }
0x4fa: {  	v54 =	vmov s12;
	v53 =	vadd.s32 s11, v43  }
0x4fb: {  	v47 =	vshrl.u32 v54, $0x3  }
0x4fc: {  	v47 =	vshll.u32 v47, v8  }
0x4fd: {  	v47 =	vbroadcast v47, $0x0  }
0x4fe: {  	[tilespmem:v52+s19+$0x0] =	vst.idx.msk $0xffff, v44  }
0x4ff: {  	s0 =	simm.s32 $0x5;
	v55 =	vadd.s32 v28, v47;
	s23 =	simm.s32 $0x1B8;
	v44 =	vld.idx.msk [tilespmem:v53+s4+$0x0], $0xffff  }
0x500: {  	v57 =	vmov s0;
	v56 =	vadd.s32 s23, v43  }
0x501: {  	v47 =	vshrl.u32 v57, $0x3  }
0x502: {  	v47 =	vshll.u32 v47, v8  }
0x503: {  	v47 =	vbroadcast v47, $0x0  }
0x504: {  	[tilespmem:v55+s19+$0x0] =	vst.idx.msk $0xffff, v44  }
0x505: {  	s10 =	simm.s32 $0x6;
	v58 =	vadd.s32 v29, v47;
	s9 =	simm.s32 $0x210;
	v44 =	vld.idx.msk [tilespmem:v56+s4+$0x0], $0xffff  }
0x506: {  	v59 =	vadd.s32 s9, v43;
	v60 =	vmov s10  }
0x507: {  	v47 =	vshrl.u32 v60, $0x3  }
0x508: {  	v47 =	vshll.u32 v47, v8  }
0x509: {  	v47 =	vbroadcast v47, $0x0  }
0x50a: {  	[tilespmem:v58+s19+$0x0] =	vst.idx.msk $0xffff, v44  }
0x50b: {  	s12 =	simm.s32 $0x268;
	s11 =	simm.s32 $0x7;
	v61 =	vadd.s32 v30, v47;
	v45 =	vld.idx.msk [tilespmem:v59+s4+$0x0], $0xffff  }
0x50c: {  	v62 =	vadd.s32 s12, v43;
	v63 =	vmov s11  }
0x50d: {  	v44 =	vshrl.u32 v63, $0x3  }
0x50e: {  	v44 =	vshll.u32 v44, v8  }
0x50f: {  	v48 =	vbroadcast v44, $0x0  }
0x510: {  	[tilespmem:v61+s19+$0x0] =	vst.idx.msk $0xffff, v45  }
0x511: {  	s1 =	simm.s32 $0x8;
	s23 =	simm.s32 $0x0;
	s9 =	simm.s32 $0x2C0;
	v44 =	vadd.s32 $0x2C0, v43;
	v46 =	vadd.s32 v31, v48;
	v45 =	vld.idx.msk [tilespmem:v62+s4+$0x0], $0xffff  }
0x512: {  	s10 =	sor.u32 $0x20, s14;
	s12 =	simm.s32 $0x580;
	s11 =	simm.s32 $0xF;
	v47 =	vadd.s32 s23, v44  }
.LBB2_18:
0x513: {  	p1 =	sne.s32 s12, $0x1340;
	v48 =	vmov s1  }
0x514: {  	v48 =	vshrl.u32 v48, $0x3  }
0x515: {  	v48 =	vshll.u32 v48, v8  }
0x516: {  	v48 =	vbroadcast v48, $0x0;
	[tilespmem:v46+s19+$0x0] =	vst.idx.msk $0xffff, v45  }
0x517: {  	v45 =	vld.idx.msk [tilespmem:v47+s4+$0x0], $0xffff  }
0x518: {  	s1 =	sadd.s32 $0x58, s9;
	v46 =	vor.u32 v24, v48  }
0x519: {  	s5 =	sadd.s32 $0xFFFFFFFA, s11;
	v47 =	vadd.s32 s1, v43  }
0x51a: {  	v48 =	vmov s5  }
0x51b: {  	v48 =	vshrl.u32 v48, $0x3  }
0x51c: {  	v48 =	vshll.u32 v48, v8  }
0x51d: {  	[tilespmem:v46+s19+$0x0] =	vst.idx.msk $0xffff, v45;
	v45 =	vbroadcast v48, $0x0  }
0x51e: {  	v46 =	vld.idx.msk [tilespmem:v47+s4+$0x0], $0xffff  }
0x51f: {  	s1 =	sadd.s32 $0xB0, s9;
	v45 =	vadd.s32 v25, v45  }
0x520: {  	s5 =	sadd.s32 $0xFFFFFFFB, s11;
	v47 =	vadd.s32 s1, v43  }
0x521: {  	v48 =	vmov s5  }
0x522: {  	v48 =	vshrl.u32 v48, $0x3  }
0x523: {  	v48 =	vshll.u32 v48, v8  }
0x524: {  	[tilespmem:v45+s19+$0x0] =	vst.idx.msk $0xffff, v46;
	v45 =	vbroadcast v48, $0x0  }
0x525: {  	v46 =	vld.idx.msk [tilespmem:v47+s4+$0x0], $0xffff  }
0x526: {  	s1 =	sadd.s32 $0x108, s9;
	v45 =	vadd.s32 v26, v45  }
0x527: {  	s5 =	sadd.s32 $0xFFFFFFFC, s11;
	v47 =	vadd.s32 s1, v43  }
0x528: {  	v48 =	vmov s5  }
0x529: {  	v48 =	vshrl.u32 v48, $0x3  }
0x52a: {  	v48 =	vshll.u32 v48, v8  }
0x52b: {  	[tilespmem:v45+s19+$0x0] =	vst.idx.msk $0xffff, v46;
	v45 =	vbroadcast v48, $0x0  }
0x52c: {  	v46 =	vld.idx.msk [tilespmem:v47+s4+$0x0], $0xffff  }
0x52d: {  	s1 =	sadd.s32 $0x160, s9;
	v45 =	vadd.s32 v27, v45  }
0x52e: {  	s5 =	sadd.s32 $0xFFFFFFFD, s11;
	v47 =	vadd.s32 s1, v43  }
0x52f: {  	v48 =	vmov s5  }
0x530: {  	v48 =	vshrl.u32 v48, $0x3  }
0x531: {  	v48 =	vshll.u32 v48, v8  }
0x532: {  	[tilespmem:v45+s19+$0x0] =	vst.idx.msk $0xffff, v46;
	v45 =	vbroadcast v48, $0x0  }
0x533: {  	v46 =	vld.idx.msk [tilespmem:v47+s4+$0x0], $0xffff  }
0x534: {  	s1 =	sadd.s32 $0x1B8, s9;
	v45 =	vadd.s32 v28, v45  }
0x535: {  	s5 =	sadd.s32 $0xFFFFFFFE, s11;
	v47 =	vadd.s32 s1, v43  }
0x536: {  	v48 =	vmov s5  }
0x537: {  	v48 =	vshrl.u32 v48, $0x3  }
0x538: {  	v48 =	vshll.u32 v48, v8  }
0x539: {  	[tilespmem:v45+s19+$0x0] =	vst.idx.msk $0xffff, v46;
	v45 =	vbroadcast v48, $0x0  }
0x53a: {  	v46 =	vld.idx.msk [tilespmem:v47+s4+$0x0], $0xffff  }
0x53b: {  	s1 =	sadd.s32 $0x210, s9;
	v45 =	vadd.s32 v29, v45  }
0x53c: {  	s5 =	sadd.s32 $0xFFFFFFFF, s11;
	v47 =	vadd.s32 s1, v43  }
0x53d: {  	v48 =	vmov s5  }
0x53e: {  	v48 =	vshrl.u32 v48, $0x3  }
0x53f: {  	v48 =	vshll.u32 v48, v8  }
0x540: {  	[tilespmem:v45+s19+$0x0] =	vst.idx.msk $0xffff, v46;
	v45 =	vbroadcast v48, $0x0  }
0x541: {  	v46 =	vld.idx.msk [tilespmem:v47+s4+$0x0], $0xffff  }
0x542: {  	s1 =	sadd.s32 $0x268, s9;
	v45 =	vadd.s32 v30, v45  }
0x543: {  	v47 =	vadd.s32 s1, v43  }
0x544: {  	v48 =	vmov s11  }
0x545: {  	v48 =	vshrl.u32 v48, $0x3  }
.Ltmp21:
0x546: {  	v48 =	vshll.u32 v48, v8;
	(pc) =	sbr.rel @p1 .LBB2_18-.Ltmp21, $4  }
0x547: {  	[tilespmem:v45+s19+$0x0] =	vst.idx.msk $0xffff, v46;
	v46 =	vbroadcast v48, $0x0  }
0x548: {  	v45 =	vld.idx.msk [tilespmem:v47+s4+$0x0], $0xffff  }
0x549: {  	s11 =	sadd.s32 $0x8, s11;
	v46 =	vadd.s32 v31, v46  }
0x54a: {  	s1 =	sadd.s32 $0xFFFFFFF9, s11;
	v47 =	vadd.s32 s9, v44;
	s9 =	smov.u32 s12;
	s12 =	sadd.s32 $0x2C0, s12  }
0x54b: {  	v44 =	vmov s1  }
0x54c: {  	v44 =	vshrl.u32 v44, $0x3  }
0x54d: {  	v44 =	vshll.u32 v44, v8  }
0x54e: {  	v44 =	vbroadcast v44, $0x0  }
0x54f: {  	[tilespmem:v46+s19+$0x0] =	vst.idx.msk $0xffff, v45  }
0x550: {  	s0 =	sadd.s32 $0x58, s9;
	s5 =	sadd.s32 $0xFFFFFFFA, s11;
	v45 =	vld.idx.msk [tilespmem:v47+s4+$0x0], $0xffff;
	v44 =	vor.u32 v24, v44  }
0x551: {  	v54 =	vadd.s32 s0, v43;
	v55 =	vmov s5  }
0x552: {  	v47 =	vshrl.u32 v55, $0x3  }
0x553: {  	v47 =	vshll.u32 v47, v8  }
0x554: {  	v47 =	vbroadcast v47, $0x0  }
0x555: {  	[tilespmem:v44+s19+$0x0] =	vst.idx.msk $0xffff, v45  }
0x556: {  	s12 =	sadd.s32 $0xFFFFFFFB, s11;
	s5 =	sadd.s32 $0xB0, s9;
	v56 =	vadd.s32 v25, v47;
	v44 =	vld.idx.msk [tilespmem:v54+s4+$0x0], $0xffff  }
0x557: {  	v58 =	vmov s12;
	v57 =	vadd.s32 s5, v43  }
0x558: {  	v47 =	vshrl.u32 v58, $0x3  }
0x559: {  	v47 =	vshll.u32 v47, v8  }
0x55a: {  	v47 =	vbroadcast v47, $0x0  }
0x55b: {  	[tilespmem:v56+s19+$0x0] =	vst.idx.msk $0xffff, v44  }
0x55c: {  	s23 =	sadd.s32 $0x108, s9;
	s0 =	sadd.s32 $0xFFFFFFFC, s11;
	v59 =	vadd.s32 v26, v47;
	v44 =	vld.idx.msk [tilespmem:v57+s4+$0x0], $0xffff  }
0x55d: {  	v60 =	vadd.s32 s23, v43;
	v61 =	vmov s0  }
0x55e: {  	v47 =	vshrl.u32 v61, $0x3  }
0x55f: {  	v47 =	vshll.u32 v47, v8  }
0x560: {  	v47 =	vbroadcast v47, $0x0  }
0x561: {  	[tilespmem:v59+s19+$0x0] =	vst.idx.msk $0xffff, v44  }
0x562: {  	s12 =	sadd.s32 $0xFFFFFFFD, s11;
	s5 =	sadd.s32 $0x160, s9;
	v62 =	vadd.s32 v27, v47;
	v44 =	vld.idx.msk [tilespmem:v60+s4+$0x0], $0xffff  }
0x563: {  	v48 =	vmov s12;
	v63 =	vadd.s32 s5, v43  }
0x564: {  	v47 =	vshrl.u32 v48, $0x3  }
0x565: {  	v47 =	vshll.u32 v47, v8  }
0x566: {  	v47 =	vbroadcast v47, $0x0  }
0x567: {  	[tilespmem:v62+s19+$0x0] =	vst.idx.msk $0xffff, v44  }
0x568: {  	s23 =	sadd.s32 $0x1B8, s9;
	s0 =	sadd.s32 $0xFFFFFFFE, s11;
	v49 =	vadd.s32 v28, v47;
	v44 =	vld.idx.msk [tilespmem:v63+s4+$0x0], $0xffff  }
0x569: {  	v50 =	vadd.s32 s23, v43;
	v51 =	vmov s0  }
0x56a: {  	v47 =	vshrl.u32 v51, $0x3  }
0x56b: {  	v47 =	vshll.u32 v47, v8  }
0x56c: {  	v47 =	vbroadcast v47, $0x0  }
0x56d: {  	[tilespmem:v49+s19+$0x0] =	vst.idx.msk $0xffff, v44  }
0x56e: {  	s12 =	sadd.s32 $0xFFFFFFFF, s11;
	s5 =	sadd.s32 $0x210, s9;
	v52 =	vadd.s32 v29, v47;
	v44 =	vld.idx.msk [tilespmem:v50+s4+$0x0], $0xffff  }
0x56f: {  	v53 =	vadd.s32 s5, v43;
	v54 =	vmov s12  }
0x570: {  	v47 =	vshrl.u32 v54, $0x3  }
0x571: {  	v47 =	vshll.u32 v47, v8  }
0x572: {  	v47 =	vbroadcast v47, $0x0  }
0x573: {  	[tilespmem:v52+s19+$0x0] =	vst.idx.msk $0xffff, v44  }
0x574: {  	s23 =	sadd.s32 $0x268, s9;
	v55 =	vadd.s32 v30, v47;
	v44 =	vld.idx.msk [tilespmem:v53+s4+$0x0], $0xffff  }
0x575: {  	v56 =	vadd.s32 s23, v43;
	v57 =	vmov s11  }
0x576: {  	v46 =	vshrl.u32 v57, $0x3  }
0x577: {  	v46 =	vshll.u32 v46, v8  }
0x578: {  	v46 =	vbroadcast v46, $0x0  }
0x579: {  	[tilespmem:v55+s19+$0x0] =	vst.idx.msk $0xffff, v44  }
0x57a: {  	v58 =	vadd.s32 v31, v46;
	v43 =	vld.idx.msk [tilespmem:v56+s4+$0x0], $0xffff;
	_ =	sdelay $0x4  }
0x57b: {  	[tilespmem:v58+s19+$0x0] =	vst.idx.msk $0xffff, v43  }
0x57c: {  	v43 =	vld [tilespmem:s14+$0x2F40];
	_ =	sdelay $0x1  }
0x57d: {  	s0 =	simm.s32 $0x0  }
0x57e: {  	v59 =	vmov s0  }
0x57f: {  	v44 =	vshrl.u32 v59, $0x3  }
0x580: {  	v44 =	vshll.u32 v44, v8  }
0x581: {  	v44 =	vbroadcast v44, $0x0;
	_ =	sdelay $0x1  }
0x582: {  	s9 =	simm.s32 $0x1;
	s5 =	simm.s32 $0x58;
	v44 =	vor.u32 v32, v44;
	v45 =	vld.idx.msk [tilespmem:v43+s4+$0x0], $0xffff  }
0x583: {  	v61 =	vmov s9;
	v60 =	vadd.s32 s5, v43  }
0x584: {  	v47 =	vshrl.u32 v61, $0x3  }
0x585: {  	v47 =	vshll.u32 v47, v8  }
0x586: {  	s9 =	simm.s32 $0x30F0;
	v47 =	vbroadcast v47, $0x0  }
0x587: {  	[tilespmem:v44+s9+$0x0] =	vst.idx.msk $0xffff, v45  }
0x588: {  	s12 =	simm.s32 $0x2;
	s11 =	simm.s32 $0xB0;
	v62 =	vadd.s32 v33, v47;
	v44 =	vld.idx.msk [tilespmem:v60+s4+$0x0], $0xffff  }
0x589: {  	v48 =	vmov s12;
	v63 =	vadd.s32 s11, v43  }
0x58a: {  	v47 =	vshrl.u32 v48, $0x3  }
0x58b: {  	v47 =	vshll.u32 v47, v8  }
0x58c: {  	v47 =	vbroadcast v47, $0x0  }
0x58d: {  	[tilespmem:v62+s9+$0x0] =	vst.idx.msk $0xffff, v44  }
0x58e: {  	s23 =	simm.s32 $0x108;
	s0 =	simm.s32 $0x3;
	v49 =	vadd.s32 v34, v47;
	v44 =	vld.idx.msk [tilespmem:v63+s4+$0x0], $0xffff  }
0x58f: {  	v51 =	vmov s0;
	v50 =	vadd.s32 s23, v43  }
0x590: {  	v47 =	vshrl.u32 v51, $0x3  }
0x591: {  	v47 =	vshll.u32 v47, v8  }
0x592: {  	v47 =	vbroadcast v47, $0x0  }
0x593: {  	[tilespmem:v49+s9+$0x0] =	vst.idx.msk $0xffff, v44  }
0x594: {  	s12 =	simm.s32 $0x4;
	v52 =	vadd.s32 v35, v47;
	s11 =	simm.s32 $0x160;
	v44 =	vld.idx.msk [tilespmem:v50+s4+$0x0], $0xffff  }
0x595: {  	v54 =	vmov s12;
	v53 =	vadd.s32 s11, v43  }
0x596: {  	v47 =	vshrl.u32 v54, $0x3  }
0x597: {  	v47 =	vshll.u32 v47, v8  }
0x598: {  	v47 =	vbroadcast v47, $0x0  }
0x599: {  	[tilespmem:v52+s9+$0x0] =	vst.idx.msk $0xffff, v44  }
0x59a: {  	s0 =	simm.s32 $0x5;
	v55 =	vadd.s32 v36, v47;
	s23 =	simm.s32 $0x1B8;
	v44 =	vld.idx.msk [tilespmem:v53+s4+$0x0], $0xffff  }
0x59b: {  	v57 =	vmov s0;
	v56 =	vadd.s32 s23, v43  }
0x59c: {  	v47 =	vshrl.u32 v57, $0x3  }
0x59d: {  	v47 =	vshll.u32 v47, v8  }
0x59e: {  	v47 =	vbroadcast v47, $0x0  }
0x59f: {  	[tilespmem:v55+s9+$0x0] =	vst.idx.msk $0xffff, v44  }
0x5a0: {  	v58 =	vadd.s32 v37, v47;
	s5 =	simm.s32 $0x210;
	s11 =	simm.s32 $0x6;
	v44 =	vld.idx.msk [tilespmem:v56+s4+$0x0], $0xffff  }
0x5a1: {  	v59 =	vadd.s32 s5, v43;
	v60 =	vmov s11  }
0x5a2: {  	v47 =	vshrl.u32 v60, $0x3  }
0x5a3: {  	v47 =	vshll.u32 v47, v8  }
0x5a4: {  	v47 =	vbroadcast v47, $0x0  }
0x5a5: {  	[tilespmem:v58+s9+$0x0] =	vst.idx.msk $0xffff, v44  }
0x5a6: {  	s12 =	simm.s32 $0x7;
	s23 =	simm.s32 $0x268;
	v61 =	vadd.s32 v38, v47;
	v45 =	vld.idx.msk [tilespmem:v59+s4+$0x0], $0xffff  }
0x5a7: {  	v62 =	vadd.s32 s23, v43;
	v63 =	vmov s12  }
0x5a8: {  	v44 =	vshrl.u32 v63, $0x3  }
0x5a9: {  	v44 =	vshll.u32 v44, v8  }
0x5aa: {  	v48 =	vbroadcast v44, $0x0  }
0x5ab: {  	[tilespmem:v61+s9+$0x0] =	vst.idx.msk $0xffff, v45  }
0x5ac: {  	s1 =	simm.s32 $0x580;
	s0 =	simm.s32 $0x0;
	s5 =	simm.s32 $0x8;
	v44 =	vadd.s32 $0x2C0, v43;
	v46 =	vadd.s32 v39, v48;
	v45 =	vld.idx.msk [tilespmem:v62+s4+$0x0], $0xffff  }
0x5ad: {  	s11 =	simm.s32 $0x2C0;
	s23 =	simm.s32 $0xF;
	s12 =	sor.u32 $0x30, s14;
	v47 =	vadd.s32 s0, v44  }
.LBB2_20:
0x5ae: {  	p1 =	seq.s32 s1, $0x1340;
	v48 =	vmov s5  }
0x5af: {  	v48 =	vshrl.u32 v48, $0x3  }
0x5b0: {  	v48 =	vshll.u32 v48, v8  }
0x5b1: {  	v48 =	vbroadcast v48, $0x0;
	[tilespmem:v46+s9+$0x0] =	vst.idx.msk $0xffff, v45  }
0x5b2: {  	v45 =	vld.idx.msk [tilespmem:v47+s4+$0x0], $0xffff  }
0x5b3: {  	s0 =	sadd.s32 $0x58, s11;
	v46 =	vor.u32 v32, v48  }
0x5b4: {  	s5 =	sadd.s32 $0xFFFFFFFA, s23;
	v47 =	vadd.s32 s0, v43  }
0x5b5: {  	v48 =	vmov s5  }
0x5b6: {  	v48 =	vshrl.u32 v48, $0x3  }
0x5b7: {  	v48 =	vshll.u32 v48, v8  }
0x5b8: {  	[tilespmem:v46+s9+$0x0] =	vst.idx.msk $0xffff, v45;
	v45 =	vbroadcast v48, $0x0  }
0x5b9: {  	v46 =	vld.idx.msk [tilespmem:v47+s4+$0x0], $0xffff  }
0x5ba: {  	s0 =	sadd.s32 $0xB0, s11;
	v45 =	vadd.s32 v33, v45  }
0x5bb: {  	s5 =	sadd.s32 $0xFFFFFFFB, s23;
	v47 =	vadd.s32 s0, v43  }
0x5bc: {  	v48 =	vmov s5  }
0x5bd: {  	v48 =	vshrl.u32 v48, $0x3  }
0x5be: {  	v48 =	vshll.u32 v48, v8  }
0x5bf: {  	[tilespmem:v45+s9+$0x0] =	vst.idx.msk $0xffff, v46;
	v45 =	vbroadcast v48, $0x0  }
0x5c0: {  	v46 =	vld.idx.msk [tilespmem:v47+s4+$0x0], $0xffff  }
0x5c1: {  	s0 =	sadd.s32 $0x108, s11;
	v45 =	vadd.s32 v34, v45  }
0x5c2: {  	s5 =	sadd.s32 $0xFFFFFFFC, s23;
	v47 =	vadd.s32 s0, v43  }
0x5c3: {  	v48 =	vmov s5  }
0x5c4: {  	v48 =	vshrl.u32 v48, $0x3  }
0x5c5: {  	v48 =	vshll.u32 v48, v8  }
0x5c6: {  	[tilespmem:v45+s9+$0x0] =	vst.idx.msk $0xffff, v46;
	v45 =	vbroadcast v48, $0x0  }
0x5c7: {  	v46 =	vld.idx.msk [tilespmem:v47+s4+$0x0], $0xffff  }
0x5c8: {  	s0 =	sadd.s32 $0x160, s11;
	v45 =	vadd.s32 v35, v45  }
0x5c9: {  	s5 =	sadd.s32 $0xFFFFFFFD, s23;
	v47 =	vadd.s32 s0, v43  }
0x5ca: {  	v48 =	vmov s5  }
0x5cb: {  	v48 =	vshrl.u32 v48, $0x3  }
0x5cc: {  	v48 =	vshll.u32 v48, v8  }
0x5cd: {  	[tilespmem:v45+s9+$0x0] =	vst.idx.msk $0xffff, v46;
	v45 =	vbroadcast v48, $0x0  }
0x5ce: {  	v46 =	vld.idx.msk [tilespmem:v47+s4+$0x0], $0xffff  }
0x5cf: {  	s0 =	sadd.s32 $0x1B8, s11;
	v45 =	vadd.s32 v36, v45  }
0x5d0: {  	s5 =	sadd.s32 $0xFFFFFFFE, s23;
	v47 =	vadd.s32 s0, v43  }
0x5d1: {  	v48 =	vmov s5  }
0x5d2: {  	v48 =	vshrl.u32 v48, $0x3  }
0x5d3: {  	v48 =	vshll.u32 v48, v8  }
0x5d4: {  	[tilespmem:v45+s9+$0x0] =	vst.idx.msk $0xffff, v46;
	v45 =	vbroadcast v48, $0x0  }
0x5d5: {  	v46 =	vld.idx.msk [tilespmem:v47+s4+$0x0], $0xffff  }
0x5d6: {  	s0 =	sadd.s32 $0x210, s11;
	v45 =	vadd.s32 v37, v45  }
0x5d7: {  	s5 =	sadd.s32 $0xFFFFFFFF, s23;
	v47 =	vadd.s32 s0, v43  }
0x5d8: {  	v48 =	vmov s5  }
0x5d9: {  	v48 =	vshrl.u32 v48, $0x3  }
0x5da: {  	v48 =	vshll.u32 v48, v8  }
0x5db: {  	[tilespmem:v45+s9+$0x0] =	vst.idx.msk $0xffff, v46;
	v45 =	vbroadcast v48, $0x0  }
0x5dc: {  	v46 =	vld.idx.msk [tilespmem:v47+s4+$0x0], $0xffff  }
0x5dd: {  	s0 =	sadd.s32 $0x268, s11;
	v45 =	vadd.s32 v38, v45  }
0x5de: {  	v47 =	vadd.s32 s0, v43  }
0x5df: {  	v48 =	vmov s23  }
0x5e0: {  	v48 =	vshrl.u32 v48, $0x3  }
.Ltmp22:
0x5e1: {  	v48 =	vshll.u32 v48, v8;
	(pc) =	sbr.rel @!p1 .LBB2_20-.Ltmp22, $4  }
0x5e2: {  	[tilespmem:v45+s9+$0x0] =	vst.idx.msk $0xffff, v46;
	v46 =	vbroadcast v48, $0x0  }
0x5e3: {  	v45 =	vld.idx.msk [tilespmem:v47+s4+$0x0], $0xffff  }
0x5e4: {  	s23 =	sadd.s32 $0x8, s23;
	v46 =	vadd.s32 v39, v46  }
0x5e5: {  	s5 =	sadd.s32 $0xFFFFFFF9, s23;
	v47 =	vadd.s32 s11, v44;
	s11 =	smov.u32 s1;
	s1 =	sadd.s32 $0x2C0, s1  }
.Ltmp23:
0x5e6: {  	_ = 	snop;
	(pc) =	sbr.rel .LBB2_21-.Ltmp23, $1  }
0x5e7: {  	_ =	sdelay $0x3  }
.LBB2_37:
0x5e8: {  	[bflag:$0x0] =	sbarrier.arrive $0xFFFF  }
0x5e9: {  	s10 =	simm.s32 $0x0;
	s23 =	stileid.u32;
	s26 =	rddreg [dreg:$0xb]  }
0x5ea: {  	s12 =	simm.s32 $0x0;
	s22 =	rddreg [dreg:$0x4];
	s2 =	smul.u32 $0x271000, s26  }
.LBB2_38:
0x5eb: {  	s0 =	sshll.u32 s12, $0x4  }
0x5ec: {  	v43 =	vmov s10;
	s1 =	sor.u32 s23, s0  }
0x5ed: {  	v43 =	vand.u32 $0x3F, v43;
	s0 =	smul.u32 $0xC800, s1  }
0x5ee: {  	v43 =	vbroadcast v43, $0x0  }
0x5ef: {  	s0 =	sshra.s32 s0, $0x2  }
0x5f0: {  	v44 =	vor.u32 v5, v43;
	s11 =	sadd.s32 s0, s3  }
0x5f1: {  	[tilespmem:s21], [sflag:$0x3] =	stream.linear.gather [spmem:s11], $0x1800, $0x38;
	[tilespmem:$0x1CCF0] =	vst v63  }
0x5f2: {  	_ =	swait.ge [sflag:s16], $0x1800  }
0x5f3: {  	[sflag:s16] =	ssyncset.done $0x0  }
0x5f4: {  	[sflag:s16] =	ssyncadd.s32 $0xFFFFE800  }
0x5f5: {  	v44 =	vld.idx.msk [tilespmem:v44+s21+$0x0], $0xffff  }
0x5f6: {  	v45 =	vor.u32 v16, v43;
	_ =	sdelay $0x2  }
0x5f7: {  	s9 =	simm.s32 $0x6D20  }
0x5f8: {  	[tilespmem:s9+$0xFFFFFFD0] =	vst v44  }
0x5f9: {  	v44 =	vld.idx.msk [tilespmem:v45+s21+$0x0], $0xffff  }
0x5fa: {  	v61 =	vor.u32 v24, v43;
	_ =	sdelay $0x3  }
0x5fb: {  	[tilespmem:s9+$0xFFFFFFE0] =	vst v44  }
0x5fc: {  	v44 =	vld.idx.msk [tilespmem:v61+s21+$0x0], $0xffff  }
0x5fd: {  	v62 =	vor.u32 v32, v43;
	_ =	sdelay $0x3  }
0x5fe: {  	[tilespmem:s9+$0xFFFFFFF0] =	vst v44  }
0x5ff: {  	v44 =	vld.idx.msk [tilespmem:v62+s21+$0x0], $0xffff  }
0x600: {  	v63 =	vor.u32 v40, v43;
	_ =	sdelay $0x3  }
0x601: {  	[tilespmem:s9+$0x0] =	vst v44  }
0x602: {  	v44 =	vld.idx.msk [tilespmem:v63+s21+$0x0], $0xffff  }
0x603: {  	v43 =	vor.u32 v41, v43;
	_ =	sdelay $0x1  }
0x604: {  	s31 =	simm.s32 $0x1  }
0x605: {  	s14 =	simm.s32 $0x2;
	v45 =	vmov s31  }
.LBB2_39:
0x606: {  	p0 =	sne.s32 s14, $0x3F;
	v45 =	vand.u32 $0x3F, v45;
	[tilespmem:s9+$0x10] =	vst v44  }
0x607: {  	v45 =	vbroadcast v45, $0x0;
	v43 =	vld.idx.msk [tilespmem:v43+s21+$0x0], $0xffff;
	_ =	sdelay $0x1  }
0x608: {  	v44 =	vor.u32 v5, v45;
	_ =	sdelay $0x3  }
0x609: {  	[tilespmem:s9+$0x20] =	vst v43  }
0x60a: {  	v43 =	vld.idx.msk [tilespmem:v44+s21+$0x0], $0xffff;
	_ =	sdelay $0x1  }
0x60b: {  	v44 =	vor.u32 v16, v45;
	_ =	sdelay $0x2  }
0x60c: {  	s9 =	sadd.s32 $0x78, s9  }
0x60d: {  	[tilespmem:s9+$0xFFFFFFD0] =	vst v43  }
0x60e: {  	v43 =	vld.idx.msk [tilespmem:v44+s21+$0x0], $0xffff;
	_ =	sdelay $0x1  }
0x60f: {  	v44 =	vor.u32 v24, v45;
	_ =	sdelay $0x3  }
0x610: {  	[tilespmem:s9+$0xFFFFFFE0] =	vst v43  }
0x611: {  	v43 =	vld.idx.msk [tilespmem:v44+s21+$0x0], $0xffff;
	_ =	sdelay $0x1  }
0x612: {  	v44 =	vor.u32 v32, v45;
	_ =	sdelay $0x3  }
0x613: {  	[tilespmem:s9+$0xFFFFFFF0] =	vst v43  }
0x614: {  	v43 =	vld.idx.msk [tilespmem:v44+s21+$0x0], $0xffff;
	_ =	sdelay $0x1  }
0x615: {  	v44 =	vor.u32 v40, v45;
	_ =	sdelay $0x3  }
0x616: {  	[tilespmem:s9+$0x0] =	vst v43  }
0x617: {  	v44 =	vld.idx.msk [tilespmem:v44+s21+$0x0], $0xffff  }
.Ltmp24:
0x618: {  	(pc) =	sbr.rel @p0 .LBB2_39-.Ltmp24, $2  }
0x619: {  	v43 =	vor.u32 v41, v45;
	_ =	sdelay $0x2  }
0x61a: {  	v45 =	vmov s14;
	s14 =	sadd.s32 $0x1, s14  }
0x61b: {  	_ =	sdelay $0x1  }
0x61c: {  	v45 =	vand.u32 $0x3F, v45  }
0x61d: {  	[tilespmem:s9+$0x10] =	vst v44;
	v59 =	vbroadcast v45, $0x0  }
0x61e: {  	v43 =	vld.idx.msk [tilespmem:v43+s21+$0x0], $0xffff  }
0x61f: {  	v45 =	vor.u32 v5, v59;
	_ =	sdelay $0x3  }
0x620: {  	[tilespmem:s9+$0x20] =	vst v43  }
0x621: {  	v43 =	vld.idx.msk [tilespmem:v45+s21+$0x0], $0xffff  }
0x622: {  	v60 =	vor.u32 v16, v59;
	_ =	sdelay $0x2  }
0x623: {  	s0 =	sadd.s32 $0x78, s9  }
0x624: {  	[tilespmem:s0+$0xFFFFFFD0] =	vst v43  }
0x625: {  	v43 =	vld.idx.msk [tilespmem:v60+s21+$0x0], $0xffff  }
0x626: {  	v61 =	vor.u32 v24, v59;
	_ =	sdelay $0x3  }
0x627: {  	[tilespmem:s0+$0xFFFFFFE0] =	vst v43  }
0x628: {  	v43 =	vld.idx.msk [tilespmem:v61+s21+$0x0], $0xffff  }
0x629: {  	v62 =	vor.u32 v32, v59;
	_ =	sdelay $0x3  }
0x62a: {  	[tilespmem:s0+$0xFFFFFFF0] =	vst v43  }
0x62b: {  	v43 =	vld.idx.msk [tilespmem:v62+s21+$0x0], $0xffff  }
0x62c: {  	v63 =	vor.u32 v40, v59;
	_ =	sdelay $0x3  }
0x62d: {  	[tilespmem:s0+$0x0] =	vst v43  }
0x62e: {  	v43 =	vld.idx.msk [tilespmem:v63+s21+$0x0], $0xffff  }
0x62f: {  	v44 =	vor.u32 v41, v59;
	_ =	sdelay $0x3  }
0x630: {  	[tilespmem:s0+$0x10] =	vst v43  }
0x631: {  	s1 =	sadd.s32 s22, s1;
	v43 =	vld.idx.msk [tilespmem:v44+s21+$0x0], $0xffff  }
0x632: {  	s1 =	smul.u32 $0xC8, s1;
	_ =	sdelay $0x1  }
0x633: {  	s1 =	sadd.s32 s2, s1  }
0x634: {  	s9 =	sshrl.u32 s1, $0x3  }
0x635: {  	s31 =	simm.s32 $0x6CF0;
	s5 =	simm.s32 $0x1E0;
	s1 =	sadd.s32 s8, s9;
	[tilespmem:s0+$0x20] =	vst v43  }
0x636: {  	[hbm4b:s1+s4] =	stream.linear.scatter [tilespmem:s31], [sflag:$0x3], $0x60, $0x38;
	[tilespmem:$0x1CCF0] =	vst v63  }
.LBB2_41:
0x637: {  	p0 =	sne.s32 s5, $0x7620  }
.Ltmp25:
0x638: {  	_ = 	snop;
	(pc) =	sbr.rel @p0 .LBB2_41-.Ltmp25, $4  }
0x639: {  	_ = 	snop  }
0x63a: {  	s0 =	sshra.s32 s5, $0x2;
	s5 =	sadd.s32 $0x1E0, s5  }
0x63b: {  	s1 =	sadd.s32 $0x1388, s1;
	s0 =	sadd.s32 $0x6CF0, s0  }
0x63c: {  	[hbm4b:s1+s4] =	stream.linear.scatter [tilespmem:s0], [sflag:$0x3], $0x60, $0x38;
	[tilespmem:$0x1CCF0] =	vst v63  }
0x63d: {  	s0 =	simm.s32 $0x0  }
0x63e: {  	v43 =	vmov s0  }
0x63f: {  	v43 =	vand.u32 $0x3F, v43  }
0x640: {  	_ =	swait.ge [sflag:s16], $0x1800;
	v43 =	vbroadcast v43, $0x0  }
0x641: {  	[sflag:s16] =	ssyncset.done $0x0  }
0x642: {  	s30 =	sadd.s32 $0x1800, s11;
	[sflag:s16] =	ssyncadd.s32 $0xFFFFE800;
	v44 =	vor.u32 v5, v43  }
0x643: {  	[tilespmem:s21], [sflag:$0x3] =	stream.linear.gather [spmem:s30], $0x1A00, $0x38;
	[tilespmem:$0x1CCF0] =	vst v63  }
0x644: {  	_ =	swait.ge [sflag:s16], $0x1A00  }
0x645: {  	[sflag:s16] =	ssyncset.done $0x0  }
0x646: {  	[sflag:s16] =	ssyncadd.s32 $0xFFFFE600  }
0x647: {  	v44 =	vld.idx.msk [tilespmem:v44+s21+$0x0], $0xffff  }
0x648: {  	v45 =	vor.u32 v16, v43;
	_ =	sdelay $0x2  }
0x649: {  	s1 =	simm.s32 $0x6D20  }
0x64a: {  	[tilespmem:s1+$0xFFFFFFD0] =	vst v44  }
0x64b: {  	v44 =	vld.idx.msk [tilespmem:v45+s21+$0x0], $0xffff  }
0x64c: {  	v60 =	vor.u32 v24, v43;
	_ =	sdelay $0x3  }
0x64d: {  	[tilespmem:s1+$0xFFFFFFE0] =	vst v44  }
0x64e: {  	v44 =	vld.idx.msk [tilespmem:v60+s21+$0x0], $0xffff  }
0x64f: {  	v61 =	vor.u32 v32, v43;
	_ =	sdelay $0x3  }
0x650: {  	[tilespmem:s1+$0xFFFFFFF0] =	vst v44  }
0x651: {  	v44 =	vld.idx.msk [tilespmem:v61+s21+$0x0], $0xffff  }
0x652: {  	v62 =	vor.u32 v40, v43;
	_ =	sdelay $0x3  }
0x653: {  	[tilespmem:s1+$0x0] =	vst v44  }
0x654: {  	v44 =	vld.idx.msk [tilespmem:v62+s21+$0x0], $0xffff  }
0x655: {  	v63 =	vor.u32 v41, v43;
	_ =	sdelay $0x3  }
0x656: {  	[tilespmem:s1+$0x10] =	vst v44  }
0x657: {  	v44 =	vld.idx.msk [tilespmem:v63+s21+$0x0], $0xffff  }
0x658: {  	v43 =	vor.u32 v42, v43;
	_ =	sdelay $0x1  }
0x659: {  	s31 =	simm.s32 $0x1  }
0x65a: {  	s11 =	simm.s32 $0x2;
	v45 =	vmov s31  }
.LBB2_43:
0x65b: {  	p0 =	sne.s32 s11, $0x3F;
	v45 =	vand.u32 $0x3F, v45;
	[tilespmem:s1+$0x20] =	vst v44  }
0x65c: {  	v45 =	vbroadcast v45, $0x0;
	v43 =	vld.idx.msk [tilespmem:v43+s21+$0x0], $0xffff;
	_ =	sdelay $0x1  }
0x65d: {  	v44 =	vor.u32 v5, v45;
	_ =	sdelay $0x3  }
0x65e: {  	[tilespmem:s1+$0x30] =	vst v43  }
0x65f: {  	v43 =	vld.idx.msk [tilespmem:v44+s21+$0x0], $0xffff;
	_ =	sdelay $0x1  }
0x660: {  	v44 =	vor.u32 v16, v45;
	_ =	sdelay $0x2  }
0x661: {  	s1 =	sadd.s32 $0x78, s1  }
0x662: {  	[tilespmem:s1+$0xFFFFFFD0] =	vst v43  }
0x663: {  	v43 =	vld.idx.msk [tilespmem:v44+s21+$0x0], $0xffff;
	_ =	sdelay $0x1  }
0x664: {  	v44 =	vor.u32 v24, v45;
	_ =	sdelay $0x3  }
0x665: {  	[tilespmem:s1+$0xFFFFFFE0] =	vst v43  }
0x666: {  	v43 =	vld.idx.msk [tilespmem:v44+s21+$0x0], $0xffff;
	_ =	sdelay $0x1  }
0x667: {  	v44 =	vor.u32 v32, v45;
	_ =	sdelay $0x3  }
0x668: {  	[tilespmem:s1+$0xFFFFFFF0] =	vst v43  }
0x669: {  	v43 =	vld.idx.msk [tilespmem:v44+s21+$0x0], $0xffff;
	_ =	sdelay $0x1  }
0x66a: {  	v44 =	vor.u32 v40, v45;
	_ =	sdelay $0x3  }
0x66b: {  	[tilespmem:s1+$0x0] =	vst v43  }
0x66c: {  	v43 =	vld.idx.msk [tilespmem:v44+s21+$0x0], $0xffff;
	_ =	sdelay $0x1  }
0x66d: {  	v44 =	vor.u32 v41, v45;
	_ =	sdelay $0x3  }
0x66e: {  	[tilespmem:s1+$0x10] =	vst v43  }
0x66f: {  	v44 =	vld.idx.msk [tilespmem:v44+s21+$0x0], $0xffff  }
.Ltmp26:
0x670: {  	(pc) =	sbr.rel @p0 .LBB2_43-.Ltmp26, $2  }
0x671: {  	v43 =	vor.u32 v42, v45;
	_ =	sdelay $0x2  }
0x672: {  	v45 =	vmov s11;
	s11 =	sadd.s32 $0x1, s11  }
0x673: {  	_ =	sdelay $0x1  }
0x674: {  	v45 =	vand.u32 $0x3F, v45  }
0x675: {  	[tilespmem:s1+$0x20] =	vst v44;
	v58 =	vbroadcast v45, $0x0  }
0x676: {  	v43 =	vld.idx.msk [tilespmem:v43+s21+$0x0], $0xffff  }
0x677: {  	v45 =	vor.u32 v5, v58;
	_ =	sdelay $0x3  }
0x678: {  	[tilespmem:s1+$0x30] =	vst v43  }
0x679: {  	v43 =	vld.idx.msk [tilespmem:v45+s21+$0x0], $0xffff  }
0x67a: {  	v59 =	vor.u32 v16, v58;
	_ =	sdelay $0x2  }
0x67b: {  	s0 =	sadd.s32 $0x78, s1  }
0x67c: {  	[tilespmem:s0+$0xFFFFFFD0] =	vst v43  }
0x67d: {  	v43 =	vld.idx.msk [tilespmem:v59+s21+$0x0], $0xffff  }
0x67e: {  	v60 =	vor.u32 v24, v58;
	_ =	sdelay $0x3  }
0x67f: {  	[tilespmem:s0+$0xFFFFFFE0] =	vst v43  }
0x680: {  	v43 =	vld.idx.msk [tilespmem:v60+s21+$0x0], $0xffff  }
0x681: {  	v61 =	vor.u32 v32, v58;
	_ =	sdelay $0x3  }
0x682: {  	[tilespmem:s0+$0xFFFFFFF0] =	vst v43  }
0x683: {  	v43 =	vld.idx.msk [tilespmem:v61+s21+$0x0], $0xffff  }
0x684: {  	v62 =	vor.u32 v40, v58;
	_ =	sdelay $0x3  }
0x685: {  	[tilespmem:s0+$0x0] =	vst v43  }
0x686: {  	v43 =	vld.idx.msk [tilespmem:v62+s21+$0x0], $0xffff  }
0x687: {  	v63 =	vor.u32 v41, v58;
	_ =	sdelay $0x3  }
0x688: {  	[tilespmem:s0+$0x10] =	vst v43  }
0x689: {  	v43 =	vld.idx.msk [tilespmem:v63+s21+$0x0], $0xffff  }
0x68a: {  	v44 =	vor.u32 v42, v58;
	_ =	sdelay $0x3  }
0x68b: {  	[tilespmem:s0+$0x20] =	vst v43  }
0x68c: {  	v43 =	vld.idx.msk [tilespmem:v44+s21+$0x0], $0xffff;
	_ =	sdelay $0x3  }
0x68d: {  	s30 =	sadd.s32 s8, s9  }
0x68e: {  	s31 =	simm.s32 $0x6CF0;
	s5 =	simm.s32 $0x1E0;
	s1 =	sadd.s32 $0xC, s30;
	[tilespmem:s0+$0x30] =	vst v43  }
0x68f: {  	[hbm4b:s1+s4] =	stream.linear.scatter [tilespmem:s31], [sflag:$0x3], $0x68, $0x38;
	[tilespmem:$0x1CCF0] =	vst v63  }
.LBB2_45:
0x690: {  	p0 =	sne.s32 s5, $0x7620  }
.Ltmp27:
0x691: {  	_ = 	snop;
	(pc) =	sbr.rel @p0 .LBB2_45-.Ltmp27, $4  }
0x692: {  	_ = 	snop  }
0x693: {  	s0 =	sshra.s32 s5, $0x2;
	s5 =	sadd.s32 $0x1E0, s5  }
0x694: {  	s1 =	sadd.s32 $0x1388, s1;
	s0 =	sadd.s32 $0x6CF0, s0  }
0x695: {  	[hbm4b:s1+s4] =	stream.linear.scatter [tilespmem:s0], [sflag:$0x3], $0x68, $0x38;
	[tilespmem:$0x1CCF0] =	vst v63  }
0x696: {  	s12 =	sadd.s32 $0x1, s12  }
0x697: {  	p0 =	sne.s32 s12, s13  }
.Ltmp28:
0x698: {  	_ = 	snop;
	(pc) =	sbr.rel @p0 .LBB2_38-.Ltmp28, $4  }
0x699: {  	_ = 	snop  }
0x69a: {  	_ =	swait.ge [sflag:s16], $0x1A00  }
0x69b: {  	[sflag:s16] =	ssyncset.done $0x0  }
0x69c: {  	[sflag:s16] =	ssyncadd.s32 $0xFFFFE600  }
0x69d: {  	s26 =	sadd.s32 $0x1, s26  }
0x69e: {  	p0 =	sne.s32 s26, $0x4  }
.Ltmp29:
0x69f: {  	_ = 	snop;
	(pc) =	sbr.rel @p0 .LBB2_4-.Ltmp29, $2  }
0x6a0: {  	_ =	sdelay $0x1  }
0x6a1: {  	[bflag:$0x0] =	sbarrier.arrive $0xFFFF;
	_ =	sdelay $0x1  }
0x6a2: {  	s1 =	rddreg [dreg:$0xa]  }
0x6a3: {  	s0 =	rddreg [dreg:$0x9];
	s1 =	sadd.s32 $0x1, s1  }
0x6a4: {  	p0 =	sne.s32 s1, s0  }
.Ltmp30:
0x6a5: {  	_ = 	snop;
	(pc) =	sbr.rel @p0 .LBB2_1-.Ltmp30, $1  }
0x6a6: {  	_ =	sdelay $0x3  }
0x6a7: {  	_ =	sfence.sel $0x180000  }
0x6a8: {  	[bflag:$0x0] =	sbarrier.arrive $0xFFFF  }
0x6a9: {  	_ =	strace $0x90000047  }
0x6aa: {  	[bflag:$0x2] =	sbarrier.arrive $0xFFFF  }
0x6ab: {  	p0 =	sne.s32 s23, $0x0;
	s0 =	rddreg [dreg:$0x3]  }
0x6ac: {  	s0 =	sadd.s32 @!p0 $0x100000, s0  }
0x6ad: {  	[sflag:s0] =	ssyncadd.tile.s32 @!p0 $0x1;
	_ =	shalt  }
.Lfunc_end2:
_tile_overlayer_lowered:
.L_overlay_start_2:
0x6ae: {  	(tag) =	ssettag $0x2  }
0x6af: {  	s0 =	rddreg [dreg:$0x0];
	s2 =	stileid.u32  }
0x6b0: {  	s1 =	rddreg [dreg:$0x1];
	p0 =	sne.s32 s2, $0x0  }
0x6b1: {  	s3 =	rddreg [dreg:$0x2];
	[bflag:$0x3] =	sbarrier.arrive $0xFFFF;
	s2 =	simm.s32 @!p0 $0x1C03  }
0x6b2: {  	[timem:s3], [sflag:s2] =	dma.local @!p0 [hbm:s0], s1  }
0x6b3: {  	s0 =	simm.s32 @!p0 $0x3  }
0x6b4: {  	_ =	swait.ge @!p0 [sflag:s0], s1  }
0x6b5: {  	s1 =	ssub.s32 @!p0 $0x0, s1;
	[sflag:s0] =	ssyncset.done @!p0 $0x0  }
0x6b6: {  	[sflag:s0] =	ssyncadd.s32 @!p0 s1  }
0x6b7: {  	[bflag:$0x3] =	sbarrier.arrive $0xFFFF  }
0x6b8: {  	_ =	shalt  }

</sc_bundles>
